<compile_context>
chip_gen: v7x
topology: tpu7x:2x2x1
jax: 0.10.2.dev20260603
libtpu: 0.0.44.dev20260713+nightly
codegen_flags: <defaults>
</compile_context>

<pallas_src>
import functools

import jax
import jax.numpy as jnp
from jax import lax
from jax.experimental import pallas as pl
from jax.experimental.pallas import tpu as pltpu
from jax.experimental.pallas import tpu_sc as plsc

_NC, _NS = 2, 16
_NW = _NC * _NS
_LANES = 16


_UNROLL = 16


_SLAB = 128


def _sc_row_histogram_t(ids_t, vocab):
    S, B = ids_t.shape
    rows_per_w = B // _NW
    slabs = rows_per_w // _SLAB
    gps = _SLAB // _LANES
    mesh = plsc.VectorSubcoreMesh(core_axis_name="c", subcore_axis_name="s")

    ngroups = slabs * gps
    _NH = 4

    @functools.partial(
        pl.kernel,
        mesh=mesh,
        out_type=jax.ShapeDtypeStruct((B, vocab), jnp.float32),
        scratch_types=[
            pltpu.VMEM((S, _SLAB), jnp.int32),
            pltpu.VMEM((S, _SLAB), jnp.int32),
            pltpu.VMEM((_LANES, vocab), jnp.float32),
            pltpu.VMEM((_LANES, vocab), jnp.float32),
            pltpu.VMEM((_LANES, vocab), jnp.float32),
            pltpu.VMEM((_LANES, vocab), jnp.float32),
            pltpu.VMEM_SHARED((_LANES, vocab), jnp.float32),
            pltpu.SemaphoreType.DMA,
            pltpu.SemaphoreType.DMA,
            pltpu.SemaphoreType.DMA,
            pltpu.SemaphoreType.DMA,
            pltpu.SemaphoreType.DMA,
            pltpu.SemaphoreType.DMA,
            pltpu.SemaphoreType.DMA,
            pltpu.SemaphoreType.DMA,
            pltpu.SemaphoreType.DMA,
            pltpu.SemaphoreType.DMA,
        ],
        compiler_params=pltpu.CompilerParams(
            use_tc_tiling_on_sc=True, needs_layout_passes=False
        ),
    )
    def hist_kernel(ids_hbm, counts_hbm, slab_v0, slab_v1,
                    h0, h1, h2, h3, zshared,
                    sem_s0, sem_s1, sem_o0, sem_o1, sem_o2, sem_o3,
                    sem_z0, sem_z1, sem_z2, sem_z3):
        wid = lax.axis_index("s") * _NC + lax.axis_index("c")
        lane = lax.iota(jnp.int32, _LANES)
        ones = jnp.ones((_LANES,), jnp.float32)
        zeros = jnp.zeros((_LANES,), jnp.float32)
        slab_bufs = [(slab_v0, sem_s0), (slab_v1, sem_s1)]
        hist = [h0, h1, h2, h3]
        sem_o = [sem_o0, sem_o1, sem_o2, sem_o3]
        sem_z = [sem_z0, sem_z1, sem_z2, sem_z3]

        def slab_slice(s):
            base = wid * rows_per_w + s * _SLAB
            return ids_hbm.at[:, pl.ds(base, _SLAB)]

        def out_slice(g):
            base = wid * rows_per_w + g * _LANES
            return counts_hbm.at[pl.ds(base, _LANES), :]

        @pl.when(lax.axis_index("s") == 0)
        def _():
            for i in range(_LANES):
                for c in range(vocab // _LANES):
                    h0[i, pl.ds(c * _LANES, _LANES)] = zeros
            pltpu.sync_copy(h0, zshared)

        plsc.subcore_barrier()

        pltpu.async_copy(slab_slice(0), slab_v0, sem_s0)
        pltpu.async_copy(slab_slice(1), slab_v1, sem_s1)
        for u in range(_NH):
            pltpu.async_copy(zshared, hist[u], sem_z[u])

        def group(g, slab_v):
            u = g % _NH
            goff = (g % gps) * _LANES
            pltpu.make_async_copy(zshared, hist[u], sem_z[u]).wait()

            @plsc.parallel_loop(0, S, unroll=_UNROLL)
            def char_body(j):
                idv = slab_v[j, pl.ds(goff, _LANES)]
                plsc.addupdate_scatter(hist[u], [lane, idv], ones)

            pltpu.async_copy(hist[u], out_slice(g), sem_o[u])
            g2 = g + 2
            if g2 >= _NH and g2 < ngroups:
                u2 = g2 % _NH
                pltpu.make_async_copy(hist[u2], out_slice(g), sem_o[u2]).wait()
                pltpu.async_copy(zshared, hist[u2], sem_z[u2])

        for s in range(slabs):
            slab_v, sem_s = slab_bufs[s % 2]
            pltpu.make_async_copy(slab_slice(s), slab_v, sem_s).wait()
            for gl in range(gps):
                group(s * gps + gl, slab_v)
            if s + 2 < slabs:
                pltpu.async_copy(slab_slice(s + 2), slab_v, sem_s)

        for g in range(ngroups - _NH, ngroups):
            u = g % _NH
            pltpu.make_async_copy(hist[u], out_slice(g), sem_o[u]).wait()

    return hist_kernel(ids_t)


def _tc_project(counts, char_emb, W, b2d, inv_n):
    B, V = counts.shape
    E = char_emb.shape[1]
    T = W.shape[1]
    BT = 8192
    grid = B // BT

    def body(counts_ref, emb_ref, w_ref, b_ref, out_ref, m_ref):
        @pl.when(pl.program_id(0) == 0)
        def _():
            m_ref[...] = jnp.dot(
                emb_ref[...], w_ref[...], preferred_element_type=jnp.float32
            )

        acc = jnp.dot(
            counts_ref[...], m_ref[...], preferred_element_type=jnp.float32
        )
        out_ref[...] = jnp.tanh(acc * jnp.float32(inv_n) + b_ref[...])

    return pl.pallas_call(
        body,
        grid=(grid,),
        in_specs=[
            pl.BlockSpec((BT, V), lambda i: (i, 0)),
            pl.BlockSpec((V, E), lambda i: (0, 0)),
            pl.BlockSpec((E, T), lambda i: (0, 0)),
            pl.BlockSpec((1, T), lambda i: (0, 0)),
        ],
        out_specs=pl.BlockSpec((BT, T), lambda i: (i, 0)),
        out_shape=jax.ShapeDtypeStruct((B, T), jnp.float32),
        scratch_shapes=[pltpu.VMEM((V, T), jnp.float32)],
    )(counts, char_emb, W, b2d)


def kernel(ids, char_emb, W, b):
    ids = ids.astype(jnp.int32)
    vocab = char_emb.shape[0]
    inv_n = 1.0 / ids.shape[1]
    counts = _sc_row_histogram_t(ids.T, vocab)
    return _tc_project(counts, char_emb, W, b.reshape(1, -1), inv_n)

# --- scband reference (transcript-rebuilt; emitter-appended) ---
"""Pipeline reference for scband-text-encoder-9775345566039 (READ-ONLY COPY).

The authoritative reference and input builder live on the scoring server;
editing this copy changes nothing except your own understanding.
"""

import jax, jax.numpy as jnp
import numpy as np

ASCII_VOCAB = 128
CHAR_EMB_DIM = 32
TEXT_DIM = 128
B, L = 16384, 200

def setup_inputs(seed: int = 0) -> dict:
    key = jax.random.key(seed)
    k_ids, k_emb, k_w, k_b = jax.random.split(key, 4)
    ids = jax.random.randint(k_ids, (B, L), 0, ASCII_VOCAB, dtype=jnp.int64 if jax.config.jax_enable_x64 else jnp.int32)
    char_emb = jax.random.normal(k_emb, (ASCII_VOCAB, CHAR_EMB_DIM), dtype=jnp.float32)
    # nn.Linear default init: U(-1/sqrt(fan_in), 1/sqrt(fan_in))
    bound = 1.0 / np.sqrt(CHAR_EMB_DIM)
    W = jax.random.uniform(k_w, (CHAR_EMB_DIM, TEXT_DIM), minval=-bound, maxval=bound, dtype=jnp.float32)
    b = jax.random.uniform(k_b, (TEXT_DIM,), minval=-bound, maxval=bound, dtype=jnp.float32)
    return {"ids": ids, "char_emb": char_emb, "W": W, "b": b}

def reference(ids, char_emb, W, b):
    # char-level bag-of-embeddings: lookup -> mean pool over chars -> linear -> tanh
    emb = jnp.take(char_emb, ids, axis=0)           # [B, L, char_emb_dim]
    pooled = emb.mean(axis=1)                       # [B, char_emb_dim]
    out = jnp.tanh(pooled @ W + b)                  # [B, text_dim]
    return out

if __name__ == "__main__":
    import jax
    _d = setup_inputs()
    print(jax.jit(kernel)(*tuple(_d.values())))

</pallas_src>

<mosaic_0001>
#map = affine_map<(d0, d1) -> (0, 0)>
module attributes {stable_mosaic.version = 14 : i64} {
  func.func @hist_kernel(%arg0: i32, %arg1: i32, %arg2: memref<200x16384xi32, #tpu.memory_space<hbm>>, %arg3: memref<16384x128xf32, #tpu.memory_space<hbm>>, %arg4: memref<200x128xi32, #tpu.memory_space<vmem>>, %arg5: memref<200x128xi32, #tpu.memory_space<vmem>>, %arg6: memref<16x128xf32, #tpu.memory_space<vmem>>, %arg7: memref<16x128xf32, #tpu.memory_space<vmem>>, %arg8: memref<16x128xf32, #tpu.memory_space<vmem>>, %arg9: memref<16x128xf32, #tpu.memory_space<vmem>>, %arg10: memref<16x128xf32, #tpu.memory_space<vmem_shared>>, %arg11: memref<!tpu.dma_semaphore, #tpu.memory_space<semaphore_mem>>, %arg12: memref<!tpu.dma_semaphore, #tpu.memory_space<semaphore_mem>>, %arg13: memref<!tpu.dma_semaphore, #tpu.memory_space<semaphore_mem>>, %arg14: memref<!tpu.dma_semaphore, #tpu.memory_space<semaphore_mem>>, %arg15: memref<!tpu.dma_semaphore, #tpu.memory_space<semaphore_mem>>, %arg16: memref<!tpu.dma_semaphore, #tpu.memory_space<semaphore_mem>>, %arg17: memref<!tpu.dma_semaphore, #tpu.memory_space<semaphore_mem>>, %arg18: memref<!tpu.dma_semaphore, #tpu.memory_space<semaphore_mem>>, %arg19: memref<!tpu.dma_semaphore, #tpu.memory_space<semaphore_mem>>, %arg20: memref<!tpu.dma_semaphore, #tpu.memory_space<semaphore_mem>>) attributes {dimension_semantics = [#tpu.dimension_semantics<core_parallel>, #tpu.dimension_semantics<subcore_parallel>], iteration_bounds = array<i64: 2, 16>, scalar_prefetch = 0 : i64, scratch_operands = 17 : i64, tpu.core_type = #tpu.core_type<sc_vector_subcore>, window_params = [{transform_indices = #map}, {transform_indices = #map}]} {
    %mul3A = arith.constant 2 : i32
    %mul3A_0 = arith.muli %arg1, %mul3A : i32
    %add3A = arith.addi %mul3A_0, %arg0 : i32
    %iota3A = tpu.iota {dimensions = array<i32: 0>} : vector<16xi32>
    %broadcast_in_dim3A = arith.constant 1.000000e+00 : f32
    %broadcast_in_dim3A_1 = vector.broadcast %broadcast_in_dim3A : f32 to vector<16xf32>
    %broadcast_in_dim3A_2 = arith.constant 0.000000e+00 : f32
    %broadcast_in_dim3A_3 = vector.broadcast %broadcast_in_dim3A_2 : f32 to vector<16xf32>
    %eq3A = arith.constant 0 : i32
    %eq3A_4 = arith.cmpi eq, %arg1, %eq3A : i32
    %convert_element_type3A = arith.extui %eq3A_4 : i1 to i32
    %cond3A = arith.constant 0 : i32
    %cond3A_5 = arith.cmpi ne, %convert_element_type3A, %cond3A : i32
    scf.if %cond3A_5 {
      %swap3A = arith.constant 0 : i32
      %swap3A_675 = arith.index_cast %swap3A : i32 to index
      %swap3A_676 = arith.constant 0 : index
      %swap3A_677 = tpu.vector_load %arg6[%swap3A_675, %swap3A_676] {strides = array<i32>} : memref<16x128xf32, #tpu.memory_space<vmem>>, vector<16xf32>,
      tpu.vector_store %arg6[%swap3A_675, %swap3A_676], %broadcast_in_dim3A_3 {strides = array<i32>} : memref<16x128xf32, #tpu.memory_space<vmem>>, vector<16xf32>,
      %swap3A_678 = arith.constant 0 : i32
      %swap3A_679 = arith.index_cast %swap3A_678 : i32 to index
      %swap3A_680 = arith.constant 16 : index
      %swap3A_681 = tpu.vector_load %arg6[%swap3A_679, %swap3A_680] {strides = array<i32>} : memref<16x128xf32, #tpu.memory_space<vmem>>, vector<16xf32>,
      tpu.vector_store %arg6[%swap3A_679, %swap3A_680], %broadcast_in_dim3A_3 {strides = array<i32>} : memref<16x128xf32, #tpu.memory_space<vmem>>, vector<16xf32>,
      %swap3A_682 = arith.constant 0 : i32
      %swap3A_683 = arith.index_cast %swap3A_682 : i32 to index
      %swap3A_684 = arith.constant 32 : index
      %swap3A_685 = tpu.vector_load %arg6[%swap3A_683, %swap3A_684] {strides = array<i32>} : memref<16x128xf32, #tpu.memory_space<vmem>>, vector<16xf32>,
      tpu.vector_store %arg6[%swap3A_683, %swap3A_684], %broadcast_in_dim3A_3 {strides = array<i32>} : memref<16x128xf32, #tpu.memory_space<vmem>>, vector<16xf32>,
      %swap3A_686 = arith.constant 0 : i32
      %swap3A_687 = arith.index_cast %swap3A_686 : i32 to index
      %swap3A_688 = arith.constant 48 : index
      %swap3A_689 = tpu.vector_load %arg6[%swap3A_687, %swap3A_688] {strides = array<i32>} : memref<16x128xf32, #tpu.memory_space<vmem>>, vector<16xf32>,
      tpu.vector_store %arg6[%swap3A_687, %swap3A_688], %broadcast_in_dim3A_3 {strides = array<i32>} : memref<16x128xf32, #tpu.memory_space<vmem>>, vector<16xf32>,
      %swap3A_690 = arith.constant 0 : i32
      %swap3A_691 = arith.index_cast %swap3A_690 : i32 to index
      %swap3A_692 = arith.constant 64 : index
      %swap3A_693 = tpu.vector_load %arg6[%swap3A_691, %swap3A_692] {strides = array<i32>} : memref<16x128xf32, #tpu.memory_space<vmem>>, vector<16xf32>,
      tpu.vector_store %arg6[%swap3A_691, %swap3A_692], %broadcast_in_dim3A_3 {strides = array<i32>} : memref<16x128xf32, #tpu.memory_space<vmem>>, vector<16xf32>,
      %swap3A_694 = arith.constant 0 : i32
      %swap3A_695 = arith.index_cast %swap3A_694 : i32 to index
      %swap3A_696 = arith.constant 80 : index
      %swap3A_697 = tpu.vector_load %arg6[%swap3A_695, %swap3A_696] {strides = array<i32>} : memref<16x128xf32, #tpu.memory_space<vmem>>, vector<16xf32>,
      tpu.vector_store %arg6[%swap3A_695, %swap3A_696], %broadcast_in_dim3A_3 {strides = array<i32>} : memref<16x128xf32, #tpu.memory_space<vmem>>, vector<16xf32>,
      %swap3A_698 = arith.constant 0 : i32
      %swap3A_699 = arith.index_cast %swap3A_698 : i32 to index
      %swap3A_700 = arith.constant 96 : index
      %swap3A_701 = tpu.vector_load %arg6[%swap3A_699, %swap3A_700] {strides = array<i32>} : memref<16x128xf32, #tpu.memory_space<vmem>>, vector<16xf32>,
      tpu.vector_store %arg6[%swap3A_699, %swap3A_700], %broadcast_in_dim3A_3 {strides = array<i32>} : memref<16x128xf32, #tpu.memory_space<vmem>>, vector<16xf32>,
      %swap3A_702 = arith.constant 0 : i32
      %swap3A_703 = arith.index_cast %swap3A_702 : i32 to index
      %swap3A_704 = arith.constant 112 : index
      %swap3A_705 = tpu.vector_load %arg6[%swap3A_703, %swap3A_704] {strides = array<i32>} : memref<16x128xf32, #tpu.memory_space<vmem>>, vector<16xf32>,
      tpu.vector_store %arg6[%swap3A_703, %swap3A_704], %broadcast_in_dim3A_3 {strides = array<i32>} : memref<16x128xf32, #tpu.memory_space<vmem>>, vector<16xf32>,
      %swap3A_706 = arith.constant 1 : i32
      %swap3A_707 = arith.index_cast %swap3A_706 : i32 to index
      %swap3A_708 = arith.constant 0 : index
      %swap3A_709 = tpu.vector_load %arg6[%swap3A_707, %swap3A_708] {strides = array<i32>} : memref<16x128xf32, #tpu.memory_space<vmem>>, vector<16xf32>,
      tpu.vector_store %arg6[%swap3A_707, %swap3A_708], %broadcast_in_dim3A_3 {strides = array<i32>} : memref<16x128xf32, #tpu.memory_space<vmem>>, vector<16xf32>,
      %swap3A_710 = arith.constant 1 : i32
      %swap3A_711 = arith.index_cast %swap3A_710 : i32 to index
      %swap3A_712 = arith.constant 16 : index
      %swap3A_713 = tpu.vector_load %arg6[%swap3A_711, %swap3A_712] {strides = array<i32>} : memref<16x128xf32, #tpu.memory_space<vmem>>, vector<16xf32>,
      tpu.vector_store %arg6[%swap3A_711, %swap3A_712], %broadcast_in_dim3A_3 {strides = array<i32>} : memref<16x128xf32, #tpu.memory_space<vmem>>, vector<16xf32>,
      %swap3A_714 = arith.constant 1 : i32
      %swap3A_715 = arith.index_cast %swap3A_714 : i32 to index
      %swap3A_716 = arith.constant 32 : index
      %swap3A_717 = tpu.vector_load %arg6[%swap3A_715, %swap3A_716] {strides = array<i32>} : memref<16x128xf32, #tpu.memory_space<vmem>>, vector<16xf32>,
      tpu.vector_store %arg6[%swap3A_715, %swap3A_716], %broadcast_in_dim3A_3 {strides = array<i32>} : memref<16x128xf32, #tpu.memory_space<vmem>>, vector<16xf32>,
      %swap3A_718 = arith.constant 1 : i32
      %swap3A_719 = arith.index_cast %swap3A_718 : i32 to index
      %swap3A_720 = arith.constant 48 : index
      %swap3A_721 = tpu.vector_load %arg6[%swap3A_719, %swap3A_720] {strides = array<i32>} : memref<16x128xf32, #tpu.memory_space<vmem>>, vector<16xf32>,
      tpu.vector_store %arg6[%swap3A_719, %swap3A_720], %broadcast_in_dim3A_3 {strides = array<i32>} : memref<16x128xf32, #tpu.memory_space<vmem>>, vector<16xf32>,
      %swap3A_722 = arith.constant 1 : i32
      %swap3A_723 = arith.index_cast %swap3A_722 : i32 to index
      %swap3A_724 = arith.constant 64 : index
      %swap3A_725 = tpu.vector_load %arg6[%swap3A_723, %swap3A_724] {strides = array<i32>} : memref<16x128xf32, #tpu.memory_space<vmem>>, vector<16xf32>,
      tpu.vector_store %arg6[%swap3A_723, %swap3A_724], %broadcast_in_dim3A_3 {strides = array<i32>} : memref<16x128xf32, #tpu.memory_space<vmem>>, vector<16xf32>,
      %swap3A_726 = arith.constant 1 : i32
      %swap3A_727 = arith.index_cast %swap3A_726 : i32 to index
      %swap3A_728 = arith.constant 80 : index
      %swap3A_729 = tpu.vector_load %arg6[%swap3A_727, %swap3A_728] {strides = array<i32>} : memref<16x128xf32, #tpu.memory_space<vmem>>, vector<16xf32>,
      tpu.vector_store %arg6[%swap3A_727, %swap3A_728], %broadcast_in_dim3A_3 {strides = array<i32>} : memref<16x128xf32, #tpu.memory_space<vmem>>, vector<16xf32>,
      %swap3A_730 = arith.constant 1 : i32
      %swap3A_731 = arith.index_cast %swap3A_730 : i32 to index
      %swap3A_732 = arith.constant 96 : index
      %swap3A_733 = tpu.vector_load %arg6[%swap3A_731, %swap3A_732] {strides = array<i32>} : memref<16x128xf32, #tpu.memory_space<vmem>>, vector<16xf32>,
      tpu.vector_store %arg6[%swap3A_731, %swap3A_732], %broadcast_in_dim3A_3 {strides = array<i32>} : memref<16x128xf32, #tpu.memory_space<vmem>>, vector<16xf32>,
      %swap3A_734 = arith.constant 1 : i32
      %swap3A_735 = arith.index_cast %swap3A_734 : i32 to index
      %swap3A_736 = arith.constant 112 : index
      %swap3A_737 = tpu.vector_load %arg6[%swap3A_735, %swap3A_736] {strides = array<i32>} : memref<16x128xf32, #tpu.memory_space<vmem>>, vector<16xf32>,
      tpu.vector_store %arg6[%swap3A_735, %swap3A_736], %broadcast_in_dim3A_3 {strides = array<i32>} : memref<16x128xf32, #tpu.memory_space<vmem>>, vector<16xf32>,
      %swap3A_738 = arith.constant 2 : i32
      %swap3A_739 = arith.index_cast %swap3A_738 : i32 to index
      %swap3A_740 = arith.constant 0 : index
      %swap3A_741 = tpu.vector_load %arg6[%swap3A_739, %swap3A_740] {strides = array<i32>} : memref<16x128xf32, #tpu.memory_space<vmem>>, vector<16xf32>,
      tpu.vector_store %arg6[%swap3A_739, %swap3A_740], %broadcast_in_dim3A_3 {strides = array<i32>} : memref<16x128xf32, #tpu.memory_space<vmem>>, vector<16xf32>,
      %swap3A_742 = arith.constant 2 : i32
      %swap3A_743 = arith.index_cast %swap3A_742 : i32 to index
      %swap3A_744 = arith.constant 16 : index
      %swap3A_745 = tpu.vector_load %arg6[%swap3A_743, %swap3A_744] {strides = array<i32>} : memref<16x128xf32, #tpu.memory_space<vmem>>, vector<16xf32>,
      tpu.vector_store %arg6[%swap3A_743, %swap3A_744], %broadcast_in_dim3A_3 {strides = array<i32>} : memref<16x128xf32, #tpu.memory_space<vmem>>, vector<16xf32>,
      %swap3A_746 = arith.constant 2 : i32
      %swap3A_747 = arith.index_cast %swap3A_746 : i32 to index
      %swap3A_748 = arith.constant 32 : index
      %swap3A_749 = tpu.vector_load %arg6[%swap3A_747, %swap3A_748] {strides = array<i32>} : memref<16x128xf32, #tpu.memory_space<vmem>>, vector<16xf32>,
      tpu.vector_store %arg6[%swap3A_747, %swap3A_748], %broadcast_in_dim3A_3 {strides = array<i32>} : memref<16x128xf32, #tpu.memory_space<vmem>>, vector<16xf32>,
      %swap3A_750 = arith.constant 2 : i32
      %swap3A_751 = arith.index_cast %swap3A_750 : i32 to index
      %swap3A_752 = arith.constant 48 : index
      %swap3A_753 = tpu.vector_load %arg6[%swap3A_751, %swap3A_752] {strides = array<i32>} : memref<16x128xf32, #tpu.memory_space<vmem>>, vector<16xf32>,
      tpu.vector_store %arg6[%swap3A_751, %swap3A_752], %broadcast_in_dim3A_3 {strides = array<i32>} : memref<16x128xf32, #tpu.memory_space<vmem>>, vector<16xf32>,
      %swap3A_754 = arith.constant 2 : i32
      %swap3A_755 = arith.index_cast %swap3A_754 : i32 to index
      %swap3A_756 = arith.constant 64 : index
      %swap3A_757 = tpu.vector_load %arg6[%swap3A_755, %swap3A_756] {strides = array<i32>} : memref<16x128xf32, #tpu.memory_space<vmem>>, vector<16xf32>,
      tpu.vector_store %arg6[%swap3A_755, %swap3A_756], %broadcast_in_dim3A_3 {strides = array<i32>} : memref<16x128xf32, #tpu.memory_space<vmem>>, vector<16xf32>,
      %swap3A_758 = arith.constant 2 : i32
      %swap3A_759 = arith.index_cast %swap3A_758 : i32 to index
      %swap3A_760 = arith.constant 80 : index
      %swap3A_761 = tpu.vector_load %arg6[%swap3A_759, %swap3A_760] {strides = array<i32>} : memref<16x128xf32, #tpu.memory_space<vmem>>, vector<16xf32>,
      tpu.vector_store %arg6[%swap3A_759, %swap3A_760], %broadcast_in_dim3A_3 {strides = array<i32>} : memref<16x128xf32, #tpu.memory_space<vmem>>, vector<16xf32>,
      %swap3A_762 = arith.constant 2 : i32
      %swap3A_763 = arith.index_cast %swap3A_762 : i32 to index
      %swap3A_764 = arith.constant 96 : index
      %swap3A_765 = tpu.vector_load %arg6[%swap3A_763, %swap3A_764] {strides = array<i32>} : memref<16x128xf32, #tpu.memory_space<vmem>>, vector<16xf32>,
      tpu.vector_store %arg6[%swap3A_763, %swap3A_764], %broadcast_in_dim3A_3 {strides = array<i32>} : memref<16x128xf32, #tpu.memory_space<vmem>>, vector<16xf32>,
      %swap3A_766 = arith.constant 2 : i32
      %swap3A_767 = arith.index_cast %swap3A_766 : i32 to index
      %swap3A_768 = arith.constant 112 : index
      %swap3A_769 = tpu.vector_load %arg6[%swap3A_767, %swap3A_768] {strides = array<i32>} : memref<16x128xf32, #tpu.memory_space<vmem>>, vector<16xf32>,
      tpu.vector_store %arg6[%swap3A_767, %swap3A_768], %broadcast_in_dim3A_3 {strides = array<i32>} : memref<16x128xf32, #tpu.memory_space<vmem>>, vector<16xf32>,
      %swap3A_770 = arith.constant 3 : i32
      %swap3A_771 = arith.index_cast %swap3A_770 : i32 to index
      %swap3A_772 = arith.constant 0 : index
      %swap3A_773 = tpu.vector_load %arg6[%swap3A_771, %swap3A_772] {strides = array<i32>} : memref<16x128xf32, #tpu.memory_space<vmem>>, vector<16xf32>,
      tpu.vector_store %arg6[%swap3A_771, %swap3A_772], %broadcast_in_dim3A_3 {strides = array<i32>} : memref<16x128xf32, #tpu.memory_space<vmem>>, vector<16xf32>,
      %swap3A_774 = arith.constant 3 : i32
      %swap3A_775 = arith.index_cast %swap3A_774 : i32 to index
      %swap3A_776 = arith.constant 16 : index
      %swap3A_777 = tpu.vector_load %arg6[%swap3A_775, %swap3A_776] {strides = array<i32>} : memref<16x128xf32, #tpu.memory_space<vmem>>, vector<16xf32>,
      tpu.vector_store %arg6[%swap3A_775, %swap3A_776], %broadcast_in_dim3A_3 {strides = array<i32>} : memref<16x128xf32, #tpu.memory_space<vmem>>, vector<16xf32>,
      %swap3A_778 = arith.constant 3 : i32
      %swap3A_779 = arith.index_cast %swap3A_778 : i32 to index
      %swap3A_780 = arith.constant 32 : index
      %swap3A_781 = tpu.vector_load %arg6[%swap3A_779, %swap3A_780] {strides = array<i32>} : memref<16x128xf32, #tpu.memory_space<vmem>>, vector<16xf32>,
      tpu.vector_store %arg6[%swap3A_779, %swap3A_780], %broadcast_in_dim3A_3 {strides = array<i32>} : memref<16x128xf32, #tpu.memory_space<vmem>>, vector<16xf32>,
      %swap3A_782 = arith.constant 3 : i32
      %swap3A_783 = arith.index_cast %swap3A_782 : i32 to index
      %swap3A_784 = arith.constant 48 : index
      %swap3A_785 = tpu.vector_load %arg6[%swap3A_783, %swap3A_784] {strides = array<i32>} : memref<16x128xf32, #tpu.memory_space<vmem>>, vector<16xf32>,
      tpu.vector_store %arg6[%swap3A_783, %swap3A_784], %broadcast_in_dim3A_3 {strides = array<i32>} : memref<16x128xf32, #tpu.memory_space<vmem>>, vector<16xf32>,
      %swap3A_786 = arith.constant 3 : i32
      %swap3A_787 = arith.index_cast %swap3A_786 : i32 to index
      %swap3A_788 = arith.constant 64 : index
      %swap3A_789 = tpu.vector_load %arg6[%swap3A_787, %swap3A_788] {strides = array<i32>} : memref<16x128xf32, #tpu.memory_space<vmem>>, vector<16xf32>,
      tpu.vector_store %arg6[%swap3A_787, %swap3A_788], %broadcast_in_dim3A_3 {strides = array<i32>} : memref<16x128xf32, #tpu.memory_space<vmem>>, vector<16xf32>,
      %swap3A_790 = arith.constant 3 : i32
      %swap3A_791 = arith.index_cast %swap3A_790 : i32 to index
      %swap3A_792 = arith.constant 80 : index
      %swap3A_793 = tpu.vector_load %arg6[%swap3A_791, %swap3A_792] {strides = array<i32>} : memref<16x128xf32, #tpu.memory_space<vmem>>, vector<16xf32>,
      tpu.vector_store %arg6[%swap3A_791, %swap3A_792], %broadcast_in_dim3A_3 {strides = array<i32>} : memref<16x128xf32, #tpu.memory_space<vmem>>, vector<16xf32>,
      %swap3A_794 = arith.constant 3 : i32
      %swap3A_795 = arith.index_cast %swap3A_794 : i32 to index
      %swap3A_796 = arith.constant 96 : index
      %swap3A_797 = tpu.vector_load %arg6[%swap3A_795, %swap3A_796] {strides = array<i32>} : memref<16x128xf32, #tpu.memory_space<vmem>>, vector<16xf32>,
      tpu.vector_store %arg6[%swap3A_795, %swap3A_796], %broadcast_in_dim3A_3 {strides = array<i32>} : memref<16x128xf32, #tpu.memory_space<vmem>>, vector<16xf32>,
      %swap3A_798 = arith.constant 3 : i32
      %swap3A_799 = arith.index_cast %swap3A_798 : i32 to index
      %swap3A_800 = arith.constant 112 : index
      %swap3A_801 = tpu.vector_load %arg6[%swap3A_799, %swap3A_800] {strides = array<i32>} : memref<16x128xf32, #tpu.memory_space<vmem>>, vector<16xf32>,
      tpu.vector_store %arg6[%swap3A_799, %swap3A_800], %broadcast_in_dim3A_3 {strides = array<i32>} : memref<16x128xf32, #tpu.memory_space<vmem>>, vector<16xf32>,
      %swap3A_802 = arith.constant 4 : i32
      %swap3A_803 = arith.index_cast %swap3A_802 : i32 to index
      %swap3A_804 = arith.constant 0 : index
      %swap3A_805 = tpu.vector_load %arg6[%swap3A_803, %swap3A_804] {strides = array<i32>} : memref<16x128xf32, #tpu.memory_space<vmem>>, vector<16xf32>,
      tpu.vector_store %arg6[%swap3A_803, %swap3A_804], %broadcast_in_dim3A_3 {strides = array<i32>} : memref<16x128xf32, #tpu.memory_space<vmem>>, vector<16xf32>,
      %swap3A_806 = arith.constant 4 : i32
      %swap3A_807 = arith.index_cast %swap3A_806 : i32 to index
      %swap3A_808 = arith.constant 16 : index
      %swap3A_809 = tpu.vector_load %arg6[%swap3A_807, %swap3A_808] {strides = array<i32>} : memref<16x128xf32, #tpu.memory_space<vmem>>, vector<16xf32>,
      tpu.vector_store %arg6[%swap3A_807, %swap3A_808], %broadcast_in_dim3A_3 {strides = array<i32>} : memref<16x128xf32, #tpu.memory_space<vmem>>, vector<16xf32>,
      %swap3A_810 = arith.constant 4 : i32
      %swap3A_811 = arith.index_cast %swap3A_810 : i32 to index
      %swap3A_812 = arith.constant 32 : index
      %swap3A_813 = tpu.vector_load %arg6[%swap3A_811, %swap3A_812] {strides = array<i32>} : memref<16x128xf32, #tpu.memory_space<vmem>>, vector<16xf32>,
      tpu.vector_store %arg6[%swap3A_811, %swap3A_812], %broadcast_in_dim3A_3 {strides = array<i32>} : memref<16x128xf32, #tpu.memory_space<vmem>>, vector<16xf32>,
      %swap3A_814 = arith.constant 4 : i32
      %swap3A_815 = arith.index_cast %swap3A_814 : i32 to index
      %swap3A_816 = arith.constant 48 : index
      %swap3A_817 = tpu.vector_load %arg6[%swap3A_815, %swap3A_816] {strides = array<i32>} : memref<16x128xf32, #tpu.memory_space<vmem>>, vector<16xf32>,
      tpu.vector_store %arg6[%swap3A_815, %swap3A_816], %broadcast_in_dim3A_3 {strides = array<i32>} : memref<16x128xf32, #tpu.memory_space<vmem>>, vector<16xf32>,
      %swap3A_818 = arith.constant 4 : i32
      %swap3A_819 = arith.index_cast %swap3A_818 : i32 to index
      %swap3A_820 = arith.constant 64 : index
      %swap3A_821 = tpu.vector_load %arg6[%swap3A_819, %swap3A_820] {strides = array<i32>} : memref<16x128xf32, #tpu.memory_space<vmem>>, vector<16xf32>,
      tpu.vector_store %arg6[%swap3A_819, %swap3A_820], %broadcast_in_dim3A_3 {strides = array<i32>} : memref<16x128xf32, #tpu.memory_space<vmem>>, vector<16xf32>,
      %swap3A_822 = arith.constant 4 : i32
      %swap3A_823 = arith.index_cast %swap3A_822 : i32 to index
      %swap3A_824 = arith.constant 80 : index
      %swap3A_825 = tpu.vector_load %arg6[%swap3A_823, %swap3A_824] {strides = array<i32>} : memref<16x128xf32, #tpu.memory_space<vmem>>, vector<16xf32>,
      tpu.vector_store %arg6[%swap3A_823, %swap3A_824], %broadcast_in_dim3A_3 {strides = array<i32>} : memref<16x128xf32, #tpu.memory_space<vmem>>, vector<16xf32>,
      %swap3A_826 = arith.constant 4 : i32
      %swap3A_827 = arith.index_cast %swap3A_826 : i32 to index
      %swap3A_828 = arith.constant 96 : index
      %swap3A_829 = tpu.vector_load %arg6[%swap3A_827, %swap3A_828] {strides = array<i32>} : memref<16x128xf32, #tpu.memory_space<vmem>>, vector<16xf32>,
      tpu.vector_store %arg6[%swap3A_827, %swap3A_828], %broadcast_in_dim3A_3 {strides = array<i32>} : memref<16x128xf32, #tpu.memory_space<vmem>>, vector<16xf32>,
      %swap3A_830 = arith.constant 4 : i32
      %swap3A_831 = arith.index_cast %swap3A_830 : i32 to index
      %swap3A_832 = arith.constant 112 : index
      %swap3A_833 = tpu.vector_load %arg6[%swap3A_831, %swap3A_832] {strides = array<i32>} : memref<16x128xf32, #tpu.memory_space<vmem>>, vector<16xf32>,
      tpu.vector_store %arg6[%swap3A_831, %swap3A_832], %broadcast_in_dim3A_3 {strides = array<i32>} : memref<16x128xf32, #tpu.memory_space<vmem>>, vector<16xf32>,
      %swap3A_834 = arith.constant 5 : i32
      %swap3A_835 = arith.index_cast %swap3A_834 : i32 to index
      %swap3A_836 = arith.constant 0 : index
      %swap3A_837 = tpu.vector_load %arg6[%swap3A_835, %swap3A_836] {strides = array<i32>} : memref<16x128xf32, #tpu.memory_space<vmem>>, vector<16xf32>,
      tpu.vector_store %arg6[%swap3A_835, %swap3A_836], %broadcast_in_dim3A_3 {strides = array<i32>} : memref<16x128xf32, #tpu.memory_space<vmem>>, vector<16xf32>,
      %swap3A_838 = arith.constant 5 : i32
      %swap3A_839 = arith.index_cast %swap3A_838 : i32 to index
      %swap3A_840 = arith.constant 16 : index
      %swap3A_841 = tpu.vector_load %arg6[%swap3A_839, %swap3A_840] {strides = array<i32>} : memref<16x128xf32, #tpu.memory_space<vmem>>, vector<16xf32>,
      tpu.vector_store %arg6[%swap3A_839, %swap3A_840], %broadcast_in_dim3A_3 {strides = array<i32>} : memref<16x128xf32, #tpu.memory_space<vmem>>, vector<16xf32>,
      %swap3A_842 = arith.constant 5 : i32
      %swap3A_843 = arith.index_cast %swap3A_842 : i32 to index
      %swap3A_844 = arith.constant 32 : index
      %swap3A_845 = tpu.vector_load %arg6[%swap3A_843, %swap3A_844] {strides = array<i32>} : memref<16x128xf32, #tpu.memory_space<vmem>>, vector<16xf32>,
      tpu.vector_store %arg6[%swap3A_843, %swap3A_844], %broadcast_in_dim3A_3 {strides = array<i32>} : memref<16x128xf32, #tpu.memory_space<vmem>>, vector<16xf32>,
      %swap3A_846 = arith.constant 5 : i32
      %swap3A_847 = arith.index_cast %swap3A_846 : i32 to index
      %swap3A_848 = arith.constant 48 : index
      %swap3A_849 = tpu.vector_load %arg6[%swap3A_847, %swap3A_848] {strides = array<i32>} : memref<16x128xf32, #tpu.memory_space<vmem>>, vector<16xf32>,
      tpu.vector_store %arg6[%swap3A_847, %swap3A_848], %broadcast_in_dim3A_3 {strides = array<i32>} : memref<16x128xf32, #tpu.memory_space<vmem>>, vector<16xf32>,
      %swap3A_850 = arith.constant 5 : i32
      %swap3A_851 = arith.index_cast %swap3A_850 : i32 to index
      %swap3A_852 = arith.constant 64 : index
      %swap3A_853 = tpu.vector_load %arg6[%swap3A_851, %swap3A_852] {strides = array<i32>} : memref<16x128xf32, #tpu.memory_space<vmem>>, vector<16xf32>,
      tpu.vector_store %arg6[%swap3A_851, %swap3A_852], %broadcast_in_dim3A_3 {strides = array<i32>} : memref<16x128xf32, #tpu.memory_space<vmem>>, vector<16xf32>,
      %swap3A_854 = arith.constant 5 : i32
      %swap3A_855 = arith.index_cast %swap3A_854 : i32 to index
      %swap3A_856 = arith.constant 80 : index
      %swap3A_857 = tpu.vector_load %arg6[%swap3A_855, %swap3A_856] {strides = array<i32>} : memref<16x128xf32, #tpu.memory_space<vmem>>, vector<16xf32>,
      tpu.vector_store %arg6[%swap3A_855, %swap3A_856], %broadcast_in_dim3A_3 {strides = array<i32>} : memref<16x128xf32, #tpu.memory_space<vmem>>, vector<16xf32>,
      %swap3A_858 = arith.constant 5 : i32
      %swap3A_859 = arith.index_cast %swap3A_858 : i32 to index
      %swap3A_860 = arith.constant 96 : index
      %swap3A_861 = tpu.vector_load %arg6[%swap3A_859, %swap3A_860] {strides = array<i32>} : memref<16x128xf32, #tpu.memory_space<vmem>>, vector<16xf32>,
      tpu.vector_store %arg6[%swap3A_859, %swap3A_860], %broadcast_in_dim3A_3 {strides = array<i32>} : memref<16x128xf32, #tpu.memory_space<vmem>>, vector<16xf32>,
      %swap3A_862 = arith.constant 5 : i32
      %swap3A_863 = arith.index_cast %swap3A_862 : i32 to index
      %swap3A_864 = arith.constant 112 : index
      %swap3A_865 = tpu.vector_load %arg6[%swap3A_863, %swap3A_864] {strides = array<i32>} : memref<16x128xf32, #tpu.memory_space<vmem>>, vector<16xf32>,
      tpu.vector_store %arg6[%swap3A_863, %swap3A_864], %broadcast_in_dim3A_3 {strides = array<i32>} : memref<16x128xf32, #tpu.memory_space<vmem>>, vector<16xf32>,
      %swap3A_866 = arith.constant 6 : i32
      %swap3A_867 = arith.index_cast %swap3A_866 : i32 to index
      %swap3A_868 = arith.constant 0 : index
      %swap3A_869 = tpu.vector_load %arg6[%swap3A_867, %swap3A_868] {strides = array<i32>} : memref<16x128xf32, #tpu.memory_space<vmem>>, vector<16xf32>,
      tpu.vector_store %arg6[%swap3A_867, %swap3A_868], %broadcast_in_dim3A_3 {strides = array<i32>} : memref<16x128xf32, #tpu.memory_space<vmem>>, vector<16xf32>,
      %swap3A_870 = arith.constant 6 : i32
      %swap3A_871 = arith.index_cast %swap3A_870 : i32 to index
      %swap3A_872 = arith.constant 16 : index
      %swap3A_873 = tpu.vector_load %arg6[%swap3A_871, %swap3A_872] {strides = array<i32>} : memref<16x128xf32, #tpu.memory_space<vmem>>, vector<16xf32>,
      tpu.vector_store %arg6[%swap3A_871, %swap3A_872], %broadcast_in_dim3A_3 {strides = array<i32>} : memref<16x128xf32, #tpu.memory_space<vmem>>, vector<16xf32>,
      %swap3A_874 = arith.constant 6 : i32
      %swap3A_875 = arith.index_cast %swap3A_874 : i32 to index
      %swap3A_876 = arith.constant 32 : index
      %swap3A_877 = tpu.vector_load %arg6[%swap3A_875, %swap3A_876] {strides = array<i32>} : memref<16x128xf32, #tpu.memory_space<vmem>>, vector<16xf32>,
      tpu.vector_store %arg6[%swap3A_875, %swap3A_876], %broadcast_in_dim3A_3 {strides = array<i32>} : memref<16x128xf32, #tpu.memory_space<vmem>>, vector<16xf32>,
      %swap3A_878 = arith.constant 6 : i32
      %swap3A_879 = arith.index_cast %swap3A_878 : i32 to index
      %swap3A_880 = arith.constant 48 : index
      %swap3A_881 = tpu.vector_load %arg6[%swap3A_879, %swap3A_880] {strides = array<i32>} : memref<16x128xf32, #tpu.memory_space<vmem>>, vector<16xf32>,
      tpu.vector_store %arg6[%swap3A_879, %swap3A_880], %broadcast_in_dim3A_3 {strides = array<i32>} : memref<16x128xf32, #tpu.memory_space<vmem>>, vector<16xf32>,
      %swap3A_882 = arith.constant 6 : i32
      %swap3A_883 = arith.index_cast %swap3A_882 : i32 to index
      %swap3A_884 = arith.constant 64 : index
      %swap3A_885 = tpu.vector_load %arg6[%swap3A_883, %swap3A_884] {strides = array<i32>} : memref<16x128xf32, #tpu.memory_space<vmem>>, vector<16xf32>,
      tpu.vector_store %arg6[%swap3A_883, %swap3A_884], %broadcast_in_dim3A_3 {strides = array<i32>} : memref<16x128xf32, #tpu.memory_space<vmem>>, vector<16xf32>,
      %swap3A_886 = arith.constant 6 : i32
      %swap3A_887 = arith.index_cast %swap3A_886 : i32 to index
      %swap3A_888 = arith.constant 80 : index
      %swap3A_889 = tpu.vector_load %arg6[%swap3A_887, %swap3A_888] {strides = array<i32>} : memref<16x128xf32, #tpu.memory_space<vmem>>, vector<16xf32>,
      tpu.vector_store %arg6[%swap3A_887, %swap3A_888], %broadcast_in_dim3A_3 {strides = array<i32>} : memref<16x128xf32, #tpu.memory_space<vmem>>, vector<16xf32>,
      %swap3A_890 = arith.constant 6 : i32
      %swap3A_891 = arith.index_cast %swap3A_890 : i32 to index
      %swap3A_892 = arith.constant 96 : index
      %swap3A_893 = tpu.vector_load %arg6[%swap3A_891, %swap3A_892] {strides = array<i32>} : memref<16x128xf32, #tpu.memory_space<vmem>>, vector<16xf32>,
      tpu.vector_store %arg6[%swap3A_891, %swap3A_892], %broadcast_in_dim3A_3 {strides = array<i32>} : memref<16x128xf32, #tpu.memory_space<vmem>>, vector<16xf32>,
      %swap3A_894 = arith.constant 6 : i32
      %swap3A_895 = arith.index_cast %swap3A_894 : i32 to index
      %swap3A_896 = arith.constant 112 : index
      %swap3A_897 = tpu.vector_load %arg6[%swap3A_895, %swap3A_896] {strides = array<i32>} : memref<16x128xf32, #tpu.memory_space<vmem>>, vector<16xf32>,
      tpu.vector_store %arg6[%swap3A_895, %swap3A_896], %broadcast_in_dim3A_3 {strides = array<i32>} : memref<16x128xf32, #tpu.memory_space<vmem>>, vector<16xf32>,
      %swap3A_898 = arith.constant 7 : i32
      %swap3A_899 = arith.index_cast %swap3A_898 : i32 to index
      %swap3A_900 = arith.constant 0 : index
      %swap3A_901 = tpu.vector_load %arg6[%swap3A_899, %swap3A_900] {strides = array<i32>} : memref<16x128xf32, #tpu.memory_space<vmem>>, vector<16xf32>,
      tpu.vector_store %arg6[%swap3A_899, %swap3A_900], %broadcast_in_dim3A_3 {strides = array<i32>} : memref<16x128xf32, #tpu.memory_space<vmem>>, vector<16xf32>,
      %swap3A_902 = arith.constant 7 : i32
      %swap3A_903 = arith.index_cast %swap3A_902 : i32 to index
      %swap3A_904 = arith.constant 16 : index
      %swap3A_905 = tpu.vector_load %arg6[%swap3A_903, %swap3A_904] {strides = array<i32>} : memref<16x128xf32, #tpu.memory_space<vmem>>, vector<16xf32>,
      tpu.vector_store %arg6[%swap3A_903, %swap3A_904], %broadcast_in_dim3A_3 {strides = array<i32>} : memref<16x128xf32, #tpu.memory_space<vmem>>, vector<16xf32>,
      %swap3A_906 = arith.constant 7 : i32
      %swap3A_907 = arith.index_cast %swap3A_906 : i32 to index
      %swap3A_908 = arith.constant 32 : index
      %swap3A_909 = tpu.vector_load %arg6[%swap3A_907, %swap3A_908] {strides = array<i32>} : memref<16x128xf32, #tpu.memory_space<vmem>>, vector<16xf32>,
      tpu.vector_store %arg6[%swap3A_907, %swap3A_908], %broadcast_in_dim3A_3 {strides = array<i32>} : memref<16x128xf32, #tpu.memory_space<vmem>>, vector<16xf32>,
      %swap3A_910 = arith.constant 7 : i32
      %swap3A_911 = arith.index_cast %swap3A_910 : i32 to index
      %swap3A_912 = arith.constant 48 : index
      %swap3A_913 = tpu.vector_load %arg6[%swap3A_911, %swap3A_912] {strides = array<i32>} : memref<16x128xf32, #tpu.memory_space<vmem>>, vector<16xf32>,
      tpu.vector_store %arg6[%swap3A_911, %swap3A_912], %broadcast_in_dim3A_3 {strides = array<i32>} : memref<16x128xf32, #tpu.memory_space<vmem>>, vector<16xf32>,
      %swap3A_914 = arith.constant 7 : i32
      %swap3A_915 = arith.index_cast %swap3A_914 : i32 to index
      %swap3A_916 = arith.constant 64 : index
      %swap3A_917 = tpu.vector_load %arg6[%swap3A_915, %swap3A_916] {strides = array<i32>} : memref<16x128xf32, #tpu.memory_space<vmem>>, vector<16xf32>,
      tpu.vector_store %arg6[%swap3A_915, %swap3A_916], %broadcast_in_dim3A_3 {strides = array<i32>} : memref<16x128xf32, #tpu.memory_space<vmem>>, vector<16xf32>,
      %swap3A_918 = arith.constant 7 : i32
      %swap3A_919 = arith.index_cast %swap3A_918 : i32 to index
      %swap3A_920 = arith.constant 80 : index
      %swap3A_921 = tpu.vector_load %arg6[%swap3A_919, %swap3A_920] {strides = array<i32>} : memref<16x128xf32, #tpu.memory_space<vmem>>, vector<16xf32>,
      tpu.vector_store %arg6[%swap3A_919, %swap3A_920], %broadcast_in_dim3A_3 {strides = array<i32>} : memref<16x128xf32, #tpu.memory_space<vmem>>, vector<16xf32>,
      %swap3A_922 = arith.constant 7 : i32
      %swap3A_923 = arith.index_cast %swap3A_922 : i32 to index
      %swap3A_924 = arith.constant 96 : index
      %swap3A_925 = tpu.vector_load %arg6[%swap3A_923, %swap3A_924] {strides = array<i32>} : memref<16x128xf32, #tpu.memory_space<vmem>>, vector<16xf32>,
      tpu.vector_store %arg6[%swap3A_923, %swap3A_924], %broadcast_in_dim3A_3 {strides = array<i32>} : memref<16x128xf32, #tpu.memory_space<vmem>>, vector<16xf32>,
      %swap3A_926 = arith.constant 7 : i32
      %swap3A_927 = arith.index_cast %swap3A_926 : i32 to index
      %swap3A_928 = arith.constant 112 : index
      %swap3A_929 = tpu.vector_load %arg6[%swap3A_927, %swap3A_928] {strides = array<i32>} : memref<16x128xf32, #tpu.memory_space<vmem>>, vector<16xf32>,
      tpu.vector_store %arg6[%swap3A_927, %swap3A_928], %broadcast_in_dim3A_3 {strides = array<i32>} : memref<16x128xf32, #tpu.memory_space<vmem>>, vector<16xf32>,
      %swap3A_930 = arith.constant 8 : i32
      %swap3A_931 = arith.index_cast %swap3A_930 : i32 to index
      %swap3A_932 = arith.constant 0 : index
      %swap3A_933 = tpu.vector_load %arg6[%swap3A_931, %swap3A_932] {strides = array<i32>} : memref<16x128xf32, #tpu.memory_space<vmem>>, vector<16xf32>,
      tpu.vector_store %arg6[%swap3A_931, %swap3A_932], %broadcast_in_dim3A_3 {strides = array<i32>} : memref<16x128xf32, #tpu.memory_space<vmem>>, vector<16xf32>,
      %swap3A_934 = arith.constant 8 : i32
      %swap3A_935 = arith.index_cast %swap3A_934 : i32 to index
      %swap3A_936 = arith.constant 16 : index
      %swap3A_937 = tpu.vector_load %arg6[%swap3A_935, %swap3A_936] {strides = array<i32>} : memref<16x128xf32, #tpu.memory_space<vmem>>, vector<16xf32>,
      tpu.vector_store %arg6[%swap3A_935, %swap3A_936], %broadcast_in_dim3A_3 {strides = array<i32>} : memref<16x128xf32, #tpu.memory_space<vmem>>, vector<16xf32>,
      %swap3A_938 = arith.constant 8 : i32
      %swap3A_939 = arith.index_cast %swap3A_938 : i32 to index
      %swap3A_940 = arith.constant 32 : index
      %swap3A_941 = tpu.vector_load %arg6[%swap3A_939, %swap3A_940] {strides = array<i32>} : memref<16x128xf32, #tpu.memory_space<vmem>>, vector<16xf32>,
      tpu.vector_store %arg6[%swap3A_939, %swap3A_940], %broadcast_in_dim3A_3 {strides = array<i32>} : memref<16x128xf32, #tpu.memory_space<vmem>>, vector<16xf32>,
      %swap3A_942 = arith.constant 8 : i32
      %swap3A_943 = arith.index_cast %swap3A_942 : i32 to index
      %swap3A_944 = arith.constant 48 : index
      %swap3A_945 = tpu.vector_load %arg6[%swap3A_943, %swap3A_944] {strides = array<i32>} : memref<16x128xf32, #tpu.memory_space<vmem>>, vector<16xf32>,
      tpu.vector_store %arg6[%swap3A_943, %swap3A_944], %broadcast_in_dim3A_3 {strides = array<i32>} : memref<16x128xf32, #tpu.memory_space<vmem>>, vector<16xf32>,
      %swap3A_946 = arith.constant 8 : i32
      %swap3A_947 = arith.index_cast %swap3A_946 : i32 to index
      %swap3A_948 = arith.constant 64 : index
      %swap3A_949 = tpu.vector_load %arg6[%swap3A_947, %swap3A_948] {strides = array<i32>} : memref<16x128xf32, #tpu.memory_space<vmem>>, vector<16xf32>,
      tpu.vector_store %arg6[%swap3A_947, %swap3A_948], %broadcast_in_dim3A_3 {strides = array<i32>} : memref<16x128xf32, #tpu.memory_space<vmem>>, vector<16xf32>,
      %swap3A_950 = arith.constant 8 : i32
      %swap3A_951 = arith.index_cast %swap3A_950 : i32 to index
      %swap3A_952 = arith.constant 80 : index
      %swap3A_953 = tpu.vector_load %arg6[%swap3A_951, %swap3A_952] {strides = array<i32>} : memref<16x128xf32, #tpu.memory_space<vmem>>, vector<16xf32>,
      tpu.vector_store %arg6[%swap3A_951, %swap3A_952], %broadcast_in_dim3A_3 {strides = array<i32>} : memref<16x128xf32, #tpu.memory_space<vmem>>, vector<16xf32>,
      %swap3A_954 = arith.constant 8 : i32
      %swap3A_955 = arith.index_cast %swap3A_954 : i32 to index
      %swap3A_956 = arith.constant 96 : index
      %swap3A_957 = tpu.vector_load %arg6[%swap3A_955, %swap3A_956] {strides = array<i32>} : memref<16x128xf32, #tpu.memory_space<vmem>>, vector<16xf32>,
      tpu.vector_store %arg6[%swap3A_955, %swap3A_956], %broadcast_in_dim3A_3 {strides = array<i32>} : memref<16x128xf32, #tpu.memory_space<vmem>>, vector<16xf32>,
      %swap3A_958 = arith.constant 8 : i32
      %swap3A_959 = arith.index_cast %swap3A_958 : i32 to index
      %swap3A_960 = arith.constant 112 : index
      %swap3A_961 = tpu.vector_load %arg6[%swap3A_959, %swap3A_960] {strides = array<i32>} : memref<16x128xf32, #tpu.memory_space<vmem>>, vector<16xf32>,
      tpu.vector_store %arg6[%swap3A_959, %swap3A_960], %broadcast_in_dim3A_3 {strides = array<i32>} : memref<16x128xf32, #tpu.memory_space<vmem>>, vector<16xf32>,
      %swap3A_962 = arith.constant 9 : i32
      %swap3A_963 = arith.index_cast %swap3A_962 : i32 to index
      %swap3A_964 = arith.constant 0 : index
      %swap3A_965 = tpu.vector_load %arg6[%swap3A_963, %swap3A_964] {strides = array<i32>} : memref<16x128xf32, #tpu.memory_space<vmem>>, vector<16xf32>,
      tpu.vector_store %arg6[%swap3A_963, %swap3A_964], %broadcast_in_dim3A_3 {strides = array<i32>} : memref<16x128xf32, #tpu.memory_space<vmem>>, vector<16xf32>,
      %swap3A_966 = arith.constant 9 : i32
      %swap3A_967 = arith.index_cast %swap3A_966 : i32 to index
      %swap3A_968 = arith.constant 16 : index
      %swap3A_969 = tpu.vector_load %arg6[%swap3A_967, %swap3A_968] {strides = array<i32>} : memref<16x128xf32, #tpu.memory_space<vmem>>, vector<16xf32>,
      tpu.vector_store %arg6[%swap3A_967, %swap3A_968], %broadcast_in_dim3A_3 {strides = array<i32>} : memref<16x128xf32, #tpu.memory_space<vmem>>, vector<16xf32>,
      %swap3A_970 = arith.constant 9 : i32
      %swap3A_971 = arith.index_cast %swap3A_970 : i32 to index
      %swap3A_972 = arith.constant 32 : index
      %swap3A_973 = tpu.vector_load %arg6[%swap3A_971, %swap3A_972] {strides = array<i32>} : memref<16x128xf32, #tpu.memory_space<vmem>>, vector<16xf32>,
      tpu.vector_store %arg6[%swap3A_971, %swap3A_972], %broadcast_in_dim3A_3 {strides = array<i32>} : memref<16x128xf32, #tpu.memory_space<vmem>>, vector<16xf32>,
      %swap3A_974 = arith.constant 9 : i32
      %swap3A_975 = arith.index_cast %swap3A_974 : i32 to index
      %swap3A_976 = arith.constant 48 : index
      %swap3A_977 = tpu.vector_load %arg6[%swap3A_975, %swap3A_976] {strides = array<i32>} : memref<16x128xf32, #tpu.memory_space<vmem>>, vector<16xf32>,
      tpu.vector_store %arg6[%swap3A_975, %swap3A_976], %broadcast_in_dim3A_3 {strides = array<i32>} : memref<16x128xf32, #tpu.memory_space<vmem>>, vector<16xf32>,
      %swap3A_978 = arith.constant 9 : i32
      %swap3A_979 = arith.index_cast %swap3A_978 : i32 to index
      %swap3A_980 = arith.constant 64 : index
      %swap3A_981 = tpu.vector_load %arg6[%swap3A_979, %swap3A_980] {strides = array<i32>} : memref<16x128xf32, #tpu.memory_space<vmem>>, vector<16xf32>,
      tpu.vector_store %arg6[%swap3A_979, %swap3A_980], %broadcast_in_dim3A_3 {strides = array<i32>} : memref<16x128xf32, #tpu.memory_space<vmem>>, vector<16xf32>,
      %swap3A_982 = arith.constant 9 : i32
      %swap3A_983 = arith.index_cast %swap3A_982 : i32 to index
      %swap3A_984 = arith.constant 80 : index
      %swap3A_985 = tpu.vector_load %arg6[%swap3A_983, %swap3A_984] {strides = array<i32>} : memref<16x128xf32, #tpu.memory_space<vmem>>, vector<16xf32>,
      tpu.vector_store %arg6[%swap3A_983, %swap3A_984], %broadcast_in_dim3A_3 {strides = array<i32>} : memref<16x128xf32, #tpu.memory_space<vmem>>, vector<16xf32>,
      %swap3A_986 = arith.constant 9 : i32
      %swap3A_987 = arith.index_cast %swap3A_986 : i32 to index
      %swap3A_988 = arith.constant 96 : index
      %swap3A_989 = tpu.vector_load %arg6[%swap3A_987, %swap3A_988] {strides = array<i32>} : memref<16x128xf32, #tpu.memory_space<vmem>>, vector<16xf32>,
      tpu.vector_store %arg6[%swap3A_987, %swap3A_988], %broadcast_in_dim3A_3 {strides = array<i32>} : memref<16x128xf32, #tpu.memory_space<vmem>>, vector<16xf32>,
      %swap3A_990 = arith.constant 9 : i32
      %swap3A_991 = arith.index_cast %swap3A_990 : i32 to index
      %swap3A_992 = arith.constant 112 : index
      %swap3A_993 = tpu.vector_load %arg6[%swap3A_991, %swap3A_992] {strides = array<i32>} : memref<16x128xf32, #tpu.memory_space<vmem>>, vector<16xf32>,
      tpu.vector_store %arg6[%swap3A_991, %swap3A_992], %broadcast_in_dim3A_3 {strides = array<i32>} : memref<16x128xf32, #tpu.memory_space<vmem>>, vector<16xf32>,
      %swap3A_994 = arith.constant 10 : i32
      %swap3A_995 = arith.index_cast %swap3A_994 : i32 to index
      %swap3A_996 = arith.constant 0 : index
      %swap3A_997 = tpu.vector_load %arg6[%swap3A_995, %swap3A_996] {strides = array<i32>} : memref<16x128xf32, #tpu.memory_space<vmem>>, vector<16xf32>,
      tpu.vector_store %arg6[%swap3A_995, %swap3A_996], %broadcast_in_dim3A_3 {strides = array<i32>} : memref<16x128xf32, #tpu.memory_space<vmem>>, vector<16xf32>,
      %swap3A_998 = arith.constant 10 : i32
      %swap3A_999 = arith.index_cast %swap3A_998 : i32 to index
      %swap3A_1000 = arith.constant 16 : index
      %swap3A_1001 = tpu.vector_load %arg6[%swap3A_999, %swap3A_1000] {strides = array<i32>} : memref<16x128xf32, #tpu.memory_space<vmem>>, vector<16xf32>,
      tpu.vector_store %arg6[%swap3A_999, %swap3A_1000], %broadcast_in_dim3A_3 {strides = array<i32>} : memref<16x128xf32, #tpu.memory_space<vmem>>, vector<16xf32>,
      %swap3A_1002 = arith.constant 10 : i32
      %swap3A_1003 = arith.index_cast %swap3A_1002 : i32 to index
      %swap3A_1004 = arith.constant 32 : index
      %swap3A_1005 = tpu.vector_load %arg6[%swap3A_1003, %swap3A_1004] {strides = array<i32>} : memref<16x128xf32, #tpu.memory_space<vmem>>, vector<16xf32>,
      tpu.vector_store %arg6[%swap3A_1003, %swap3A_1004], %broadcast_in_dim3A_3 {strides = array<i32>} : memref<16x128xf32, #tpu.memory_space<vmem>>, vector<16xf32>,
      %swap3A_1006 = arith.constant 10 : i32
      %swap3A_1007 = arith.index_cast %swap3A_1006 : i32 to index
      %swap3A_1008 = arith.constant 48 : index
      %swap3A_1009 = tpu.vector_load %arg6[%swap3A_1007, %swap3A_1008] {strides = array<i32>} : memref<16x128xf32, #tpu.memory_space<vmem>>, vector<16xf32>,
      tpu.vector_store %arg6[%swap3A_1007, %swap3A_1008], %broadcast_in_dim3A_3 {strides = array<i32>} : memref<16x128xf32, #tpu.memory_space<vmem>>, vector<16xf32>,
      %swap3A_1010 = arith.constant 10 : i32
      %swap3A_1011 = arith.index_cast %swap3A_1010 : i32 to index
      %swap3A_1012 = arith.constant 64 : index
      %swap3A_1013 = tpu.vector_load %arg6[%swap3A_1011, %swap3A_1012] {strides = array<i32>} : memref<16x128xf32, #tpu.memory_space<vmem>>, vector<16xf32>,
      tpu.vector_store %arg6[%swap3A_1011, %swap3A_1012], %broadcast_in_dim3A_3 {strides = array<i32>} : memref<16x128xf32, #tpu.memory_space<vmem>>, vector<16xf32>,
      %swap3A_1014 = arith.constant 10 : i32
      %swap3A_1015 = arith.index_cast %swap3A_1014 : i32 to index
      %swap3A_1016 = arith.constant 80 : index
      %swap3A_1017 = tpu.vector_load %arg6[%swap3A_1015, %swap3A_1016] {strides = array<i32>} : memref<16x128xf32, #tpu.memory_space<vmem>>, vector<16xf32>,
      tpu.vector_store %arg6[%swap3A_1015, %swap3A_1016], %broadcast_in_dim3A_3 {strides = array<i32>} : memref<16x128xf32, #tpu.memory_space<vmem>>, vector<16xf32>,
      %swap3A_1018 = arith.constant 10 : i32
      %swap3A_1019 = arith.index_cast %swap3A_1018 : i32 to index
      %swap3A_1020 = arith.constant 96 : index
      %swap3A_1021 = tpu.vector_load %arg6[%swap3A_1019, %swap3A_1020] {strides = array<i32>} : memref<16x128xf32, #tpu.memory_space<vmem>>, vector<16xf32>,
      tpu.vector_store %arg6[%swap3A_1019, %swap3A_1020], %broadcast_in_dim3A_3 {strides = array<i32>} : memref<16x128xf32, #tpu.memory_space<vmem>>, vector<16xf32>,
      %swap3A_1022 = arith.constant 10 : i32
      %swap3A_1023 = arith.index_cast %swap3A_1022 : i32 to index
      %swap3A_1024 = arith.constant 112 : index
      %swap3A_1025 = tpu.vector_load %arg6[%swap3A_1023, %swap3A_1024] {strides = array<i32>} : memref<16x128xf32, #tpu.memory_space<vmem>>, vector<16xf32>,
      tpu.vector_store %arg6[%swap3A_1023, %swap3A_1024], %broadcast_in_dim3A_3 {strides = array<i32>} : memref<16x128xf32, #tpu.memory_space<vmem>>, vector<16xf32>,
      %swap3A_1026 = arith.constant 11 : i32
      %swap3A_1027 = arith.index_cast %swap3A_1026 : i32 to index
      %swap3A_1028 = arith.constant 0 : index
      %swap3A_1029 = tpu.vector_load %arg6[%swap3A_1027, %swap3A_1028] {strides = array<i32>} : memref<16x128xf32, #tpu.memory_space<vmem>>, vector<16xf32>,
      tpu.vector_store %arg6[%swap3A_1027, %swap3A_1028], %broadcast_in_dim3A_3 {strides = array<i32>} : memref<16x128xf32, #tpu.memory_space<vmem>>, vector<16xf32>,
      %swap3A_1030 = arith.constant 11 : i32
      %swap3A_1031 = arith.index_cast %swap3A_1030 : i32 to index
      %swap3A_1032 = arith.constant 16 : index
      %swap3A_1033 = tpu.vector_load %arg6[%swap3A_1031, %swap3A_1032] {strides = array<i32>} : memref<16x128xf32, #tpu.memory_space<vmem>>, vector<16xf32>,
      tpu.vector_store %arg6[%swap3A_1031, %swap3A_1032], %broadcast_in_dim3A_3 {strides = array<i32>} : memref<16x128xf32, #tpu.memory_space<vmem>>, vector<16xf32>,
      %swap3A_1034 = arith.constant 11 : i32
      %swap3A_1035 = arith.index_cast %swap3A_1034 : i32 to index
      %swap3A_1036 = arith.constant 32 : index
      %swap3A_1037 = tpu.vector_load %arg6[%swap3A_1035, %swap3A_1036] {strides = array<i32>} : memref<16x128xf32, #tpu.memory_space<vmem>>, vector<16xf32>,
      tpu.vector_store %arg6[%swap3A_1035, %swap3A_1036], %broadcast_in_dim3A_3 {strides = array<i32>} : memref<16x128xf32, #tpu.memory_space<vmem>>, vector<16xf32>,
      %swap3A_1038 = arith.constant 11 : i32
      %swap3A_1039 = arith.index_cast %swap3A_1038 : i32 to index
      %swap3A_1040 = arith.constant 48 : index
      %swap3A_1041 = tpu.vector_load %arg6[%swap3A_1039, %swap3A_1040] {strides = array<i32>} : memref<16x128xf32, #tpu.memory_space<vmem>>, vector<16xf32>,
      tpu.vector_store %arg6[%swap3A_1039, %swap3A_1040], %broadcast_in_dim3A_3 {strides = array<i32>} : memref<16x128xf32, #tpu.memory_space<vmem>>, vector<16xf32>,
      %swap3A_1042 = arith.constant 11 : i32
      %swap3A_1043 = arith.index_cast %swap3A_1042 : i32 to index
      %swap3A_1044 = arith.constant 64 : index
      %swap3A_1045 = tpu.vector_load %arg6[%swap3A_1043, %swap3A_1044] {strides = array<i32>} : memref<16x128xf32, #tpu.memory_space<vmem>>, vector<16xf32>,
      tpu.vector_store %arg6[%swap3A_1043, %swap3A_1044], %broadcast_in_dim3A_3 {strides = array<i32>} : memref<16x128xf32, #tpu.memory_space<vmem>>, vector<16xf32>,
      %swap3A_1046 = arith.constant 11 : i32
      %swap3A_1047 = arith.index_cast %swap3A_1046 : i32 to index
      %swap3A_1048 = arith.constant 80 : index
      %swap3A_1049 = tpu.vector_load %arg6[%swap3A_1047, %swap3A_1048] {strides = array<i32>} : memref<16x128xf32, #tpu.memory_space<vmem>>, vector<16xf32>,
      tpu.vector_store %arg6[%swap3A_1047, %swap3A_1048], %broadcast_in_dim3A_3 {strides = array<i32>} : memref<16x128xf32, #tpu.memory_space<vmem>>, vector<16xf32>,
      %swap3A_1050 = arith.constant 11 : i32
      %swap3A_1051 = arith.index_cast %swap3A_1050 : i32 to index
      %swap3A_1052 = arith.constant 96 : index
      %swap3A_1053 = tpu.vector_load %arg6[%swap3A_1051, %swap3A_1052] {strides = array<i32>} : memref<16x128xf32, #tpu.memory_space<vmem>>, vector<16xf32>,
      tpu.vector_store %arg6[%swap3A_1051, %swap3A_1052], %broadcast_in_dim3A_3 {strides = array<i32>} : memref<16x128xf32, #tpu.memory_space<vmem>>, vector<16xf32>,
      %swap3A_1054 = arith.constant 11 : i32
      %swap3A_1055 = arith.index_cast %swap3A_1054 : i32 to index
      %swap3A_1056 = arith.constant 112 : index
      %swap3A_1057 = tpu.vector_load %arg6[%swap3A_1055, %swap3A_1056] {strides = array<i32>} : memref<16x128xf32, #tpu.memory_space<vmem>>, vector<16xf32>,
      tpu.vector_store %arg6[%swap3A_1055, %swap3A_1056], %broadcast_in_dim3A_3 {strides = array<i32>} : memref<16x128xf32, #tpu.memory_space<vmem>>, vector<16xf32>,
      %swap3A_1058 = arith.constant 12 : i32
      %swap3A_1059 = arith.index_cast %swap3A_1058 : i32 to index
      %swap3A_1060 = arith.constant 0 : index
      %swap3A_1061 = tpu.vector_load %arg6[%swap3A_1059, %swap3A_1060] {strides = array<i32>} : memref<16x128xf32, #tpu.memory_space<vmem>>, vector<16xf32>,
      tpu.vector_store %arg6[%swap3A_1059, %swap3A_1060], %broadcast_in_dim3A_3 {strides = array<i32>} : memref<16x128xf32, #tpu.memory_space<vmem>>, vector<16xf32>,
      %swap3A_1062 = arith.constant 12 : i32
      %swap3A_1063 = arith.index_cast %swap3A_1062 : i32 to index
      %swap3A_1064 = arith.constant 16 : index
      %swap3A_1065 = tpu.vector_load %arg6[%swap3A_1063, %swap3A_1064] {strides = array<i32>} : memref<16x128xf32, #tpu.memory_space<vmem>>, vector<16xf32>,
      tpu.vector_store %arg6[%swap3A_1063, %swap3A_1064], %broadcast_in_dim3A_3 {strides = array<i32>} : memref<16x128xf32, #tpu.memory_space<vmem>>, vector<16xf32>,
      %swap3A_1066 = arith.constant 12 : i32
      %swap3A_1067 = arith.index_cast %swap3A_1066 : i32 to index
      %swap3A_1068 = arith.constant 32 : index
      %swap3A_1069 = tpu.vector_load %arg6[%swap3A_1067, %swap3A_1068] {strides = array<i32>} : memref<16x128xf32, #tpu.memory_space<vmem>>, vector<16xf32>,
      tpu.vector_store %arg6[%swap3A_1067, %swap3A_1068], %broadcast_in_dim3A_3 {strides = array<i32>} : memref<16x128xf32, #tpu.memory_space<vmem>>, vector<16xf32>,
      %swap3A_1070 = arith.constant 12 : i32
      %swap3A_1071 = arith.index_cast %swap3A_1070 : i32 to index
      %swap3A_1072 = arith.constant 48 : index
      %swap3A_1073 = tpu.vector_load %arg6[%swap3A_1071, %swap3A_1072] {strides = array<i32>} : memref<16x128xf32, #tpu.memory_space<vmem>>, vector<16xf32>,
      tpu.vector_store %arg6[%swap3A_1071, %swap3A_1072], %broadcast_in_dim3A_3 {strides = array<i32>} : memref<16x128xf32, #tpu.memory_space<vmem>>, vector<16xf32>,
      %swap3A_1074 = arith.constant 12 : i32
      %swap3A_1075 = arith.index_cast %swap3A_1074 : i32 to index
      %swap3A_1076 = arith.constant 64 : index
      %swap3A_1077 = tpu.vector_load %arg6[%swap3A_1075, %swap3A_1076] {strides = array<i32>} : memref<16x128xf32, #tpu.memory_space<vmem>>, vector<16xf32>,
      tpu.vector_store %arg6[%swap3A_1075, %swap3A_1076], %broadcast_in_dim3A_3 {strides = array<i32>} : memref<16x128xf32, #tpu.memory_space<vmem>>, vector<16xf32>,
      %swap3A_1078 = arith.constant 12 : i32
      %swap3A_1079 = arith.index_cast %swap3A_1078 : i32 to index
      %swap3A_1080 = arith.constant 80 : index
      %swap3A_1081 = tpu.vector_load %arg6[%swap3A_1079, %swap3A_1080] {strides = array<i32>} : memref<16x128xf32, #tpu.memory_space<vmem>>, vector<16xf32>,
      tpu.vector_store %arg6[%swap3A_1079, %swap3A_1080], %broadcast_in_dim3A_3 {strides = array<i32>} : memref<16x128xf32, #tpu.memory_space<vmem>>, vector<16xf32>,
      %swap3A_1082 = arith.constant 12 : i32
      %swap3A_1083 = arith.index_cast %swap3A_1082 : i32 to index
      %swap3A_1084 = arith.constant 96 : index
      %swap3A_1085 = tpu.vector_load %arg6[%swap3A_1083, %swap3A_1084] {strides = array<i32>} : memref<16x128xf32, #tpu.memory_space<vmem>>, vector<16xf32>,
      tpu.vector_store %arg6[%swap3A_1083, %swap3A_1084], %broadcast_in_dim3A_3 {strides = array<i32>} : memref<16x128xf32, #tpu.memory_space<vmem>>, vector<16xf32>,
      %swap3A_1086 = arith.constant 12 : i32
      %swap3A_1087 = arith.index_cast %swap3A_1086 : i32 to index
      %swap3A_1088 = arith.constant 112 : index
      %swap3A_1089 = tpu.vector_load %arg6[%swap3A_1087, %swap3A_1088] {strides = array<i32>} : memref<16x128xf32, #tpu.memory_space<vmem>>, vector<16xf32>,
      tpu.vector_store %arg6[%swap3A_1087, %swap3A_1088], %broadcast_in_dim3A_3 {strides = array<i32>} : memref<16x128xf32, #tpu.memory_space<vmem>>, vector<16xf32>,
      %swap3A_1090 = arith.constant 13 : i32
      %swap3A_1091 = arith.index_cast %swap3A_1090 : i32 to index
      %swap3A_1092 = arith.constant 0 : index
      %swap3A_1093 = tpu.vector_load %arg6[%swap3A_1091, %swap3A_1092] {strides = array<i32>} : memref<16x128xf32, #tpu.memory_space<vmem>>, vector<16xf32>,
      tpu.vector_store %arg6[%swap3A_1091, %swap3A_1092], %broadcast_in_dim3A_3 {strides = array<i32>} : memref<16x128xf32, #tpu.memory_space<vmem>>, vector<16xf32>,
      %swap3A_1094 = arith.constant 13 : i32
      %swap3A_1095 = arith.index_cast %swap3A_1094 : i32 to index
      %swap3A_1096 = arith.constant 16 : index
      %swap3A_1097 = tpu.vector_load %arg6[%swap3A_1095, %swap3A_1096] {strides = array<i32>} : memref<16x128xf32, #tpu.memory_space<vmem>>, vector<16xf32>,
      tpu.vector_store %arg6[%swap3A_1095, %swap3A_1096], %broadcast_in_dim3A_3 {strides = array<i32>} : memref<16x128xf32, #tpu.memory_space<vmem>>, vector<16xf32>,
      %swap3A_1098 = arith.constant 13 : i32
      %swap3A_1099 = arith.index_cast %swap3A_1098 : i32 to index
      %swap3A_1100 = arith.constant 32 : index
      %swap3A_1101 = tpu.vector_load %arg6[%swap3A_1099, %swap3A_1100] {strides = array<i32>} : memref<16x128xf32, #tpu.memory_space<vmem>>, vector<16xf32>,
      tpu.vector_store %arg6[%swap3A_1099, %swap3A_1100], %broadcast_in_dim3A_3 {strides = array<i32>} : memref<16x128xf32, #tpu.memory_space<vmem>>, vector<16xf32>,
      %swap3A_1102 = arith.constant 13 : i32
      %swap3A_1103 = arith.index_cast %swap3A_1102 : i32 to index
      %swap3A_1104 = arith.constant 48 : index
      %swap3A_1105 = tpu.vector_load %arg6[%swap3A_1103, %swap3A_1104] {strides = array<i32>} : memref<16x128xf32, #tpu.memory_space<vmem>>, vector<16xf32>,
      tpu.vector_store %arg6[%swap3A_1103, %swap3A_1104], %broadcast_in_dim3A_3 {strides = array<i32>} : memref<16x128xf32, #tpu.memory_space<vmem>>, vector<16xf32>,
      %swap3A_1106 = arith.constant 13 : i32
      %swap3A_1107 = arith.index_cast %swap3A_1106 : i32 to index
      %swap3A_1108 = arith.constant 64 : index
      %swap3A_1109 = tpu.vector_load %arg6[%swap3A_1107, %swap3A_1108] {strides = array<i32>} : memref<16x128xf32, #tpu.memory_space<vmem>>, vector<16xf32>,
      tpu.vector_store %arg6[%swap3A_1107, %swap3A_1108], %broadcast_in_dim3A_3 {strides = array<i32>} : memref<16x128xf32, #tpu.memory_space<vmem>>, vector<16xf32>,
      %swap3A_1110 = arith.constant 13 : i32
      %swap3A_1111 = arith.index_cast %swap3A_1110 : i32 to index
      %swap3A_1112 = arith.constant 80 : index
      %swap3A_1113 = tpu.vector_load %arg6[%swap3A_1111, %swap3A_1112] {strides = array<i32>} : memref<16x128xf32, #tpu.memory_space<vmem>>, vector<16xf32>,
      tpu.vector_store %arg6[%swap3A_1111, %swap3A_1112], %broadcast_in_dim3A_3 {strides = array<i32>} : memref<16x128xf32, #tpu.memory_space<vmem>>, vector<16xf32>,
      %swap3A_1114 = arith.constant 13 : i32
      %swap3A_1115 = arith.index_cast %swap3A_1114 : i32 to index
      %swap3A_1116 = arith.constant 96 : index
      %swap3A_1117 = tpu.vector_load %arg6[%swap3A_1115, %swap3A_1116] {strides = array<i32>} : memref<16x128xf32, #tpu.memory_space<vmem>>, vector<16xf32>,
      tpu.vector_store %arg6[%swap3A_1115, %swap3A_1116], %broadcast_in_dim3A_3 {strides = array<i32>} : memref<16x128xf32, #tpu.memory_space<vmem>>, vector<16xf32>,
      %swap3A_1118 = arith.constant 13 : i32
      %swap3A_1119 = arith.index_cast %swap3A_1118 : i32 to index
      %swap3A_1120 = arith.constant 112 : index
      %swap3A_1121 = tpu.vector_load %arg6[%swap3A_1119, %swap3A_1120] {strides = array<i32>} : memref<16x128xf32, #tpu.memory_space<vmem>>, vector<16xf32>,
      tpu.vector_store %arg6[%swap3A_1119, %swap3A_1120], %broadcast_in_dim3A_3 {strides = array<i32>} : memref<16x128xf32, #tpu.memory_space<vmem>>, vector<16xf32>,
      %swap3A_1122 = arith.constant 14 : i32
      %swap3A_1123 = arith.index_cast %swap3A_1122 : i32 to index
      %swap3A_1124 = arith.constant 0 : index
      %swap3A_1125 = tpu.vector_load %arg6[%swap3A_1123, %swap3A_1124] {strides = array<i32>} : memref<16x128xf32, #tpu.memory_space<vmem>>, vector<16xf32>,
      tpu.vector_store %arg6[%swap3A_1123, %swap3A_1124], %broadcast_in_dim3A_3 {strides = array<i32>} : memref<16x128xf32, #tpu.memory_space<vmem>>, vector<16xf32>,
      %swap3A_1126 = arith.constant 14 : i32
      %swap3A_1127 = arith.index_cast %swap3A_1126 : i32 to index
      %swap3A_1128 = arith.constant 16 : index
      %swap3A_1129 = tpu.vector_load %arg6[%swap3A_1127, %swap3A_1128] {strides = array<i32>} : memref<16x128xf32, #tpu.memory_space<vmem>>, vector<16xf32>,
      tpu.vector_store %arg6[%swap3A_1127, %swap3A_1128], %broadcast_in_dim3A_3 {strides = array<i32>} : memref<16x128xf32, #tpu.memory_space<vmem>>, vector<16xf32>,
      %swap3A_1130 = arith.constant 14 : i32
      %swap3A_1131 = arith.index_cast %swap3A_1130 : i32 to index
      %swap3A_1132 = arith.constant 32 : index
      %swap3A_1133 = tpu.vector_load %arg6[%swap3A_1131, %swap3A_1132] {strides = array<i32>} : memref<16x128xf32, #tpu.memory_space<vmem>>, vector<16xf32>,
      tpu.vector_store %arg6[%swap3A_1131, %swap3A_1132], %broadcast_in_dim3A_3 {strides = array<i32>} : memref<16x128xf32, #tpu.memory_space<vmem>>, vector<16xf32>,
      %swap3A_1134 = arith.constant 14 : i32
      %swap3A_1135 = arith.index_cast %swap3A_1134 : i32 to index
      %swap3A_1136 = arith.constant 48 : index
      %swap3A_1137 = tpu.vector_load %arg6[%swap3A_1135, %swap3A_1136] {strides = array<i32>} : memref<16x128xf32, #tpu.memory_space<vmem>>, vector<16xf32>,
      tpu.vector_store %arg6[%swap3A_1135, %swap3A_1136], %broadcast_in_dim3A_3 {strides = array<i32>} : memref<16x128xf32, #tpu.memory_space<vmem>>, vector<16xf32>,
      %swap3A_1138 = arith.constant 14 : i32
      %swap3A_1139 = arith.index_cast %swap3A_1138 : i32 to index
      %swap3A_1140 = arith.constant 64 : index
      %swap3A_1141 = tpu.vector_load %arg6[%swap3A_1139, %swap3A_1140] {strides = array<i32>} : memref<16x128xf32, #tpu.memory_space<vmem>>, vector<16xf32>,
      tpu.vector_store %arg6[%swap3A_1139, %swap3A_1140], %broadcast_in_dim3A_3 {strides = array<i32>} : memref<16x128xf32, #tpu.memory_space<vmem>>, vector<16xf32>,
      %swap3A_1142 = arith.constant 14 : i32
      %swap3A_1143 = arith.index_cast %swap3A_1142 : i32 to index
      %swap3A_1144 = arith.constant 80 : index
      %swap3A_1145 = tpu.vector_load %arg6[%swap3A_1143, %swap3A_1144] {strides = array<i32>} : memref<16x128xf32, #tpu.memory_space<vmem>>, vector<16xf32>,
      tpu.vector_store %arg6[%swap3A_1143, %swap3A_1144], %broadcast_in_dim3A_3 {strides = array<i32>} : memref<16x128xf32, #tpu.memory_space<vmem>>, vector<16xf32>,
      %swap3A_1146 = arith.constant 14 : i32
      %swap3A_1147 = arith.index_cast %swap3A_1146 : i32 to index
      %swap3A_1148 = arith.constant 96 : index
      %swap3A_1149 = tpu.vector_load %arg6[%swap3A_1147, %swap3A_1148] {strides = array<i32>} : memref<16x128xf32, #tpu.memory_space<vmem>>, vector<16xf32>,
      tpu.vector_store %arg6[%swap3A_1147, %swap3A_1148], %broadcast_in_dim3A_3 {strides = array<i32>} : memref<16x128xf32, #tpu.memory_space<vmem>>, vector<16xf32>,
      %swap3A_1150 = arith.constant 14 : i32
      %swap3A_1151 = arith.index_cast %swap3A_1150 : i32 to index
      %swap3A_1152 = arith.constant 112 : index
      %swap3A_1153 = tpu.vector_load %arg6[%swap3A_1151, %swap3A_1152] {strides = array<i32>} : memref<16x128xf32, #tpu.memory_space<vmem>>, vector<16xf32>,
      tpu.vector_store %arg6[%swap3A_1151, %swap3A_1152], %broadcast_in_dim3A_3 {strides = array<i32>} : memref<16x128xf32, #tpu.memory_space<vmem>>, vector<16xf32>,
      %swap3A_1154 = arith.constant 15 : i32
      %swap3A_1155 = arith.index_cast %swap3A_1154 : i32 to index
      %swap3A_1156 = arith.constant 0 : index
      %swap3A_1157 = tpu.vector_load %arg6[%swap3A_1155, %swap3A_1156] {strides = array<i32>} : memref<16x128xf32, #tpu.memory_space<vmem>>, vector<16xf32>,
      tpu.vector_store %arg6[%swap3A_1155, %swap3A_1156], %broadcast_in_dim3A_3 {strides = array<i32>} : memref<16x128xf32, #tpu.memory_space<vmem>>, vector<16xf32>,
      %swap3A_1158 = arith.constant 15 : i32
      %swap3A_1159 = arith.index_cast %swap3A_1158 : i32 to index
      %swap3A_1160 = arith.constant 16 : index
      %swap3A_1161 = tpu.vector_load %arg6[%swap3A_1159, %swap3A_1160] {strides = array<i32>} : memref<16x128xf32, #tpu.memory_space<vmem>>, vector<16xf32>,
      tpu.vector_store %arg6[%swap3A_1159, %swap3A_1160], %broadcast_in_dim3A_3 {strides = array<i32>} : memref<16x128xf32, #tpu.memory_space<vmem>>, vector<16xf32>,
      %swap3A_1162 = arith.constant 15 : i32
      %swap3A_1163 = arith.index_cast %swap3A_1162 : i32 to index
      %swap3A_1164 = arith.constant 32 : index
      %swap3A_1165 = tpu.vector_load %arg6[%swap3A_1163, %swap3A_1164] {strides = array<i32>} : memref<16x128xf32, #tpu.memory_space<vmem>>, vector<16xf32>,
      tpu.vector_store %arg6[%swap3A_1163, %swap3A_1164], %broadcast_in_dim3A_3 {strides = array<i32>} : memref<16x128xf32, #tpu.memory_space<vmem>>, vector<16xf32>,
      %swap3A_1166 = arith.constant 15 : i32
      %swap3A_1167 = arith.index_cast %swap3A_1166 : i32 to index
      %swap3A_1168 = arith.constant 48 : index
      %swap3A_1169 = tpu.vector_load %arg6[%swap3A_1167, %swap3A_1168] {strides = array<i32>} : memref<16x128xf32, #tpu.memory_space<vmem>>, vector<16xf32>,
      tpu.vector_store %arg6[%swap3A_1167, %swap3A_1168], %broadcast_in_dim3A_3 {strides = array<i32>} : memref<16x128xf32, #tpu.memory_space<vmem>>, vector<16xf32>,
      %swap3A_1170 = arith.constant 15 : i32
      %swap3A_1171 = arith.index_cast %swap3A_1170 : i32 to index
      %swap3A_1172 = arith.constant 64 : index
      %swap3A_1173 = tpu.vector_load %arg6[%swap3A_1171, %swap3A_1172] {strides = array<i32>} : memref<16x128xf32, #tpu.memory_space<vmem>>, vector<16xf32>,
      tpu.vector_store %arg6[%swap3A_1171, %swap3A_1172], %broadcast_in_dim3A_3 {strides = array<i32>} : memref<16x128xf32, #tpu.memory_space<vmem>>, vector<16xf32>,
      %swap3A_1174 = arith.constant 15 : i32
      %swap3A_1175 = arith.index_cast %swap3A_1174 : i32 to index
      %swap3A_1176 = arith.constant 80 : index
      %swap3A_1177 = tpu.vector_load %arg6[%swap3A_1175, %swap3A_1176] {strides = array<i32>} : memref<16x128xf32, #tpu.memory_space<vmem>>, vector<16xf32>,
      tpu.vector_store %arg6[%swap3A_1175, %swap3A_1176], %broadcast_in_dim3A_3 {strides = array<i32>} : memref<16x128xf32, #tpu.memory_space<vmem>>, vector<16xf32>,
      %swap3A_1178 = arith.constant 15 : i32
      %swap3A_1179 = arith.index_cast %swap3A_1178 : i32 to index
      %swap3A_1180 = arith.constant 96 : index
      %swap3A_1181 = tpu.vector_load %arg6[%swap3A_1179, %swap3A_1180] {strides = array<i32>} : memref<16x128xf32, #tpu.memory_space<vmem>>, vector<16xf32>,
      tpu.vector_store %arg6[%swap3A_1179, %swap3A_1180], %broadcast_in_dim3A_3 {strides = array<i32>} : memref<16x128xf32, #tpu.memory_space<vmem>>, vector<16xf32>,
      %swap3A_1182 = arith.constant 15 : i32
      %swap3A_1183 = arith.index_cast %swap3A_1182 : i32 to index
      %swap3A_1184 = arith.constant 112 : index
      %swap3A_1185 = tpu.vector_load %arg6[%swap3A_1183, %swap3A_1184] {strides = array<i32>} : memref<16x128xf32, #tpu.memory_space<vmem>>, vector<16xf32>,
      tpu.vector_store %arg6[%swap3A_1183, %swap3A_1184], %broadcast_in_dim3A_3 {strides = array<i32>} : memref<16x128xf32, #tpu.memory_space<vmem>>, vector<16xf32>,
      "tpu.region"() ({
        %run_scoped3A = tpu.sem_alloc : memref<!tpu.dma_semaphore, #tpu.memory_space<semaphore_mem>>
        tpu.enqueue_dma source(%arg6 : memref<16x128xf32, #tpu.memory_space<vmem>>) target(%arg10 : memref<16x128xf32, #tpu.memory_space<vmem_shared>>) target_semaphore(%run_scoped3A : memref<!tpu.dma_semaphore, #tpu.memory_space<semaphore_mem>>)
        tpu.wait_dma2 semaphore(%run_scoped3A : memref<!tpu.dma_semaphore, #tpu.memory_space<semaphore_mem>>) src(%arg6 : memref<16x128xf32, #tpu.memory_space<vmem>>) dst(%arg10 : memref<16x128xf32, #tpu.memory_space<vmem_shared>>)
        tpu.yield
      }) : () -> ()
    } else {
    }
    %barrier3A = arith.constant 0 : index
    tpu.barrier barrier_id(%barrier3A)
    %mul3A_6 = arith.constant 512 : i32
    %mul3A_7 = arith.muli %add3A, %mul3A_6 : i32
    %add3A_8 = arith.constant 0 : i32
    %add3A_9 = arith.addi %mul3A_7, %add3A_8 : i32
    %dma_start3A = arith.constant 0 : i32
    %dma_start3A_10 = tpu.memref_slice %arg2[%dma_start3A, %add3A_9] : memref<200x16384xi32, #tpu.memory_space<hbm>> -> memref<200x128xi32, #tpu.memory_space<hbm>>
    %dma_start3A_11 = arith.constant 0 : i32
    %dma_start3A_12 = tpu.memref_slice %arg2[%dma_start3A_11, %add3A_9] : memref<200x16384xi32, #tpu.memory_space<hbm>> -> memref<200x128xi32, #tpu.memory_space<hbm>>
    tpu.enqueue_dma source(%dma_start3A_12 : memref<200x128xi32, #tpu.memory_space<hbm>>) target(%arg4 : memref<200x128xi32, #tpu.memory_space<vmem>>) target_semaphore(%arg11 : memref<!tpu.dma_semaphore, #tpu.memory_space<semaphore_mem>>)
    %mul3A_13 = arith.constant 512 : i32
    %mul3A_14 = arith.muli %add3A, %mul3A_13 : i32
    %add3A_15 = arith.constant 128 : i32
    %add3A_16 = arith.addi %mul3A_14, %add3A_15 : i32
    %dma_start3A_17 = arith.constant 0 : i32
    %dma_start3A_18 = tpu.memref_slice %arg2[%dma_start3A_17, %add3A_16] : memref<200x16384xi32, #tpu.memory_space<hbm>> -> memref<200x128xi32, #tpu.memory_space<hbm>>
    %dma_start3A_19 = arith.constant 0 : i32
    %dma_start3A_20 = tpu.memref_slice %arg2[%dma_start3A_19, %add3A_16] : memref<200x16384xi32, #tpu.memory_space<hbm>> -> memref<200x128xi32, #tpu.memory_space<hbm>>
    tpu.enqueue_dma source(%dma_start3A_20 : memref<200x128xi32, #tpu.memory_space<hbm>>) target(%arg5 : memref<200x128xi32, #tpu.memory_space<vmem>>) target_semaphore(%arg12 : memref<!tpu.dma_semaphore, #tpu.memory_space<semaphore_mem>>)
    tpu.enqueue_dma source(%arg10 : memref<16x128xf32, #tpu.memory_space<vmem_shared>>) target(%arg6 : memref<16x128xf32, #tpu.memory_space<vmem>>) target_semaphore(%arg17 : memref<!tpu.dma_semaphore, #tpu.memory_space<semaphore_mem>>)
    tpu.enqueue_dma source(%arg10 : memref<16x128xf32, #tpu.memory_space<vmem_shared>>) target(%arg7 : memref<16x128xf32, #tpu.memory_space<vmem>>) target_semaphore(%arg18 : memref<!tpu.dma_semaphore, #tpu.memory_space<semaphore_mem>>)
    tpu.enqueue_dma source(%arg10 : memref<16x128xf32, #tpu.memory_space<vmem_shared>>) target(%arg8 : memref<16x128xf32, #tpu.memory_space<vmem>>) target_semaphore(%arg19 : memref<!tpu.dma_semaphore, #tpu.memory_space<semaphore_mem>>)
    tpu.enqueue_dma source(%arg10 : memref<16x128xf32, #tpu.memory_space<vmem_shared>>) target(%arg9 : memref<16x128xf32, #tpu.memory_space<vmem>>) target_semaphore(%arg20 : memref<!tpu.dma_semaphore, #tpu.memory_space<semaphore_mem>>)
    %mul3A_21 = arith.constant 512 : i32
    %mul3A_22 = arith.muli %add3A, %mul3A_21 : i32
    %add3A_23 = arith.constant 0 : i32
    %add3A_24 = arith.addi %mul3A_22, %add3A_23 : i32
    %dma_wait3A = arith.constant 0 : i32
    %dma_wait3A_25 = tpu.memref_slice %arg2[%dma_wait3A, %add3A_24] : memref<200x16384xi32, #tpu.memory_space<hbm>> -> memref<200x128xi32, #tpu.memory_space<hbm>>
    %dma_wait3A_26 = arith.constant 0 : i32
    %dma_wait3A_27 = tpu.memref_slice %arg2[%dma_wait3A_26, %add3A_24] : memref<200x16384xi32, #tpu.memory_space<hbm>> -> memref<200x128xi32, #tpu.memory_space<hbm>>
    tpu.wait_dma2 semaphore(%arg11 : memref<!tpu.dma_semaphore, #tpu.memory_space<semaphore_mem>>) src(%dma_wait3A_27 : memref<200x128xi32, #tpu.memory_space<hbm>>) dst(%arg4 : memref<200x128xi32, #tpu.memory_space<vmem>>)
    tpu.wait_dma2 semaphore(%arg17 : memref<!tpu.dma_semaphore, #tpu.memory_space<semaphore_mem>>) src(%arg10 : memref<16x128xf32, #tpu.memory_space<vmem_shared>>) dst(%arg6 : memref<16x128xf32, #tpu.memory_space<vmem>>)
    %parallel_loop3A = arith.constant 0 : i32
    %parallel_loop3A_28 = arith.constant 200 : i32
    %parallel_loop3A_29 = arith.constant 1 : i32
    scf.for %parallel_loop3A_675 = %parallel_loop3A to %parallel_loop3A_28 step %parallel_loop3A_29  : i32 {
      %parallel_loop3A_676 = arith.index_cast %parallel_loop3A_675 : i32 to index
      %parallel_loop3A_677 = arith.constant 0 : index
      %parallel_loop3A_678 = tpu.vector_load %arg4[%parallel_loop3A_676, %parallel_loop3A_677] {strides = array<i32>} : memref<200x128xi32, #tpu.memory_space<vmem>>, vector<16xi32>,
      tpu.vector_store_idx %arg6[%iota3A, %parallel_loop3A_678], %broadcast_in_dim3A_1 {add = true} : memref<16x128xf32, #tpu.memory_space<vmem>>[vector<16xi32>, vector<16xi32>], vector<16xf32>,
    } {sc.loop_unroll_factor = 16 : i64, sc.parallel_access}
    %mul3A_30 = arith.constant 512 : i32
    %mul3A_31 = arith.muli %add3A, %mul3A_30 : i32
    %add3A_32 = arith.constant 0 : i32
    %add3A_33 = arith.addi %mul3A_31, %add3A_32 : i32
    %dma_start3A_34 = arith.constant 0 : i32
    %dma_start3A_35 = tpu.memref_slice %arg3[%add3A_33, %dma_start3A_34] : memref<16384x128xf32, #tpu.memory_space<hbm>> -> memref<16x128xf32, #tpu.memory_space<hbm>>
    %dma_start3A_36 = arith.constant 0 : i32
    %dma_start3A_37 = tpu.memref_slice %arg3[%add3A_33, %dma_start3A_36] : memref<16384x128xf32, #tpu.memory_space<hbm>> -> memref<16x128xf32, #tpu.memory_space<hbm>>
    tpu.enqueue_dma source(%arg6 : memref<16x128xf32, #tpu.memory_space<vmem>>) target(%dma_start3A_37 : memref<16x128xf32, #tpu.memory_space<hbm>>) target_semaphore(%arg13 : memref<!tpu.dma_semaphore, #tpu.memory_space<semaphore_mem>>)
    tpu.wait_dma2 semaphore(%arg18 : memref<!tpu.dma_semaphore, #tpu.memory_space<semaphore_mem>>) src(%arg10 : memref<16x128xf32, #tpu.memory_space<vmem_shared>>) dst(%arg7 : memref<16x128xf32, #tpu.memory_space<vmem>>)
    %parallel_loop3A_38 = arith.constant 0 : i32
    %parallel_loop3A_39 = arith.constant 200 : i32
    %parallel_loop3A_40 = arith.constant 1 : i32
    scf.for %parallel_loop3A_675 = %parallel_loop3A_38 to %parallel_loop3A_39 step %parallel_loop3A_40  : i32 {
      %parallel_loop3A_676 = arith.index_cast %parallel_loop3A_675 : i32 to index
      %parallel_loop3A_677 = arith.constant 16 : index
      %parallel_loop3A_678 = tpu.vector_load %arg4[%parallel_loop3A_676, %parallel_loop3A_677] {strides = array<i32>} : memref<200x128xi32, #tpu.memory_space<vmem>>, vector<16xi32>,
      tpu.vector_store_idx %arg7[%iota3A, %parallel_loop3A_678], %broadcast_in_dim3A_1 {add = true} : memref<16x128xf32, #tpu.memory_space<vmem>>[vector<16xi32>, vector<16xi32>], vector<16xf32>,
    } {sc.loop_unroll_factor = 16 : i64, sc.parallel_access}
    %mul3A_41 = arith.constant 512 : i32
    %mul3A_42 = arith.muli %add3A, %mul3A_41 : i32
    %add3A_43 = arith.constant 16 : i32
    %add3A_44 = arith.addi %mul3A_42, %add3A_43 : i32
    %dma_start3A_45 = arith.constant 0 : i32
    %dma_start3A_46 = tpu.memref_slice %arg3[%add3A_44, %dma_start3A_45] : memref<16384x128xf32, #tpu.memory_space<hbm>> -> memref<16x128xf32, #tpu.memory_space<hbm>>
    %dma_start3A_47 = arith.constant 0 : i32
    %dma_start3A_48 = tpu.memref_slice %arg3[%add3A_44, %dma_start3A_47] : memref<16384x128xf32, #tpu.memory_space<hbm>> -> memref<16x128xf32, #tpu.memory_space<hbm>>
    tpu.enqueue_dma source(%arg7 : memref<16x128xf32, #tpu.memory_space<vmem>>) target(%dma_start3A_48 : memref<16x128xf32, #tpu.memory_space<hbm>>) target_semaphore(%arg14 : memref<!tpu.dma_semaphore, #tpu.memory_space<semaphore_mem>>)
    tpu.wait_dma2 semaphore(%arg19 : memref<!tpu.dma_semaphore, #tpu.memory_space<semaphore_mem>>) src(%arg10 : memref<16x128xf32, #tpu.memory_space<vmem_shared>>) dst(%arg8 : memref<16x128xf32, #tpu.memory_space<vmem>>)
    %parallel_loop3A_49 = arith.constant 0 : i32
    %parallel_loop3A_50 = arith.constant 200 : i32
    %parallel_loop3A_51 = arith.constant 1 : i32
    scf.for %parallel_loop3A_675 = %parallel_loop3A_49 to %parallel_loop3A_50 step %parallel_loop3A_51  : i32 {
      %parallel_loop3A_676 = arith.index_cast %parallel_loop3A_675 : i32 to index
      %parallel_loop3A_677 = arith.constant 32 : index
      %parallel_loop3A_678 = tpu.vector_load %arg4[%parallel_loop3A_676, %parallel_loop3A_677] {strides = array<i32>} : memref<200x128xi32, #tpu.memory_space<vmem>>, vector<16xi32>,
      tpu.vector_store_idx %arg8[%iota3A, %parallel_loop3A_678], %broadcast_in_dim3A_1 {add = true} : memref<16x128xf32, #tpu.memory_space<vmem>>[vector<16xi32>, vector<16xi32>], vector<16xf32>,
    } {sc.loop_unroll_factor = 16 : i64, sc.parallel_access}
    %mul3A_52 = arith.constant 512 : i32
    %mul3A_53 = arith.muli %add3A, %mul3A_52 : i32
    %add3A_54 = arith.constant 32 : i32
    %add3A_55 = arith.addi %mul3A_53, %add3A_54 : i32
    %dma_start3A_56 = arith.constant 0 : i32
    %dma_start3A_57 = tpu.memref_slice %arg3[%add3A_55, %dma_start3A_56] : memref<16384x128xf32, #tpu.memory_space<hbm>> -> memref<16x128xf32, #tpu.memory_space<hbm>>
    %dma_start3A_58 = arith.constant 0 : i32
    %dma_start3A_59 = tpu.memref_slice %arg3[%add3A_55, %dma_start3A_58] : memref<16384x128xf32, #tpu.memory_space<hbm>> -> memref<16x128xf32, #tpu.memory_space<hbm>>
    tpu.enqueue_dma source(%arg8 : memref<16x128xf32, #tpu.memory_space<vmem>>) target(%dma_start3A_59 : memref<16x128xf32, #tpu.memory_space<hbm>>) target_semaphore(%arg15 : memref<!tpu.dma_semaphore, #tpu.memory_space<semaphore_mem>>)
    %mul3A_60 = arith.constant 512 : i32
    %mul3A_61 = arith.muli %add3A, %mul3A_60 : i32
    %add3A_62 = arith.constant 32 : i32
    %add3A_63 = arith.addi %mul3A_61, %add3A_62 : i32
    %dma_wait3A_64 = arith.constant 0 : i32
    %dma_wait3A_65 = tpu.memref_slice %arg3[%add3A_63, %dma_wait3A_64] : memref<16384x128xf32, #tpu.memory_space<hbm>> -> memref<16x128xf32, #tpu.memory_space<hbm>>
    %dma_wait3A_66 = arith.constant 0 : i32
    %dma_wait3A_67 = tpu.memref_slice %arg3[%add3A_63, %dma_wait3A_66] : memref<16384x128xf32, #tpu.memory_space<hbm>> -> memref<16x128xf32, #tpu.memory_space<hbm>>
    tpu.wait_dma2 semaphore(%arg13 : memref<!tpu.dma_semaphore, #tpu.memory_space<semaphore_mem>>) src(%arg6 : memref<16x128xf32, #tpu.memory_space<vmem>>) dst(%dma_wait3A_67 : memref<16x128xf32, #tpu.memory_space<hbm>>)
    tpu.enqueue_dma source(%arg10 : memref<16x128xf32, #tpu.memory_space<vmem_shared>>) target(%arg6 : memref<16x128xf32, #tpu.memory_space<vmem>>) target_semaphore(%arg17 : memref<!tpu.dma_semaphore, #tpu.memory_space<semaphore_mem>>)
    tpu.wait_dma2 semaphore(%arg20 : memref<!tpu.dma_semaphore, #tpu.memory_space<semaphore_mem>>) src(%arg10 : memref<16x128xf32, #tpu.memory_space<vmem_shared>>) dst(%arg9 : memref<16x128xf32, #tpu.memory_space<vmem>>)
    %parallel_loop3A_68 = arith.constant 0 : i32
    %parallel_loop3A_69 = arith.constant 200 : i32
    %parallel_loop3A_70 = arith.constant 1 : i32
    scf.for %parallel_loop3A_675 = %parallel_loop3A_68 to %parallel_loop3A_69 step %parallel_loop3A_70  : i32 {
      %parallel_loop3A_676 = arith.index_cast %parallel_loop3A_675 : i32 to index
      %parallel_loop3A_677 = arith.constant 48 : index
      %parallel_loop3A_678 = tpu.vector_load %arg4[%parallel_loop3A_676, %parallel_loop3A_677] {strides = array<i32>} : memref<200x128xi32, #tpu.memory_space<vmem>>, vector<16xi32>,
      tpu.vector_store_idx %arg9[%iota3A, %parallel_loop3A_678], %broadcast_in_dim3A_1 {add = true} : memref<16x128xf32, #tpu.memory_space<vmem>>[vector<16xi32>, vector<16xi32>], vector<16xf32>,
    } {sc.loop_unroll_factor = 16 : i64, sc.parallel_access}
    %mul3A_71 = arith.constant 512 : i32
    %mul3A_72 = arith.muli %add3A, %mul3A_71 : i32
    %add3A_73 = arith.constant 48 : i32
    %add3A_74 = arith.addi %mul3A_72, %add3A_73 : i32
    %dma_start3A_75 = arith.constant 0 : i32
    %dma_start3A_76 = tpu.memref_slice %arg3[%add3A_74, %dma_start3A_75] : memref<16384x128xf32, #tpu.memory_space<hbm>> -> memref<16x128xf32, #tpu.memory_space<hbm>>
    %dma_start3A_77 = arith.constant 0 : i32
    %dma_start3A_78 = tpu.memref_slice %arg3[%add3A_74, %dma_start3A_77] : memref<16384x128xf32, #tpu.memory_space<hbm>> -> memref<16x128xf32, #tpu.memory_space<hbm>>
    tpu.enqueue_dma source(%arg9 : memref<16x128xf32, #tpu.memory_space<vmem>>) target(%dma_start3A_78 : memref<16x128xf32, #tpu.memory_space<hbm>>) target_semaphore(%arg16 : memref<!tpu.dma_semaphore, #tpu.memory_space<semaphore_mem>>)
    %mul3A_79 = arith.constant 512 : i32
    %mul3A_80 = arith.muli %add3A, %mul3A_79 : i32
    %add3A_81 = arith.constant 48 : i32
    %add3A_82 = arith.addi %mul3A_80, %add3A_81 : i32
    %dma_wait3A_83 = arith.constant 0 : i32
    %dma_wait3A_84 = tpu.memref_slice %arg3[%add3A_82, %dma_wait3A_83] : memref<16384x128xf32, #tpu.memory_space<hbm>> -> memref<16x128xf32, #tpu.memory_space<hbm>>
    %dma_wait3A_85 = arith.constant 0 : i32
    %dma_wait3A_86 = tpu.memref_slice %arg3[%add3A_82, %dma_wait3A_85] : memref<16384x128xf32, #tpu.memory_space<hbm>> -> memref<16x128xf32, #tpu.memory_space<hbm>>
    tpu.wait_dma2 semaphore(%arg14 : memref<!tpu.dma_semaphore, #tpu.memory_space<semaphore_mem>>) src(%arg7 : memref<16x128xf32, #tpu.memory_space<vmem>>) dst(%dma_wait3A_86 : memref<16x128xf32, #tpu.memory_space<hbm>>)
    tpu.enqueue_dma source(%arg10 : memref<16x128xf32, #tpu.memory_space<vmem_shared>>) target(%arg7 : memref<16x128xf32, #tpu.memory_space<vmem>>) target_semaphore(%arg18 : memref<!tpu.dma_semaphore, #tpu.memory_space<semaphore_mem>>)
    tpu.wait_dma2 semaphore(%arg17 : memref<!tpu.dma_semaphore, #tpu.memory_space<semaphore_mem>>) src(%arg10 : memref<16x128xf32, #tpu.memory_space<vmem_shared>>) dst(%arg6 : memref<16x128xf32, #tpu.memory_space<vmem>>)
    %parallel_loop3A_87 = arith.constant 0 : i32
    %parallel_loop3A_88 = arith.constant 200 : i32
    %parallel_loop3A_89 = arith.constant 1 : i32
    scf.for %parallel_loop3A_675 = %parallel_loop3A_87 to %parallel_loop3A_88 step %parallel_loop3A_89  : i32 {
      %parallel_loop3A_676 = arith.index_cast %parallel_loop3A_675 : i32 to index
      %parallel_loop3A_677 = arith.constant 64 : index
      %parallel_loop3A_678 = tpu.vector_load %arg4[%parallel_loop3A_676, %parallel_loop3A_677] {strides = array<i32>} : memref<200x128xi32, #tpu.memory_space<vmem>>, vector<16xi32>,
      tpu.vector_store_idx %arg6[%iota3A, %parallel_loop3A_678], %broadcast_in_dim3A_1 {add = true} : memref<16x128xf32, #tpu.memory_space<vmem>>[vector<16xi32>, vector<16xi32>], vector<16xf32>,
    } {sc.loop_unroll_factor = 16 : i64, sc.parallel_access}
    %mul3A_90 = arith.constant 512 : i32
    %mul3A_91 = arith.muli %add3A, %mul3A_90 : i32
    %add3A_92 = arith.constant 64 : i32
    %add3A_93 = arith.addi %mul3A_91, %add3A_92 : i32
    %dma_start3A_94 = arith.constant 0 : i32
    %dma_start3A_95 = tpu.memref_slice %arg3[%add3A_93, %dma_start3A_94] : memref<16384x128xf32, #tpu.memory_space<hbm>> -> memref<16x128xf32, #tpu.memory_space<hbm>>
    %dma_start3A_96 = arith.constant 0 : i32
    %dma_start3A_97 = tpu.memref_slice %arg3[%add3A_93, %dma_start3A_96] : memref<16384x128xf32, #tpu.memory_space<hbm>> -> memref<16x128xf32, #tpu.memory_space<hbm>>
    tpu.enqueue_dma source(%arg6 : memref<16x128xf32, #tpu.memory_space<vmem>>) target(%dma_start3A_97 : memref<16x128xf32, #tpu.memory_space<hbm>>) target_semaphore(%arg13 : memref<!tpu.dma_semaphore, #tpu.memory_space<semaphore_mem>>)
    %mul3A_98 = arith.constant 512 : i32
    %mul3A_99 = arith.muli %add3A, %mul3A_98 : i32
    %add3A_100 = arith.constant 64 : i32
    %add3A_101 = arith.addi %mul3A_99, %add3A_100 : i32
    %dma_wait3A_102 = arith.constant 0 : i32
    %dma_wait3A_103 = tpu.memref_slice %arg3[%add3A_101, %dma_wait3A_102] : memref<16384x128xf32, #tpu.memory_space<hbm>> -> memref<16x128xf32, #tpu.memory_space<hbm>>
    %dma_wait3A_104 = arith.constant 0 : i32
    %dma_wait3A_105 = tpu.memref_slice %arg3[%add3A_101, %dma_wait3A_104] : memref<16384x128xf32, #tpu.memory_space<hbm>> -> memref<16x128xf32, #tpu.memory_space<hbm>>
    tpu.wait_dma2 semaphore(%arg15 : memref<!tpu.dma_semaphore, #tpu.memory_space<semaphore_mem>>) src(%arg8 : memref<16x128xf32, #tpu.memory_space<vmem>>) dst(%dma_wait3A_105 : memref<16x128xf32, #tpu.memory_space<hbm>>)
    tpu.enqueue_dma source(%arg10 : memref<16x128xf32, #tpu.memory_space<vmem_shared>>) target(%arg8 : memref<16x128xf32, #tpu.memory_space<vmem>>) target_semaphore(%arg19 : memref<!tpu.dma_semaphore, #tpu.memory_space<semaphore_mem>>)
    tpu.wait_dma2 semaphore(%arg18 : memref<!tpu.dma_semaphore, #tpu.memory_space<semaphore_mem>>) src(%arg10 : memref<16x128xf32, #tpu.memory_space<vmem_shared>>) dst(%arg7 : memref<16x128xf32, #tpu.memory_space<vmem>>)
    %parallel_loop3A_106 = arith.constant 0 : i32
    %parallel_loop3A_107 = arith.constant 200 : i32
    %parallel_loop3A_108 = arith.constant 1 : i32
    scf.for %parallel_loop3A_675 = %parallel_loop3A_106 to %parallel_loop3A_107 step %parallel_loop3A_108  : i32 {
      %parallel_loop3A_676 = arith.index_cast %parallel_loop3A_675 : i32 to index
      %parallel_loop3A_677 = arith.constant 80 : index
      %parallel_loop3A_678 = tpu.vector_load %arg4[%parallel_loop3A_676, %parallel_loop3A_677] {strides = array<i32>} : memref<200x128xi32, #tpu.memory_space<vmem>>, vector<16xi32>,
      tpu.vector_store_idx %arg7[%iota3A, %parallel_loop3A_678], %broadcast_in_dim3A_1 {add = true} : memref<16x128xf32, #tpu.memory_space<vmem>>[vector<16xi32>, vector<16xi32>], vector<16xf32>,
    } {sc.loop_unroll_factor = 16 : i64, sc.parallel_access}
    %mul3A_109 = arith.constant 512 : i32
    %mul3A_110 = arith.muli %add3A, %mul3A_109 : i32
    %add3A_111 = arith.constant 80 : i32
    %add3A_112 = arith.addi %mul3A_110, %add3A_111 : i32
    %dma_start3A_113 = arith.constant 0 : i32
    %dma_start3A_114 = tpu.memref_slice %arg3[%add3A_112, %dma_start3A_113] : memref<16384x128xf32, #tpu.memory_space<hbm>> -> memref<16x128xf32, #tpu.memory_space<hbm>>
    %dma_start3A_115 = arith.constant 0 : i32
    %dma_start3A_116 = tpu.memref_slice %arg3[%add3A_112, %dma_start3A_115] : memref<16384x128xf32, #tpu.memory_space<hbm>> -> memref<16x128xf32, #tpu.memory_space<hbm>>
    tpu.enqueue_dma source(%arg7 : memref<16x128xf32, #tpu.memory_space<vmem>>) target(%dma_start3A_116 : memref<16x128xf32, #tpu.memory_space<hbm>>) target_semaphore(%arg14 : memref<!tpu.dma_semaphore, #tpu.memory_space<semaphore_mem>>)
    %mul3A_117 = arith.constant 512 : i32
    %mul3A_118 = arith.muli %add3A, %mul3A_117 : i32
    %add3A_119 = arith.constant 80 : i32
    %add3A_120 = arith.addi %mul3A_118, %add3A_119 : i32
    %dma_wait3A_121 = arith.constant 0 : i32
    %dma_wait3A_122 = tpu.memref_slice %arg3[%add3A_120, %dma_wait3A_121] : memref<16384x128xf32, #tpu.memory_space<hbm>> -> memref<16x128xf32, #tpu.memory_space<hbm>>
    %dma_wait3A_123 = arith.constant 0 : i32
    %dma_wait3A_124 = tpu.memref_slice %arg3[%add3A_120, %dma_wait3A_123] : memref<16384x128xf32, #tpu.memory_space<hbm>> -> memref<16x128xf32, #tpu.memory_space<hbm>>
    tpu.wait_dma2 semaphore(%arg16 : memref<!tpu.dma_semaphore, #tpu.memory_space<semaphore_mem>>) src(%arg9 : memref<16x128xf32, #tpu.memory_space<vmem>>) dst(%dma_wait3A_124 : memref<16x128xf32, #tpu.memory_space<hbm>>)
    tpu.enqueue_dma source(%arg10 : memref<16x128xf32, #tpu.memory_space<vmem_shared>>) target(%arg9 : memref<16x128xf32, #tpu.memory_space<vmem>>) target_semaphore(%arg20 : memref<!tpu.dma_semaphore, #tpu.memory_space<semaphore_mem>>)
    tpu.wait_dma2 semaphore(%arg19 : memref<!tpu.dma_semaphore, #tpu.memory_space<semaphore_mem>>) src(%arg10 : memref<16x128xf32, #tpu.memory_space<vmem_shared>>) dst(%arg8 : memref<16x128xf32, #tpu.memory_space<vmem>>)
    %parallel_loop3A_125 = arith.constant 0 : i32
    %parallel_loop3A_126 = arith.constant 200 : i32
    %parallel_loop3A_127 = arith.constant 1 : i32
    scf.for %parallel_loop3A_675 = %parallel_loop3A_125 to %parallel_loop3A_126 step %parallel_loop3A_127  : i32 {
      %parallel_loop3A_676 = arith.index_cast %parallel_loop3A_675 : i32 to index
      %parallel_loop3A_677 = arith.constant 96 : index
      %parallel_loop3A_678 = tpu.vector_load %arg4[%parallel_loop3A_676, %parallel_loop3A_677] {strides = array<i32>} : memref<200x128xi32, #tpu.memory_space<vmem>>, vector<16xi32>,
      tpu.vector_store_idx %arg8[%iota3A, %parallel_loop3A_678], %broadcast_in_dim3A_1 {add = true} : memref<16x128xf32, #tpu.memory_space<vmem>>[vector<16xi32>, vector<16xi32>], vector<16xf32>,
    } {sc.loop_unroll_factor = 16 : i64, sc.parallel_access}
    %mul3A_128 = arith.constant 512 : i32
    %mul3A_129 = arith.muli %add3A, %mul3A_128 : i32
    %add3A_130 = arith.constant 96 : i32
    %add3A_131 = arith.addi %mul3A_129, %add3A_130 : i32
    %dma_start3A_132 = arith.constant 0 : i32
    %dma_start3A_133 = tpu.memref_slice %arg3[%add3A_131, %dma_start3A_132] : memref<16384x128xf32, #tpu.memory_space<hbm>> -> memref<16x128xf32, #tpu.memory_space<hbm>>
    %dma_start3A_134 = arith.constant 0 : i32
    %dma_start3A_135 = tpu.memref_slice %arg3[%add3A_131, %dma_start3A_134] : memref<16384x128xf32, #tpu.memory_space<hbm>> -> memref<16x128xf32, #tpu.memory_space<hbm>>
    tpu.enqueue_dma source(%arg8 : memref<16x128xf32, #tpu.memory_space<vmem>>) target(%dma_start3A_135 : memref<16x128xf32, #tpu.memory_space<hbm>>) target_semaphore(%arg15 : memref<!tpu.dma_semaphore, #tpu.memory_space<semaphore_mem>>)
    %mul3A_136 = arith.constant 512 : i32
    %mul3A_137 = arith.muli %add3A, %mul3A_136 : i32
    %add3A_138 = arith.constant 96 : i32
    %add3A_139 = arith.addi %mul3A_137, %add3A_138 : i32
    %dma_wait3A_140 = arith.constant 0 : i32
    %dma_wait3A_141 = tpu.memref_slice %arg3[%add3A_139, %dma_wait3A_140] : memref<16384x128xf32, #tpu.memory_space<hbm>> -> memref<16x128xf32, #tpu.memory_space<hbm>>
    %dma_wait3A_142 = arith.constant 0 : i32
    %dma_wait3A_143 = tpu.memref_slice %arg3[%add3A_139, %dma_wait3A_142] : memref<16384x128xf32, #tpu.memory_space<hbm>> -> memref<16x128xf32, #tpu.memory_space<hbm>>
    tpu.wait_dma2 semaphore(%arg13 : memref<!tpu.dma_semaphore, #tpu.memory_space<semaphore_mem>>) src(%arg6 : memref<16x128xf32, #tpu.memory_space<vmem>>) dst(%dma_wait3A_143 : memref<16x128xf32, #tpu.memory_space<hbm>>)
    tpu.enqueue_dma source(%arg10 : memref<16x128xf32, #tpu.memory_space<vmem_shared>>) target(%arg6 : memref<16x128xf32, #tpu.memory_space<vmem>>) target_semaphore(%arg17 : memref<!tpu.dma_semaphore, #tpu.memory_space<semaphore_mem>>)
    tpu.wait_dma2 semaphore(%arg20 : memref<!tpu.dma_semaphore, #tpu.memory_space<semaphore_mem>>) src(%arg10 : memref<16x128xf32, #tpu.memory_space<vmem_shared>>) dst(%arg9 : memref<16x128xf32, #tpu.memory_space<vmem>>)
    %parallel_loop3A_144 = arith.constant 0 : i32
    %parallel_loop3A_145 = arith.constant 200 : i32
    %parallel_loop3A_146 = arith.constant 1 : i32
    scf.for %parallel_loop3A_675 = %parallel_loop3A_144 to %parallel_loop3A_145 step %parallel_loop3A_146  : i32 {
      %parallel_loop3A_676 = arith.index_cast %parallel_loop3A_675 : i32 to index
      %parallel_loop3A_677 = arith.constant 112 : index
      %parallel_loop3A_678 = tpu.vector_load %arg4[%parallel_loop3A_676, %parallel_loop3A_677] {strides = array<i32>} : memref<200x128xi32, #tpu.memory_space<vmem>>, vector<16xi32>,
      tpu.vector_store_idx %arg9[%iota3A, %parallel_loop3A_678], %broadcast_in_dim3A_1 {add = true} : memref<16x128xf32, #tpu.memory_space<vmem>>[vector<16xi32>, vector<16xi32>], vector<16xf32>,
    } {sc.loop_unroll_factor = 16 : i64, sc.parallel_access}
    %mul3A_147 = arith.constant 512 : i32
    %mul3A_148 = arith.muli %add3A, %mul3A_147 : i32
    %add3A_149 = arith.constant 112 : i32
    %add3A_150 = arith.addi %mul3A_148, %add3A_149 : i32
    %dma_start3A_151 = arith.constant 0 : i32
    %dma_start3A_152 = tpu.memref_slice %arg3[%add3A_150, %dma_start3A_151] : memref<16384x128xf32, #tpu.memory_space<hbm>> -> memref<16x128xf32, #tpu.memory_space<hbm>>
    %dma_start3A_153 = arith.constant 0 : i32
    %dma_start3A_154 = tpu.memref_slice %arg3[%add3A_150, %dma_start3A_153] : memref<16384x128xf32, #tpu.memory_space<hbm>> -> memref<16x128xf32, #tpu.memory_space<hbm>>
    tpu.enqueue_dma source(%arg9 : memref<16x128xf32, #tpu.memory_space<vmem>>) target(%dma_start3A_154 : memref<16x128xf32, #tpu.memory_space<hbm>>) target_semaphore(%arg16 : memref<!tpu.dma_semaphore, #tpu.memory_space<semaphore_mem>>)
    %mul3A_155 = arith.constant 512 : i32
    %mul3A_156 = arith.muli %add3A, %mul3A_155 : i32
    %add3A_157 = arith.constant 112 : i32
    %add3A_158 = arith.addi %mul3A_156, %add3A_157 : i32
    %dma_wait3A_159 = arith.constant 0 : i32
    %dma_wait3A_160 = tpu.memref_slice %arg3[%add3A_158, %dma_wait3A_159] : memref<16384x128xf32, #tpu.memory_space<hbm>> -> memref<16x128xf32, #tpu.memory_space<hbm>>
    %dma_wait3A_161 = arith.constant 0 : i32
    %dma_wait3A_162 = tpu.memref_slice %arg3[%add3A_158, %dma_wait3A_161] : memref<16384x128xf32, #tpu.memory_space<hbm>> -> memref<16x128xf32, #tpu.memory_space<hbm>>
    tpu.wait_dma2 semaphore(%arg14 : memref<!tpu.dma_semaphore, #tpu.memory_space<semaphore_mem>>) src(%arg7 : memref<16x128xf32, #tpu.memory_space<vmem>>) dst(%dma_wait3A_162 : memref<16x128xf32, #tpu.memory_space<hbm>>)
    tpu.enqueue_dma source(%arg10 : memref<16x128xf32, #tpu.memory_space<vmem_shared>>) target(%arg7 : memref<16x128xf32, #tpu.memory_space<vmem>>) target_semaphore(%arg18 : memref<!tpu.dma_semaphore, #tpu.memory_space<semaphore_mem>>)
    %mul3A_163 = arith.constant 512 : i32
    %mul3A_164 = arith.muli %add3A, %mul3A_163 : i32
    %add3A_165 = arith.constant 256 : i32
    %add3A_166 = arith.addi %mul3A_164, %add3A_165 : i32
    %dma_start3A_167 = arith.constant 0 : i32
    %dma_start3A_168 = tpu.memref_slice %arg2[%dma_start3A_167, %add3A_166] : memref<200x16384xi32, #tpu.memory_space<hbm>> -> memref<200x128xi32, #tpu.memory_space<hbm>>
    %dma_start3A_169 = arith.constant 0 : i32
    %dma_start3A_170 = tpu.memref_slice %arg2[%dma_start3A_169, %add3A_166] : memref<200x16384xi32, #tpu.memory_space<hbm>> -> memref<200x128xi32, #tpu.memory_space<hbm>>
    tpu.enqueue_dma source(%dma_start3A_170 : memref<200x128xi32, #tpu.memory_space<hbm>>) target(%arg4 : memref<200x128xi32, #tpu.memory_space<vmem>>) target_semaphore(%arg11 : memref<!tpu.dma_semaphore, #tpu.memory_space<semaphore_mem>>)
    %mul3A_171 = arith.constant 512 : i32
    %mul3A_172 = arith.muli %add3A, %mul3A_171 : i32
    %add3A_173 = arith.constant 128 : i32
    %add3A_174 = arith.addi %mul3A_172, %add3A_173 : i32
    %dma_wait3A_175 = arith.constant 0 : i32
    %dma_wait3A_176 = tpu.memref_slice %arg2[%dma_wait3A_175, %add3A_174] : memref<200x16384xi32, #tpu.memory_space<hbm>> -> memref<200x128xi32, #tpu.memory_space<hbm>>
    %dma_wait3A_177 = arith.constant 0 : i32
    %dma_wait3A_178 = tpu.memref_slice %arg2[%dma_wait3A_177, %add3A_174] : memref<200x16384xi32, #tpu.memory_space<hbm>> -> memref<200x128xi32, #tpu.memory_space<hbm>>
    tpu.wait_dma2 semaphore(%arg12 : memref<!tpu.dma_semaphore, #tpu.memory_space<semaphore_mem>>) src(%dma_wait3A_178 : memref<200x128xi32, #tpu.memory_space<hbm>>) dst(%arg5 : memref<200x128xi32, #tpu.memory_space<vmem>>)
    tpu.wait_dma2 semaphore(%arg17 : memref<!tpu.dma_semaphore, #tpu.memory_space<semaphore_mem>>) src(%arg10 : memref<16x128xf32, #tpu.memory_space<vmem_shared>>) dst(%arg6 : memref<16x128xf32, #tpu.memory_space<vmem>>)
    %parallel_loop3A_179 = arith.constant 0 : i32
    %parallel_loop3A_180 = arith.constant 200 : i32
    %parallel_loop3A_181 = arith.constant 1 : i32
    scf.for %parallel_loop3A_675 = %parallel_loop3A_179 to %parallel_loop3A_180 step %parallel_loop3A_181  : i32 {
      %parallel_loop3A_676 = arith.index_cast %parallel_loop3A_675 : i32 to index
      %parallel_loop3A_677 = arith.constant 0 : index
      %parallel_loop3A_678 = tpu.vector_load %arg5[%parallel_loop3A_676, %parallel_loop3A_677] {strides = array<i32>} : memref<200x128xi32, #tpu.memory_space<vmem>>, vector<16xi32>,
      tpu.vector_store_idx %arg6[%iota3A, %parallel_loop3A_678], %broadcast_in_dim3A_1 {add = true} : memref<16x128xf32, #tpu.memory_space<vmem>>[vector<16xi32>, vector<16xi32>], vector<16xf32>,
    } {sc.loop_unroll_factor = 16 : i64, sc.parallel_access}
    %mul3A_182 = arith.constant 512 : i32
    %mul3A_183 = arith.muli %add3A, %mul3A_182 : i32
    %add3A_184 = arith.constant 128 : i32
    %add3A_185 = arith.addi %mul3A_183, %add3A_184 : i32
    %dma_start3A_186 = arith.constant 0 : i32
    %dma_start3A_187 = tpu.memref_slice %arg3[%add3A_185, %dma_start3A_186] : memref<16384x128xf32, #tpu.memory_space<hbm>> -> memref<16x128xf32, #tpu.memory_space<hbm>>
    %dma_start3A_188 = arith.constant 0 : i32
    %dma_start3A_189 = tpu.memref_slice %arg3[%add3A_185, %dma_start3A_188] : memref<16384x128xf32, #tpu.memory_space<hbm>> -> memref<16x128xf32, #tpu.memory_space<hbm>>
    tpu.enqueue_dma source(%arg6 : memref<16x128xf32, #tpu.memory_space<vmem>>) target(%dma_start3A_189 : memref<16x128xf32, #tpu.memory_space<hbm>>) target_semaphore(%arg13 : memref<!tpu.dma_semaphore, #tpu.memory_space<semaphore_mem>>)
    %mul3A_190 = arith.constant 512 : i32
    %mul3A_191 = arith.muli %add3A, %mul3A_190 : i32
    %add3A_192 = arith.constant 128 : i32
    %add3A_193 = arith.addi %mul3A_191, %add3A_192 : i32
    %dma_wait3A_194 = arith.constant 0 : i32
    %dma_wait3A_195 = tpu.memref_slice %arg3[%add3A_193, %dma_wait3A_194] : memref<16384x128xf32, #tpu.memory_space<hbm>> -> memref<16x128xf32, #tpu.memory_space<hbm>>
    %dma_wait3A_196 = arith.constant 0 : i32
    %dma_wait3A_197 = tpu.memref_slice %arg3[%add3A_193, %dma_wait3A_196] : memref<16384x128xf32, #tpu.memory_space<hbm>> -> memref<16x128xf32, #tpu.memory_space<hbm>>
    tpu.wait_dma2 semaphore(%arg15 : memref<!tpu.dma_semaphore, #tpu.memory_space<semaphore_mem>>) src(%arg8 : memref<16x128xf32, #tpu.memory_space<vmem>>) dst(%dma_wait3A_197 : memref<16x128xf32, #tpu.memory_space<hbm>>)
    tpu.enqueue_dma source(%arg10 : memref<16x128xf32, #tpu.memory_space<vmem_shared>>) target(%arg8 : memref<16x128xf32, #tpu.memory_space<vmem>>) target_semaphore(%arg19 : memref<!tpu.dma_semaphore, #tpu.memory_space<semaphore_mem>>)
    tpu.wait_dma2 semaphore(%arg18 : memref<!tpu.dma_semaphore, #tpu.memory_space<semaphore_mem>>) src(%arg10 : memref<16x128xf32, #tpu.memory_space<vmem_shared>>) dst(%arg7 : memref<16x128xf32, #tpu.memory_space<vmem>>)
    %parallel_loop3A_198 = arith.constant 0 : i32
    %parallel_loop3A_199 = arith.constant 200 : i32
    %parallel_loop3A_200 = arith.constant 1 : i32
    scf.for %parallel_loop3A_675 = %parallel_loop3A_198 to %parallel_loop3A_199 step %parallel_loop3A_200  : i32 {
      %parallel_loop3A_676 = arith.index_cast %parallel_loop3A_675 : i32 to index
      %parallel_loop3A_677 = arith.constant 16 : index
      %parallel_loop3A_678 = tpu.vector_load %arg5[%parallel_loop3A_676, %parallel_loop3A_677] {strides = array<i32>} : memref<200x128xi32, #tpu.memory_space<vmem>>, vector<16xi32>,
      tpu.vector_store_idx %arg7[%iota3A, %parallel_loop3A_678], %broadcast_in_dim3A_1 {add = true} : memref<16x128xf32, #tpu.memory_space<vmem>>[vector<16xi32>, vector<16xi32>], vector<16xf32>,
    } {sc.loop_unroll_factor = 16 : i64, sc.parallel_access}
    %mul3A_201 = arith.constant 512 : i32
    %mul3A_202 = arith.muli %add3A, %mul3A_201 : i32
    %add3A_203 = arith.constant 144 : i32
    %add3A_204 = arith.addi %mul3A_202, %add3A_203 : i32
    %dma_start3A_205 = arith.constant 0 : i32
    %dma_start3A_206 = tpu.memref_slice %arg3[%add3A_204, %dma_start3A_205] : memref<16384x128xf32, #tpu.memory_space<hbm>> -> memref<16x128xf32, #tpu.memory_space<hbm>>
    %dma_start3A_207 = arith.constant 0 : i32
    %dma_start3A_208 = tpu.memref_slice %arg3[%add3A_204, %dma_start3A_207] : memref<16384x128xf32, #tpu.memory_space<hbm>> -> memref<16x128xf32, #tpu.memory_space<hbm>>
    tpu.enqueue_dma source(%arg7 : memref<16x128xf32, #tpu.memory_space<vmem>>) target(%dma_start3A_208 : memref<16x128xf32, #tpu.memory_space<hbm>>) target_semaphore(%arg14 : memref<!tpu.dma_semaphore, #tpu.memory_space<semaphore_mem>>)
    %mul3A_209 = arith.constant 512 : i32
    %mul3A_210 = arith.muli %add3A, %mul3A_209 : i32
    %add3A_211 = arith.constant 144 : i32
    %add3A_212 = arith.addi %mul3A_210, %add3A_211 : i32
    %dma_wait3A_213 = arith.constant 0 : i32
    %dma_wait3A_214 = tpu.memref_slice %arg3[%add3A_212, %dma_wait3A_213] : memref<16384x128xf32, #tpu.memory_space<hbm>> -> memref<16x128xf32, #tpu.memory_space<hbm>>
    %dma_wait3A_215 = arith.constant 0 : i32
    %dma_wait3A_216 = tpu.memref_slice %arg3[%add3A_212, %dma_wait3A_215] : memref<16384x128xf32, #tpu.memory_space<hbm>> -> memref<16x128xf32, #tpu.memory_space<hbm>>
    tpu.wait_dma2 semaphore(%arg16 : memref<!tpu.dma_semaphore, #tpu.memory_space<semaphore_mem>>) src(%arg9 : memref<16x128xf32, #tpu.memory_space<vmem>>) dst(%dma_wait3A_216 : memref<16x128xf32, #tpu.memory_space<hbm>>)
    tpu.enqueue_dma source(%arg10 : memref<16x128xf32, #tpu.memory_space<vmem_shared>>) target(%arg9 : memref<16x128xf32, #tpu.memory_space<vmem>>) target_semaphore(%arg20 : memref<!tpu.dma_semaphore, #tpu.memory_space<semaphore_mem>>)
    tpu.wait_dma2 semaphore(%arg19 : memref<!tpu.dma_semaphore, #tpu.memory_space<semaphore_mem>>) src(%arg10 : memref<16x128xf32, #tpu.memory_space<vmem_shared>>) dst(%arg8 : memref<16x128xf32, #tpu.memory_space<vmem>>)
    %parallel_loop3A_217 = arith.constant 0 : i32
    %parallel_loop3A_218 = arith.constant 200 : i32
    %parallel_loop3A_219 = arith.constant 1 : i32
    scf.for %parallel_loop3A_675 = %parallel_loop3A_217 to %parallel_loop3A_218 step %parallel_loop3A_219  : i32 {
      %parallel_loop3A_676 = arith.index_cast %parallel_loop3A_675 : i32 to index
      %parallel_loop3A_677 = arith.constant 32 : index
      %parallel_loop3A_678 = tpu.vector_load %arg5[%parallel_loop3A_676, %parallel_loop3A_677] {strides = array<i32>} : memref<200x128xi32, #tpu.memory_space<vmem>>, vector<16xi32>,
      tpu.vector_store_idx %arg8[%iota3A, %parallel_loop3A_678], %broadcast_in_dim3A_1 {add = true} : memref<16x128xf32, #tpu.memory_space<vmem>>[vector<16xi32>, vector<16xi32>], vector<16xf32>,
    } {sc.loop_unroll_factor = 16 : i64, sc.parallel_access}
    %mul3A_220 = arith.constant 512 : i32
    %mul3A_221 = arith.muli %add3A, %mul3A_220 : i32
    %add3A_222 = arith.constant 160 : i32
    %add3A_223 = arith.addi %mul3A_221, %add3A_222 : i32
    %dma_start3A_224 = arith.constant 0 : i32
    %dma_start3A_225 = tpu.memref_slice %arg3[%add3A_223, %dma_start3A_224] : memref<16384x128xf32, #tpu.memory_space<hbm>> -> memref<16x128xf32, #tpu.memory_space<hbm>>
    %dma_start3A_226 = arith.constant 0 : i32
    %dma_start3A_227 = tpu.memref_slice %arg3[%add3A_223, %dma_start3A_226] : memref<16384x128xf32, #tpu.memory_space<hbm>> -> memref<16x128xf32, #tpu.memory_space<hbm>>
    tpu.enqueue_dma source(%arg8 : memref<16x128xf32, #tpu.memory_space<vmem>>) target(%dma_start3A_227 : memref<16x128xf32, #tpu.memory_space<hbm>>) target_semaphore(%arg15 : memref<!tpu.dma_semaphore, #tpu.memory_space<semaphore_mem>>)
    %mul3A_228 = arith.constant 512 : i32
    %mul3A_229 = arith.muli %add3A, %mul3A_228 : i32
    %add3A_230 = arith.constant 160 : i32
    %add3A_231 = arith.addi %mul3A_229, %add3A_230 : i32
    %dma_wait3A_232 = arith.constant 0 : i32
    %dma_wait3A_233 = tpu.memref_slice %arg3[%add3A_231, %dma_wait3A_232] : memref<16384x128xf32, #tpu.memory_space<hbm>> -> memref<16x128xf32, #tpu.memory_space<hbm>>
    %dma_wait3A_234 = arith.constant 0 : i32
    %dma_wait3A_235 = tpu.memref_slice %arg3[%add3A_231, %dma_wait3A_234] : memref<16384x128xf32, #tpu.memory_space<hbm>> -> memref<16x128xf32, #tpu.memory_space<hbm>>
    tpu.wait_dma2 semaphore(%arg13 : memref<!tpu.dma_semaphore, #tpu.memory_space<semaphore_mem>>) src(%arg6 : memref<16x128xf32, #tpu.memory_space<vmem>>) dst(%dma_wait3A_235 : memref<16x128xf32, #tpu.memory_space<hbm>>)
    tpu.enqueue_dma source(%arg10 : memref<16x128xf32, #tpu.memory_space<vmem_shared>>) target(%arg6 : memref<16x128xf32, #tpu.memory_space<vmem>>) target_semaphore(%arg17 : memref<!tpu.dma_semaphore, #tpu.memory_space<semaphore_mem>>)
    tpu.wait_dma2 semaphore(%arg20 : memref<!tpu.dma_semaphore, #tpu.memory_space<semaphore_mem>>) src(%arg10 : memref<16x128xf32, #tpu.memory_space<vmem_shared>>) dst(%arg9 : memref<16x128xf32, #tpu.memory_space<vmem>>)
    %parallel_loop3A_236 = arith.constant 0 : i32
    %parallel_loop3A_237 = arith.constant 200 : i32
    %parallel_loop3A_238 = arith.constant 1 : i32
    scf.for %parallel_loop3A_675 = %parallel_loop3A_236 to %parallel_loop3A_237 step %parallel_loop3A_238  : i32 {
      %parallel_loop3A_676 = arith.index_cast %parallel_loop3A_675 : i32 to index
      %parallel_loop3A_677 = arith.constant 48 : index
      %parallel_loop3A_678 = tpu.vector_load %arg5[%parallel_loop3A_676, %parallel_loop3A_677] {strides = array<i32>} : memref<200x128xi32, #tpu.memory_space<vmem>>, vector<16xi32>,
      tpu.vector_store_idx %arg9[%iota3A, %parallel_loop3A_678], %broadcast_in_dim3A_1 {add = true} : memref<16x128xf32, #tpu.memory_space<vmem>>[vector<16xi32>, vector<16xi32>], vector<16xf32>,
    } {sc.loop_unroll_factor = 16 : i64, sc.parallel_access}
    %mul3A_239 = arith.constant 512 : i32
    %mul3A_240 = arith.muli %add3A, %mul3A_239 : i32
    %add3A_241 = arith.constant 176 : i32
    %add3A_242 = arith.addi %mul3A_240, %add3A_241 : i32
    %dma_start3A_243 = arith.constant 0 : i32
    %dma_start3A_244 = tpu.memref_slice %arg3[%add3A_242, %dma_start3A_243] : memref<16384x128xf32, #tpu.memory_space<hbm>> -> memref<16x128xf32, #tpu.memory_space<hbm>>
    %dma_start3A_245 = arith.constant 0 : i32
    %dma_start3A_246 = tpu.memref_slice %arg3[%add3A_242, %dma_start3A_245] : memref<16384x128xf32, #tpu.memory_space<hbm>> -> memref<16x128xf32, #tpu.memory_space<hbm>>
    tpu.enqueue_dma source(%arg9 : memref<16x128xf32, #tpu.memory_space<vmem>>) target(%dma_start3A_246 : memref<16x128xf32, #tpu.memory_space<hbm>>) target_semaphore(%arg16 : memref<!tpu.dma_semaphore, #tpu.memory_space<semaphore_mem>>)
    %mul3A_247 = arith.constant 512 : i32
    %mul3A_248 = arith.muli %add3A, %mul3A_247 : i32
    %add3A_249 = arith.constant 176 : i32
    %add3A_250 = arith.addi %mul3A_248, %add3A_249 : i32
    %dma_wait3A_251 = arith.constant 0 : i32
    %dma_wait3A_252 = tpu.memref_slice %arg3[%add3A_250, %dma_wait3A_251] : memref<16384x128xf32, #tpu.memory_space<hbm>> -> memref<16x128xf32, #tpu.memory_space<hbm>>
    %dma_wait3A_253 = arith.constant 0 : i32
    %dma_wait3A_254 = tpu.memref_slice %arg3[%add3A_250, %dma_wait3A_253] : memref<16384x128xf32, #tpu.memory_space<hbm>> -> memref<16x128xf32, #tpu.memory_space<hbm>>
    tpu.wait_dma2 semaphore(%arg14 : memref<!tpu.dma_semaphore, #tpu.memory_space<semaphore_mem>>) src(%arg7 : memref<16x128xf32, #tpu.memory_space<vmem>>) dst(%dma_wait3A_254 : memref<16x128xf32, #tpu.memory_space<hbm>>)
    tpu.enqueue_dma source(%arg10 : memref<16x128xf32, #tpu.memory_space<vmem_shared>>) target(%arg7 : memref<16x128xf32, #tpu.memory_space<vmem>>) target_semaphore(%arg18 : memref<!tpu.dma_semaphore, #tpu.memory_space<semaphore_mem>>)
    tpu.wait_dma2 semaphore(%arg17 : memref<!tpu.dma_semaphore, #tpu.memory_space<semaphore_mem>>) src(%arg10 : memref<16x128xf32, #tpu.memory_space<vmem_shared>>) dst(%arg6 : memref<16x128xf32, #tpu.memory_space<vmem>>)
    %parallel_loop3A_255 = arith.constant 0 : i32
    %parallel_loop3A_256 = arith.constant 200 : i32
    %parallel_loop3A_257 = arith.constant 1 : i32
    scf.for %parallel_loop3A_675 = %parallel_loop3A_255 to %parallel_loop3A_256 step %parallel_loop3A_257  : i32 {
      %parallel_loop3A_676 = arith.index_cast %parallel_loop3A_675 : i32 to index
      %parallel_loop3A_677 = arith.constant 64 : index
      %parallel_loop3A_678 = tpu.vector_load %arg5[%parallel_loop3A_676, %parallel_loop3A_677] {strides = array<i32>} : memref<200x128xi32, #tpu.memory_space<vmem>>, vector<16xi32>,
      tpu.vector_store_idx %arg6[%iota3A, %parallel_loop3A_678], %broadcast_in_dim3A_1 {add = true} : memref<16x128xf32, #tpu.memory_space<vmem>>[vector<16xi32>, vector<16xi32>], vector<16xf32>,
    } {sc.loop_unroll_factor = 16 : i64, sc.parallel_access}
    %mul3A_258 = arith.constant 512 : i32
    %mul3A_259 = arith.muli %add3A, %mul3A_258 : i32
    %add3A_260 = arith.constant 192 : i32
    %add3A_261 = arith.addi %mul3A_259, %add3A_260 : i32
    %dma_start3A_262 = arith.constant 0 : i32
    %dma_start3A_263 = tpu.memref_slice %arg3[%add3A_261, %dma_start3A_262] : memref<16384x128xf32, #tpu.memory_space<hbm>> -> memref<16x128xf32, #tpu.memory_space<hbm>>
    %dma_start3A_264 = arith.constant 0 : i32
    %dma_start3A_265 = tpu.memref_slice %arg3[%add3A_261, %dma_start3A_264] : memref<16384x128xf32, #tpu.memory_space<hbm>> -> memref<16x128xf32, #tpu.memory_space<hbm>>
    tpu.enqueue_dma source(%arg6 : memref<16x128xf32, #tpu.memory_space<vmem>>) target(%dma_start3A_265 : memref<16x128xf32, #tpu.memory_space<hbm>>) target_semaphore(%arg13 : memref<!tpu.dma_semaphore, #tpu.memory_space<semaphore_mem>>)
    %mul3A_266 = arith.constant 512 : i32
    %mul3A_267 = arith.muli %add3A, %mul3A_266 : i32
    %add3A_268 = arith.constant 192 : i32
    %add3A_269 = arith.addi %mul3A_267, %add3A_268 : i32
    %dma_wait3A_270 = arith.constant 0 : i32
    %dma_wait3A_271 = tpu.memref_slice %arg3[%add3A_269, %dma_wait3A_270] : memref<16384x128xf32, #tpu.memory_space<hbm>> -> memref<16x128xf32, #tpu.memory_space<hbm>>
    %dma_wait3A_272 = arith.constant 0 : i32
    %dma_wait3A_273 = tpu.memref_slice %arg3[%add3A_269, %dma_wait3A_272] : memref<16384x128xf32, #tpu.memory_space<hbm>> -> memref<16x128xf32, #tpu.memory_space<hbm>>
    tpu.wait_dma2 semaphore(%arg15 : memref<!tpu.dma_semaphore, #tpu.memory_space<semaphore_mem>>) src(%arg8 : memref<16x128xf32, #tpu.memory_space<vmem>>) dst(%dma_wait3A_273 : memref<16x128xf32, #tpu.memory_space<hbm>>)
    tpu.enqueue_dma source(%arg10 : memref<16x128xf32, #tpu.memory_space<vmem_shared>>) target(%arg8 : memref<16x128xf32, #tpu.memory_space<vmem>>) target_semaphore(%arg19 : memref<!tpu.dma_semaphore, #tpu.memory_space<semaphore_mem>>)
    tpu.wait_dma2 semaphore(%arg18 : memref<!tpu.dma_semaphore, #tpu.memory_space<semaphore_mem>>) src(%arg10 : memref<16x128xf32, #tpu.memory_space<vmem_shared>>) dst(%arg7 : memref<16x128xf32, #tpu.memory_space<vmem>>)
    %parallel_loop3A_274 = arith.constant 0 : i32
    %parallel_loop3A_275 = arith.constant 200 : i32
    %parallel_loop3A_276 = arith.constant 1 : i32
    scf.for %parallel_loop3A_675 = %parallel_loop3A_274 to %parallel_loop3A_275 step %parallel_loop3A_276  : i32 {
      %parallel_loop3A_676 = arith.index_cast %parallel_loop3A_675 : i32 to index
      %parallel_loop3A_677 = arith.constant 80 : index
      %parallel_loop3A_678 = tpu.vector_load %arg5[%parallel_loop3A_676, %parallel_loop3A_677] {strides = array<i32>} : memref<200x128xi32, #tpu.memory_space<vmem>>, vector<16xi32>,
      tpu.vector_store_idx %arg7[%iota3A, %parallel_loop3A_678], %broadcast_in_dim3A_1 {add = true} : memref<16x128xf32, #tpu.memory_space<vmem>>[vector<16xi32>, vector<16xi32>], vector<16xf32>,
    } {sc.loop_unroll_factor = 16 : i64, sc.parallel_access}
    %mul3A_277 = arith.constant 512 : i32
    %mul3A_278 = arith.muli %add3A, %mul3A_277 : i32
    %add3A_279 = arith.constant 208 : i32
    %add3A_280 = arith.addi %mul3A_278, %add3A_279 : i32
    %dma_start3A_281 = arith.constant 0 : i32
    %dma_start3A_282 = tpu.memref_slice %arg3[%add3A_280, %dma_start3A_281] : memref<16384x128xf32, #tpu.memory_space<hbm>> -> memref<16x128xf32, #tpu.memory_space<hbm>>
    %dma_start3A_283 = arith.constant 0 : i32
    %dma_start3A_284 = tpu.memref_slice %arg3[%add3A_280, %dma_start3A_283] : memref<16384x128xf32, #tpu.memory_space<hbm>> -> memref<16x128xf32, #tpu.memory_space<hbm>>
    tpu.enqueue_dma source(%arg7 : memref<16x128xf32, #tpu.memory_space<vmem>>) target(%dma_start3A_284 : memref<16x128xf32, #tpu.memory_space<hbm>>) target_semaphore(%arg14 : memref<!tpu.dma_semaphore, #tpu.memory_space<semaphore_mem>>)
    %mul3A_285 = arith.constant 512 : i32
    %mul3A_286 = arith.muli %add3A, %mul3A_285 : i32
    %add3A_287 = arith.constant 208 : i32
    %add3A_288 = arith.addi %mul3A_286, %add3A_287 : i32
    %dma_wait3A_289 = arith.constant 0 : i32
    %dma_wait3A_290 = tpu.memref_slice %arg3[%add3A_288, %dma_wait3A_289] : memref<16384x128xf32, #tpu.memory_space<hbm>> -> memref<16x128xf32, #tpu.memory_space<hbm>>
    %dma_wait3A_291 = arith.constant 0 : i32
    %dma_wait3A_292 = tpu.memref_slice %arg3[%add3A_288, %dma_wait3A_291] : memref<16384x128xf32, #tpu.memory_space<hbm>> -> memref<16x128xf32, #tpu.memory_space<hbm>>
    tpu.wait_dma2 semaphore(%arg16 : memref<!tpu.dma_semaphore, #tpu.memory_space<semaphore_mem>>) src(%arg9 : memref<16x128xf32, #tpu.memory_space<vmem>>) dst(%dma_wait3A_292 : memref<16x128xf32, #tpu.memory_space<hbm>>)
    tpu.enqueue_dma source(%arg10 : memref<16x128xf32, #tpu.memory_space<vmem_shared>>) target(%arg9 : memref<16x128xf32, #tpu.memory_space<vmem>>) target_semaphore(%arg20 : memref<!tpu.dma_semaphore, #tpu.memory_space<semaphore_mem>>)
    tpu.wait_dma2 semaphore(%arg19 : memref<!tpu.dma_semaphore, #tpu.memory_space<semaphore_mem>>) src(%arg10 : memref<16x128xf32, #tpu.memory_space<vmem_shared>>) dst(%arg8 : memref<16x128xf32, #tpu.memory_space<vmem>>)
    %parallel_loop3A_293 = arith.constant 0 : i32
    %parallel_loop3A_294 = arith.constant 200 : i32
    %parallel_loop3A_295 = arith.constant 1 : i32
    scf.for %parallel_loop3A_675 = %parallel_loop3A_293 to %parallel_loop3A_294 step %parallel_loop3A_295  : i32 {
      %parallel_loop3A_676 = arith.index_cast %parallel_loop3A_675 : i32 to index
      %parallel_loop3A_677 = arith.constant 96 : index
      %parallel_loop3A_678 = tpu.vector_load %arg5[%parallel_loop3A_676, %parallel_loop3A_677] {strides = array<i32>} : memref<200x128xi32, #tpu.memory_space<vmem>>, vector<16xi32>,
      tpu.vector_store_idx %arg8[%iota3A, %parallel_loop3A_678], %broadcast_in_dim3A_1 {add = true} : memref<16x128xf32, #tpu.memory_space<vmem>>[vector<16xi32>, vector<16xi32>], vector<16xf32>,
    } {sc.loop_unroll_factor = 16 : i64, sc.parallel_access}
    %mul3A_296 = arith.constant 512 : i32
    %mul3A_297 = arith.muli %add3A, %mul3A_296 : i32
    %add3A_298 = arith.constant 224 : i32
    %add3A_299 = arith.addi %mul3A_297, %add3A_298 : i32
    %dma_start3A_300 = arith.constant 0 : i32
    %dma_start3A_301 = tpu.memref_slice %arg3[%add3A_299, %dma_start3A_300] : memref<16384x128xf32, #tpu.memory_space<hbm>> -> memref<16x128xf32, #tpu.memory_space<hbm>>
    %dma_start3A_302 = arith.constant 0 : i32
    %dma_start3A_303 = tpu.memref_slice %arg3[%add3A_299, %dma_start3A_302] : memref<16384x128xf32, #tpu.memory_space<hbm>> -> memref<16x128xf32, #tpu.memory_space<hbm>>
    tpu.enqueue_dma source(%arg8 : memref<16x128xf32, #tpu.memory_space<vmem>>) target(%dma_start3A_303 : memref<16x128xf32, #tpu.memory_space<hbm>>) target_semaphore(%arg15 : memref<!tpu.dma_semaphore, #tpu.memory_space<semaphore_mem>>)
    %mul3A_304 = arith.constant 512 : i32
    %mul3A_305 = arith.muli %add3A, %mul3A_304 : i32
    %add3A_306 = arith.constant 224 : i32
    %add3A_307 = arith.addi %mul3A_305, %add3A_306 : i32
    %dma_wait3A_308 = arith.constant 0 : i32
    %dma_wait3A_309 = tpu.memref_slice %arg3[%add3A_307, %dma_wait3A_308] : memref<16384x128xf32, #tpu.memory_space<hbm>> -> memref<16x128xf32, #tpu.memory_space<hbm>>
    %dma_wait3A_310 = arith.constant 0 : i32
    %dma_wait3A_311 = tpu.memref_slice %arg3[%add3A_307, %dma_wait3A_310] : memref<16384x128xf32, #tpu.memory_space<hbm>> -> memref<16x128xf32, #tpu.memory_space<hbm>>
    tpu.wait_dma2 semaphore(%arg13 : memref<!tpu.dma_semaphore, #tpu.memory_space<semaphore_mem>>) src(%arg6 : memref<16x128xf32, #tpu.memory_space<vmem>>) dst(%dma_wait3A_311 : memref<16x128xf32, #tpu.memory_space<hbm>>)
    tpu.enqueue_dma source(%arg10 : memref<16x128xf32, #tpu.memory_space<vmem_shared>>) target(%arg6 : memref<16x128xf32, #tpu.memory_space<vmem>>) target_semaphore(%arg17 : memref<!tpu.dma_semaphore, #tpu.memory_space<semaphore_mem>>)
    tpu.wait_dma2 semaphore(%arg20 : memref<!tpu.dma_semaphore, #tpu.memory_space<semaphore_mem>>) src(%arg10 : memref<16x128xf32, #tpu.memory_space<vmem_shared>>) dst(%arg9 : memref<16x128xf32, #tpu.memory_space<vmem>>)
    %parallel_loop3A_312 = arith.constant 0 : i32
    %parallel_loop3A_313 = arith.constant 200 : i32
    %parallel_loop3A_314 = arith.constant 1 : i32
    scf.for %parallel_loop3A_675 = %parallel_loop3A_312 to %parallel_loop3A_313 step %parallel_loop3A_314  : i32 {
      %parallel_loop3A_676 = arith.index_cast %parallel_loop3A_675 : i32 to index
      %parallel_loop3A_677 = arith.constant 112 : index
      %parallel_loop3A_678 = tpu.vector_load %arg5[%parallel_loop3A_676, %parallel_loop3A_677] {strides = array<i32>} : memref<200x128xi32, #tpu.memory_space<vmem>>, vector<16xi32>,
      tpu.vector_store_idx %arg9[%iota3A, %parallel_loop3A_678], %broadcast_in_dim3A_1 {add = true} : memref<16x128xf32, #tpu.memory_space<vmem>>[vector<16xi32>, vector<16xi32>], vector<16xf32>,
    } {sc.loop_unroll_factor = 16 : i64, sc.parallel_access}
    %mul3A_315 = arith.constant 512 : i32
    %mul3A_316 = arith.muli %add3A, %mul3A_315 : i32
    %add3A_317 = arith.constant 240 : i32
    %add3A_318 = arith.addi %mul3A_316, %add3A_317 : i32
    %dma_start3A_319 = arith.constant 0 : i32
    %dma_start3A_320 = tpu.memref_slice %arg3[%add3A_318, %dma_start3A_319] : memref<16384x128xf32, #tpu.memory_space<hbm>> -> memref<16x128xf32, #tpu.memory_space<hbm>>
    %dma_start3A_321 = arith.constant 0 : i32
    %dma_start3A_322 = tpu.memref_slice %arg3[%add3A_318, %dma_start3A_321] : memref<16384x128xf32, #tpu.memory_space<hbm>> -> memref<16x128xf32, #tpu.memory_space<hbm>>
    tpu.enqueue_dma source(%arg9 : memref<16x128xf32, #tpu.memory_space<vmem>>) target(%dma_start3A_322 : memref<16x128xf32, #tpu.memory_space<hbm>>) target_semaphore(%arg16 : memref<!tpu.dma_semaphore, #tpu.memory_space<semaphore_mem>>)
    %mul3A_323 = arith.constant 512 : i32
    %mul3A_324 = arith.muli %add3A, %mul3A_323 : i32
    %add3A_325 = arith.constant 240 : i32
    %add3A_326 = arith.addi %mul3A_324, %add3A_325 : i32
    %dma_wait3A_327 = arith.constant 0 : i32
    %dma_wait3A_328 = tpu.memref_slice %arg3[%add3A_326, %dma_wait3A_327] : memref<16384x128xf32, #tpu.memory_space<hbm>> -> memref<16x128xf32, #tpu.memory_space<hbm>>
    %dma_wait3A_329 = arith.constant 0 : i32
    %dma_wait3A_330 = tpu.memref_slice %arg3[%add3A_326, %dma_wait3A_329] : memref<16384x128xf32, #tpu.memory_space<hbm>> -> memref<16x128xf32, #tpu.memory_space<hbm>>
    tpu.wait_dma2 semaphore(%arg14 : memref<!tpu.dma_semaphore, #tpu.memory_space<semaphore_mem>>) src(%arg7 : memref<16x128xf32, #tpu.memory_space<vmem>>) dst(%dma_wait3A_330 : memref<16x128xf32, #tpu.memory_space<hbm>>)
    tpu.enqueue_dma source(%arg10 : memref<16x128xf32, #tpu.memory_space<vmem_shared>>) target(%arg7 : memref<16x128xf32, #tpu.memory_space<vmem>>) target_semaphore(%arg18 : memref<!tpu.dma_semaphore, #tpu.memory_space<semaphore_mem>>)
    %mul3A_331 = arith.constant 512 : i32
    %mul3A_332 = arith.muli %add3A, %mul3A_331 : i32
    %add3A_333 = arith.constant 384 : i32
    %add3A_334 = arith.addi %mul3A_332, %add3A_333 : i32
    %dma_start3A_335 = arith.constant 0 : i32
    %dma_start3A_336 = tpu.memref_slice %arg2[%dma_start3A_335, %add3A_334] : memref<200x16384xi32, #tpu.memory_space<hbm>> -> memref<200x128xi32, #tpu.memory_space<hbm>>
    %dma_start3A_337 = arith.constant 0 : i32
    %dma_start3A_338 = tpu.memref_slice %arg2[%dma_start3A_337, %add3A_334] : memref<200x16384xi32, #tpu.memory_space<hbm>> -> memref<200x128xi32, #tpu.memory_space<hbm>>
    tpu.enqueue_dma source(%dma_start3A_338 : memref<200x128xi32, #tpu.memory_space<hbm>>) target(%arg5 : memref<200x128xi32, #tpu.memory_space<vmem>>) target_semaphore(%arg12 : memref<!tpu.dma_semaphore, #tpu.memory_space<semaphore_mem>>)
    %mul3A_339 = arith.constant 512 : i32
    %mul3A_340 = arith.muli %add3A, %mul3A_339 : i32
    %add3A_341 = arith.constant 256 : i32
    %add3A_342 = arith.addi %mul3A_340, %add3A_341 : i32
    %dma_wait3A_343 = arith.constant 0 : i32
    %dma_wait3A_344 = tpu.memref_slice %arg2[%dma_wait3A_343, %add3A_342] : memref<200x16384xi32, #tpu.memory_space<hbm>> -> memref<200x128xi32, #tpu.memory_space<hbm>>
    %dma_wait3A_345 = arith.constant 0 : i32
    %dma_wait3A_346 = tpu.memref_slice %arg2[%dma_wait3A_345, %add3A_342] : memref<200x16384xi32, #tpu.memory_space<hbm>> -> memref<200x128xi32, #tpu.memory_space<hbm>>
    tpu.wait_dma2 semaphore(%arg11 : memref<!tpu.dma_semaphore, #tpu.memory_space<semaphore_mem>>) src(%dma_wait3A_346 : memref<200x128xi32, #tpu.memory_space<hbm>>) dst(%arg4 : memref<200x128xi32, #tpu.memory_space<vmem>>)
    tpu.wait_dma2 semaphore(%arg17 : memref<!tpu.dma_semaphore, #tpu.memory_space<semaphore_mem>>) src(%arg10 : memref<16x128xf32, #tpu.memory_space<vmem_shared>>) dst(%arg6 : memref<16x128xf32, #tpu.memory_space<vmem>>)
    %parallel_loop3A_347 = arith.constant 0 : i32
    %parallel_loop3A_348 = arith.constant 200 : i32
    %parallel_loop3A_349 = arith.constant 1 : i32
    scf.for %parallel_loop3A_675 = %parallel_loop3A_347 to %parallel_loop3A_348 step %parallel_loop3A_349  : i32 {
      %parallel_loop3A_676 = arith.index_cast %parallel_loop3A_675 : i32 to index
      %parallel_loop3A_677 = arith.constant 0 : index
      %parallel_loop3A_678 = tpu.vector_load %arg4[%parallel_loop3A_676, %parallel_loop3A_677] {strides = array<i32>} : memref<200x128xi32, #tpu.memory_space<vmem>>, vector<16xi32>,
      tpu.vector_store_idx %arg6[%iota3A, %parallel_loop3A_678], %broadcast_in_dim3A_1 {add = true} : memref<16x128xf32, #tpu.memory_space<vmem>>[vector<16xi32>, vector<16xi32>], vector<16xf32>,
    } {sc.loop_unroll_factor = 16 : i64, sc.parallel_access}
    %mul3A_350 = arith.constant 512 : i32
    %mul3A_351 = arith.muli %add3A, %mul3A_350 : i32
    %add3A_352 = arith.constant 256 : i32
    %add3A_353 = arith.addi %mul3A_351, %add3A_352 : i32
    %dma_start3A_354 = arith.constant 0 : i32
    %dma_start3A_355 = tpu.memref_slice %arg3[%add3A_353, %dma_start3A_354] : memref<16384x128xf32, #tpu.memory_space<hbm>> -> memref<16x128xf32, #tpu.memory_space<hbm>>
    %dma_start3A_356 = arith.constant 0 : i32
    %dma_start3A_357 = tpu.memref_slice %arg3[%add3A_353, %dma_start3A_356] : memref<16384x128xf32, #tpu.memory_space<hbm>> -> memref<16x128xf32, #tpu.memory_space<hbm>>
    tpu.enqueue_dma source(%arg6 : memref<16x128xf32, #tpu.memory_space<vmem>>) target(%dma_start3A_357 : memref<16x128xf32, #tpu.memory_space<hbm>>) target_semaphore(%arg13 : memref<!tpu.dma_semaphore, #tpu.memory_space<semaphore_mem>>)
    %mul3A_358 = arith.constant 512 : i32
    %mul3A_359 = arith.muli %add3A, %mul3A_358 : i32
    %add3A_360 = arith.constant 256 : i32
    %add3A_361 = arith.addi %mul3A_359, %add3A_360 : i32
    %dma_wait3A_362 = arith.constant 0 : i32
    %dma_wait3A_363 = tpu.memref_slice %arg3[%add3A_361, %dma_wait3A_362] : memref<16384x128xf32, #tpu.memory_space<hbm>> -> memref<16x128xf32, #tpu.memory_space<hbm>>
    %dma_wait3A_364 = arith.constant 0 : i32
    %dma_wait3A_365 = tpu.memref_slice %arg3[%add3A_361, %dma_wait3A_364] : memref<16384x128xf32, #tpu.memory_space<hbm>> -> memref<16x128xf32, #tpu.memory_space<hbm>>
    tpu.wait_dma2 semaphore(%arg15 : memref<!tpu.dma_semaphore, #tpu.memory_space<semaphore_mem>>) src(%arg8 : memref<16x128xf32, #tpu.memory_space<vmem>>) dst(%dma_wait3A_365 : memref<16x128xf32, #tpu.memory_space<hbm>>)
    tpu.enqueue_dma source(%arg10 : memref<16x128xf32, #tpu.memory_space<vmem_shared>>) target(%arg8 : memref<16x128xf32, #tpu.memory_space<vmem>>) target_semaphore(%arg19 : memref<!tpu.dma_semaphore, #tpu.memory_space<semaphore_mem>>)
    tpu.wait_dma2 semaphore(%arg18 : memref<!tpu.dma_semaphore, #tpu.memory_space<semaphore_mem>>) src(%arg10 : memref<16x128xf32, #tpu.memory_space<vmem_shared>>) dst(%arg7 : memref<16x128xf32, #tpu.memory_space<vmem>>)
    %parallel_loop3A_366 = arith.constant 0 : i32
    %parallel_loop3A_367 = arith.constant 200 : i32
    %parallel_loop3A_368 = arith.constant 1 : i32
    scf.for %parallel_loop3A_675 = %parallel_loop3A_366 to %parallel_loop3A_367 step %parallel_loop3A_368  : i32 {
      %parallel_loop3A_676 = arith.index_cast %parallel_loop3A_675 : i32 to index
      %parallel_loop3A_677 = arith.constant 16 : index
      %parallel_loop3A_678 = tpu.vector_load %arg4[%parallel_loop3A_676, %parallel_loop3A_677] {strides = array<i32>} : memref<200x128xi32, #tpu.memory_space<vmem>>, vector<16xi32>,
      tpu.vector_store_idx %arg7[%iota3A, %parallel_loop3A_678], %broadcast_in_dim3A_1 {add = true} : memref<16x128xf32, #tpu.memory_space<vmem>>[vector<16xi32>, vector<16xi32>], vector<16xf32>,
    } {sc.loop_unroll_factor = 16 : i64, sc.parallel_access}
    %mul3A_369 = arith.constant 512 : i32
    %mul3A_370 = arith.muli %add3A, %mul3A_369 : i32
    %add3A_371 = arith.constant 272 : i32
    %add3A_372 = arith.addi %mul3A_370, %add3A_371 : i32
    %dma_start3A_373 = arith.constant 0 : i32
    %dma_start3A_374 = tpu.memref_slice %arg3[%add3A_372, %dma_start3A_373] : memref<16384x128xf32, #tpu.memory_space<hbm>> -> memref<16x128xf32, #tpu.memory_space<hbm>>
    %dma_start3A_375 = arith.constant 0 : i32
    %dma_start3A_376 = tpu.memref_slice %arg3[%add3A_372, %dma_start3A_375] : memref<16384x128xf32, #tpu.memory_space<hbm>> -> memref<16x128xf32, #tpu.memory_space<hbm>>
    tpu.enqueue_dma source(%arg7 : memref<16x128xf32, #tpu.memory_space<vmem>>) target(%dma_start3A_376 : memref<16x128xf32, #tpu.memory_space<hbm>>) target_semaphore(%arg14 : memref<!tpu.dma_semaphore, #tpu.memory_space<semaphore_mem>>)
    %mul3A_377 = arith.constant 512 : i32
    %mul3A_378 = arith.muli %add3A, %mul3A_377 : i32
    %add3A_379 = arith.constant 272 : i32
    %add3A_380 = arith.addi %mul3A_378, %add3A_379 : i32
    %dma_wait3A_381 = arith.constant 0 : i32
    %dma_wait3A_382 = tpu.memref_slice %arg3[%add3A_380, %dma_wait3A_381] : memref<16384x128xf32, #tpu.memory_space<hbm>> -> memref<16x128xf32, #tpu.memory_space<hbm>>
    %dma_wait3A_383 = arith.constant 0 : i32
    %dma_wait3A_384 = tpu.memref_slice %arg3[%add3A_380, %dma_wait3A_383] : memref<16384x128xf32, #tpu.memory_space<hbm>> -> memref<16x128xf32, #tpu.memory_space<hbm>>
    tpu.wait_dma2 semaphore(%arg16 : memref<!tpu.dma_semaphore, #tpu.memory_space<semaphore_mem>>) src(%arg9 : memref<16x128xf32, #tpu.memory_space<vmem>>) dst(%dma_wait3A_384 : memref<16x128xf32, #tpu.memory_space<hbm>>)
    tpu.enqueue_dma source(%arg10 : memref<16x128xf32, #tpu.memory_space<vmem_shared>>) target(%arg9 : memref<16x128xf32, #tpu.memory_space<vmem>>) target_semaphore(%arg20 : memref<!tpu.dma_semaphore, #tpu.memory_space<semaphore_mem>>)
    tpu.wait_dma2 semaphore(%arg19 : memref<!tpu.dma_semaphore, #tpu.memory_space<semaphore_mem>>) src(%arg10 : memref<16x128xf32, #tpu.memory_space<vmem_shared>>) dst(%arg8 : memref<16x128xf32, #tpu.memory_space<vmem>>)
    %parallel_loop3A_385 = arith.constant 0 : i32
    %parallel_loop3A_386 = arith.constant 200 : i32
    %parallel_loop3A_387 = arith.constant 1 : i32
    scf.for %parallel_loop3A_675 = %parallel_loop3A_385 to %parallel_loop3A_386 step %parallel_loop3A_387  : i32 {
      %parallel_loop3A_676 = arith.index_cast %parallel_loop3A_675 : i32 to index
      %parallel_loop3A_677 = arith.constant 32 : index
      %parallel_loop3A_678 = tpu.vector_load %arg4[%parallel_loop3A_676, %parallel_loop3A_677] {strides = array<i32>} : memref<200x128xi32, #tpu.memory_space<vmem>>, vector<16xi32>,
      tpu.vector_store_idx %arg8[%iota3A, %parallel_loop3A_678], %broadcast_in_dim3A_1 {add = true} : memref<16x128xf32, #tpu.memory_space<vmem>>[vector<16xi32>, vector<16xi32>], vector<16xf32>,
    } {sc.loop_unroll_factor = 16 : i64, sc.parallel_access}
    %mul3A_388 = arith.constant 512 : i32
    %mul3A_389 = arith.muli %add3A, %mul3A_388 : i32
    %add3A_390 = arith.constant 288 : i32
    %add3A_391 = arith.addi %mul3A_389, %add3A_390 : i32
    %dma_start3A_392 = arith.constant 0 : i32
    %dma_start3A_393 = tpu.memref_slice %arg3[%add3A_391, %dma_start3A_392] : memref<16384x128xf32, #tpu.memory_space<hbm>> -> memref<16x128xf32, #tpu.memory_space<hbm>>
    %dma_start3A_394 = arith.constant 0 : i32
    %dma_start3A_395 = tpu.memref_slice %arg3[%add3A_391, %dma_start3A_394] : memref<16384x128xf32, #tpu.memory_space<hbm>> -> memref<16x128xf32, #tpu.memory_space<hbm>>
    tpu.enqueue_dma source(%arg8 : memref<16x128xf32, #tpu.memory_space<vmem>>) target(%dma_start3A_395 : memref<16x128xf32, #tpu.memory_space<hbm>>) target_semaphore(%arg15 : memref<!tpu.dma_semaphore, #tpu.memory_space<semaphore_mem>>)
    %mul3A_396 = arith.constant 512 : i32
    %mul3A_397 = arith.muli %add3A, %mul3A_396 : i32
    %add3A_398 = arith.constant 288 : i32
    %add3A_399 = arith.addi %mul3A_397, %add3A_398 : i32
    %dma_wait3A_400 = arith.constant 0 : i32
    %dma_wait3A_401 = tpu.memref_slice %arg3[%add3A_399, %dma_wait3A_400] : memref<16384x128xf32, #tpu.memory_space<hbm>> -> memref<16x128xf32, #tpu.memory_space<hbm>>
    %dma_wait3A_402 = arith.constant 0 : i32
    %dma_wait3A_403 = tpu.memref_slice %arg3[%add3A_399, %dma_wait3A_402] : memref<16384x128xf32, #tpu.memory_space<hbm>> -> memref<16x128xf32, #tpu.memory_space<hbm>>
    tpu.wait_dma2 semaphore(%arg13 : memref<!tpu.dma_semaphore, #tpu.memory_space<semaphore_mem>>) src(%arg6 : memref<16x128xf32, #tpu.memory_space<vmem>>) dst(%dma_wait3A_403 : memref<16x128xf32, #tpu.memory_space<hbm>>)
    tpu.enqueue_dma source(%arg10 : memref<16x128xf32, #tpu.memory_space<vmem_shared>>) target(%arg6 : memref<16x128xf32, #tpu.memory_space<vmem>>) target_semaphore(%arg17 : memref<!tpu.dma_semaphore, #tpu.memory_space<semaphore_mem>>)
    tpu.wait_dma2 semaphore(%arg20 : memref<!tpu.dma_semaphore, #tpu.memory_space<semaphore_mem>>) src(%arg10 : memref<16x128xf32, #tpu.memory_space<vmem_shared>>) dst(%arg9 : memref<16x128xf32, #tpu.memory_space<vmem>>)
    %parallel_loop3A_404 = arith.constant 0 : i32
    %parallel_loop3A_405 = arith.constant 200 : i32
    %parallel_loop3A_406 = arith.constant 1 : i32
    scf.for %parallel_loop3A_675 = %parallel_loop3A_404 to %parallel_loop3A_405 step %parallel_loop3A_406  : i32 {
      %parallel_loop3A_676 = arith.index_cast %parallel_loop3A_675 : i32 to index
      %parallel_loop3A_677 = arith.constant 48 : index
      %parallel_loop3A_678 = tpu.vector_load %arg4[%parallel_loop3A_676, %parallel_loop3A_677] {strides = array<i32>} : memref<200x128xi32, #tpu.memory_space<vmem>>, vector<16xi32>,
      tpu.vector_store_idx %arg9[%iota3A, %parallel_loop3A_678], %broadcast_in_dim3A_1 {add = true} : memref<16x128xf32, #tpu.memory_space<vmem>>[vector<16xi32>, vector<16xi32>], vector<16xf32>,
    } {sc.loop_unroll_factor = 16 : i64, sc.parallel_access}
    %mul3A_407 = arith.constant 512 : i32
    %mul3A_408 = arith.muli %add3A, %mul3A_407 : i32
    %add3A_409 = arith.constant 304 : i32
    %add3A_410 = arith.addi %mul3A_408, %add3A_409 : i32
    %dma_start3A_411 = arith.constant 0 : i32
    %dma_start3A_412 = tpu.memref_slice %arg3[%add3A_410, %dma_start3A_411] : memref<16384x128xf32, #tpu.memory_space<hbm>> -> memref<16x128xf32, #tpu.memory_space<hbm>>
    %dma_start3A_413 = arith.constant 0 : i32
    %dma_start3A_414 = tpu.memref_slice %arg3[%add3A_410, %dma_start3A_413] : memref<16384x128xf32, #tpu.memory_space<hbm>> -> memref<16x128xf32, #tpu.memory_space<hbm>>
    tpu.enqueue_dma source(%arg9 : memref<16x128xf32, #tpu.memory_space<vmem>>) target(%dma_start3A_414 : memref<16x128xf32, #tpu.memory_space<hbm>>) target_semaphore(%arg16 : memref<!tpu.dma_semaphore, #tpu.memory_space<semaphore_mem>>)
    %mul3A_415 = arith.constant 512 : i32
    %mul3A_416 = arith.muli %add3A, %mul3A_415 : i32
    %add3A_417 = arith.constant 304 : i32
    %add3A_418 = arith.addi %mul3A_416, %add3A_417 : i32
    %dma_wait3A_419 = arith.constant 0 : i32
    %dma_wait3A_420 = tpu.memref_slice %arg3[%add3A_418, %dma_wait3A_419] : memref<16384x128xf32, #tpu.memory_space<hbm>> -> memref<16x128xf32, #tpu.memory_space<hbm>>
    %dma_wait3A_421 = arith.constant 0 : i32
    %dma_wait3A_422 = tpu.memref_slice %arg3[%add3A_418, %dma_wait3A_421] : memref<16384x128xf32, #tpu.memory_space<hbm>> -> memref<16x128xf32, #tpu.memory_space<hbm>>
    tpu.wait_dma2 semaphore(%arg14 : memref<!tpu.dma_semaphore, #tpu.memory_space<semaphore_mem>>) src(%arg7 : memref<16x128xf32, #tpu.memory_space<vmem>>) dst(%dma_wait3A_422 : memref<16x128xf32, #tpu.memory_space<hbm>>)
    tpu.enqueue_dma source(%arg10 : memref<16x128xf32, #tpu.memory_space<vmem_shared>>) target(%arg7 : memref<16x128xf32, #tpu.memory_space<vmem>>) target_semaphore(%arg18 : memref<!tpu.dma_semaphore, #tpu.memory_space<semaphore_mem>>)
    tpu.wait_dma2 semaphore(%arg17 : memref<!tpu.dma_semaphore, #tpu.memory_space<semaphore_mem>>) src(%arg10 : memref<16x128xf32, #tpu.memory_space<vmem_shared>>) dst(%arg6 : memref<16x128xf32, #tpu.memory_space<vmem>>)
    %parallel_loop3A_423 = arith.constant 0 : i32
    %parallel_loop3A_424 = arith.constant 200 : i32
    %parallel_loop3A_425 = arith.constant 1 : i32
    scf.for %parallel_loop3A_675 = %parallel_loop3A_423 to %parallel_loop3A_424 step %parallel_loop3A_425  : i32 {
      %parallel_loop3A_676 = arith.index_cast %parallel_loop3A_675 : i32 to index
      %parallel_loop3A_677 = arith.constant 64 : index
      %parallel_loop3A_678 = tpu.vector_load %arg4[%parallel_loop3A_676, %parallel_loop3A_677] {strides = array<i32>} : memref<200x128xi32, #tpu.memory_space<vmem>>, vector<16xi32>,
      tpu.vector_store_idx %arg6[%iota3A, %parallel_loop3A_678], %broadcast_in_dim3A_1 {add = true} : memref<16x128xf32, #tpu.memory_space<vmem>>[vector<16xi32>, vector<16xi32>], vector<16xf32>,
    } {sc.loop_unroll_factor = 16 : i64, sc.parallel_access}
    %mul3A_426 = arith.constant 512 : i32
    %mul3A_427 = arith.muli %add3A, %mul3A_426 : i32
    %add3A_428 = arith.constant 320 : i32
    %add3A_429 = arith.addi %mul3A_427, %add3A_428 : i32
    %dma_start3A_430 = arith.constant 0 : i32
    %dma_start3A_431 = tpu.memref_slice %arg3[%add3A_429, %dma_start3A_430] : memref<16384x128xf32, #tpu.memory_space<hbm>> -> memref<16x128xf32, #tpu.memory_space<hbm>>
    %dma_start3A_432 = arith.constant 0 : i32
    %dma_start3A_433 = tpu.memref_slice %arg3[%add3A_429, %dma_start3A_432] : memref<16384x128xf32, #tpu.memory_space<hbm>> -> memref<16x128xf32, #tpu.memory_space<hbm>>
    tpu.enqueue_dma source(%arg6 : memref<16x128xf32, #tpu.memory_space<vmem>>) target(%dma_start3A_433 : memref<16x128xf32, #tpu.memory_space<hbm>>) target_semaphore(%arg13 : memref<!tpu.dma_semaphore, #tpu.memory_space<semaphore_mem>>)
    %mul3A_434 = arith.constant 512 : i32
    %mul3A_435 = arith.muli %add3A, %mul3A_434 : i32
    %add3A_436 = arith.constant 320 : i32
    %add3A_437 = arith.addi %mul3A_435, %add3A_436 : i32
    %dma_wait3A_438 = arith.constant 0 : i32
    %dma_wait3A_439 = tpu.memref_slice %arg3[%add3A_437, %dma_wait3A_438] : memref<16384x128xf32, #tpu.memory_space<hbm>> -> memref<16x128xf32, #tpu.memory_space<hbm>>
    %dma_wait3A_440 = arith.constant 0 : i32
    %dma_wait3A_441 = tpu.memref_slice %arg3[%add3A_437, %dma_wait3A_440] : memref<16384x128xf32, #tpu.memory_space<hbm>> -> memref<16x128xf32, #tpu.memory_space<hbm>>
    tpu.wait_dma2 semaphore(%arg15 : memref<!tpu.dma_semaphore, #tpu.memory_space<semaphore_mem>>) src(%arg8 : memref<16x128xf32, #tpu.memory_space<vmem>>) dst(%dma_wait3A_441 : memref<16x128xf32, #tpu.memory_space<hbm>>)
    tpu.enqueue_dma source(%arg10 : memref<16x128xf32, #tpu.memory_space<vmem_shared>>) target(%arg8 : memref<16x128xf32, #tpu.memory_space<vmem>>) target_semaphore(%arg19 : memref<!tpu.dma_semaphore, #tpu.memory_space<semaphore_mem>>)
    tpu.wait_dma2 semaphore(%arg18 : memref<!tpu.dma_semaphore, #tpu.memory_space<semaphore_mem>>) src(%arg10 : memref<16x128xf32, #tpu.memory_space<vmem_shared>>) dst(%arg7 : memref<16x128xf32, #tpu.memory_space<vmem>>)
    %parallel_loop3A_442 = arith.constant 0 : i32
    %parallel_loop3A_443 = arith.constant 200 : i32
    %parallel_loop3A_444 = arith.constant 1 : i32
    scf.for %parallel_loop3A_675 = %parallel_loop3A_442 to %parallel_loop3A_443 step %parallel_loop3A_444  : i32 {
      %parallel_loop3A_676 = arith.index_cast %parallel_loop3A_675 : i32 to index
      %parallel_loop3A_677 = arith.constant 80 : index
      %parallel_loop3A_678 = tpu.vector_load %arg4[%parallel_loop3A_676, %parallel_loop3A_677] {strides = array<i32>} : memref<200x128xi32, #tpu.memory_space<vmem>>, vector<16xi32>,
      tpu.vector_store_idx %arg7[%iota3A, %parallel_loop3A_678], %broadcast_in_dim3A_1 {add = true} : memref<16x128xf32, #tpu.memory_space<vmem>>[vector<16xi32>, vector<16xi32>], vector<16xf32>,
    } {sc.loop_unroll_factor = 16 : i64, sc.parallel_access}
    %mul3A_445 = arith.constant 512 : i32
    %mul3A_446 = arith.muli %add3A, %mul3A_445 : i32
    %add3A_447 = arith.constant 336 : i32
    %add3A_448 = arith.addi %mul3A_446, %add3A_447 : i32
    %dma_start3A_449 = arith.constant 0 : i32
    %dma_start3A_450 = tpu.memref_slice %arg3[%add3A_448, %dma_start3A_449] : memref<16384x128xf32, #tpu.memory_space<hbm>> -> memref<16x128xf32, #tpu.memory_space<hbm>>
    %dma_start3A_451 = arith.constant 0 : i32
    %dma_start3A_452 = tpu.memref_slice %arg3[%add3A_448, %dma_start3A_451] : memref<16384x128xf32, #tpu.memory_space<hbm>> -> memref<16x128xf32, #tpu.memory_space<hbm>>
    tpu.enqueue_dma source(%arg7 : memref<16x128xf32, #tpu.memory_space<vmem>>) target(%dma_start3A_452 : memref<16x128xf32, #tpu.memory_space<hbm>>) target_semaphore(%arg14 : memref<!tpu.dma_semaphore, #tpu.memory_space<semaphore_mem>>)
    %mul3A_453 = arith.constant 512 : i32
    %mul3A_454 = arith.muli %add3A, %mul3A_453 : i32
    %add3A_455 = arith.constant 336 : i32
    %add3A_456 = arith.addi %mul3A_454, %add3A_455 : i32
    %dma_wait3A_457 = arith.constant 0 : i32
    %dma_wait3A_458 = tpu.memref_slice %arg3[%add3A_456, %dma_wait3A_457] : memref<16384x128xf32, #tpu.memory_space<hbm>> -> memref<16x128xf32, #tpu.memory_space<hbm>>
    %dma_wait3A_459 = arith.constant 0 : i32
    %dma_wait3A_460 = tpu.memref_slice %arg3[%add3A_456, %dma_wait3A_459] : memref<16384x128xf32, #tpu.memory_space<hbm>> -> memref<16x128xf32, #tpu.memory_space<hbm>>
    tpu.wait_dma2 semaphore(%arg16 : memref<!tpu.dma_semaphore, #tpu.memory_space<semaphore_mem>>) src(%arg9 : memref<16x128xf32, #tpu.memory_space<vmem>>) dst(%dma_wait3A_460 : memref<16x128xf32, #tpu.memory_space<hbm>>)
    tpu.enqueue_dma source(%arg10 : memref<16x128xf32, #tpu.memory_space<vmem_shared>>) target(%arg9 : memref<16x128xf32, #tpu.memory_space<vmem>>) target_semaphore(%arg20 : memref<!tpu.dma_semaphore, #tpu.memory_space<semaphore_mem>>)
    tpu.wait_dma2 semaphore(%arg19 : memref<!tpu.dma_semaphore, #tpu.memory_space<semaphore_mem>>) src(%arg10 : memref<16x128xf32, #tpu.memory_space<vmem_shared>>) dst(%arg8 : memref<16x128xf32, #tpu.memory_space<vmem>>)
    %parallel_loop3A_461 = arith.constant 0 : i32
    %parallel_loop3A_462 = arith.constant 200 : i32
    %parallel_loop3A_463 = arith.constant 1 : i32
    scf.for %parallel_loop3A_675 = %parallel_loop3A_461 to %parallel_loop3A_462 step %parallel_loop3A_463  : i32 {
      %parallel_loop3A_676 = arith.index_cast %parallel_loop3A_675 : i32 to index
      %parallel_loop3A_677 = arith.constant 96 : index
      %parallel_loop3A_678 = tpu.vector_load %arg4[%parallel_loop3A_676, %parallel_loop3A_677] {strides = array<i32>} : memref<200x128xi32, #tpu.memory_space<vmem>>, vector<16xi32>,
      tpu.vector_store_idx %arg8[%iota3A, %parallel_loop3A_678], %broadcast_in_dim3A_1 {add = true} : memref<16x128xf32, #tpu.memory_space<vmem>>[vector<16xi32>, vector<16xi32>], vector<16xf32>,
    } {sc.loop_unroll_factor = 16 : i64, sc.parallel_access}
    %mul3A_464 = arith.constant 512 : i32
    %mul3A_465 = arith.muli %add3A, %mul3A_464 : i32
    %add3A_466 = arith.constant 352 : i32
    %add3A_467 = arith.addi %mul3A_465, %add3A_466 : i32
    %dma_start3A_468 = arith.constant 0 : i32
    %dma_start3A_469 = tpu.memref_slice %arg3[%add3A_467, %dma_start3A_468] : memref<16384x128xf32, #tpu.memory_space<hbm>> -> memref<16x128xf32, #tpu.memory_space<hbm>>
    %dma_start3A_470 = arith.constant 0 : i32
    %dma_start3A_471 = tpu.memref_slice %arg3[%add3A_467, %dma_start3A_470] : memref<16384x128xf32, #tpu.memory_space<hbm>> -> memref<16x128xf32, #tpu.memory_space<hbm>>
    tpu.enqueue_dma source(%arg8 : memref<16x128xf32, #tpu.memory_space<vmem>>) target(%dma_start3A_471 : memref<16x128xf32, #tpu.memory_space<hbm>>) target_semaphore(%arg15 : memref<!tpu.dma_semaphore, #tpu.memory_space<semaphore_mem>>)
    %mul3A_472 = arith.constant 512 : i32
    %mul3A_473 = arith.muli %add3A, %mul3A_472 : i32
    %add3A_474 = arith.constant 352 : i32
    %add3A_475 = arith.addi %mul3A_473, %add3A_474 : i32
    %dma_wait3A_476 = arith.constant 0 : i32
    %dma_wait3A_477 = tpu.memref_slice %arg3[%add3A_475, %dma_wait3A_476] : memref<16384x128xf32, #tpu.memory_space<hbm>> -> memref<16x128xf32, #tpu.memory_space<hbm>>
    %dma_wait3A_478 = arith.constant 0 : i32
    %dma_wait3A_479 = tpu.memref_slice %arg3[%add3A_475, %dma_wait3A_478] : memref<16384x128xf32, #tpu.memory_space<hbm>> -> memref<16x128xf32, #tpu.memory_space<hbm>>
    tpu.wait_dma2 semaphore(%arg13 : memref<!tpu.dma_semaphore, #tpu.memory_space<semaphore_mem>>) src(%arg6 : memref<16x128xf32, #tpu.memory_space<vmem>>) dst(%dma_wait3A_479 : memref<16x128xf32, #tpu.memory_space<hbm>>)
    tpu.enqueue_dma source(%arg10 : memref<16x128xf32, #tpu.memory_space<vmem_shared>>) target(%arg6 : memref<16x128xf32, #tpu.memory_space<vmem>>) target_semaphore(%arg17 : memref<!tpu.dma_semaphore, #tpu.memory_space<semaphore_mem>>)
    tpu.wait_dma2 semaphore(%arg20 : memref<!tpu.dma_semaphore, #tpu.memory_space<semaphore_mem>>) src(%arg10 : memref<16x128xf32, #tpu.memory_space<vmem_shared>>) dst(%arg9 : memref<16x128xf32, #tpu.memory_space<vmem>>)
    %parallel_loop3A_480 = arith.constant 0 : i32
    %parallel_loop3A_481 = arith.constant 200 : i32
    %parallel_loop3A_482 = arith.constant 1 : i32
    scf.for %parallel_loop3A_675 = %parallel_loop3A_480 to %parallel_loop3A_481 step %parallel_loop3A_482  : i32 {
      %parallel_loop3A_676 = arith.index_cast %parallel_loop3A_675 : i32 to index
      %parallel_loop3A_677 = arith.constant 112 : index
      %parallel_loop3A_678 = tpu.vector_load %arg4[%parallel_loop3A_676, %parallel_loop3A_677] {strides = array<i32>} : memref<200x128xi32, #tpu.memory_space<vmem>>, vector<16xi32>,
      tpu.vector_store_idx %arg9[%iota3A, %parallel_loop3A_678], %broadcast_in_dim3A_1 {add = true} : memref<16x128xf32, #tpu.memory_space<vmem>>[vector<16xi32>, vector<16xi32>], vector<16xf32>,
    } {sc.loop_unroll_factor = 16 : i64, sc.parallel_access}
    %mul3A_483 = arith.constant 512 : i32
    %mul3A_484 = arith.muli %add3A, %mul3A_483 : i32
    %add3A_485 = arith.constant 368 : i32
    %add3A_486 = arith.addi %mul3A_484, %add3A_485 : i32
    %dma_start3A_487 = arith.constant 0 : i32
    %dma_start3A_488 = tpu.memref_slice %arg3[%add3A_486, %dma_start3A_487] : memref<16384x128xf32, #tpu.memory_space<hbm>> -> memref<16x128xf32, #tpu.memory_space<hbm>>
    %dma_start3A_489 = arith.constant 0 : i32
    %dma_start3A_490 = tpu.memref_slice %arg3[%add3A_486, %dma_start3A_489] : memref<16384x128xf32, #tpu.memory_space<hbm>> -> memref<16x128xf32, #tpu.memory_space<hbm>>
    tpu.enqueue_dma source(%arg9 : memref<16x128xf32, #tpu.memory_space<vmem>>) target(%dma_start3A_490 : memref<16x128xf32, #tpu.memory_space<hbm>>) target_semaphore(%arg16 : memref<!tpu.dma_semaphore, #tpu.memory_space<semaphore_mem>>)
    %mul3A_491 = arith.constant 512 : i32
    %mul3A_492 = arith.muli %add3A, %mul3A_491 : i32
    %add3A_493 = arith.constant 368 : i32
    %add3A_494 = arith.addi %mul3A_492, %add3A_493 : i32
    %dma_wait3A_495 = arith.constant 0 : i32
    %dma_wait3A_496 = tpu.memref_slice %arg3[%add3A_494, %dma_wait3A_495] : memref<16384x128xf32, #tpu.memory_space<hbm>> -> memref<16x128xf32, #tpu.memory_space<hbm>>
    %dma_wait3A_497 = arith.constant 0 : i32
    %dma_wait3A_498 = tpu.memref_slice %arg3[%add3A_494, %dma_wait3A_497] : memref<16384x128xf32, #tpu.memory_space<hbm>> -> memref<16x128xf32, #tpu.memory_space<hbm>>
    tpu.wait_dma2 semaphore(%arg14 : memref<!tpu.dma_semaphore, #tpu.memory_space<semaphore_mem>>) src(%arg7 : memref<16x128xf32, #tpu.memory_space<vmem>>) dst(%dma_wait3A_498 : memref<16x128xf32, #tpu.memory_space<hbm>>)
    tpu.enqueue_dma source(%arg10 : memref<16x128xf32, #tpu.memory_space<vmem_shared>>) target(%arg7 : memref<16x128xf32, #tpu.memory_space<vmem>>) target_semaphore(%arg18 : memref<!tpu.dma_semaphore, #tpu.memory_space<semaphore_mem>>)
    %mul3A_499 = arith.constant 512 : i32
    %mul3A_500 = arith.muli %add3A, %mul3A_499 : i32
    %add3A_501 = arith.constant 384 : i32
    %add3A_502 = arith.addi %mul3A_500, %add3A_501 : i32
    %dma_wait3A_503 = arith.constant 0 : i32
    %dma_wait3A_504 = tpu.memref_slice %arg2[%dma_wait3A_503, %add3A_502] : memref<200x16384xi32, #tpu.memory_space<hbm>> -> memref<200x128xi32, #tpu.memory_space<hbm>>
    %dma_wait3A_505 = arith.constant 0 : i32
    %dma_wait3A_506 = tpu.memref_slice %arg2[%dma_wait3A_505, %add3A_502] : memref<200x16384xi32, #tpu.memory_space<hbm>> -> memref<200x128xi32, #tpu.memory_space<hbm>>
    tpu.wait_dma2 semaphore(%arg12 : memref<!tpu.dma_semaphore, #tpu.memory_space<semaphore_mem>>) src(%dma_wait3A_506 : memref<200x128xi32, #tpu.memory_space<hbm>>) dst(%arg5 : memref<200x128xi32, #tpu.memory_space<vmem>>)
    tpu.wait_dma2 semaphore(%arg17 : memref<!tpu.dma_semaphore, #tpu.memory_space<semaphore_mem>>) src(%arg10 : memref<16x128xf32, #tpu.memory_space<vmem_shared>>) dst(%arg6 : memref<16x128xf32, #tpu.memory_space<vmem>>)
    %parallel_loop3A_507 = arith.constant 0 : i32
    %parallel_loop3A_508 = arith.constant 200 : i32
    %parallel_loop3A_509 = arith.constant 1 : i32
    scf.for %parallel_loop3A_675 = %parallel_loop3A_507 to %parallel_loop3A_508 step %parallel_loop3A_509  : i32 {
      %parallel_loop3A_676 = arith.index_cast %parallel_loop3A_675 : i32 to index
      %parallel_loop3A_677 = arith.constant 0 : index
      %parallel_loop3A_678 = tpu.vector_load %arg5[%parallel_loop3A_676, %parallel_loop3A_677] {strides = array<i32>} : memref<200x128xi32, #tpu.memory_space<vmem>>, vector<16xi32>,
      tpu.vector_store_idx %arg6[%iota3A, %parallel_loop3A_678], %broadcast_in_dim3A_1 {add = true} : memref<16x128xf32, #tpu.memory_space<vmem>>[vector<16xi32>, vector<16xi32>], vector<16xf32>,
    } {sc.loop_unroll_factor = 16 : i64, sc.parallel_access}
    %mul3A_510 = arith.constant 512 : i32
    %mul3A_511 = arith.muli %add3A, %mul3A_510 : i32
    %add3A_512 = arith.constant 384 : i32
    %add3A_513 = arith.addi %mul3A_511, %add3A_512 : i32
    %dma_start3A_514 = arith.constant 0 : i32
    %dma_start3A_515 = tpu.memref_slice %arg3[%add3A_513, %dma_start3A_514] : memref<16384x128xf32, #tpu.memory_space<hbm>> -> memref<16x128xf32, #tpu.memory_space<hbm>>
    %dma_start3A_516 = arith.constant 0 : i32
    %dma_start3A_517 = tpu.memref_slice %arg3[%add3A_513, %dma_start3A_516] : memref<16384x128xf32, #tpu.memory_space<hbm>> -> memref<16x128xf32, #tpu.memory_space<hbm>>
    tpu.enqueue_dma source(%arg6 : memref<16x128xf32, #tpu.memory_space<vmem>>) target(%dma_start3A_517 : memref<16x128xf32, #tpu.memory_space<hbm>>) target_semaphore(%arg13 : memref<!tpu.dma_semaphore, #tpu.memory_space<semaphore_mem>>)
    %mul3A_518 = arith.constant 512 : i32
    %mul3A_519 = arith.muli %add3A, %mul3A_518 : i32
    %add3A_520 = arith.constant 384 : i32
    %add3A_521 = arith.addi %mul3A_519, %add3A_520 : i32
    %dma_wait3A_522 = arith.constant 0 : i32
    %dma_wait3A_523 = tpu.memref_slice %arg3[%add3A_521, %dma_wait3A_522] : memref<16384x128xf32, #tpu.memory_space<hbm>> -> memref<16x128xf32, #tpu.memory_space<hbm>>
    %dma_wait3A_524 = arith.constant 0 : i32
    %dma_wait3A_525 = tpu.memref_slice %arg3[%add3A_521, %dma_wait3A_524] : memref<16384x128xf32, #tpu.memory_space<hbm>> -> memref<16x128xf32, #tpu.memory_space<hbm>>
    tpu.wait_dma2 semaphore(%arg15 : memref<!tpu.dma_semaphore, #tpu.memory_space<semaphore_mem>>) src(%arg8 : memref<16x128xf32, #tpu.memory_space<vmem>>) dst(%dma_wait3A_525 : memref<16x128xf32, #tpu.memory_space<hbm>>)
    tpu.enqueue_dma source(%arg10 : memref<16x128xf32, #tpu.memory_space<vmem_shared>>) target(%arg8 : memref<16x128xf32, #tpu.memory_space<vmem>>) target_semaphore(%arg19 : memref<!tpu.dma_semaphore, #tpu.memory_space<semaphore_mem>>)
    tpu.wait_dma2 semaphore(%arg18 : memref<!tpu.dma_semaphore, #tpu.memory_space<semaphore_mem>>) src(%arg10 : memref<16x128xf32, #tpu.memory_space<vmem_shared>>) dst(%arg7 : memref<16x128xf32, #tpu.memory_space<vmem>>)
    %parallel_loop3A_526 = arith.constant 0 : i32
    %parallel_loop3A_527 = arith.constant 200 : i32
    %parallel_loop3A_528 = arith.constant 1 : i32
    scf.for %parallel_loop3A_675 = %parallel_loop3A_526 to %parallel_loop3A_527 step %parallel_loop3A_528  : i32 {
      %parallel_loop3A_676 = arith.index_cast %parallel_loop3A_675 : i32 to index
      %parallel_loop3A_677 = arith.constant 16 : index
      %parallel_loop3A_678 = tpu.vector_load %arg5[%parallel_loop3A_676, %parallel_loop3A_677] {strides = array<i32>} : memref<200x128xi32, #tpu.memory_space<vmem>>, vector<16xi32>,
      tpu.vector_store_idx %arg7[%iota3A, %parallel_loop3A_678], %broadcast_in_dim3A_1 {add = true} : memref<16x128xf32, #tpu.memory_space<vmem>>[vector<16xi32>, vector<16xi32>], vector<16xf32>,
    } {sc.loop_unroll_factor = 16 : i64, sc.parallel_access}
    %mul3A_529 = arith.constant 512 : i32
    %mul3A_530 = arith.muli %add3A, %mul3A_529 : i32
    %add3A_531 = arith.constant 400 : i32
    %add3A_532 = arith.addi %mul3A_530, %add3A_531 : i32
    %dma_start3A_533 = arith.constant 0 : i32
    %dma_start3A_534 = tpu.memref_slice %arg3[%add3A_532, %dma_start3A_533] : memref<16384x128xf32, #tpu.memory_space<hbm>> -> memref<16x128xf32, #tpu.memory_space<hbm>>
    %dma_start3A_535 = arith.constant 0 : i32
    %dma_start3A_536 = tpu.memref_slice %arg3[%add3A_532, %dma_start3A_535] : memref<16384x128xf32, #tpu.memory_space<hbm>> -> memref<16x128xf32, #tpu.memory_space<hbm>>
    tpu.enqueue_dma source(%arg7 : memref<16x128xf32, #tpu.memory_space<vmem>>) target(%dma_start3A_536 : memref<16x128xf32, #tpu.memory_space<hbm>>) target_semaphore(%arg14 : memref<!tpu.dma_semaphore, #tpu.memory_space<semaphore_mem>>)
    %mul3A_537 = arith.constant 512 : i32
    %mul3A_538 = arith.muli %add3A, %mul3A_537 : i32
    %add3A_539 = arith.constant 400 : i32
    %add3A_540 = arith.addi %mul3A_538, %add3A_539 : i32
    %dma_wait3A_541 = arith.constant 0 : i32
    %dma_wait3A_542 = tpu.memref_slice %arg3[%add3A_540, %dma_wait3A_541] : memref<16384x128xf32, #tpu.memory_space<hbm>> -> memref<16x128xf32, #tpu.memory_space<hbm>>
    %dma_wait3A_543 = arith.constant 0 : i32
    %dma_wait3A_544 = tpu.memref_slice %arg3[%add3A_540, %dma_wait3A_543] : memref<16384x128xf32, #tpu.memory_space<hbm>> -> memref<16x128xf32, #tpu.memory_space<hbm>>
    tpu.wait_dma2 semaphore(%arg16 : memref<!tpu.dma_semaphore, #tpu.memory_space<semaphore_mem>>) src(%arg9 : memref<16x128xf32, #tpu.memory_space<vmem>>) dst(%dma_wait3A_544 : memref<16x128xf32, #tpu.memory_space<hbm>>)
    tpu.enqueue_dma source(%arg10 : memref<16x128xf32, #tpu.memory_space<vmem_shared>>) target(%arg9 : memref<16x128xf32, #tpu.memory_space<vmem>>) target_semaphore(%arg20 : memref<!tpu.dma_semaphore, #tpu.memory_space<semaphore_mem>>)
    tpu.wait_dma2 semaphore(%arg19 : memref<!tpu.dma_semaphore, #tpu.memory_space<semaphore_mem>>) src(%arg10 : memref<16x128xf32, #tpu.memory_space<vmem_shared>>) dst(%arg8 : memref<16x128xf32, #tpu.memory_space<vmem>>)
    %parallel_loop3A_545 = arith.constant 0 : i32
    %parallel_loop3A_546 = arith.constant 200 : i32
    %parallel_loop3A_547 = arith.constant 1 : i32
    scf.for %parallel_loop3A_675 = %parallel_loop3A_545 to %parallel_loop3A_546 step %parallel_loop3A_547  : i32 {
      %parallel_loop3A_676 = arith.index_cast %parallel_loop3A_675 : i32 to index
      %parallel_loop3A_677 = arith.constant 32 : index
      %parallel_loop3A_678 = tpu.vector_load %arg5[%parallel_loop3A_676, %parallel_loop3A_677] {strides = array<i32>} : memref<200x128xi32, #tpu.memory_space<vmem>>, vector<16xi32>,
      tpu.vector_store_idx %arg8[%iota3A, %parallel_loop3A_678], %broadcast_in_dim3A_1 {add = true} : memref<16x128xf32, #tpu.memory_space<vmem>>[vector<16xi32>, vector<16xi32>], vector<16xf32>,
    } {sc.loop_unroll_factor = 16 : i64, sc.parallel_access}
    %mul3A_548 = arith.constant 512 : i32
    %mul3A_549 = arith.muli %add3A, %mul3A_548 : i32
    %add3A_550 = arith.constant 416 : i32
    %add3A_551 = arith.addi %mul3A_549, %add3A_550 : i32
    %dma_start3A_552 = arith.constant 0 : i32
    %dma_start3A_553 = tpu.memref_slice %arg3[%add3A_551, %dma_start3A_552] : memref<16384x128xf32, #tpu.memory_space<hbm>> -> memref<16x128xf32, #tpu.memory_space<hbm>>
    %dma_start3A_554 = arith.constant 0 : i32
    %dma_start3A_555 = tpu.memref_slice %arg3[%add3A_551, %dma_start3A_554] : memref<16384x128xf32, #tpu.memory_space<hbm>> -> memref<16x128xf32, #tpu.memory_space<hbm>>
    tpu.enqueue_dma source(%arg8 : memref<16x128xf32, #tpu.memory_space<vmem>>) target(%dma_start3A_555 : memref<16x128xf32, #tpu.memory_space<hbm>>) target_semaphore(%arg15 : memref<!tpu.dma_semaphore, #tpu.memory_space<semaphore_mem>>)
    %mul3A_556 = arith.constant 512 : i32
    %mul3A_557 = arith.muli %add3A, %mul3A_556 : i32
    %add3A_558 = arith.constant 416 : i32
    %add3A_559 = arith.addi %mul3A_557, %add3A_558 : i32
    %dma_wait3A_560 = arith.constant 0 : i32
    %dma_wait3A_561 = tpu.memref_slice %arg3[%add3A_559, %dma_wait3A_560] : memref<16384x128xf32, #tpu.memory_space<hbm>> -> memref<16x128xf32, #tpu.memory_space<hbm>>
    %dma_wait3A_562 = arith.constant 0 : i32
    %dma_wait3A_563 = tpu.memref_slice %arg3[%add3A_559, %dma_wait3A_562] : memref<16384x128xf32, #tpu.memory_space<hbm>> -> memref<16x128xf32, #tpu.memory_space<hbm>>
    tpu.wait_dma2 semaphore(%arg13 : memref<!tpu.dma_semaphore, #tpu.memory_space<semaphore_mem>>) src(%arg6 : memref<16x128xf32, #tpu.memory_space<vmem>>) dst(%dma_wait3A_563 : memref<16x128xf32, #tpu.memory_space<hbm>>)
    tpu.enqueue_dma source(%arg10 : memref<16x128xf32, #tpu.memory_space<vmem_shared>>) target(%arg6 : memref<16x128xf32, #tpu.memory_space<vmem>>) target_semaphore(%arg17 : memref<!tpu.dma_semaphore, #tpu.memory_space<semaphore_mem>>)
    tpu.wait_dma2 semaphore(%arg20 : memref<!tpu.dma_semaphore, #tpu.memory_space<semaphore_mem>>) src(%arg10 : memref<16x128xf32, #tpu.memory_space<vmem_shared>>) dst(%arg9 : memref<16x128xf32, #tpu.memory_space<vmem>>)
    %parallel_loop3A_564 = arith.constant 0 : i32
    %parallel_loop3A_565 = arith.constant 200 : i32
    %parallel_loop3A_566 = arith.constant 1 : i32
    scf.for %parallel_loop3A_675 = %parallel_loop3A_564 to %parallel_loop3A_565 step %parallel_loop3A_566  : i32 {
      %parallel_loop3A_676 = arith.index_cast %parallel_loop3A_675 : i32 to index
      %parallel_loop3A_677 = arith.constant 48 : index
      %parallel_loop3A_678 = tpu.vector_load %arg5[%parallel_loop3A_676, %parallel_loop3A_677] {strides = array<i32>} : memref<200x128xi32, #tpu.memory_space<vmem>>, vector<16xi32>,
      tpu.vector_store_idx %arg9[%iota3A, %parallel_loop3A_678], %broadcast_in_dim3A_1 {add = true} : memref<16x128xf32, #tpu.memory_space<vmem>>[vector<16xi32>, vector<16xi32>], vector<16xf32>,
    } {sc.loop_unroll_factor = 16 : i64, sc.parallel_access}
    %mul3A_567 = arith.constant 512 : i32
    %mul3A_568 = arith.muli %add3A, %mul3A_567 : i32
    %add3A_569 = arith.constant 432 : i32
    %add3A_570 = arith.addi %mul3A_568, %add3A_569 : i32
    %dma_start3A_571 = arith.constant 0 : i32
    %dma_start3A_572 = tpu.memref_slice %arg3[%add3A_570, %dma_start3A_571] : memref<16384x128xf32, #tpu.memory_space<hbm>> -> memref<16x128xf32, #tpu.memory_space<hbm>>
    %dma_start3A_573 = arith.constant 0 : i32
    %dma_start3A_574 = tpu.memref_slice %arg3[%add3A_570, %dma_start3A_573] : memref<16384x128xf32, #tpu.memory_space<hbm>> -> memref<16x128xf32, #tpu.memory_space<hbm>>
    tpu.enqueue_dma source(%arg9 : memref<16x128xf32, #tpu.memory_space<vmem>>) target(%dma_start3A_574 : memref<16x128xf32, #tpu.memory_space<hbm>>) target_semaphore(%arg16 : memref<!tpu.dma_semaphore, #tpu.memory_space<semaphore_mem>>)
    %mul3A_575 = arith.constant 512 : i32
    %mul3A_576 = arith.muli %add3A, %mul3A_575 : i32
    %add3A_577 = arith.constant 432 : i32
    %add3A_578 = arith.addi %mul3A_576, %add3A_577 : i32
    %dma_wait3A_579 = arith.constant 0 : i32
    %dma_wait3A_580 = tpu.memref_slice %arg3[%add3A_578, %dma_wait3A_579] : memref<16384x128xf32, #tpu.memory_space<hbm>> -> memref<16x128xf32, #tpu.memory_space<hbm>>
    %dma_wait3A_581 = arith.constant 0 : i32
    %dma_wait3A_582 = tpu.memref_slice %arg3[%add3A_578, %dma_wait3A_581] : memref<16384x128xf32, #tpu.memory_space<hbm>> -> memref<16x128xf32, #tpu.memory_space<hbm>>
    tpu.wait_dma2 semaphore(%arg14 : memref<!tpu.dma_semaphore, #tpu.memory_space<semaphore_mem>>) src(%arg7 : memref<16x128xf32, #tpu.memory_space<vmem>>) dst(%dma_wait3A_582 : memref<16x128xf32, #tpu.memory_space<hbm>>)
    tpu.enqueue_dma source(%arg10 : memref<16x128xf32, #tpu.memory_space<vmem_shared>>) target(%arg7 : memref<16x128xf32, #tpu.memory_space<vmem>>) target_semaphore(%arg18 : memref<!tpu.dma_semaphore, #tpu.memory_space<semaphore_mem>>)
    tpu.wait_dma2 semaphore(%arg17 : memref<!tpu.dma_semaphore, #tpu.memory_space<semaphore_mem>>) src(%arg10 : memref<16x128xf32, #tpu.memory_space<vmem_shared>>) dst(%arg6 : memref<16x128xf32, #tpu.memory_space<vmem>>)
    %parallel_loop3A_583 = arith.constant 0 : i32
    %parallel_loop3A_584 = arith.constant 200 : i32
    %parallel_loop3A_585 = arith.constant 1 : i32
    scf.for %parallel_loop3A_675 = %parallel_loop3A_583 to %parallel_loop3A_584 step %parallel_loop3A_585  : i32 {
      %parallel_loop3A_676 = arith.index_cast %parallel_loop3A_675 : i32 to index
      %parallel_loop3A_677 = arith.constant 64 : index
      %parallel_loop3A_678 = tpu.vector_load %arg5[%parallel_loop3A_676, %parallel_loop3A_677] {strides = array<i32>} : memref<200x128xi32, #tpu.memory_space<vmem>>, vector<16xi32>,
      tpu.vector_store_idx %arg6[%iota3A, %parallel_loop3A_678], %broadcast_in_dim3A_1 {add = true} : memref<16x128xf32, #tpu.memory_space<vmem>>[vector<16xi32>, vector<16xi32>], vector<16xf32>,
    } {sc.loop_unroll_factor = 16 : i64, sc.parallel_access}
    %mul3A_586 = arith.constant 512 : i32
    %mul3A_587 = arith.muli %add3A, %mul3A_586 : i32
    %add3A_588 = arith.constant 448 : i32
    %add3A_589 = arith.addi %mul3A_587, %add3A_588 : i32
    %dma_start3A_590 = arith.constant 0 : i32
    %dma_start3A_591 = tpu.memref_slice %arg3[%add3A_589, %dma_start3A_590] : memref<16384x128xf32, #tpu.memory_space<hbm>> -> memref<16x128xf32, #tpu.memory_space<hbm>>
    %dma_start3A_592 = arith.constant 0 : i32
    %dma_start3A_593 = tpu.memref_slice %arg3[%add3A_589, %dma_start3A_592] : memref<16384x128xf32, #tpu.memory_space<hbm>> -> memref<16x128xf32, #tpu.memory_space<hbm>>
    tpu.enqueue_dma source(%arg6 : memref<16x128xf32, #tpu.memory_space<vmem>>) target(%dma_start3A_593 : memref<16x128xf32, #tpu.memory_space<hbm>>) target_semaphore(%arg13 : memref<!tpu.dma_semaphore, #tpu.memory_space<semaphore_mem>>)
    %mul3A_594 = arith.constant 512 : i32
    %mul3A_595 = arith.muli %add3A, %mul3A_594 : i32
    %add3A_596 = arith.constant 448 : i32
    %add3A_597 = arith.addi %mul3A_595, %add3A_596 : i32
    %dma_wait3A_598 = arith.constant 0 : i32
    %dma_wait3A_599 = tpu.memref_slice %arg3[%add3A_597, %dma_wait3A_598] : memref<16384x128xf32, #tpu.memory_space<hbm>> -> memref<16x128xf32, #tpu.memory_space<hbm>>
    %dma_wait3A_600 = arith.constant 0 : i32
    %dma_wait3A_601 = tpu.memref_slice %arg3[%add3A_597, %dma_wait3A_600] : memref<16384x128xf32, #tpu.memory_space<hbm>> -> memref<16x128xf32, #tpu.memory_space<hbm>>
    tpu.wait_dma2 semaphore(%arg15 : memref<!tpu.dma_semaphore, #tpu.memory_space<semaphore_mem>>) src(%arg8 : memref<16x128xf32, #tpu.memory_space<vmem>>) dst(%dma_wait3A_601 : memref<16x128xf32, #tpu.memory_space<hbm>>)
    tpu.enqueue_dma source(%arg10 : memref<16x128xf32, #tpu.memory_space<vmem_shared>>) target(%arg8 : memref<16x128xf32, #tpu.memory_space<vmem>>) target_semaphore(%arg19 : memref<!tpu.dma_semaphore, #tpu.memory_space<semaphore_mem>>)
    tpu.wait_dma2 semaphore(%arg18 : memref<!tpu.dma_semaphore, #tpu.memory_space<semaphore_mem>>) src(%arg10 : memref<16x128xf32, #tpu.memory_space<vmem_shared>>) dst(%arg7 : memref<16x128xf32, #tpu.memory_space<vmem>>)
    %parallel_loop3A_602 = arith.constant 0 : i32
    %parallel_loop3A_603 = arith.constant 200 : i32
    %parallel_loop3A_604 = arith.constant 1 : i32
    scf.for %parallel_loop3A_675 = %parallel_loop3A_602 to %parallel_loop3A_603 step %parallel_loop3A_604  : i32 {
      %parallel_loop3A_676 = arith.index_cast %parallel_loop3A_675 : i32 to index
      %parallel_loop3A_677 = arith.constant 80 : index
      %parallel_loop3A_678 = tpu.vector_load %arg5[%parallel_loop3A_676, %parallel_loop3A_677] {strides = array<i32>} : memref<200x128xi32, #tpu.memory_space<vmem>>, vector<16xi32>,
      tpu.vector_store_idx %arg7[%iota3A, %parallel_loop3A_678], %broadcast_in_dim3A_1 {add = true} : memref<16x128xf32, #tpu.memory_space<vmem>>[vector<16xi32>, vector<16xi32>], vector<16xf32>,
    } {sc.loop_unroll_factor = 16 : i64, sc.parallel_access}
    %mul3A_605 = arith.constant 512 : i32
    %mul3A_606 = arith.muli %add3A, %mul3A_605 : i32
    %add3A_607 = arith.constant 464 : i32
    %add3A_608 = arith.addi %mul3A_606, %add3A_607 : i32
    %dma_start3A_609 = arith.constant 0 : i32
    %dma_start3A_610 = tpu.memref_slice %arg3[%add3A_608, %dma_start3A_609] : memref<16384x128xf32, #tpu.memory_space<hbm>> -> memref<16x128xf32, #tpu.memory_space<hbm>>
    %dma_start3A_611 = arith.constant 0 : i32
    %dma_start3A_612 = tpu.memref_slice %arg3[%add3A_608, %dma_start3A_611] : memref<16384x128xf32, #tpu.memory_space<hbm>> -> memref<16x128xf32, #tpu.memory_space<hbm>>
    tpu.enqueue_dma source(%arg7 : memref<16x128xf32, #tpu.memory_space<vmem>>) target(%dma_start3A_612 : memref<16x128xf32, #tpu.memory_space<hbm>>) target_semaphore(%arg14 : memref<!tpu.dma_semaphore, #tpu.memory_space<semaphore_mem>>)
    %mul3A_613 = arith.constant 512 : i32
    %mul3A_614 = arith.muli %add3A, %mul3A_613 : i32
    %add3A_615 = arith.constant 464 : i32
    %add3A_616 = arith.addi %mul3A_614, %add3A_615 : i32
    %dma_wait3A_617 = arith.constant 0 : i32
    %dma_wait3A_618 = tpu.memref_slice %arg3[%add3A_616, %dma_wait3A_617] : memref<16384x128xf32, #tpu.memory_space<hbm>> -> memref<16x128xf32, #tpu.memory_space<hbm>>
    %dma_wait3A_619 = arith.constant 0 : i32
    %dma_wait3A_620 = tpu.memref_slice %arg3[%add3A_616, %dma_wait3A_619] : memref<16384x128xf32, #tpu.memory_space<hbm>> -> memref<16x128xf32, #tpu.memory_space<hbm>>
    tpu.wait_dma2 semaphore(%arg16 : memref<!tpu.dma_semaphore, #tpu.memory_space<semaphore_mem>>) src(%arg9 : memref<16x128xf32, #tpu.memory_space<vmem>>) dst(%dma_wait3A_620 : memref<16x128xf32, #tpu.memory_space<hbm>>)
    tpu.enqueue_dma source(%arg10 : memref<16x128xf32, #tpu.memory_space<vmem_shared>>) target(%arg9 : memref<16x128xf32, #tpu.memory_space<vmem>>) target_semaphore(%arg20 : memref<!tpu.dma_semaphore, #tpu.memory_space<semaphore_mem>>)
    tpu.wait_dma2 semaphore(%arg19 : memref<!tpu.dma_semaphore, #tpu.memory_space<semaphore_mem>>) src(%arg10 : memref<16x128xf32, #tpu.memory_space<vmem_shared>>) dst(%arg8 : memref<16x128xf32, #tpu.memory_space<vmem>>)
    %parallel_loop3A_621 = arith.constant 0 : i32
    %parallel_loop3A_622 = arith.constant 200 : i32
    %parallel_loop3A_623 = arith.constant 1 : i32
    scf.for %parallel_loop3A_675 = %parallel_loop3A_621 to %parallel_loop3A_622 step %parallel_loop3A_623  : i32 {
      %parallel_loop3A_676 = arith.index_cast %parallel_loop3A_675 : i32 to index
      %parallel_loop3A_677 = arith.constant 96 : index
      %parallel_loop3A_678 = tpu.vector_load %arg5[%parallel_loop3A_676, %parallel_loop3A_677] {strides = array<i32>} : memref<200x128xi32, #tpu.memory_space<vmem>>, vector<16xi32>,
      tpu.vector_store_idx %arg8[%iota3A, %parallel_loop3A_678], %broadcast_in_dim3A_1 {add = true} : memref<16x128xf32, #tpu.memory_space<vmem>>[vector<16xi32>, vector<16xi32>], vector<16xf32>,
    } {sc.loop_unroll_factor = 16 : i64, sc.parallel_access}
    %mul3A_624 = arith.constant 512 : i32
    %mul3A_625 = arith.muli %add3A, %mul3A_624 : i32
    %add3A_626 = arith.constant 480 : i32
    %add3A_627 = arith.addi %mul3A_625, %add3A_626 : i32
    %dma_start3A_628 = arith.constant 0 : i32
    %dma_start3A_629 = tpu.memref_slice %arg3[%add3A_627, %dma_start3A_628] : memref<16384x128xf32, #tpu.memory_space<hbm>> -> memref<16x128xf32, #tpu.memory_space<hbm>>
    %dma_start3A_630 = arith.constant 0 : i32
    %dma_start3A_631 = tpu.memref_slice %arg3[%add3A_627, %dma_start3A_630] : memref<16384x128xf32, #tpu.memory_space<hbm>> -> memref<16x128xf32, #tpu.memory_space<hbm>>
    tpu.enqueue_dma source(%arg8 : memref<16x128xf32, #tpu.memory_space<vmem>>) target(%dma_start3A_631 : memref<16x128xf32, #tpu.memory_space<hbm>>) target_semaphore(%arg15 : memref<!tpu.dma_semaphore, #tpu.memory_space<semaphore_mem>>)
    tpu.wait_dma2 semaphore(%arg20 : memref<!tpu.dma_semaphore, #tpu.memory_space<semaphore_mem>>) src(%arg10 : memref<16x128xf32, #tpu.memory_space<vmem_shared>>) dst(%arg9 : memref<16x128xf32, #tpu.memory_space<vmem>>)
    %parallel_loop3A_632 = arith.constant 0 : i32
    %parallel_loop3A_633 = arith.constant 200 : i32
    %parallel_loop3A_634 = arith.constant 1 : i32
    scf.for %parallel_loop3A_675 = %parallel_loop3A_632 to %parallel_loop3A_633 step %parallel_loop3A_634  : i32 {
      %parallel_loop3A_676 = arith.index_cast %parallel_loop3A_675 : i32 to index
      %parallel_loop3A_677 = arith.constant 112 : index
      %parallel_loop3A_678 = tpu.vector_load %arg5[%parallel_loop3A_676, %parallel_loop3A_677] {strides = array<i32>} : memref<200x128xi32, #tpu.memory_space<vmem>>, vector<16xi32>,
      tpu.vector_store_idx %arg9[%iota3A, %parallel_loop3A_678], %broadcast_in_dim3A_1 {add = true} : memref<16x128xf32, #tpu.memory_space<vmem>>[vector<16xi32>, vector<16xi32>], vector<16xf32>,
    } {sc.loop_unroll_factor = 16 : i64, sc.parallel_access}
    %mul3A_635 = arith.constant 512 : i32
    %mul3A_636 = arith.muli %add3A, %mul3A_635 : i32
    %add3A_637 = arith.constant 496 : i32
    %add3A_638 = arith.addi %mul3A_636, %add3A_637 : i32
    %dma_start3A_639 = arith.constant 0 : i32
    %dma_start3A_640 = tpu.memref_slice %arg3[%add3A_638, %dma_start3A_639] : memref<16384x128xf32, #tpu.memory_space<hbm>> -> memref<16x128xf32, #tpu.memory_space<hbm>>
    %dma_start3A_641 = arith.constant 0 : i32
    %dma_start3A_642 = tpu.memref_slice %arg3[%add3A_638, %dma_start3A_641] : memref<16384x128xf32, #tpu.memory_space<hbm>> -> memref<16x128xf32, #tpu.memory_space<hbm>>
    tpu.enqueue_dma source(%arg9 : memref<16x128xf32, #tpu.memory_space<vmem>>) target(%dma_start3A_642 : memref<16x128xf32, #tpu.memory_space<hbm>>) target_semaphore(%arg16 : memref<!tpu.dma_semaphore, #tpu.memory_space<semaphore_mem>>)
    %mul3A_643 = arith.constant 512 : i32
    %mul3A_644 = arith.muli %add3A, %mul3A_643 : i32
    %add3A_645 = arith.constant 448 : i32
    %add3A_646 = arith.addi %mul3A_644, %add3A_645 : i32
    %dma_wait3A_647 = arith.constant 0 : i32
    %dma_wait3A_648 = tpu.memref_slice %arg3[%add3A_646, %dma_wait3A_647] : memref<16384x128xf32, #tpu.memory_space<hbm>> -> memref<16x128xf32, #tpu.memory_space<hbm>>
    %dma_wait3A_649 = arith.constant 0 : i32
    %dma_wait3A_650 = tpu.memref_slice %arg3[%add3A_646, %dma_wait3A_649] : memref<16384x128xf32, #tpu.memory_space<hbm>> -> memref<16x128xf32, #tpu.memory_space<hbm>>
    tpu.wait_dma2 semaphore(%arg13 : memref<!tpu.dma_semaphore, #tpu.memory_space<semaphore_mem>>) src(%arg6 : memref<16x128xf32, #tpu.memory_space<vmem>>) dst(%dma_wait3A_650 : memref<16x128xf32, #tpu.memory_space<hbm>>)
    %mul3A_651 = arith.constant 512 : i32
    %mul3A_652 = arith.muli %add3A, %mul3A_651 : i32
    %add3A_653 = arith.constant 464 : i32
    %add3A_654 = arith.addi %mul3A_652, %add3A_653 : i32
    %dma_wait3A_655 = arith.constant 0 : i32
    %dma_wait3A_656 = tpu.memref_slice %arg3[%add3A_654, %dma_wait3A_655] : memref<16384x128xf32, #tpu.memory_space<hbm>> -> memref<16x128xf32, #tpu.memory_space<hbm>>
    %dma_wait3A_657 = arith.constant 0 : i32
    %dma_wait3A_658 = tpu.memref_slice %arg3[%add3A_654, %dma_wait3A_657] : memref<16384x128xf32, #tpu.memory_space<hbm>> -> memref<16x128xf32, #tpu.memory_space<hbm>>
    tpu.wait_dma2 semaphore(%arg14 : memref<!tpu.dma_semaphore, #tpu.memory_space<semaphore_mem>>) src(%arg7 : memref<16x128xf32, #tpu.memory_space<vmem>>) dst(%dma_wait3A_658 : memref<16x128xf32, #tpu.memory_space<hbm>>)
    %mul3A_659 = arith.constant 512 : i32
    %mul3A_660 = arith.muli %add3A, %mul3A_659 : i32
    %add3A_661 = arith.constant 480 : i32
    %add3A_662 = arith.addi %mul3A_660, %add3A_661 : i32
    %dma_wait3A_663 = arith.constant 0 : i32
    %dma_wait3A_664 = tpu.memref_slice %arg3[%add3A_662, %dma_wait3A_663] : memref<16384x128xf32, #tpu.memory_space<hbm>> -> memref<16x128xf32, #tpu.memory_space<hbm>>
    %dma_wait3A_665 = arith.constant 0 : i32
    %dma_wait3A_666 = tpu.memref_slice %arg3[%add3A_662, %dma_wait3A_665] : memref<16384x128xf32, #tpu.memory_space<hbm>> -> memref<16x128xf32, #tpu.memory_space<hbm>>
    tpu.wait_dma2 semaphore(%arg15 : memref<!tpu.dma_semaphore, #tpu.memory_space<semaphore_mem>>) src(%arg8 : memref<16x128xf32, #tpu.memory_space<vmem>>) dst(%dma_wait3A_666 : memref<16x128xf32, #tpu.memory_space<hbm>>)
    %mul3A_667 = arith.constant 512 : i32
    %mul3A_668 = arith.muli %add3A, %mul3A_667 : i32
    %add3A_669 = arith.constant 496 : i32
    %add3A_670 = arith.addi %mul3A_668, %add3A_669 : i32
    %dma_wait3A_671 = arith.constant 0 : i32
    %dma_wait3A_672 = tpu.memref_slice %arg3[%add3A_670, %dma_wait3A_671] : memref<16384x128xf32, #tpu.memory_space<hbm>> -> memref<16x128xf32, #tpu.memory_space<hbm>>
    %dma_wait3A_673 = arith.constant 0 : i32
    %dma_wait3A_674 = tpu.memref_slice %arg3[%add3A_670, %dma_wait3A_673] : memref<16384x128xf32, #tpu.memory_space<hbm>> -> memref<16x128xf32, #tpu.memory_space<hbm>>
    tpu.wait_dma2 semaphore(%arg16 : memref<!tpu.dma_semaphore, #tpu.memory_space<semaphore_mem>>) src(%arg9 : memref<16x128xf32, #tpu.memory_space<vmem>>) dst(%dma_wait3A_674 : memref<16x128xf32, #tpu.memory_space<hbm>>)
    return
  }
}

module attributes {stable_mosaic.version = 14 : i64} {
  func.func @body(%arg0: i32, %arg1: memref<8192x128xf32, #tpu.memory_space<vmem>>, %arg2: memref<128x32xf32, #tpu.memory_space<vmem>>, %arg3: memref<32x128xf32, #tpu.memory_space<vmem>>, %arg4: memref<1x128xf32, #tpu.memory_space<vmem>>, %arg5: memref<8192x128xf32, #tpu.memory_space<vmem>>, %arg6: memref<128x128xf32, #tpu.memory_space<vmem>>) attributes {dimension_semantics = [#tpu.dimension_semantics<arbitrary>], iteration_bounds = array<i64: 2>, scalar_prefetch = 0 : i64, scratch_operands = 1 : i64, tpu.core_type = #tpu.core_type<tc>, window_params = [{transform_indices = @transform_0, window_bounds = array<i64: 8192, 128>}, {pipeline_mode = #tpu.pipeline_mode<synchronous>, transform_indices = @transform_1, window_bounds = array<i64: 128, 32>}, {pipeline_mode = #tpu.pipeline_mode<synchronous>, transform_indices = @transform_2, window_bounds = array<i64: 32, 128>}, {pipeline_mode = #tpu.pipeline_mode<synchronous>, transform_indices = @transform_3, window_bounds = array<i64: 1, 128>}, {transform_indices = @transform_4, window_bounds = array<i64: 8192, 128>}]} {
    %eq3A = arith.constant 0 : i32
    %eq3A_0 = arith.cmpi eq, %arg0, %eq3A : i32
    %convert_element_type3A = arith.extui %eq3A_0 : i1 to i32
    %cond3A = arith.constant 0 : i32
    %cond3A_1 = arith.cmpi ne, %convert_element_type3A, %cond3A : i32
    scf.if %cond3A_1 {
      %get3A_16 = arith.constant 0 : index
      %get3A_17 = arith.constant 0 : index
      %get3A_18 = vector.load %arg2[%get3A_16, %get3A_17] : memref<128x32xf32, #tpu.memory_space<vmem>>, vector<128x32xf32>
      %get3A_19 = arith.constant 0 : index
      %get3A_20 = arith.constant 0 : index
      %get3A_21 = vector.load %arg3[%get3A_19, %get3A_20] : memref<32x128xf32, #tpu.memory_space<vmem>>, vector<32x128xf32>
      %dot_general3A_22 = arith.constant dense<0.000000e+00> : vector<128x128xf32>
      %dot_general3A_23 = tpu.matmul %get3A_18, %get3A_21, %dot_general3A_22 {dimension_numbers = #tpu.dot_dimension_numbers<[1], [0], [0], [1], [0, 0, 1, 1], [], []>, transpose_lhs_hint = false} : vector<128x32xf32>, vector<32x128xf32>, vector<128x128xf32> -> vector<128x128xf32>
      %swap3A_24 = arith.constant 0 : index
      %swap3A_25 = arith.constant 0 : index
      %swap3A_26 = vector.load %arg6[%swap3A_24, %swap3A_25] : memref<128x128xf32, #tpu.memory_space<vmem>>, vector<128x128xf32>
      tpu.vector_store %arg6[%swap3A_24, %swap3A_25], %dot_general3A_23 {strides = array<i32>} : memref<128x128xf32, #tpu.memory_space<vmem>>, vector<128x128xf32>,
    } else {
    }
    %get3A = arith.constant 0 : index
    %get3A_2 = arith.constant 0 : index
    %get3A_3 = vector.load %arg1[%get3A, %get3A_2] : memref<8192x128xf32, #tpu.memory_space<vmem>>, vector<8192x128xf32>
    %get3A_4 = arith.constant 0 : index
    %get3A_5 = arith.constant 0 : index
    %get3A_6 = vector.load %arg6[%get3A_4, %get3A_5] : memref<128x128xf32, #tpu.memory_space<vmem>>, vector<128x128xf32>
    %dot_general3A = arith.constant dense<0.000000e+00> : vector<8192x128xf32>
    %dot_general3A_7 = tpu.matmul %get3A_3, %get3A_6, %dot_general3A {dimension_numbers = #tpu.dot_dimension_numbers<[1], [0], [0], [1], [0, 0, 1, 1], [], []>, transpose_lhs_hint = false} : vector<8192x128xf32>, vector<128x128xf32>, vector<8192x128xf32> -> vector<8192x128xf32>
    %mul3A = arith.constant 5.000000e-03 : f32
    %mul3A_8 = vector.broadcast %mul3A : f32 to vector<8192x128xf32>
    %mul3A_9 = arith.mulf %dot_general3A_7, %mul3A_8 : vector<8192x128xf32>
    %get3A_10 = arith.constant 0 : index
    %get3A_11 = arith.constant 0 : index
    %get3A_12 = vector.load %arg4[%get3A_10, %get3A_11] : memref<1x128xf32, #tpu.memory_space<vmem>>, vector<1x128xf32>
    %add3A = vector.broadcast %get3A_12 : vector<1x128xf32> to vector<8192x128xf32>
    %add3A_13 = arith.addf %mul3A_9, %add3A : vector<8192x128xf32>
    %tanh3A = math.tanh %add3A_13 : vector<8192x128xf32>
    %swap3A = arith.constant 0 : index
    %swap3A_14 = arith.constant 0 : index
    %swap3A_15 = vector.load %arg5[%swap3A, %swap3A_14] : memref<8192x128xf32, #tpu.memory_space<vmem>>, vector<8192x128xf32>
    tpu.vector_store %arg5[%swap3A, %swap3A_14], %tanh3A {strides = array<i32>} : memref<8192x128xf32, #tpu.memory_space<vmem>>, vector<8192x128xf32>,
    return
  }
  func.func @transform_0(%arg0: i32) -> (i32, i32) {
    %c0_i32 = arith.constant 0 : i32
    %c0_i32_0 = arith.constant 0 : i32
    return %arg0, %c0_i32 : i32, i32
  }
  func.func @transform_1(%arg0: i32) -> (i32, i32) {
    %c0_i32 = arith.constant 0 : i32
    %c0_i32_0 = arith.constant 0 : i32
    %c0_i32_1 = arith.constant 0 : i32
    return %c0_i32, %c0_i32_0 : i32, i32
  }
  func.func @transform_2(%arg0: i32) -> (i32, i32) {
    %c0_i32 = arith.constant 0 : i32
    %c0_i32_0 = arith.constant 0 : i32
    %c0_i32_1 = arith.constant 0 : i32
    return %c0_i32, %c0_i32_0 : i32, i32
  }
  func.func @transform_3(%arg0: i32) -> (i32, i32) {
    %c0_i32 = arith.constant 0 : i32
    %c0_i32_0 = arith.constant 0 : i32
    %c0_i32_1 = arith.constant 0 : i32
    return %c0_i32, %c0_i32_0 : i32, i32
  }
  func.func @transform_4(%arg0: i32) -> (i32, i32) {
    %c0_i32 = arith.constant 0 : i32
    %c0_i32_0 = arith.constant 0 : i32
    return %arg0, %c0_i32 : i32, i32
  }
}

</mosaic_0001>

<sc_bundles>
// kernel: kernel.4.cloned.1.call-start
scs
__scs_entry_jumppad:
0x0: {  	(pc) =	sbr.rel $0x88, $3  }
0x1: {  	(tag) =	ssettag $0x0;
	lr =	simm.s32 $0x1  }
0x2: {  	[smem:$0x3F9D] =	sst lr;
	_ =	strace $0xD0000000  }
0x3: {  	_ = 	snop  }
0x4: {  	_ = 	snop  }
0x5: {  	_ = 	snop  }
0x6: {  	_ = 	snop  }
0x7: {  	_ = 	snop  }
__scs_overlays_trampoline_lowered:
0x8: {  	[smem:$0x3FAC] =	sst s0  }
0x9: {  	[smem:$0x3FAD] =	sst s1  }
0xa: {  	[smem:$0x3FAE] =	sst s2  }
0xb: {  	[smem:$0x3FAF] =	sst s3  }
0xc: {  	[smem:$0x3FB0] =	sst s4  }
0xd: {  	[smem:$0x3FB1] =	sst s5  }
0xe: {  	[smem:$0x3FB2] =	sst s6  }
0xf: {  	[smem:$0x3FB3] =	sst s7  }
0x10: {  	[smem:$0x3FB4] =	sst s8  }
0x11: {  	[smem:$0x3FB5] =	sst s9;
	s0 =	simm.s32 @!p0 $0x0  }
0x12: {  	s1 =	sld [smem:$0x3F9B];
	s0 =	simm.s32 @p0 $0x1  }
0x13: {  	[smem:$0x3FB6] =	sst s0;
	s0 =	simm.s32 @!p1 $0x0  }
0x14: {  	s2 =	sld [smem:$0x3F9A];
	s0 =	simm.s32 @p1 $0x1  }
0x15: {  	[smem:$0x3FB7] =	sst s0;
	s0 =	simm.s32 @!p2 $0x0  }
0x16: {  	s3 =	sld [smem:$0x3FDB];
	s0 =	simm.s32 @p2 $0x1  }
0x17: {  	s4 =	simm.s32 $0x1BF5;
	[smem:$0x3FB9] =	sst s0  }
0x18: {  	s0 =	sld [smem:$0x3F9C];
	_ =	swait.ge [sflag:s4], $0x0  }
0x19: {  	s7 =	sld [smem:$0x3F9D]  }
0x1a: {  	s8 =	sadd.s32 $0xFFFFE003, lr  }
0x1b: {  	s9 =	sadd.s32 $0xFFFFFEF7, lr;
	s5 =	simm.s32 $0xFFFFFFFF;
	p2 =	slt.u32 s8, $0xFFFFF086  }
0x1c: {  	p1 =	slt.u32 s9, $0xF7A;
	s5 =	simm.s32 @!p2 $0x0  }
0x1d: {  	s5 =	simm.s32 @p1 $0x1;
	p0 =	seq.s32 s7, s2  }
0x1e: {  	s7 =	smul.u32 @!p0 $0xF7A, s2;
	p2 =	seq.s32 @!p0 s5, $0x0  }
0x1f: {  	s9 =	smul.u32 $0xF7A, s1;
	s8 =	simm.s32 @!p0 $0x1BF5;
	p2 =	por !p2, p0  }
0x20: {  	[sflag:s8] =	ssyncset.s32 @!p0 $0xFFFFF086;
	s6 =	sadd.s32 @!p0 s3, s7;
	s7 =	simm.s32 @!p0 $0x108  }
0x21: {  	s3 =	sadd.s32 s3, s9;
	s6 =	sadd.s32 @!p0 $0x88, s6;
	s7 =	simm.s32 @p2 $0x1082  }
0x22: {  	[simem:s7], [sflag:s8] =	dma.local @!p0 [hbm:s6], $0xF7A  }
0x23: {  	s9 =	sor.u32 $0xD0000000, s2;
	s6 =	simm.s32 $0x108;
	_ =	swait.ge @!p0 [sflag:s8], $0x0  }
0x24: {  	s3 =	sadd.s32 $0x88, s3;
	s6 =	simm.s32 @!p1 $0x1082;
	[sflag:s4] =	ssyncset.s32 $0xFFFFF086  }
0x25: {  	[simem:s6], [sflag:s4] =	dma.local [hbm:s3], $0xF7A  }
0x26: {  	[smem:$0x3F9D] =	sst s1;
	(tag) =	ssettag s2;
	_ =	strace s9  }
0x27: {  	s1 =	sld [smem:$0x3FAD]  }
0x28: {  	s2 =	sld [smem:$0x3FAE]  }
0x29: {  	s4 =	sld [smem:$0x3FB0]  }
0x2a: {  	p0 =	seq.s32 s5, $0x0;
	s5 =	sld [smem:$0x3FB1]  }
0x2b: {  	s6 =	sld [smem:$0x3FB2]  }
0x2c: {  	s7 =	sld [smem:$0x3FB3]  }
0x2d: {  	s3 =	simm.s32 $0x108;
	s8 =	sld [smem:$0x3FB4]  }
0x2e: {  	s3 =	simm.s32 @!p0 $0x1082;
	s9 =	sld [smem:$0x3FB5]  }
0x2f: {  	lr =	sadd.s32 s0, s3;
	s0 =	sld [smem:$0x3FAC]  }
0x30: {  	s3 =	sld [smem:$0x3FAF]  }
0x31: {  	[smem:$0x3FB8] =	sst s10  }
0x32: {  	s10 =	sld [smem:$0x3FB6];
	_ =	sdelay $0x3  }
0x33: {  	p0 =	seq.s32 s10, $0x1;
	s10 =	sld [smem:$0x3FB8];
	_ =	sdelay $0x3  }
0x34: {  	[smem:$0x3FB8] =	sst s10  }
0x35: {  	s10 =	sld [smem:$0x3FB7];
	_ =	sdelay $0x3  }
0x36: {  	p1 =	seq.s32 s10, $0x1;
	s10 =	sld [smem:$0x3FB8];
	_ =	sdelay $0x3  }
0x37: {  	[smem:$0x3FB8] =	sst s10  }
0x38: {  	s10 =	sld [smem:$0x3FB9]  }
0x39: {  	_ = 	snop;
	(pc) =	sbr.ind lr, $3  }
0x3a: {  	_ = 	snop  }
0x3b: {  	_ = 	snop  }
0x3c: {  	p2 =	seq.s32 s10, $0x1;
	s10 =	sld [smem:$0x3FB8]  }
0x3d: {  	_ =	shalt  }
0x3e: {  	_ =	shalt  }
0x3f: {  	_ =	shalt  }
0x40: {  	_ =	shalt  }
0x41: {  	_ =	shalt  }
0x42: {  	_ =	shalt  }
0x43: {  	_ =	shalt  }
0x44: {  	_ =	shalt  }
0x45: {  	_ =	shalt  }
0x46: {  	_ =	shalt  }
0x47: {  	_ =	shalt  }
0x48: {  	_ =	shalt  }
0x49: {  	_ =	shalt  }
0x4a: {  	_ =	shalt  }
0x4b: {  	_ =	shalt  }
0x4c: {  	_ =	shalt  }
0x4d: {  	_ =	shalt  }
0x4e: {  	_ =	shalt  }
0x4f: {  	_ =	shalt  }
0x50: {  	_ =	shalt  }
0x51: {  	_ =	shalt  }
0x52: {  	_ =	shalt  }
0x53: {  	_ =	shalt  }
0x54: {  	_ =	shalt  }
0x55: {  	_ =	shalt  }
0x56: {  	_ =	shalt  }
0x57: {  	_ =	shalt  }
0x58: {  	_ =	shalt  }
0x59: {  	_ =	shalt  }
0x5a: {  	_ =	shalt  }
0x5b: {  	_ =	shalt  }
0x5c: {  	_ =	shalt  }
0x5d: {  	_ =	shalt  }
0x5e: {  	_ =	shalt  }
0x5f: {  	_ =	shalt  }
0x60: {  	_ =	shalt  }
0x61: {  	_ =	shalt  }
0x62: {  	_ =	shalt  }
0x63: {  	_ =	shalt  }
0x64: {  	_ =	shalt  }
0x65: {  	_ =	shalt  }
0x66: {  	_ =	shalt  }
0x67: {  	_ =	shalt  }
0x68: {  	_ =	shalt  }
0x69: {  	_ =	shalt  }
0x6a: {  	_ =	shalt  }
0x6b: {  	_ =	shalt  }
0x6c: {  	_ =	shalt  }
0x6d: {  	_ =	shalt  }
0x6e: {  	_ =	shalt  }
0x6f: {  	_ =	shalt  }
0x70: {  	_ =	shalt  }
0x71: {  	_ =	shalt  }
0x72: {  	_ =	shalt  }
0x73: {  	_ =	shalt  }
0x74: {  	_ =	shalt  }
0x75: {  	_ =	shalt  }
0x76: {  	_ =	shalt  }
0x77: {  	_ =	shalt  }
0x78: {  	_ =	shalt  }
0x79: {  	_ =	shalt  }
0x7a: {  	_ =	shalt  }
0x7b: {  	_ =	shalt  }
0x7c: {  	_ =	shalt  }
0x7d: {  	_ =	shalt  }
0x7e: {  	_ =	shalt  }
0x7f: {  	_ =	shalt  }
0x80: {  	_ =	shalt  }
0x81: {  	_ =	shalt  }
0x82: {  	_ =	shalt  }
0x83: {  	_ =	shalt  }
0x84: {  	_ =	shalt  }
0x85: {  	_ =	shalt  }
0x86: {  	_ =	shalt  }
0x87: {  	_ =	shalt  }
.Lfunc_end0:
.L_simem_size_0:
called_computation_lowered:
.L_overlay_start_0:
0x88: {  	s2 =	sld [smem:$0x3FD9]  }
0x89: {  	s3 =	sld [smem:$0x3FFE];
	_ =	sdelay $0x1  }
0x8a: {  	s1 =	srdreg.scid  }
0x8b: {  	s0 =	sand.u32 $0x1, s1  }
0x8c: {  	s18 =	sshll.u32 s0, $0xA;
	s2 =	sadd.s32 s3, s2  }
0x8d: {  	s2 =	sadd.s32 s2, s18  }
0x8e: {  	[smem:$0x3FC4] =	sst s2  }
0x8f: {  	_ = 	snop  }
0x90: {  	s2 =	sld [smem:$0x3FC9]  }
0x91: {  	s19 =	sld [smem:$0x3FD0];
	(tm) =	ssettm $0x1  }
0x92: {  	s4 =	sld [smem:$0x3FFB];
	_ =	sdelay $0x3  }
0x93: {  	_ =	strace s4  }
0x94: {  	s4 =	sld [smem:$0x3FFC];
	_ =	sdelay $0x3  }
0x95: {  	_ =	strace s4  }
0x96: {  	s4 =	sld [smem:$0x3FFD];
	_ =	sdelay $0x3  }
0x97: {  	_ =	strace s4  }
0x98: {  	_ =	strace $0x8FFFFFFF  }
0x99: {  	s20 =	sld [smem:$0x3FDB];
	_ =	sdelay $0x1  }
0x9a: {  	s5 =	simm.s32 $_scs_section_size  }
0x9b: {  	s6 =	simm.s32 $_size__tile_overlayer_lowered;
	s7 =	simm.s32 $_tile_overlayer_lowered  }
0x9c: {  	s23 =	simm.s32 $0x1BFF;
	s22 =	sshll.u32 s7, $0x1;
	s4 =	sadd.s32 s5, s20  }
0x9d: {  	s8 =	simm.s32 $0x0;
	s21 =	sshll.u32 s6, $0x1;
	s6 =	sadd.s32 s22, s4  }
0x9e: {  	[timem:s8], [sflag:s23] =	dma.local [hbm:s6], s21  }
0x9f: {  	_ =	swait.ge [sflag:s23], s21  }
0xa0: {  	s5 =	ssub.s32 $0x0, s21;
	[sflag:s23] =	ssyncset.done $0x0  }
0xa1: {  	[sflag:s23] =	ssyncadd.s32 s5;
	_ =	sdelay $0x1  }
0xa2: {  	s24 =	simm.s32 $0x1B8B  }
0xa3: {  	_ =	swait.ge [sflag:s24], $0x1  }
0xa4: {  	[sflag:s24] =	ssyncset.done $0x0  }
0xa5: {  	s25 =	simm.s32 $0x1B8E;
	[sflag:s24] =	ssyncadd.s32 $0xFFFFFFFF  }
0xa6: {  	s26 =	simm.s32 $execute0_lowered;
	[smem:$0x3FD2] =	sst s25  }
0xa7: {  	s5 =	sshll.u32 s26, $0x1;
	_ =	strace $0x80000046;
	[dreg:$0x1] =	wrdreg $0xFFFFFFFF  }
0xa8: {  	s28 =	simm.s32 $_size_execute0_lowered;
	s4 =	sadd.s32 s4, s5;
	[dreg:$0x0] =	wrdreg $0x0  }
0xa9: {  	s5 =	sshll.u32 s28, $0x1;
	[dreg:$0x2] =	wrdreg s4  }
0xaa: {  	[dreg:$0x3] =	wrdreg s5  }
0xab: {  	[dreg:$0x4] =	wrdreg $0xC0  }
0xac: {  	_ =	task [dreg:s8], $0x5FFFF  }
0xad: {  	[dreg:$0x1] =	wrdreg $0xFFFFFFFF  }
0xae: {  	[dreg:$0x0] =	wrdreg $0x60  }
0xaf: {  	[dreg:$0x2] =	wrdreg s2  }
0xb0: {  	[dreg:$0x3] =	wrdreg s19  }
0xb1: {  	[dreg:$0x4] =	wrdreg $0xE8000  }
0xb2: {  	[dreg:$0x5] =	wrdreg $0x9  }
0xb3: {  	_ =	task.clear_ibuf [dreg:s8], $0x6FFFF;
	_ =	strace $0x90000046  }
0xb4: {  	s29 =	simm.s32 $0x9;
	_ =	strace $0x80000048  }
0xb5: {  	_ =	swait.ge [sflag:s29], $0x1  }
0xb6: {  	[sflag:s29] =	ssyncadd.s32 $0xFFFFFFFF  }
0xb7: {  	_ =	strace $0x90000048  }
0xb8: {  	_ =	sfence  }
0xb9: {  	s30 =	sld [smem:$0x0];
	_ =	sdelay $0x2  }
0xba: {  	s31 =	sshll.u32 s1, $0xD;
	s1 =	sshrl.u32 s1, $0x2  }
0xbb: {  	s3 =	sand.u32 $0x4000, s31;
	s1 =	sadd.s32 s1, s30  }
0xbc: {  	s0 =	sor.u32 s3, s0;
	s1 =	sshll.u32 s1, $0x11  }
0xbd: {  	s0 =	sor.u32 s1, s0  }
0xbe: {  	s0 =	sadd.s32 $0x8F2B, s0  }
0xbf: {  	[sflag:s0] =	ssyncadd.remote.s32 $0x1  }
0xc0: {  	_ =	sfence.sel $0xFFFF  }
0xc1: {  	[dreg:$0x0] =	wrdreg $0xFFFFFFFF;
	(pc) =	sbr.abs _section_cstart, $3  }
0xc2: {  	[dreg:$0x1] =	wrdreg $0xFFFFFFFF  }
0xc3: {  	_ =	task.clear_ibuf [dreg:s8], $0x2FFFF;
	_ =	strace $0x9FFFFFFF  }
0xc4: {  	(tm) =	ssettm $0x7FFFFFFF  }
0xc5: {  	_ =	shalt  }
tec
execute0_lowered:
.L_overlay_start_1:
0x0: {  	(tag) =	ssettag $0x1  }
0x1: {  	s0 =	rddreg [dreg:$0x0]  }
0x2: {  	s3 =	rddreg [dreg:$0x1]  }
0x3: {  	s1 =	rddreg [dreg:$0x2]  }
0x4: {  	s4 =	srdreg.scid;
	s5 =	stileid.u32  }
0x5: {  	s2 =	simm.s32 $0x0;
	s4 =	sand.u32 $0x1, s4;
	s7 =	sshll.u32 s5, $0xA  }
0x6: {  	[smem:$0x7FF] =	sst s2;
	s6 =	ssub.s32 $0x2, s4;
	s4 =	sshll.u32 s4, $0x9  }
0x7: {  	_ =	strace $0x80000047;
	s8 =	sshrl.u32 s6, $0x1;
	s7 =	sor.u32 s4, s7  }
0x8: {  	s4 =	sshll.u32 s7, $0x4;
	s25 =	sadd.s32 s0, s7;
	s26 =	sor.u32 $0x80, s7  }
0x9: {  	s13 =	sor.u32 $0x100, s7;
	[dreg:$0x4] =	wrdreg s25;
	s9 =	sadd.s32 s0, s26  }
0xa: {  	s7 =	sor.u32 $0x180, s7;
	s14 =	sadd.s32 s0, s13;
	[dreg:$0x5] =	wrdreg s9  }
0xb: {  	s6 =	ssub.s32 s6, s8;
	s0 =	sadd.s32 s0, s7;
	[dreg:$0xd] =	wrdreg s14  }
0xc: {  	s4 =	sadd.s32 s3, s4;
	s24 =	smax.u32 s6, $0x1;
	[dreg:$0x14] =	wrdreg s0  }
0xd: {  	s29 =	sadd.s32 $0x100, s4;
	[dreg:$0x19] =	wrdreg s24  }
0xe: {  	s30 =	sadd.s32 $0x200, s4;
	[dreg:$0x6] =	wrdreg s29  }
0xf: {  	s31 =	sadd.s32 $0x300, s4;
	[dreg:$0x7] =	wrdreg s30  }
0x10: {  	s10 =	sadd.s32 $0x400, s4;
	[dreg:$0x8] =	wrdreg s31  }
0x11: {  	s28 =	simm.s32 $0x0;
	s11 =	sadd.s32 $0x500, s4;
	[dreg:$0x9] =	wrdreg s10  }
0x12: {  	s8 =	sshll.u32 s26, $0x4;
	s12 =	sadd.s32 $0x600, s4;
	[dreg:$0xa] =	wrdreg s11  }
0x13: {  	p0 =	sne.s32 s5, $0x0;
	s8 =	sadd.s32 s3, s8;
	[dreg:$0xb] =	wrdreg s12  }
0x14: {  	s20 =	sshll.u32 s13, $0x4;
	s15 =	sadd.s32 $0x900, s4;
	[dreg:$0xe] =	wrdreg s8  }
0x15: {  	s7 =	sshll.u32 s7, $0x4;
	s16 =	sadd.s32 $0xA00, s4;
	[dreg:$0xf] =	wrdreg s15  }
0x16: {  	s13 =	simm.s32 $0x20000;
	s17 =	sadd.s32 $0xB00, s4;
	[dreg:$0x10] =	wrdreg s16  }
0x17: {  	s18 =	sadd.s32 $0xC00, s4;
	s19 =	sadd.s32 $0xD00, s4;
	[dreg:$0x11] =	wrdreg s17  }
0x18: {  	s0 =	sadd.s32 s3, s20;
	s21 =	sadd.s32 s3, s7;
	[dreg:$0x12] =	wrdreg s18  }
0x19: {  	s22 =	sadd.s32 $0xE00, s4;
	s23 =	sadd.s32 $0xF00, s4;
	[dreg:$0x13] =	wrdreg s19  }
0x1a: {  	s25 =	sadd.s32 $0x1100, s4;
	s26 =	sadd.s32 $0x1200, s4;
	[dreg:$0x15] =	wrdreg s0  }
0x1b: {  	s3 =	sadd.s32 $0x1700, s4;
	s5 =	sadd.s32 $0x1900, s4;
	[dreg:$0x16] =	wrdreg s21  }
0x1c: {  	s6 =	sadd.s32 $0x1A00, s4;
	s7 =	sadd.s32 $0x1B00, s4;
	[dreg:$0x17] =	wrdreg s22  }
0x1d: {  	s9 =	sadd.s32 $0x1D00, s4;
	s14 =	simm.s32 $0xD000;
	[dreg:$0x18] =	wrdreg s23  }
0x1e: {  	s20 =	simm.s32 $0x9;
	s24 =	simm.s32 $0x5;
	[dreg:$0x1a] =	wrdreg s25  }
0x1f: {  	s10 =	sadd.s32 $0x700, s4;
	[dreg:$0x1b] =	wrdreg s26;
	s29 =	sadd.s32 $0x1300, s4  }
0x20: {  	s30 =	sadd.s32 $0x1400, s4;
	s31 =	sadd.s32 $0x1500, s4;
	s0 =	sadd.s32 $0x1600, s4  }
0x21: {  	s8 =	sadd.s32 $0x1C00, s4;
	s11 =	sadd.s32 $0x1F00, s4;
	s12 =	simm.s32 $0xC800  }
0x22: {  	s15 =	simm.s32 $0xD800;
	s16 =	simm.s32 $0xE000;
	s17 =	simm.s32 $0x1  }
0x23: {  	s18 =	simm.s32 $0x7;
	s19 =	simm.s32 $0x8;
	[dreg:$0xc] =	wrdreg s10  }
0x24: {  	s21 =	simm.s32 $0x3;
	s22 =	simm.s32 $0xA;
	[dreg:$0x1c] =	wrdreg s29  }
0x25: {  	v1 =	vlaneseq.u32;
	s23 =	simm.s32 $0x4;
	s25 =	simm.s32 $0x6;
	[dreg:$0x1d] =	wrdreg s30  }
0x26: {  	v0 =	vimm.f32 $0.0e+00;
	v2 =	vimm.f32 $1.000000000e+00;
	v1 =	vmul.u32 $0x80, v1;
	s26 =	simm.s32 $0x2;
	[dreg:$0x1e] =	wrdreg s31;
	s10 =	sadd.s32 $0x1E00, s4  }
.LBB2_1:
.Ltmp0:
0x27: {  	(pc) =	sbr.rel @p0 .LBB2_3-.Ltmp0, $1  }
0x28: {  	_ =	sdelay $0x3  }
0x29: {  	[tilespmem:$0xC800] =	vst v0  }
0x2a: {  	[tilespmem:$0xC810] =	vst v0  }
0x2b: {  	[tilespmem:$0xC820] =	vst v0  }
0x2c: {  	[tilespmem:$0xC830] =	vst v0  }
0x2d: {  	[tilespmem:$0xC840] =	vst v0  }
0x2e: {  	[tilespmem:$0xC850] =	vst v0  }
0x2f: {  	[tilespmem:$0xC860] =	vst v0  }
0x30: {  	[tilespmem:$0xC870] =	vst v0  }
0x31: {  	[tilespmem:$0xC880] =	vst v0  }
0x32: {  	[tilespmem:$0xC890] =	vst v0  }
0x33: {  	[tilespmem:$0xC8A0] =	vst v0  }
0x34: {  	[tilespmem:$0xC8B0] =	vst v0  }
0x35: {  	[tilespmem:$0xC8C0] =	vst v0  }
0x36: {  	[tilespmem:$0xC8D0] =	vst v0  }
0x37: {  	[tilespmem:$0xC8E0] =	vst v0  }
0x38: {  	[tilespmem:$0xC8F0] =	vst v0  }
0x39: {  	[tilespmem:$0xC900] =	vst v0  }
0x3a: {  	[tilespmem:$0xC910] =	vst v0  }
0x3b: {  	[tilespmem:$0xC920] =	vst v0  }
0x3c: {  	[tilespmem:$0xC930] =	vst v0  }
0x3d: {  	[tilespmem:$0xC940] =	vst v0  }
0x3e: {  	[tilespmem:$0xC950] =	vst v0  }
0x3f: {  	[tilespmem:$0xC960] =	vst v0  }
0x40: {  	[tilespmem:$0xC970] =	vst v0  }
0x41: {  	[tilespmem:$0xC980] =	vst v0  }
0x42: {  	[tilespmem:$0xC990] =	vst v0  }
0x43: {  	[tilespmem:$0xC9A0] =	vst v0  }
0x44: {  	[tilespmem:$0xC9B0] =	vst v0  }
0x45: {  	[tilespmem:$0xC9C0] =	vst v0  }
0x46: {  	[tilespmem:$0xC9D0] =	vst v0  }
0x47: {  	[tilespmem:$0xC9E0] =	vst v0  }
0x48: {  	[tilespmem:$0xC9F0] =	vst v0  }
0x49: {  	[tilespmem:$0xCA00] =	vst v0  }
0x4a: {  	[tilespmem:$0xCA10] =	vst v0  }
0x4b: {  	[tilespmem:$0xCA20] =	vst v0  }
0x4c: {  	[tilespmem:$0xCA30] =	vst v0  }
0x4d: {  	[tilespmem:$0xCA40] =	vst v0  }
0x4e: {  	[tilespmem:$0xCA50] =	vst v0  }
0x4f: {  	[tilespmem:$0xCA60] =	vst v0  }
0x50: {  	[tilespmem:$0xCA70] =	vst v0  }
0x51: {  	[tilespmem:$0xCA80] =	vst v0  }
0x52: {  	[tilespmem:$0xCA90] =	vst v0  }
0x53: {  	[tilespmem:$0xCAA0] =	vst v0  }
0x54: {  	[tilespmem:$0xCAB0] =	vst v0  }
0x55: {  	[tilespmem:$0xCAC0] =	vst v0  }
0x56: {  	[tilespmem:$0xCAD0] =	vst v0  }
0x57: {  	[tilespmem:$0xCAE0] =	vst v0  }
0x58: {  	[tilespmem:$0xCAF0] =	vst v0  }
0x59: {  	[tilespmem:$0xCB00] =	vst v0  }
0x5a: {  	[tilespmem:$0xCB10] =	vst v0  }
0x5b: {  	[tilespmem:$0xCB20] =	vst v0  }
0x5c: {  	[tilespmem:$0xCB30] =	vst v0  }
0x5d: {  	[tilespmem:$0xCB40] =	vst v0  }
0x5e: {  	[tilespmem:$0xCB50] =	vst v0  }
0x5f: {  	[tilespmem:$0xCB60] =	vst v0  }
0x60: {  	[tilespmem:$0xCB70] =	vst v0  }
0x61: {  	[tilespmem:$0xCB80] =	vst v0  }
0x62: {  	[tilespmem:$0xCB90] =	vst v0  }
0x63: {  	[tilespmem:$0xCBA0] =	vst v0  }
0x64: {  	[tilespmem:$0xCBB0] =	vst v0  }
0x65: {  	[tilespmem:$0xCBC0] =	vst v0  }
0x66: {  	[tilespmem:$0xCBD0] =	vst v0  }
0x67: {  	[tilespmem:$0xCBE0] =	vst v0  }
0x68: {  	[tilespmem:$0xCBF0] =	vst v0  }
0x69: {  	[tilespmem:$0xCC00] =	vst v0  }
0x6a: {  	[tilespmem:$0xCC10] =	vst v0  }
0x6b: {  	[tilespmem:$0xCC20] =	vst v0  }
0x6c: {  	[tilespmem:$0xCC30] =	vst v0  }
0x6d: {  	[tilespmem:$0xCC40] =	vst v0  }
0x6e: {  	[tilespmem:$0xCC50] =	vst v0  }
0x6f: {  	[tilespmem:$0xCC60] =	vst v0  }
0x70: {  	[tilespmem:$0xCC70] =	vst v0  }
0x71: {  	[tilespmem:$0xCC80] =	vst v0  }
0x72: {  	[tilespmem:$0xCC90] =	vst v0  }
0x73: {  	[tilespmem:$0xCCA0] =	vst v0  }
0x74: {  	[tilespmem:$0xCCB0] =	vst v0  }
0x75: {  	[tilespmem:$0xCCC0] =	vst v0  }
0x76: {  	[tilespmem:$0xCCD0] =	vst v0  }
0x77: {  	[tilespmem:$0xCCE0] =	vst v0  }
0x78: {  	[tilespmem:$0xCCF0] =	vst v0  }
0x79: {  	[tilespmem:$0xCD00] =	vst v0  }
0x7a: {  	[tilespmem:$0xCD10] =	vst v0  }
0x7b: {  	[tilespmem:$0xCD20] =	vst v0  }
0x7c: {  	[tilespmem:$0xCD30] =	vst v0  }
0x7d: {  	[tilespmem:$0xCD40] =	vst v0  }
0x7e: {  	[tilespmem:$0xCD50] =	vst v0  }
0x7f: {  	[tilespmem:$0xCD60] =	vst v0  }
0x80: {  	[tilespmem:$0xCD70] =	vst v0  }
0x81: {  	[tilespmem:$0xCD80] =	vst v0  }
0x82: {  	[tilespmem:$0xCD90] =	vst v0  }
0x83: {  	[tilespmem:$0xCDA0] =	vst v0  }
0x84: {  	[tilespmem:$0xCDB0] =	vst v0  }
0x85: {  	[tilespmem:$0xCDC0] =	vst v0  }
0x86: {  	[tilespmem:$0xCDD0] =	vst v0  }
0x87: {  	[tilespmem:$0xCDE0] =	vst v0  }
0x88: {  	[tilespmem:$0xCDF0] =	vst v0  }
0x89: {  	[tilespmem:$0xCE00] =	vst v0  }
0x8a: {  	[tilespmem:$0xCE10] =	vst v0  }
0x8b: {  	[tilespmem:$0xCE20] =	vst v0  }
0x8c: {  	[tilespmem:$0xCE30] =	vst v0  }
0x8d: {  	[tilespmem:$0xCE40] =	vst v0  }
0x8e: {  	[tilespmem:$0xCE50] =	vst v0  }
0x8f: {  	[tilespmem:$0xCE60] =	vst v0  }
0x90: {  	[tilespmem:$0xCE70] =	vst v0  }
0x91: {  	[tilespmem:$0xCE80] =	vst v0  }
0x92: {  	[tilespmem:$0xCE90] =	vst v0  }
0x93: {  	[tilespmem:$0xCEA0] =	vst v0  }
0x94: {  	[tilespmem:$0xCEB0] =	vst v0  }
0x95: {  	[tilespmem:$0xCEC0] =	vst v0  }
0x96: {  	[tilespmem:$0xCED0] =	vst v0  }
0x97: {  	[tilespmem:$0xCEE0] =	vst v0  }
0x98: {  	[tilespmem:$0xCEF0] =	vst v0  }
0x99: {  	[tilespmem:$0xCF00] =	vst v0  }
0x9a: {  	[tilespmem:$0xCF10] =	vst v0  }
0x9b: {  	[tilespmem:$0xCF20] =	vst v0  }
0x9c: {  	[tilespmem:$0xCF30] =	vst v0  }
0x9d: {  	[tilespmem:$0xCF40] =	vst v0  }
0x9e: {  	[tilespmem:$0xCF50] =	vst v0  }
0x9f: {  	[tilespmem:$0xCF60] =	vst v0  }
0xa0: {  	[tilespmem:$0xCF70] =	vst v0  }
0xa1: {  	[tilespmem:$0xCF80] =	vst v0  }
0xa2: {  	[tilespmem:$0xCF90] =	vst v0  }
0xa3: {  	[tilespmem:$0xCFA0] =	vst v0  }
0xa4: {  	[tilespmem:$0xCFB0] =	vst v0  }
0xa5: {  	[tilespmem:$0xCFC0] =	vst v0  }
0xa6: {  	[tilespmem:$0xCFD0] =	vst v0  }
0xa7: {  	[tilespmem:$0xCFE0] =	vst v0  }
0xa8: {  	[tilespmem:$0xCFF0] =	vst v0;
	s29 =	simm.s32 $0xB  }
0xa9: {  	[spmem:s1] =	stream.linear.scatter [tilespmem:s12], [sflag:$0xB], $0x800, $0x38;
	[tilespmem:$0xE880] =	vst v63  }
0xaa: {  	_ =	swait.ge [sflag:s29], $0x800  }
0xab: {  	[sflag:s29] =	ssyncset.done $0x0  }
0xac: {  	[sflag:s29] =	ssyncadd.s32 $0xFFFFF800  }
.LBB2_3:
0xad: {  	[bflag:$0x0] =	sbarrier.arrive $0xFFFF  }
0xae: {  	s29 =	simm.s32 $0x400;
	s30 =	rddreg [dreg:$0x4]  }
0xaf: {  	[tilespmem:s2], [sflag:$0x1] =	stream.strided.gather [hbm4b:s30+s29], $0x6400, s13, s29, $0x38;
	[tilespmem:$0xE880] =	vst v63  }
0xb0: {  	s31 =	simm.s32 $0x6400;
	s30 =	rddreg [dreg:$0x5]  }
0xb1: {  	[tilespmem:s31], [sflag:$0x2] =	stream.strided.gather [hbm4b:s30+s29], $0x6400, s13, s29, $0x38;
	[tilespmem:$0xE880] =	vst v63  }
0xb2: {  	_ = 	snop  }
0xb3: {  	[tilespmem:s12], [sflag:$0x7] =	stream.linear.gather [spmem:s1], $0x800, $0x38;
	[tilespmem:$0xE880] =	vst v63  }
0xb4: {  	_ = 	snop  }
0xb5: {  	[tilespmem:s14], [sflag:$0x8] =	stream.linear.gather [spmem:s1], $0x800, $0x38;
	[tilespmem:$0xE880] =	vst v63  }
0xb6: {  	_ = 	snop  }
0xb7: {  	[tilespmem:s15], [sflag:$0x9] =	stream.linear.gather [spmem:s1], $0x800, $0x38;
	[tilespmem:$0xE880] =	vst v63  }
0xb8: {  	_ = 	snop  }
0xb9: {  	[tilespmem:s16], [sflag:$0xA] =	stream.linear.gather [spmem:s1], $0x800, $0x38;
	[tilespmem:$0xE880] =	vst v63  }
0xba: {  	_ =	swait.ge [sflag:s17], $0x6400  }
0xbb: {  	[sflag:s17] =	ssyncset.done $0x0  }
0xbc: {  	[sflag:s17] =	ssyncadd.s32 $0xFFFF9C00  }
0xbd: {  	_ =	swait.ge [sflag:s18], $0x800  }
0xbe: {  	[sflag:s18] =	ssyncset.done $0x0  }
0xbf: {  	[sflag:s18] =	ssyncadd.s32 $0xFFFFF800  }
0xc0: {  	v3 =	vld [tilespmem:s29+$0x80]  }
0xc1: {  	v4 =	vld [tilespmem:s29+$0x0]  }
0xc2: {  	v5 =	vld [tilespmem:s29+$0xFFFFFC00]  }
0xc3: {  	v6 =	vld [tilespmem:s29+$0x380]  }
0xc4: {  	v7 =	vld [tilespmem:s29+$0xFFFFFD00]  }
0xc5: {  	v8 =	vld [tilespmem:s29+$0xFFFFFD80]  }
0xc6: {  	v9 =	vld [tilespmem:s29+$0xFFFFFE00]  }
0xc7: {  	v11 =	vld [tilespmem:s29+$0x280]  }
0xc8: {  	v12 =	vld [tilespmem:s29+$0x200];
	v5 =	vadd.s32 v1, v5  }
0xc9: {  	v10 =	vld [tilespmem:s29+$0x300];
	v6 =	vadd.s32 v1, v6  }
0xca: {  	v13 =	vld [tilespmem:s29+$0x180]  }
0xcb: {  	v14 =	vld [tilespmem:s29+$0x100]  }
0xcc: {  	v15 =	vld [tilespmem:s29+$0xFFFFFE80];
	v59 =	vadd.s32 v1, v11  }
0xcd: {  	v60 =	vadd.s32 v1, v12;
	[tilespmem:v5+s12+$0x0] =	vst.idx.add.f32.msk $0xffff, v2  }
0xce: {  	v5 =	vadd.s32 v1, v10;
	[tilespmem:v6+s12+$0x0] =	vst.idx.add.f32.msk $0xffff, v2  }
0xcf: {  	v6 =	vld [tilespmem:s29+$0xFFFFFF80]  }
0xd0: {  	v61 =	vld [tilespmem:s29+$0xFFFFFF00];
	v3 =	vadd.s32 v1, v3  }
0xd1: {  	v14 =	vadd.s32 v1, v14;
	[tilespmem:v59+s12+$0x0] =	vst.idx.add.f32.msk $0xffff, v2  }
0xd2: {  	v4 =	vadd.s32 v1, v4;
	[tilespmem:v60+s12+$0x0] =	vst.idx.add.f32.msk $0xffff, v2  }
0xd3: {  	v62 =	vadd.s32 v1, v13;
	[tilespmem:v5+s12+$0x0] =	vst.idx.add.f32.msk $0xffff, v2  }
0xd4: {  	v63 =	vadd.s32 v1, v15;
	v5 =	vadd.s32 v1, v6;
	v6 =	vld [tilespmem:s29+$0xFFFFFC80]  }
0xd5: {  	[tilespmem:v3+s12+$0x0] =	vst.idx.add.f32.msk $0xffff, v2;
	v3 =	vadd.s32 v1, v8  }
0xd6: {  	v9 =	vadd.s32 v1, v9;
	[tilespmem:v14+s12+$0x0] =	vst.idx.add.f32.msk $0xffff, v2  }
0xd7: {  	v7 =	vadd.s32 v1, v7;
	[tilespmem:v4+s12+$0x0] =	vst.idx.add.f32.msk $0xffff, v2  }
0xd8: {  	[tilespmem:v62+s12+$0x0] =	vst.idx.add.f32.msk $0xffff, v2  }
0xd9: {  	[tilespmem:v63+s12+$0x0] =	vst.idx.add.f32.msk $0xffff, v2;
	v4 =	vadd.s32 v1, v6  }
0xda: {  	[tilespmem:v3+s12+$0x0] =	vst.idx.add.f32.msk $0xffff, v2;
	v3 =	vadd.s32 v1, v61  }
0xdb: {  	[tilespmem:v9+s12+$0x0] =	vst.idx.add.f32.msk $0xffff, v2  }
0xdc: {  	[tilespmem:v7+s12+$0x0] =	vst.idx.add.f32.msk $0xffff, v2  }
0xdd: {  	s30 =	simm.s32 $0x0;
	[tilespmem:v5+s12+$0x0] =	vst.idx.add.f32.msk $0xffff, v2  }
.LBB2_4:
0xde: {  	s30 =	sadd.s32 $0x10, s30;
	[tilespmem:v4+s12+$0x0] =	vst.idx.add.f32.msk $0xffff, v2;
	s29 =	sadd.s32 $0x800, s29  }
0xdf: {  	p1 =	slt.u32 s30, $0xB0;
	[tilespmem:v3+s12+$0x0] =	vst.idx.add.f32.msk $0xffff, v2  }
0xe0: {  	v3 =	vld [tilespmem:s29+$0x80]  }
0xe1: {  	v4 =	vld [tilespmem:s29+$0x0]  }
0xe2: {  	v5 =	vld [tilespmem:s29+$0xFFFFFC00]  }
0xe3: {  	v6 =	vld [tilespmem:s29+$0x380]  }
0xe4: {  	v7 =	vld [tilespmem:s29+$0xFFFFFD00]  }
0xe5: {  	v8 =	vld [tilespmem:s29+$0xFFFFFD80]  }
0xe6: {  	v9 =	vld [tilespmem:s29+$0xFFFFFE00]  }
0xe7: {  	v5 =	vadd.s32 v1, v5;
	v10 =	vld [tilespmem:s29+$0x300]  }
0xe8: {  	v11 =	vld [tilespmem:s29+$0x280];
	v6 =	vadd.s32 v1, v6  }
0xe9: {  	v12 =	vld [tilespmem:s29+$0x200]  }
0xea: {  	v13 =	vld [tilespmem:s29+$0x180]  }
0xeb: {  	v14 =	vld [tilespmem:s29+$0x100]  }
0xec: {  	[tilespmem:v5+s12+$0x0] =	vst.idx.add.f32.msk $0xffff, v2;
	v5 =	vadd.s32 v1, v10  }
0xed: {  	v10 =	vadd.s32 v1, v11;
	[tilespmem:v6+s12+$0x0] =	vst.idx.add.f32.msk $0xffff, v2  }
0xee: {  	v6 =	vld [tilespmem:s29+$0xFFFFFF80];
	v11 =	vadd.s32 v1, v12  }
0xef: {  	v12 =	vld [tilespmem:s29+$0xFFFFFF00]  }
0xf0: {  	v15 =	vld [tilespmem:s29+$0xFFFFFE80];
	v14 =	vadd.s32 v1, v14  }
0xf1: {  	v16 =	vadd.s32 v1, v3;
	[tilespmem:v5+s12+$0x0] =	vst.idx.add.f32.msk $0xffff, v2  }
0xf2: {  	v4 =	vadd.s32 v1, v4;
	[tilespmem:v10+s12+$0x0] =	vst.idx.add.f32.msk $0xffff, v2  }
0xf3: {  	v5 =	vadd.s32 v1, v6;
	[tilespmem:v11+s12+$0x0] =	vst.idx.add.f32.msk $0xffff, v2  }
0xf4: {  	v10 =	vadd.s32 v1, v13;
	v6 =	vld [tilespmem:s29+$0xFFFFFC80];
	v3 =	vadd.s32 v1, v12  }
0xf5: {  	v11 =	vadd.s32 v1, v15;
	[tilespmem:v14+s12+$0x0] =	vst.idx.add.f32.msk $0xffff, v2  }
0xf6: {  	v9 =	vadd.s32 v1, v9;
	[tilespmem:v16+s12+$0x0] =	vst.idx.add.f32.msk $0xffff, v2  }
0xf7: {  	v8 =	vadd.s32 v1, v8;
	[tilespmem:v4+s12+$0x0] =	vst.idx.add.f32.msk $0xffff, v2  }
0xf8: {  	v7 =	vadd.s32 v1, v7;
	[tilespmem:v5+s12+$0x0] =	vst.idx.add.f32.msk $0xffff, v2  }
.Ltmp1:
0xf9: {  	v4 =	vadd.s32 v1, v6;
	[tilespmem:v10+s12+$0x0] =	vst.idx.add.f32.msk $0xffff, v2;
	(pc) =	sbr.rel @p1 .LBB2_4-.Ltmp1, $4  }
0xfa: {  	[tilespmem:v11+s12+$0x0] =	vst.idx.add.f32.msk $0xffff, v2  }
0xfb: {  	[tilespmem:v9+s12+$0x0] =	vst.idx.add.f32.msk $0xffff, v2  }
0xfc: {  	[tilespmem:v8+s12+$0x0] =	vst.idx.add.f32.msk $0xffff, v2  }
0xfd: {  	[tilespmem:v7+s12+$0x0] =	vst.idx.add.f32.msk $0xffff, v2  }
0xfe: {  	_ =	sdelay $0x3  }
0xff: {  	[tilespmem:v4+s12+$0x0] =	vst.idx.add.f32.msk $0xffff, v2  }
0x100: {  	s29 =	simm.s32 $0x0;
	[tilespmem:v3+s12+$0x0] =	vst.idx.add.f32.msk $0xffff, v2  }
.LBB2_6:
0x101: {  	s30 =	sshra.s32 s29, $0x2  }
0x102: {  	v3 =	vld [tilespmem:s30+$0x6000];
	_ =	sdelay $0x4  }
0x103: {  	p1 =	sne.s32 s29, $0xE00;
	v3 =	vadd.s32 v1, v3  }
.Ltmp2:
0x104: {  	_ = 	snop;
	(pc) =	sbr.rel @p1 .LBB2_6-.Ltmp2, $2  }
0x105: {  	_ =	sdelay $0x2  }
0x106: {  	s29 =	sadd.s32 $0x200, s29;
	[tilespmem:v3+s12+$0x0] =	vst.idx.add.f32.msk $0xffff, v2  }
0x107: {  	[hbm4b:s4+s2] =	stream.linear.scatter [tilespmem:s12], [sflag:$0x3], $0x800, $0x38;
	[tilespmem:$0xE880] =	vst v63  }
0x108: {  	_ =	swait.ge [sflag:s19], $0x800  }
0x109: {  	[sflag:s19] =	ssyncset.done $0x0  }
0x10a: {  	s29 =	simm.s32 $0x410;
	[sflag:s19] =	ssyncadd.s32 $0xFFFFF800  }
0x10b: {  	v3 =	vld [tilespmem:s29+$0x80]  }
0x10c: {  	v4 =	vld [tilespmem:s29+$0x0]  }
0x10d: {  	v5 =	vld [tilespmem:s29+$0xFFFFFC00]  }
0x10e: {  	v6 =	vld [tilespmem:s29+$0x380]  }
0x10f: {  	v7 =	vld [tilespmem:s29+$0xFFFFFD00]  }
0x110: {  	v8 =	vld [tilespmem:s29+$0xFFFFFD80]  }
0x111: {  	v9 =	vld [tilespmem:s29+$0xFFFFFE00]  }
0x112: {  	v11 =	vld [tilespmem:s29+$0x280]  }
0x113: {  	v12 =	vld [tilespmem:s29+$0x200];
	v5 =	vadd.s32 v1, v5  }
0x114: {  	v10 =	vld [tilespmem:s29+$0x300];
	v6 =	vadd.s32 v1, v6  }
0x115: {  	v13 =	vld [tilespmem:s29+$0x180]  }
0x116: {  	v14 =	vld [tilespmem:s29+$0x100]  }
0x117: {  	v15 =	vld [tilespmem:s29+$0xFFFFFE80];
	v59 =	vadd.s32 v1, v11  }
0x118: {  	v60 =	vadd.s32 v1, v12;
	[tilespmem:v5+s14+$0x0] =	vst.idx.add.f32.msk $0xffff, v2  }
0x119: {  	v5 =	vadd.s32 v1, v10;
	[tilespmem:v6+s14+$0x0] =	vst.idx.add.f32.msk $0xffff, v2  }
0x11a: {  	v6 =	vld [tilespmem:s29+$0xFFFFFF80]  }
0x11b: {  	v61 =	vld [tilespmem:s29+$0xFFFFFF00];
	v3 =	vadd.s32 v1, v3  }
0x11c: {  	v14 =	vadd.s32 v1, v14;
	[tilespmem:v59+s14+$0x0] =	vst.idx.add.f32.msk $0xffff, v2  }
0x11d: {  	v4 =	vadd.s32 v1, v4;
	[tilespmem:v60+s14+$0x0] =	vst.idx.add.f32.msk $0xffff, v2  }
0x11e: {  	v62 =	vadd.s32 v1, v13;
	[tilespmem:v5+s14+$0x0] =	vst.idx.add.f32.msk $0xffff, v2  }
0x11f: {  	v63 =	vadd.s32 v1, v15;
	v5 =	vadd.s32 v1, v6;
	v6 =	vld [tilespmem:s29+$0xFFFFFC80]  }
0x120: {  	[tilespmem:v3+s14+$0x0] =	vst.idx.add.f32.msk $0xffff, v2;
	v3 =	vadd.s32 v1, v8  }
0x121: {  	v9 =	vadd.s32 v1, v9;
	[tilespmem:v14+s14+$0x0] =	vst.idx.add.f32.msk $0xffff, v2  }
0x122: {  	v7 =	vadd.s32 v1, v7;
	[tilespmem:v4+s14+$0x0] =	vst.idx.add.f32.msk $0xffff, v2  }
0x123: {  	[tilespmem:v62+s14+$0x0] =	vst.idx.add.f32.msk $0xffff, v2  }
0x124: {  	[tilespmem:v63+s14+$0x0] =	vst.idx.add.f32.msk $0xffff, v2;
	v4 =	vadd.s32 v1, v6  }
0x125: {  	[tilespmem:v3+s14+$0x0] =	vst.idx.add.f32.msk $0xffff, v2;
	v3 =	vadd.s32 v1, v61  }
0x126: {  	[tilespmem:v9+s14+$0x0] =	vst.idx.add.f32.msk $0xffff, v2  }
0x127: {  	[tilespmem:v7+s14+$0x0] =	vst.idx.add.f32.msk $0xffff, v2  }
0x128: {  	s30 =	simm.s32 $0x0;
	[tilespmem:v5+s14+$0x0] =	vst.idx.add.f32.msk $0xffff, v2  }
.LBB2_8:
0x129: {  	s30 =	sadd.s32 $0x10, s30;
	[tilespmem:v4+s14+$0x0] =	vst.idx.add.f32.msk $0xffff, v2;
	s29 =	sadd.s32 $0x800, s29  }
0x12a: {  	p1 =	slt.u32 s30, $0xB0;
	[tilespmem:v3+s14+$0x0] =	vst.idx.add.f32.msk $0xffff, v2  }
0x12b: {  	v3 =	vld [tilespmem:s29+$0x80]  }
0x12c: {  	v4 =	vld [tilespmem:s29+$0x0]  }
0x12d: {  	v5 =	vld [tilespmem:s29+$0xFFFFFC00]  }
0x12e: {  	v6 =	vld [tilespmem:s29+$0x380]  }
0x12f: {  	v7 =	vld [tilespmem:s29+$0xFFFFFD00]  }
0x130: {  	v8 =	vld [tilespmem:s29+$0xFFFFFD80]  }
0x131: {  	v9 =	vld [tilespmem:s29+$0xFFFFFE00]  }
0x132: {  	v5 =	vadd.s32 v1, v5;
	v10 =	vld [tilespmem:s29+$0x300]  }
0x133: {  	v11 =	vld [tilespmem:s29+$0x280];
	v6 =	vadd.s32 v1, v6  }
0x134: {  	v12 =	vld [tilespmem:s29+$0x200]  }
0x135: {  	v13 =	vld [tilespmem:s29+$0x180]  }
0x136: {  	v14 =	vld [tilespmem:s29+$0x100]  }
0x137: {  	[tilespmem:v5+s14+$0x0] =	vst.idx.add.f32.msk $0xffff, v2;
	v5 =	vadd.s32 v1, v10  }
0x138: {  	v10 =	vadd.s32 v1, v11;
	[tilespmem:v6+s14+$0x0] =	vst.idx.add.f32.msk $0xffff, v2  }
0x139: {  	v6 =	vld [tilespmem:s29+$0xFFFFFF80];
	v11 =	vadd.s32 v1, v12  }
0x13a: {  	v12 =	vld [tilespmem:s29+$0xFFFFFF00]  }
0x13b: {  	v15 =	vld [tilespmem:s29+$0xFFFFFE80];
	v14 =	vadd.s32 v1, v14  }
0x13c: {  	v16 =	vadd.s32 v1, v3;
	[tilespmem:v5+s14+$0x0] =	vst.idx.add.f32.msk $0xffff, v2  }
0x13d: {  	v4 =	vadd.s32 v1, v4;
	[tilespmem:v10+s14+$0x0] =	vst.idx.add.f32.msk $0xffff, v2  }
0x13e: {  	v5 =	vadd.s32 v1, v6;
	[tilespmem:v11+s14+$0x0] =	vst.idx.add.f32.msk $0xffff, v2  }
0x13f: {  	v10 =	vadd.s32 v1, v13;
	v6 =	vld [tilespmem:s29+$0xFFFFFC80];
	v3 =	vadd.s32 v1, v12  }
0x140: {  	v11 =	vadd.s32 v1, v15;
	[tilespmem:v14+s14+$0x0] =	vst.idx.add.f32.msk $0xffff, v2  }
0x141: {  	v9 =	vadd.s32 v1, v9;
	[tilespmem:v16+s14+$0x0] =	vst.idx.add.f32.msk $0xffff, v2  }
0x142: {  	v8 =	vadd.s32 v1, v8;
	[tilespmem:v4+s14+$0x0] =	vst.idx.add.f32.msk $0xffff, v2  }
0x143: {  	v7 =	vadd.s32 v1, v7;
	[tilespmem:v5+s14+$0x0] =	vst.idx.add.f32.msk $0xffff, v2  }
.Ltmp3:
0x144: {  	v4 =	vadd.s32 v1, v6;
	[tilespmem:v10+s14+$0x0] =	vst.idx.add.f32.msk $0xffff, v2;
	(pc) =	sbr.rel @p1 .LBB2_8-.Ltmp3, $4  }
0x145: {  	[tilespmem:v11+s14+$0x0] =	vst.idx.add.f32.msk $0xffff, v2  }
0x146: {  	[tilespmem:v9+s14+$0x0] =	vst.idx.add.f32.msk $0xffff, v2  }
0x147: {  	[tilespmem:v8+s14+$0x0] =	vst.idx.add.f32.msk $0xffff, v2  }
0x148: {  	[tilespmem:v7+s14+$0x0] =	vst.idx.add.f32.msk $0xffff, v2  }
0x149: {  	_ =	sdelay $0x3  }
0x14a: {  	[tilespmem:v4+s14+$0x0] =	vst.idx.add.f32.msk $0xffff, v2  }
0x14b: {  	s29 =	simm.s32 $0x0;
	[tilespmem:v3+s14+$0x0] =	vst.idx.add.f32.msk $0xffff, v2  }
.LBB2_10:
0x14c: {  	s30 =	sshra.s32 s29, $0x2  }
0x14d: {  	v3 =	vld [tilespmem:s30+$0x6010];
	_ =	sdelay $0x4  }
0x14e: {  	p1 =	sne.s32 s29, $0xE00;
	v3 =	vadd.s32 v1, v3  }
.Ltmp4:
0x14f: {  	_ = 	snop;
	(pc) =	sbr.rel @p1 .LBB2_10-.Ltmp4, $2  }
0x150: {  	_ =	sdelay $0x2  }
0x151: {  	s29 =	sadd.s32 $0x200, s29;
	[tilespmem:v3+s14+$0x0] =	vst.idx.add.f32.msk $0xffff, v2  }
0x152: {  	s29 =	rddreg [dreg:$0x6]  }
0x153: {  	[hbm4b:s29+s2] =	stream.linear.scatter [tilespmem:s14], [sflag:$0x4], $0x800, $0x38;
	[tilespmem:$0xE880] =	vst v63  }
0x154: {  	_ =	swait.ge [sflag:s20], $0x800  }
0x155: {  	[sflag:s20] =	ssyncset.done $0x0  }
0x156: {  	s29 =	simm.s32 $0x420;
	[sflag:s20] =	ssyncadd.s32 $0xFFFFF800  }
0x157: {  	v3 =	vld [tilespmem:s29+$0x80]  }
0x158: {  	v4 =	vld [tilespmem:s29+$0x0]  }
0x159: {  	v5 =	vld [tilespmem:s29+$0xFFFFFC00]  }
0x15a: {  	v6 =	vld [tilespmem:s29+$0x380]  }
0x15b: {  	v7 =	vld [tilespmem:s29+$0xFFFFFD00]  }
0x15c: {  	v8 =	vld [tilespmem:s29+$0xFFFFFD80]  }
0x15d: {  	v9 =	vld [tilespmem:s29+$0xFFFFFE00]  }
0x15e: {  	v11 =	vld [tilespmem:s29+$0x280]  }
0x15f: {  	v12 =	vld [tilespmem:s29+$0x200];
	v5 =	vadd.s32 v1, v5  }
0x160: {  	v10 =	vld [tilespmem:s29+$0x300];
	v6 =	vadd.s32 v1, v6  }
0x161: {  	v13 =	vld [tilespmem:s29+$0x180]  }
0x162: {  	v14 =	vld [tilespmem:s29+$0x100]  }
0x163: {  	v15 =	vld [tilespmem:s29+$0xFFFFFE80];
	v59 =	vadd.s32 v1, v11  }
0x164: {  	v60 =	vadd.s32 v1, v12;
	[tilespmem:v5+s15+$0x0] =	vst.idx.add.f32.msk $0xffff, v2  }
0x165: {  	v5 =	vadd.s32 v1, v10;
	[tilespmem:v6+s15+$0x0] =	vst.idx.add.f32.msk $0xffff, v2  }
0x166: {  	v6 =	vld [tilespmem:s29+$0xFFFFFF80]  }
0x167: {  	v61 =	vld [tilespmem:s29+$0xFFFFFF00];
	v3 =	vadd.s32 v1, v3  }
0x168: {  	v14 =	vadd.s32 v1, v14;
	[tilespmem:v59+s15+$0x0] =	vst.idx.add.f32.msk $0xffff, v2  }
0x169: {  	v4 =	vadd.s32 v1, v4;
	[tilespmem:v60+s15+$0x0] =	vst.idx.add.f32.msk $0xffff, v2  }
0x16a: {  	v62 =	vadd.s32 v1, v13;
	[tilespmem:v5+s15+$0x0] =	vst.idx.add.f32.msk $0xffff, v2  }
0x16b: {  	v63 =	vadd.s32 v1, v15;
	v5 =	vadd.s32 v1, v6;
	v6 =	vld [tilespmem:s29+$0xFFFFFC80]  }
0x16c: {  	[tilespmem:v3+s15+$0x0] =	vst.idx.add.f32.msk $0xffff, v2;
	v3 =	vadd.s32 v1, v8  }
0x16d: {  	v9 =	vadd.s32 v1, v9;
	[tilespmem:v14+s15+$0x0] =	vst.idx.add.f32.msk $0xffff, v2  }
0x16e: {  	v7 =	vadd.s32 v1, v7;
	[tilespmem:v4+s15+$0x0] =	vst.idx.add.f32.msk $0xffff, v2  }
0x16f: {  	[tilespmem:v62+s15+$0x0] =	vst.idx.add.f32.msk $0xffff, v2  }
0x170: {  	[tilespmem:v63+s15+$0x0] =	vst.idx.add.f32.msk $0xffff, v2;
	v4 =	vadd.s32 v1, v6  }
0x171: {  	[tilespmem:v3+s15+$0x0] =	vst.idx.add.f32.msk $0xffff, v2;
	v3 =	vadd.s32 v1, v61  }
0x172: {  	[tilespmem:v9+s15+$0x0] =	vst.idx.add.f32.msk $0xffff, v2  }
0x173: {  	[tilespmem:v7+s15+$0x0] =	vst.idx.add.f32.msk $0xffff, v2  }
0x174: {  	s30 =	simm.s32 $0x0;
	[tilespmem:v5+s15+$0x0] =	vst.idx.add.f32.msk $0xffff, v2  }
.LBB2_12:
0x175: {  	s30 =	sadd.s32 $0x10, s30;
	[tilespmem:v4+s15+$0x0] =	vst.idx.add.f32.msk $0xffff, v2;
	s29 =	sadd.s32 $0x800, s29  }
0x176: {  	p1 =	slt.u32 s30, $0xB0;
	[tilespmem:v3+s15+$0x0] =	vst.idx.add.f32.msk $0xffff, v2  }
0x177: {  	v3 =	vld [tilespmem:s29+$0x80]  }
0x178: {  	v4 =	vld [tilespmem:s29+$0x0]  }
0x179: {  	v5 =	vld [tilespmem:s29+$0xFFFFFC00]  }
0x17a: {  	v6 =	vld [tilespmem:s29+$0x380]  }
0x17b: {  	v7 =	vld [tilespmem:s29+$0xFFFFFD00]  }
0x17c: {  	v8 =	vld [tilespmem:s29+$0xFFFFFD80]  }
0x17d: {  	v9 =	vld [tilespmem:s29+$0xFFFFFE00]  }
0x17e: {  	v5 =	vadd.s32 v1, v5;
	v10 =	vld [tilespmem:s29+$0x300]  }
0x17f: {  	v11 =	vld [tilespmem:s29+$0x280];
	v6 =	vadd.s32 v1, v6  }
0x180: {  	v12 =	vld [tilespmem:s29+$0x200]  }
0x181: {  	v13 =	vld [tilespmem:s29+$0x180]  }
0x182: {  	v14 =	vld [tilespmem:s29+$0x100]  }
0x183: {  	[tilespmem:v5+s15+$0x0] =	vst.idx.add.f32.msk $0xffff, v2;
	v5 =	vadd.s32 v1, v10  }
0x184: {  	v10 =	vadd.s32 v1, v11;
	[tilespmem:v6+s15+$0x0] =	vst.idx.add.f32.msk $0xffff, v2  }
0x185: {  	v6 =	vld [tilespmem:s29+$0xFFFFFF80];
	v11 =	vadd.s32 v1, v12  }
0x186: {  	v12 =	vld [tilespmem:s29+$0xFFFFFF00]  }
0x187: {  	v15 =	vld [tilespmem:s29+$0xFFFFFE80];
	v14 =	vadd.s32 v1, v14  }
0x188: {  	v16 =	vadd.s32 v1, v3;
	[tilespmem:v5+s15+$0x0] =	vst.idx.add.f32.msk $0xffff, v2  }
0x189: {  	v4 =	vadd.s32 v1, v4;
	[tilespmem:v10+s15+$0x0] =	vst.idx.add.f32.msk $0xffff, v2  }
0x18a: {  	v5 =	vadd.s32 v1, v6;
	[tilespmem:v11+s15+$0x0] =	vst.idx.add.f32.msk $0xffff, v2  }
0x18b: {  	v10 =	vadd.s32 v1, v13;
	v6 =	vld [tilespmem:s29+$0xFFFFFC80];
	v3 =	vadd.s32 v1, v12  }
0x18c: {  	v11 =	vadd.s32 v1, v15;
	[tilespmem:v14+s15+$0x0] =	vst.idx.add.f32.msk $0xffff, v2  }
0x18d: {  	v9 =	vadd.s32 v1, v9;
	[tilespmem:v16+s15+$0x0] =	vst.idx.add.f32.msk $0xffff, v2  }
0x18e: {  	v8 =	vadd.s32 v1, v8;
	[tilespmem:v4+s15+$0x0] =	vst.idx.add.f32.msk $0xffff, v2  }
0x18f: {  	v7 =	vadd.s32 v1, v7;
	[tilespmem:v5+s15+$0x0] =	vst.idx.add.f32.msk $0xffff, v2  }
.Ltmp5:
0x190: {  	v4 =	vadd.s32 v1, v6;
	[tilespmem:v10+s15+$0x0] =	vst.idx.add.f32.msk $0xffff, v2;
	(pc) =	sbr.rel @p1 .LBB2_12-.Ltmp5, $4  }
0x191: {  	[tilespmem:v11+s15+$0x0] =	vst.idx.add.f32.msk $0xffff, v2  }
0x192: {  	[tilespmem:v9+s15+$0x0] =	vst.idx.add.f32.msk $0xffff, v2  }
0x193: {  	[tilespmem:v8+s15+$0x0] =	vst.idx.add.f32.msk $0xffff, v2  }
0x194: {  	[tilespmem:v7+s15+$0x0] =	vst.idx.add.f32.msk $0xffff, v2  }
0x195: {  	_ =	sdelay $0x3  }
0x196: {  	[tilespmem:v4+s15+$0x0] =	vst.idx.add.f32.msk $0xffff, v2  }
0x197: {  	s29 =	simm.s32 $0x0;
	[tilespmem:v3+s15+$0x0] =	vst.idx.add.f32.msk $0xffff, v2  }
.LBB2_14:
0x198: {  	s30 =	sshra.s32 s29, $0x2  }
0x199: {  	v3 =	vld [tilespmem:s30+$0x6020];
	_ =	sdelay $0x4  }
0x19a: {  	p1 =	sne.s32 s29, $0xE00;
	v3 =	vadd.s32 v1, v3  }
.Ltmp6:
0x19b: {  	_ = 	snop;
	(pc) =	sbr.rel @p1 .LBB2_14-.Ltmp6, $2  }
0x19c: {  	_ =	sdelay $0x2  }
0x19d: {  	s29 =	sadd.s32 $0x200, s29;
	[tilespmem:v3+s15+$0x0] =	vst.idx.add.f32.msk $0xffff, v2  }
0x19e: {  	s29 =	rddreg [dreg:$0x7]  }
0x19f: {  	[hbm4b:s29+s2] =	stream.linear.scatter [tilespmem:s15], [sflag:$0x5], $0x800, $0x38;
	[tilespmem:$0xE880] =	vst v63  }
0x1a0: {  	_ =	swait.ge [sflag:s21], $0x800  }
0x1a1: {  	[sflag:s21] =	ssyncset.done $0x0  }
0x1a2: {  	[sflag:s21] =	ssyncadd.s32 $0xFFFFF800  }
0x1a3: {  	[tilespmem:s12], [sflag:$0x7] =	stream.linear.gather [spmem:s1], $0x800, $0x38;
	[tilespmem:$0xE880] =	vst v63  }
0x1a4: {  	_ =	swait.ge [sflag:s22], $0x800  }
0x1a5: {  	[sflag:s22] =	ssyncset.done $0x0  }
0x1a6: {  	s29 =	simm.s32 $0x430;
	[sflag:s22] =	ssyncadd.s32 $0xFFFFF800  }
0x1a7: {  	v3 =	vld [tilespmem:s29+$0x80]  }
0x1a8: {  	v4 =	vld [tilespmem:s29+$0x0]  }
0x1a9: {  	v5 =	vld [tilespmem:s29+$0xFFFFFC00]  }
0x1aa: {  	v6 =	vld [tilespmem:s29+$0x380]  }
0x1ab: {  	v7 =	vld [tilespmem:s29+$0xFFFFFD00]  }
0x1ac: {  	v8 =	vld [tilespmem:s29+$0xFFFFFD80]  }
0x1ad: {  	v9 =	vld [tilespmem:s29+$0xFFFFFE00]  }
0x1ae: {  	v11 =	vld [tilespmem:s29+$0x280]  }
0x1af: {  	v12 =	vld [tilespmem:s29+$0x200];
	v5 =	vadd.s32 v1, v5  }
0x1b0: {  	v10 =	vld [tilespmem:s29+$0x300];
	v6 =	vadd.s32 v1, v6  }
0x1b1: {  	v13 =	vld [tilespmem:s29+$0x180]  }
0x1b2: {  	v14 =	vld [tilespmem:s29+$0x100]  }
0x1b3: {  	v15 =	vld [tilespmem:s29+$0xFFFFFE80];
	v59 =	vadd.s32 v1, v11  }
0x1b4: {  	v60 =	vadd.s32 v1, v12;
	[tilespmem:v5+s16+$0x0] =	vst.idx.add.f32.msk $0xffff, v2  }
0x1b5: {  	v5 =	vadd.s32 v1, v10;
	[tilespmem:v6+s16+$0x0] =	vst.idx.add.f32.msk $0xffff, v2  }
0x1b6: {  	v6 =	vld [tilespmem:s29+$0xFFFFFF80]  }
0x1b7: {  	v61 =	vld [tilespmem:s29+$0xFFFFFF00];
	v3 =	vadd.s32 v1, v3  }
0x1b8: {  	v14 =	vadd.s32 v1, v14;
	[tilespmem:v59+s16+$0x0] =	vst.idx.add.f32.msk $0xffff, v2  }
0x1b9: {  	v4 =	vadd.s32 v1, v4;
	[tilespmem:v60+s16+$0x0] =	vst.idx.add.f32.msk $0xffff, v2  }
0x1ba: {  	v62 =	vadd.s32 v1, v13;
	[tilespmem:v5+s16+$0x0] =	vst.idx.add.f32.msk $0xffff, v2  }
0x1bb: {  	v63 =	vadd.s32 v1, v15;
	v5 =	vadd.s32 v1, v6;
	v6 =	vld [tilespmem:s29+$0xFFFFFC80]  }
0x1bc: {  	[tilespmem:v3+s16+$0x0] =	vst.idx.add.f32.msk $0xffff, v2;
	v3 =	vadd.s32 v1, v8  }
0x1bd: {  	v9 =	vadd.s32 v1, v9;
	[tilespmem:v14+s16+$0x0] =	vst.idx.add.f32.msk $0xffff, v2  }
0x1be: {  	v7 =	vadd.s32 v1, v7;
	[tilespmem:v4+s16+$0x0] =	vst.idx.add.f32.msk $0xffff, v2  }
0x1bf: {  	[tilespmem:v62+s16+$0x0] =	vst.idx.add.f32.msk $0xffff, v2  }
0x1c0: {  	[tilespmem:v63+s16+$0x0] =	vst.idx.add.f32.msk $0xffff, v2;
	v4 =	vadd.s32 v1, v6  }
0x1c1: {  	[tilespmem:v3+s16+$0x0] =	vst.idx.add.f32.msk $0xffff, v2;
	v3 =	vadd.s32 v1, v61  }
0x1c2: {  	[tilespmem:v9+s16+$0x0] =	vst.idx.add.f32.msk $0xffff, v2  }
0x1c3: {  	[tilespmem:v7+s16+$0x0] =	vst.idx.add.f32.msk $0xffff, v2  }
0x1c4: {  	s30 =	simm.s32 $0x0;
	[tilespmem:v5+s16+$0x0] =	vst.idx.add.f32.msk $0xffff, v2  }
.LBB2_16:
0x1c5: {  	s30 =	sadd.s32 $0x10, s30;
	[tilespmem:v4+s16+$0x0] =	vst.idx.add.f32.msk $0xffff, v2;
	s29 =	sadd.s32 $0x800, s29  }
0x1c6: {  	p1 =	slt.u32 s30, $0xB0;
	[tilespmem:v3+s16+$0x0] =	vst.idx.add.f32.msk $0xffff, v2  }
0x1c7: {  	v3 =	vld [tilespmem:s29+$0x80]  }
0x1c8: {  	v4 =	vld [tilespmem:s29+$0x0]  }
0x1c9: {  	v5 =	vld [tilespmem:s29+$0xFFFFFC00]  }
0x1ca: {  	v6 =	vld [tilespmem:s29+$0x380]  }
0x1cb: {  	v7 =	vld [tilespmem:s29+$0xFFFFFD00]  }
0x1cc: {  	v8 =	vld [tilespmem:s29+$0xFFFFFD80]  }
0x1cd: {  	v9 =	vld [tilespmem:s29+$0xFFFFFE00]  }
0x1ce: {  	v5 =	vadd.s32 v1, v5;
	v10 =	vld [tilespmem:s29+$0x300]  }
0x1cf: {  	v11 =	vld [tilespmem:s29+$0x280];
	v6 =	vadd.s32 v1, v6  }
0x1d0: {  	v12 =	vld [tilespmem:s29+$0x200]  }
0x1d1: {  	v13 =	vld [tilespmem:s29+$0x180]  }
0x1d2: {  	v14 =	vld [tilespmem:s29+$0x100]  }
0x1d3: {  	[tilespmem:v5+s16+$0x0] =	vst.idx.add.f32.msk $0xffff, v2;
	v5 =	vadd.s32 v1, v10  }
0x1d4: {  	v10 =	vadd.s32 v1, v11;
	[tilespmem:v6+s16+$0x0] =	vst.idx.add.f32.msk $0xffff, v2  }
0x1d5: {  	v6 =	vld [tilespmem:s29+$0xFFFFFF80];
	v11 =	vadd.s32 v1, v12  }
0x1d6: {  	v12 =	vld [tilespmem:s29+$0xFFFFFF00]  }
0x1d7: {  	v15 =	vld [tilespmem:s29+$0xFFFFFE80];
	v14 =	vadd.s32 v1, v14  }
0x1d8: {  	v16 =	vadd.s32 v1, v3;
	[tilespmem:v5+s16+$0x0] =	vst.idx.add.f32.msk $0xffff, v2  }
0x1d9: {  	v4 =	vadd.s32 v1, v4;
	[tilespmem:v10+s16+$0x0] =	vst.idx.add.f32.msk $0xffff, v2  }
0x1da: {  	v5 =	vadd.s32 v1, v6;
	[tilespmem:v11+s16+$0x0] =	vst.idx.add.f32.msk $0xffff, v2  }
0x1db: {  	v10 =	vadd.s32 v1, v13;
	v6 =	vld [tilespmem:s29+$0xFFFFFC80];
	v3 =	vadd.s32 v1, v12  }
0x1dc: {  	v11 =	vadd.s32 v1, v15;
	[tilespmem:v14+s16+$0x0] =	vst.idx.add.f32.msk $0xffff, v2  }
0x1dd: {  	v9 =	vadd.s32 v1, v9;
	[tilespmem:v16+s16+$0x0] =	vst.idx.add.f32.msk $0xffff, v2  }
0x1de: {  	v8 =	vadd.s32 v1, v8;
	[tilespmem:v4+s16+$0x0] =	vst.idx.add.f32.msk $0xffff, v2  }
0x1df: {  	v7 =	vadd.s32 v1, v7;
	[tilespmem:v5+s16+$0x0] =	vst.idx.add.f32.msk $0xffff, v2  }
.Ltmp7:
0x1e0: {  	v4 =	vadd.s32 v1, v6;
	[tilespmem:v10+s16+$0x0] =	vst.idx.add.f32.msk $0xffff, v2;
	(pc) =	sbr.rel @p1 .LBB2_16-.Ltmp7, $4  }
0x1e1: {  	[tilespmem:v11+s16+$0x0] =	vst.idx.add.f32.msk $0xffff, v2  }
0x1e2: {  	[tilespmem:v9+s16+$0x0] =	vst.idx.add.f32.msk $0xffff, v2  }
0x1e3: {  	[tilespmem:v8+s16+$0x0] =	vst.idx.add.f32.msk $0xffff, v2  }
0x1e4: {  	[tilespmem:v7+s16+$0x0] =	vst.idx.add.f32.msk $0xffff, v2  }
0x1e5: {  	_ =	sdelay $0x3  }
0x1e6: {  	[tilespmem:v4+s16+$0x0] =	vst.idx.add.f32.msk $0xffff, v2  }
0x1e7: {  	s29 =	simm.s32 $0x0;
	[tilespmem:v3+s16+$0x0] =	vst.idx.add.f32.msk $0xffff, v2  }
.LBB2_18:
0x1e8: {  	s30 =	sshra.s32 s29, $0x2  }
0x1e9: {  	v3 =	vld [tilespmem:s30+$0x6030];
	_ =	sdelay $0x4  }
0x1ea: {  	p1 =	sne.s32 s29, $0xE00;
	v3 =	vadd.s32 v1, v3  }
.Ltmp8:
0x1eb: {  	_ = 	snop;
	(pc) =	sbr.rel @p1 .LBB2_18-.Ltmp8, $2  }
0x1ec: {  	_ =	sdelay $0x2  }
0x1ed: {  	s29 =	sadd.s32 $0x200, s29;
	[tilespmem:v3+s16+$0x0] =	vst.idx.add.f32.msk $0xffff, v2  }
0x1ee: {  	s29 =	rddreg [dreg:$0x8]  }
0x1ef: {  	[hbm4b:s29+s2] =	stream.linear.scatter [tilespmem:s16], [sflag:$0x6], $0x800, $0x38;
	[tilespmem:$0xE880] =	vst v63  }
0x1f0: {  	_ =	swait.ge [sflag:s23], $0x800  }
0x1f1: {  	[sflag:s23] =	ssyncset.done $0x0  }
0x1f2: {  	[sflag:s23] =	ssyncadd.s32 $0xFFFFF800  }
0x1f3: {  	[tilespmem:s14], [sflag:$0x8] =	stream.linear.gather [spmem:s1], $0x800, $0x38;
	[tilespmem:$0xE880] =	vst v63  }
0x1f4: {  	_ =	swait.ge [sflag:s18], $0x800  }
0x1f5: {  	[sflag:s18] =	ssyncset.done $0x0  }
0x1f6: {  	s29 =	simm.s32 $0x440;
	[sflag:s18] =	ssyncadd.s32 $0xFFFFF800  }
0x1f7: {  	v3 =	vld [tilespmem:s29+$0x80]  }
0x1f8: {  	v4 =	vld [tilespmem:s29+$0x0]  }
0x1f9: {  	v5 =	vld [tilespmem:s29+$0xFFFFFC00]  }
0x1fa: {  	v6 =	vld [tilespmem:s29+$0x380]  }
0x1fb: {  	v7 =	vld [tilespmem:s29+$0xFFFFFD00]  }
0x1fc: {  	v8 =	vld [tilespmem:s29+$0xFFFFFD80]  }
0x1fd: {  	v9 =	vld [tilespmem:s29+$0xFFFFFE00]  }
0x1fe: {  	v11 =	vld [tilespmem:s29+$0x280]  }
0x1ff: {  	v12 =	vld [tilespmem:s29+$0x200];
	v5 =	vadd.s32 v1, v5  }
0x200: {  	v10 =	vld [tilespmem:s29+$0x300];
	v6 =	vadd.s32 v1, v6  }
0x201: {  	v13 =	vld [tilespmem:s29+$0x180]  }
0x202: {  	v14 =	vld [tilespmem:s29+$0x100]  }
0x203: {  	v15 =	vld [tilespmem:s29+$0xFFFFFE80];
	v59 =	vadd.s32 v1, v11  }
0x204: {  	v60 =	vadd.s32 v1, v12;
	[tilespmem:v5+s12+$0x0] =	vst.idx.add.f32.msk $0xffff, v2  }
0x205: {  	v5 =	vadd.s32 v1, v10;
	[tilespmem:v6+s12+$0x0] =	vst.idx.add.f32.msk $0xffff, v2  }
0x206: {  	v6 =	vld [tilespmem:s29+$0xFFFFFF80]  }
0x207: {  	v61 =	vld [tilespmem:s29+$0xFFFFFF00];
	v3 =	vadd.s32 v1, v3  }
0x208: {  	v14 =	vadd.s32 v1, v14;
	[tilespmem:v59+s12+$0x0] =	vst.idx.add.f32.msk $0xffff, v2  }
0x209: {  	v4 =	vadd.s32 v1, v4;
	[tilespmem:v60+s12+$0x0] =	vst.idx.add.f32.msk $0xffff, v2  }
0x20a: {  	v62 =	vadd.s32 v1, v13;
	[tilespmem:v5+s12+$0x0] =	vst.idx.add.f32.msk $0xffff, v2  }
0x20b: {  	v63 =	vadd.s32 v1, v15;
	v5 =	vadd.s32 v1, v6;
	v6 =	vld [tilespmem:s29+$0xFFFFFC80]  }
0x20c: {  	[tilespmem:v3+s12+$0x0] =	vst.idx.add.f32.msk $0xffff, v2;
	v3 =	vadd.s32 v1, v8  }
0x20d: {  	v9 =	vadd.s32 v1, v9;
	[tilespmem:v14+s12+$0x0] =	vst.idx.add.f32.msk $0xffff, v2  }
0x20e: {  	v7 =	vadd.s32 v1, v7;
	[tilespmem:v4+s12+$0x0] =	vst.idx.add.f32.msk $0xffff, v2  }
0x20f: {  	[tilespmem:v62+s12+$0x0] =	vst.idx.add.f32.msk $0xffff, v2  }
0x210: {  	[tilespmem:v63+s12+$0x0] =	vst.idx.add.f32.msk $0xffff, v2;
	v4 =	vadd.s32 v1, v6  }
0x211: {  	[tilespmem:v3+s12+$0x0] =	vst.idx.add.f32.msk $0xffff, v2;
	v3 =	vadd.s32 v1, v61  }
0x212: {  	[tilespmem:v9+s12+$0x0] =	vst.idx.add.f32.msk $0xffff, v2  }
0x213: {  	[tilespmem:v7+s12+$0x0] =	vst.idx.add.f32.msk $0xffff, v2  }
0x214: {  	s30 =	simm.s32 $0x0;
	[tilespmem:v5+s12+$0x0] =	vst.idx.add.f32.msk $0xffff, v2  }
.LBB2_20:
0x215: {  	s30 =	sadd.s32 $0x10, s30;
	[tilespmem:v4+s12+$0x0] =	vst.idx.add.f32.msk $0xffff, v2;
	s29 =	sadd.s32 $0x800, s29  }
0x216: {  	p1 =	slt.u32 s30, $0xB0;
	[tilespmem:v3+s12+$0x0] =	vst.idx.add.f32.msk $0xffff, v2  }
0x217: {  	v3 =	vld [tilespmem:s29+$0x80]  }
0x218: {  	v4 =	vld [tilespmem:s29+$0x0]  }
0x219: {  	v5 =	vld [tilespmem:s29+$0xFFFFFC00]  }
0x21a: {  	v6 =	vld [tilespmem:s29+$0x380]  }
0x21b: {  	v7 =	vld [tilespmem:s29+$0xFFFFFD00]  }
0x21c: {  	v8 =	vld [tilespmem:s29+$0xFFFFFD80]  }
0x21d: {  	v9 =	vld [tilespmem:s29+$0xFFFFFE00]  }
0x21e: {  	v5 =	vadd.s32 v1, v5;
	v10 =	vld [tilespmem:s29+$0x300]  }
0x21f: {  	v11 =	vld [tilespmem:s29+$0x280];
	v6 =	vadd.s32 v1, v6  }
0x220: {  	v12 =	vld [tilespmem:s29+$0x200]  }
0x221: {  	v13 =	vld [tilespmem:s29+$0x180]  }
0x222: {  	v14 =	vld [tilespmem:s29+$0x100]  }
0x223: {  	[tilespmem:v5+s12+$0x0] =	vst.idx.add.f32.msk $0xffff, v2;
	v5 =	vadd.s32 v1, v10  }
0x224: {  	v10 =	vadd.s32 v1, v11;
	[tilespmem:v6+s12+$0x0] =	vst.idx.add.f32.msk $0xffff, v2  }
0x225: {  	v6 =	vld [tilespmem:s29+$0xFFFFFF80];
	v11 =	vadd.s32 v1, v12  }
0x226: {  	v12 =	vld [tilespmem:s29+$0xFFFFFF00]  }
0x227: {  	v15 =	vld [tilespmem:s29+$0xFFFFFE80];
	v14 =	vadd.s32 v1, v14  }
0x228: {  	v16 =	vadd.s32 v1, v3;
	[tilespmem:v5+s12+$0x0] =	vst.idx.add.f32.msk $0xffff, v2  }
0x229: {  	v4 =	vadd.s32 v1, v4;
	[tilespmem:v10+s12+$0x0] =	vst.idx.add.f32.msk $0xffff, v2  }
0x22a: {  	v5 =	vadd.s32 v1, v6;
	[tilespmem:v11+s12+$0x0] =	vst.idx.add.f32.msk $0xffff, v2  }
0x22b: {  	v10 =	vadd.s32 v1, v13;
	v6 =	vld [tilespmem:s29+$0xFFFFFC80];
	v3 =	vadd.s32 v1, v12  }
0x22c: {  	v11 =	vadd.s32 v1, v15;
	[tilespmem:v14+s12+$0x0] =	vst.idx.add.f32.msk $0xffff, v2  }
0x22d: {  	v9 =	vadd.s32 v1, v9;
	[tilespmem:v16+s12+$0x0] =	vst.idx.add.f32.msk $0xffff, v2  }
0x22e: {  	v8 =	vadd.s32 v1, v8;
	[tilespmem:v4+s12+$0x0] =	vst.idx.add.f32.msk $0xffff, v2  }
0x22f: {  	v7 =	vadd.s32 v1, v7;
	[tilespmem:v5+s12+$0x0] =	vst.idx.add.f32.msk $0xffff, v2  }
.Ltmp9:
0x230: {  	v4 =	vadd.s32 v1, v6;
	[tilespmem:v10+s12+$0x0] =	vst.idx.add.f32.msk $0xffff, v2;
	(pc) =	sbr.rel @p1 .LBB2_20-.Ltmp9, $4  }
0x231: {  	[tilespmem:v11+s12+$0x0] =	vst.idx.add.f32.msk $0xffff, v2  }
0x232: {  	[tilespmem:v9+s12+$0x0] =	vst.idx.add.f32.msk $0xffff, v2  }
0x233: {  	[tilespmem:v8+s12+$0x0] =	vst.idx.add.f32.msk $0xffff, v2  }
0x234: {  	[tilespmem:v7+s12+$0x0] =	vst.idx.add.f32.msk $0xffff, v2  }
0x235: {  	_ =	sdelay $0x3  }
0x236: {  	[tilespmem:v4+s12+$0x0] =	vst.idx.add.f32.msk $0xffff, v2  }
0x237: {  	s29 =	simm.s32 $0x0;
	[tilespmem:v3+s12+$0x0] =	vst.idx.add.f32.msk $0xffff, v2  }
.LBB2_22:
0x238: {  	s30 =	sshra.s32 s29, $0x2  }
0x239: {  	v3 =	vld [tilespmem:s30+$0x6040];
	_ =	sdelay $0x4  }
0x23a: {  	p1 =	sne.s32 s29, $0xE00;
	v3 =	vadd.s32 v1, v3  }
.Ltmp10:
0x23b: {  	_ = 	snop;
	(pc) =	sbr.rel @p1 .LBB2_22-.Ltmp10, $2  }
0x23c: {  	_ =	sdelay $0x2  }
0x23d: {  	s29 =	sadd.s32 $0x200, s29;
	[tilespmem:v3+s12+$0x0] =	vst.idx.add.f32.msk $0xffff, v2  }
0x23e: {  	s29 =	rddreg [dreg:$0x9]  }
0x23f: {  	[hbm4b:s29+s2] =	stream.linear.scatter [tilespmem:s12], [sflag:$0x3], $0x800, $0x38;
	[tilespmem:$0xE880] =	vst v63  }
0x240: {  	_ =	swait.ge [sflag:s24], $0x800  }
0x241: {  	[sflag:s24] =	ssyncset.done $0x0  }
0x242: {  	[sflag:s24] =	ssyncadd.s32 $0xFFFFF800  }
0x243: {  	[tilespmem:s15], [sflag:$0x9] =	stream.linear.gather [spmem:s1], $0x800, $0x38;
	[tilespmem:$0xE880] =	vst v63  }
0x244: {  	_ =	swait.ge [sflag:s19], $0x800  }
0x245: {  	[sflag:s19] =	ssyncset.done $0x0  }
0x246: {  	s29 =	simm.s32 $0x450;
	[sflag:s19] =	ssyncadd.s32 $0xFFFFF800  }
0x247: {  	v3 =	vld [tilespmem:s29+$0x80]  }
0x248: {  	v4 =	vld [tilespmem:s29+$0x0]  }
0x249: {  	v5 =	vld [tilespmem:s29+$0xFFFFFC00]  }
0x24a: {  	v6 =	vld [tilespmem:s29+$0x380]  }
0x24b: {  	v7 =	vld [tilespmem:s29+$0xFFFFFD00]  }
0x24c: {  	v8 =	vld [tilespmem:s29+$0xFFFFFD80]  }
0x24d: {  	v9 =	vld [tilespmem:s29+$0xFFFFFE00]  }
0x24e: {  	v11 =	vld [tilespmem:s29+$0x280]  }
0x24f: {  	v12 =	vld [tilespmem:s29+$0x200];
	v5 =	vadd.s32 v1, v5  }
0x250: {  	v10 =	vld [tilespmem:s29+$0x300];
	v6 =	vadd.s32 v1, v6  }
0x251: {  	v13 =	vld [tilespmem:s29+$0x180]  }
0x252: {  	v14 =	vld [tilespmem:s29+$0x100]  }
0x253: {  	v15 =	vld [tilespmem:s29+$0xFFFFFE80];
	v59 =	vadd.s32 v1, v11  }
0x254: {  	v60 =	vadd.s32 v1, v12;
	[tilespmem:v5+s14+$0x0] =	vst.idx.add.f32.msk $0xffff, v2  }
0x255: {  	v5 =	vadd.s32 v1, v10;
	[tilespmem:v6+s14+$0x0] =	vst.idx.add.f32.msk $0xffff, v2  }
0x256: {  	v6 =	vld [tilespmem:s29+$0xFFFFFF80]  }
0x257: {  	v61 =	vld [tilespmem:s29+$0xFFFFFF00];
	v3 =	vadd.s32 v1, v3  }
0x258: {  	v14 =	vadd.s32 v1, v14;
	[tilespmem:v59+s14+$0x0] =	vst.idx.add.f32.msk $0xffff, v2  }
0x259: {  	v4 =	vadd.s32 v1, v4;
	[tilespmem:v60+s14+$0x0] =	vst.idx.add.f32.msk $0xffff, v2  }
0x25a: {  	v62 =	vadd.s32 v1, v13;
	[tilespmem:v5+s14+$0x0] =	vst.idx.add.f32.msk $0xffff, v2  }
0x25b: {  	v63 =	vadd.s32 v1, v15;
	v5 =	vadd.s32 v1, v6;
	v6 =	vld [tilespmem:s29+$0xFFFFFC80]  }
0x25c: {  	[tilespmem:v3+s14+$0x0] =	vst.idx.add.f32.msk $0xffff, v2;
	v3 =	vadd.s32 v1, v8  }
0x25d: {  	v9 =	vadd.s32 v1, v9;
	[tilespmem:v14+s14+$0x0] =	vst.idx.add.f32.msk $0xffff, v2  }
0x25e: {  	v7 =	vadd.s32 v1, v7;
	[tilespmem:v4+s14+$0x0] =	vst.idx.add.f32.msk $0xffff, v2  }
0x25f: {  	[tilespmem:v62+s14+$0x0] =	vst.idx.add.f32.msk $0xffff, v2  }
0x260: {  	[tilespmem:v63+s14+$0x0] =	vst.idx.add.f32.msk $0xffff, v2;
	v4 =	vadd.s32 v1, v6  }
0x261: {  	[tilespmem:v3+s14+$0x0] =	vst.idx.add.f32.msk $0xffff, v2;
	v3 =	vadd.s32 v1, v61  }
0x262: {  	[tilespmem:v9+s14+$0x0] =	vst.idx.add.f32.msk $0xffff, v2  }
0x263: {  	[tilespmem:v7+s14+$0x0] =	vst.idx.add.f32.msk $0xffff, v2  }
0x264: {  	s30 =	simm.s32 $0x0;
	[tilespmem:v5+s14+$0x0] =	vst.idx.add.f32.msk $0xffff, v2  }
.LBB2_24:
0x265: {  	s30 =	sadd.s32 $0x10, s30;
	[tilespmem:v4+s14+$0x0] =	vst.idx.add.f32.msk $0xffff, v2;
	s29 =	sadd.s32 $0x800, s29  }
0x266: {  	p1 =	slt.u32 s30, $0xB0;
	[tilespmem:v3+s14+$0x0] =	vst.idx.add.f32.msk $0xffff, v2  }
0x267: {  	v3 =	vld [tilespmem:s29+$0x80]  }
0x268: {  	v4 =	vld [tilespmem:s29+$0x0]  }
0x269: {  	v5 =	vld [tilespmem:s29+$0xFFFFFC00]  }
0x26a: {  	v6 =	vld [tilespmem:s29+$0x380]  }
0x26b: {  	v7 =	vld [tilespmem:s29+$0xFFFFFD00]  }
0x26c: {  	v8 =	vld [tilespmem:s29+$0xFFFFFD80]  }
0x26d: {  	v9 =	vld [tilespmem:s29+$0xFFFFFE00]  }
0x26e: {  	v5 =	vadd.s32 v1, v5;
	v10 =	vld [tilespmem:s29+$0x300]  }
0x26f: {  	v11 =	vld [tilespmem:s29+$0x280];
	v6 =	vadd.s32 v1, v6  }
0x270: {  	v12 =	vld [tilespmem:s29+$0x200]  }
0x271: {  	v13 =	vld [tilespmem:s29+$0x180]  }
0x272: {  	v14 =	vld [tilespmem:s29+$0x100]  }
0x273: {  	[tilespmem:v5+s14+$0x0] =	vst.idx.add.f32.msk $0xffff, v2;
	v5 =	vadd.s32 v1, v10  }
0x274: {  	v10 =	vadd.s32 v1, v11;
	[tilespmem:v6+s14+$0x0] =	vst.idx.add.f32.msk $0xffff, v2  }
0x275: {  	v6 =	vld [tilespmem:s29+$0xFFFFFF80];
	v11 =	vadd.s32 v1, v12  }
0x276: {  	v12 =	vld [tilespmem:s29+$0xFFFFFF00]  }
0x277: {  	v15 =	vld [tilespmem:s29+$0xFFFFFE80];
	v14 =	vadd.s32 v1, v14  }
0x278: {  	v16 =	vadd.s32 v1, v3;
	[tilespmem:v5+s14+$0x0] =	vst.idx.add.f32.msk $0xffff, v2  }
0x279: {  	v4 =	vadd.s32 v1, v4;
	[tilespmem:v10+s14+$0x0] =	vst.idx.add.f32.msk $0xffff, v2  }
0x27a: {  	v5 =	vadd.s32 v1, v6;
	[tilespmem:v11+s14+$0x0] =	vst.idx.add.f32.msk $0xffff, v2  }
0x27b: {  	v10 =	vadd.s32 v1, v13;
	v6 =	vld [tilespmem:s29+$0xFFFFFC80];
	v3 =	vadd.s32 v1, v12  }
0x27c: {  	v11 =	vadd.s32 v1, v15;
	[tilespmem:v14+s14+$0x0] =	vst.idx.add.f32.msk $0xffff, v2  }
0x27d: {  	v9 =	vadd.s32 v1, v9;
	[tilespmem:v16+s14+$0x0] =	vst.idx.add.f32.msk $0xffff, v2  }
0x27e: {  	v8 =	vadd.s32 v1, v8;
	[tilespmem:v4+s14+$0x0] =	vst.idx.add.f32.msk $0xffff, v2  }
0x27f: {  	v7 =	vadd.s32 v1, v7;
	[tilespmem:v5+s14+$0x0] =	vst.idx.add.f32.msk $0xffff, v2  }
.Ltmp11:
0x280: {  	v4 =	vadd.s32 v1, v6;
	[tilespmem:v10+s14+$0x0] =	vst.idx.add.f32.msk $0xffff, v2;
	(pc) =	sbr.rel @p1 .LBB2_24-.Ltmp11, $4  }
0x281: {  	[tilespmem:v11+s14+$0x0] =	vst.idx.add.f32.msk $0xffff, v2  }
0x282: {  	[tilespmem:v9+s14+$0x0] =	vst.idx.add.f32.msk $0xffff, v2  }
0x283: {  	[tilespmem:v8+s14+$0x0] =	vst.idx.add.f32.msk $0xffff, v2  }
0x284: {  	[tilespmem:v7+s14+$0x0] =	vst.idx.add.f32.msk $0xffff, v2  }
0x285: {  	_ =	sdelay $0x3  }
0x286: {  	[tilespmem:v4+s14+$0x0] =	vst.idx.add.f32.msk $0xffff, v2  }
0x287: {  	s29 =	simm.s32 $0x0;
	[tilespmem:v3+s14+$0x0] =	vst.idx.add.f32.msk $0xffff, v2  }
.LBB2_26:
0x288: {  	s30 =	sshra.s32 s29, $0x2  }
0x289: {  	v3 =	vld [tilespmem:s30+$0x6050];
	_ =	sdelay $0x4  }
0x28a: {  	p1 =	sne.s32 s29, $0xE00;
	v3 =	vadd.s32 v1, v3  }
.Ltmp12:
0x28b: {  	_ = 	snop;
	(pc) =	sbr.rel @p1 .LBB2_26-.Ltmp12, $2  }
0x28c: {  	_ =	sdelay $0x2  }
0x28d: {  	s29 =	sadd.s32 $0x200, s29;
	[tilespmem:v3+s14+$0x0] =	vst.idx.add.f32.msk $0xffff, v2  }
0x28e: {  	s29 =	rddreg [dreg:$0xa]  }
0x28f: {  	[hbm4b:s29+s2] =	stream.linear.scatter [tilespmem:s14], [sflag:$0x4], $0x800, $0x38;
	[tilespmem:$0xE880] =	vst v63  }
0x290: {  	_ =	swait.ge [sflag:s25], $0x800  }
0x291: {  	[sflag:s25] =	ssyncset.done $0x0  }
0x292: {  	[sflag:s25] =	ssyncadd.s32 $0xFFFFF800  }
0x293: {  	[tilespmem:s16], [sflag:$0xA] =	stream.linear.gather [spmem:s1], $0x800, $0x38;
	[tilespmem:$0xE880] =	vst v63  }
0x294: {  	_ =	swait.ge [sflag:s20], $0x800  }
0x295: {  	[sflag:s20] =	ssyncset.done $0x0  }
0x296: {  	s29 =	simm.s32 $0x460;
	[sflag:s20] =	ssyncadd.s32 $0xFFFFF800  }
0x297: {  	v3 =	vld [tilespmem:s29+$0x80]  }
0x298: {  	v4 =	vld [tilespmem:s29+$0x0]  }
0x299: {  	v5 =	vld [tilespmem:s29+$0xFFFFFC00]  }
0x29a: {  	v6 =	vld [tilespmem:s29+$0x380]  }
0x29b: {  	v7 =	vld [tilespmem:s29+$0xFFFFFD00]  }
0x29c: {  	v8 =	vld [tilespmem:s29+$0xFFFFFD80]  }
0x29d: {  	v9 =	vld [tilespmem:s29+$0xFFFFFE00]  }
0x29e: {  	v11 =	vld [tilespmem:s29+$0x280]  }
0x29f: {  	v12 =	vld [tilespmem:s29+$0x200];
	v5 =	vadd.s32 v1, v5  }
0x2a0: {  	v10 =	vld [tilespmem:s29+$0x300];
	v6 =	vadd.s32 v1, v6  }
0x2a1: {  	v13 =	vld [tilespmem:s29+$0x180]  }
0x2a2: {  	v14 =	vld [tilespmem:s29+$0x100]  }
0x2a3: {  	v15 =	vld [tilespmem:s29+$0xFFFFFE80];
	v59 =	vadd.s32 v1, v11  }
0x2a4: {  	v60 =	vadd.s32 v1, v12;
	[tilespmem:v5+s15+$0x0] =	vst.idx.add.f32.msk $0xffff, v2  }
0x2a5: {  	v5 =	vadd.s32 v1, v10;
	[tilespmem:v6+s15+$0x0] =	vst.idx.add.f32.msk $0xffff, v2  }
0x2a6: {  	v6 =	vld [tilespmem:s29+$0xFFFFFF80]  }
0x2a7: {  	v61 =	vld [tilespmem:s29+$0xFFFFFF00];
	v3 =	vadd.s32 v1, v3  }
0x2a8: {  	v14 =	vadd.s32 v1, v14;
	[tilespmem:v59+s15+$0x0] =	vst.idx.add.f32.msk $0xffff, v2  }
0x2a9: {  	v4 =	vadd.s32 v1, v4;
	[tilespmem:v60+s15+$0x0] =	vst.idx.add.f32.msk $0xffff, v2  }
0x2aa: {  	v62 =	vadd.s32 v1, v13;
	[tilespmem:v5+s15+$0x0] =	vst.idx.add.f32.msk $0xffff, v2  }
0x2ab: {  	v63 =	vadd.s32 v1, v15;
	v5 =	vadd.s32 v1, v6;
	v6 =	vld [tilespmem:s29+$0xFFFFFC80]  }
0x2ac: {  	[tilespmem:v3+s15+$0x0] =	vst.idx.add.f32.msk $0xffff, v2;
	v3 =	vadd.s32 v1, v8  }
0x2ad: {  	v9 =	vadd.s32 v1, v9;
	[tilespmem:v14+s15+$0x0] =	vst.idx.add.f32.msk $0xffff, v2  }
0x2ae: {  	v7 =	vadd.s32 v1, v7;
	[tilespmem:v4+s15+$0x0] =	vst.idx.add.f32.msk $0xffff, v2  }
0x2af: {  	[tilespmem:v62+s15+$0x0] =	vst.idx.add.f32.msk $0xffff, v2  }
0x2b0: {  	[tilespmem:v63+s15+$0x0] =	vst.idx.add.f32.msk $0xffff, v2;
	v4 =	vadd.s32 v1, v6  }
0x2b1: {  	[tilespmem:v3+s15+$0x0] =	vst.idx.add.f32.msk $0xffff, v2;
	v3 =	vadd.s32 v1, v61  }
0x2b2: {  	[tilespmem:v9+s15+$0x0] =	vst.idx.add.f32.msk $0xffff, v2  }
0x2b3: {  	[tilespmem:v7+s15+$0x0] =	vst.idx.add.f32.msk $0xffff, v2  }
0x2b4: {  	s30 =	simm.s32 $0x0;
	[tilespmem:v5+s15+$0x0] =	vst.idx.add.f32.msk $0xffff, v2  }
.LBB2_28:
0x2b5: {  	s30 =	sadd.s32 $0x10, s30;
	[tilespmem:v4+s15+$0x0] =	vst.idx.add.f32.msk $0xffff, v2;
	s29 =	sadd.s32 $0x800, s29  }
0x2b6: {  	p1 =	slt.u32 s30, $0xB0;
	[tilespmem:v3+s15+$0x0] =	vst.idx.add.f32.msk $0xffff, v2  }
0x2b7: {  	v3 =	vld [tilespmem:s29+$0x80]  }
0x2b8: {  	v4 =	vld [tilespmem:s29+$0x0]  }
0x2b9: {  	v5 =	vld [tilespmem:s29+$0xFFFFFC00]  }
0x2ba: {  	v6 =	vld [tilespmem:s29+$0x380]  }
0x2bb: {  	v7 =	vld [tilespmem:s29+$0xFFFFFD00]  }
0x2bc: {  	v8 =	vld [tilespmem:s29+$0xFFFFFD80]  }
0x2bd: {  	v9 =	vld [tilespmem:s29+$0xFFFFFE00]  }
0x2be: {  	v5 =	vadd.s32 v1, v5;
	v10 =	vld [tilespmem:s29+$0x300]  }
0x2bf: {  	v11 =	vld [tilespmem:s29+$0x280];
	v6 =	vadd.s32 v1, v6  }
0x2c0: {  	v12 =	vld [tilespmem:s29+$0x200]  }
0x2c1: {  	v13 =	vld [tilespmem:s29+$0x180]  }
0x2c2: {  	v14 =	vld [tilespmem:s29+$0x100]  }
0x2c3: {  	[tilespmem:v5+s15+$0x0] =	vst.idx.add.f32.msk $0xffff, v2;
	v5 =	vadd.s32 v1, v10  }
0x2c4: {  	v10 =	vadd.s32 v1, v11;
	[tilespmem:v6+s15+$0x0] =	vst.idx.add.f32.msk $0xffff, v2  }
0x2c5: {  	v6 =	vld [tilespmem:s29+$0xFFFFFF80];
	v11 =	vadd.s32 v1, v12  }
0x2c6: {  	v12 =	vld [tilespmem:s29+$0xFFFFFF00]  }
0x2c7: {  	v15 =	vld [tilespmem:s29+$0xFFFFFE80];
	v14 =	vadd.s32 v1, v14  }
0x2c8: {  	v16 =	vadd.s32 v1, v3;
	[tilespmem:v5+s15+$0x0] =	vst.idx.add.f32.msk $0xffff, v2  }
0x2c9: {  	v4 =	vadd.s32 v1, v4;
	[tilespmem:v10+s15+$0x0] =	vst.idx.add.f32.msk $0xffff, v2  }
0x2ca: {  	v5 =	vadd.s32 v1, v6;
	[tilespmem:v11+s15+$0x0] =	vst.idx.add.f32.msk $0xffff, v2  }
0x2cb: {  	v10 =	vadd.s32 v1, v13;
	v6 =	vld [tilespmem:s29+$0xFFFFFC80];
	v3 =	vadd.s32 v1, v12  }
0x2cc: {  	v11 =	vadd.s32 v1, v15;
	[tilespmem:v14+s15+$0x0] =	vst.idx.add.f32.msk $0xffff, v2  }
0x2cd: {  	v9 =	vadd.s32 v1, v9;
	[tilespmem:v16+s15+$0x0] =	vst.idx.add.f32.msk $0xffff, v2  }
0x2ce: {  	v8 =	vadd.s32 v1, v8;
	[tilespmem:v4+s15+$0x0] =	vst.idx.add.f32.msk $0xffff, v2  }
0x2cf: {  	v7 =	vadd.s32 v1, v7;
	[tilespmem:v5+s15+$0x0] =	vst.idx.add.f32.msk $0xffff, v2  }
.Ltmp13:
0x2d0: {  	v4 =	vadd.s32 v1, v6;
	[tilespmem:v10+s15+$0x0] =	vst.idx.add.f32.msk $0xffff, v2;
	(pc) =	sbr.rel @p1 .LBB2_28-.Ltmp13, $4  }
0x2d1: {  	[tilespmem:v11+s15+$0x0] =	vst.idx.add.f32.msk $0xffff, v2  }
0x2d2: {  	[tilespmem:v9+s15+$0x0] =	vst.idx.add.f32.msk $0xffff, v2  }
0x2d3: {  	[tilespmem:v8+s15+$0x0] =	vst.idx.add.f32.msk $0xffff, v2  }
0x2d4: {  	[tilespmem:v7+s15+$0x0] =	vst.idx.add.f32.msk $0xffff, v2  }
0x2d5: {  	_ =	sdelay $0x3  }
0x2d6: {  	[tilespmem:v4+s15+$0x0] =	vst.idx.add.f32.msk $0xffff, v2  }
0x2d7: {  	s29 =	simm.s32 $0x0;
	[tilespmem:v3+s15+$0x0] =	vst.idx.add.f32.msk $0xffff, v2  }
.LBB2_30:
0x2d8: {  	s30 =	sshra.s32 s29, $0x2  }
0x2d9: {  	v3 =	vld [tilespmem:s30+$0x6060];
	_ =	sdelay $0x4  }
0x2da: {  	p1 =	sne.s32 s29, $0xE00;
	v3 =	vadd.s32 v1, v3  }
.Ltmp14:
0x2db: {  	_ = 	snop;
	(pc) =	sbr.rel @p1 .LBB2_30-.Ltmp14, $2  }
0x2dc: {  	_ =	sdelay $0x2  }
0x2dd: {  	s29 =	sadd.s32 $0x200, s29;
	[tilespmem:v3+s15+$0x0] =	vst.idx.add.f32.msk $0xffff, v2  }
0x2de: {  	s29 =	rddreg [dreg:$0xb]  }
0x2df: {  	[hbm4b:s29+s2] =	stream.linear.scatter [tilespmem:s15], [sflag:$0x5], $0x800, $0x38;
	[tilespmem:$0xE880] =	vst v63  }
0x2e0: {  	_ =	swait.ge [sflag:s21], $0x800  }
0x2e1: {  	[sflag:s21] =	ssyncset.done $0x0  }
0x2e2: {  	[sflag:s21] =	ssyncadd.s32 $0xFFFFF800  }
0x2e3: {  	[tilespmem:s12], [sflag:$0x7] =	stream.linear.gather [spmem:s1], $0x800, $0x38;
	[tilespmem:$0xE880] =	vst v63  }
0x2e4: {  	_ =	swait.ge [sflag:s22], $0x800  }
0x2e5: {  	[sflag:s22] =	ssyncset.done $0x0  }
0x2e6: {  	s29 =	simm.s32 $0x470;
	[sflag:s22] =	ssyncadd.s32 $0xFFFFF800  }
0x2e7: {  	v3 =	vld [tilespmem:s29+$0x80]  }
0x2e8: {  	v4 =	vld [tilespmem:s29+$0x0]  }
0x2e9: {  	v5 =	vld [tilespmem:s29+$0xFFFFFC00]  }
0x2ea: {  	v6 =	vld [tilespmem:s29+$0x380]  }
0x2eb: {  	v7 =	vld [tilespmem:s29+$0xFFFFFD00]  }
0x2ec: {  	v8 =	vld [tilespmem:s29+$0xFFFFFD80]  }
0x2ed: {  	v9 =	vld [tilespmem:s29+$0xFFFFFE00]  }
0x2ee: {  	v11 =	vld [tilespmem:s29+$0x280]  }
0x2ef: {  	v12 =	vld [tilespmem:s29+$0x200];
	v5 =	vadd.s32 v1, v5  }
0x2f0: {  	v10 =	vld [tilespmem:s29+$0x300];
	v6 =	vadd.s32 v1, v6  }
0x2f1: {  	v13 =	vld [tilespmem:s29+$0x180]  }
0x2f2: {  	v14 =	vld [tilespmem:s29+$0x100]  }
0x2f3: {  	v15 =	vld [tilespmem:s29+$0xFFFFFE80];
	v59 =	vadd.s32 v1, v11  }
0x2f4: {  	v60 =	vadd.s32 v1, v12;
	[tilespmem:v5+s16+$0x0] =	vst.idx.add.f32.msk $0xffff, v2  }
0x2f5: {  	v5 =	vadd.s32 v1, v10;
	[tilespmem:v6+s16+$0x0] =	vst.idx.add.f32.msk $0xffff, v2  }
0x2f6: {  	v6 =	vld [tilespmem:s29+$0xFFFFFF80]  }
0x2f7: {  	v61 =	vld [tilespmem:s29+$0xFFFFFF00];
	v3 =	vadd.s32 v1, v3  }
0x2f8: {  	v14 =	vadd.s32 v1, v14;
	[tilespmem:v59+s16+$0x0] =	vst.idx.add.f32.msk $0xffff, v2  }
0x2f9: {  	v4 =	vadd.s32 v1, v4;
	[tilespmem:v60+s16+$0x0] =	vst.idx.add.f32.msk $0xffff, v2  }
0x2fa: {  	v62 =	vadd.s32 v1, v13;
	[tilespmem:v5+s16+$0x0] =	vst.idx.add.f32.msk $0xffff, v2  }
0x2fb: {  	v63 =	vadd.s32 v1, v15;
	v5 =	vadd.s32 v1, v6;
	v6 =	vld [tilespmem:s29+$0xFFFFFC80]  }
0x2fc: {  	[tilespmem:v3+s16+$0x0] =	vst.idx.add.f32.msk $0xffff, v2;
	v3 =	vadd.s32 v1, v8  }
0x2fd: {  	v9 =	vadd.s32 v1, v9;
	[tilespmem:v14+s16+$0x0] =	vst.idx.add.f32.msk $0xffff, v2  }
0x2fe: {  	v7 =	vadd.s32 v1, v7;
	[tilespmem:v4+s16+$0x0] =	vst.idx.add.f32.msk $0xffff, v2  }
0x2ff: {  	[tilespmem:v62+s16+$0x0] =	vst.idx.add.f32.msk $0xffff, v2  }
0x300: {  	[tilespmem:v63+s16+$0x0] =	vst.idx.add.f32.msk $0xffff, v2;
	v4 =	vadd.s32 v1, v6  }
0x301: {  	[tilespmem:v3+s16+$0x0] =	vst.idx.add.f32.msk $0xffff, v2;
	v3 =	vadd.s32 v1, v61  }
0x302: {  	[tilespmem:v9+s16+$0x0] =	vst.idx.add.f32.msk $0xffff, v2  }
0x303: {  	[tilespmem:v7+s16+$0x0] =	vst.idx.add.f32.msk $0xffff, v2  }
0x304: {  	s30 =	simm.s32 $0x0;
	[tilespmem:v5+s16+$0x0] =	vst.idx.add.f32.msk $0xffff, v2  }
.LBB2_32:
0x305: {  	s30 =	sadd.s32 $0x10, s30;
	[tilespmem:v4+s16+$0x0] =	vst.idx.add.f32.msk $0xffff, v2;
	s29 =	sadd.s32 $0x800, s29  }
0x306: {  	p1 =	slt.u32 s30, $0xB0;
	[tilespmem:v3+s16+$0x0] =	vst.idx.add.f32.msk $0xffff, v2  }
0x307: {  	v3 =	vld [tilespmem:s29+$0x80]  }
0x308: {  	v4 =	vld [tilespmem:s29+$0x0]  }
0x309: {  	v5 =	vld [tilespmem:s29+$0xFFFFFC00]  }
0x30a: {  	v6 =	vld [tilespmem:s29+$0x380]  }
0x30b: {  	v7 =	vld [tilespmem:s29+$0xFFFFFD00]  }
0x30c: {  	v8 =	vld [tilespmem:s29+$0xFFFFFD80]  }
0x30d: {  	v9 =	vld [tilespmem:s29+$0xFFFFFE00]  }
0x30e: {  	v5 =	vadd.s32 v1, v5;
	v10 =	vld [tilespmem:s29+$0x300]  }
0x30f: {  	v11 =	vld [tilespmem:s29+$0x280];
	v6 =	vadd.s32 v1, v6  }
0x310: {  	v12 =	vld [tilespmem:s29+$0x200]  }
0x311: {  	v13 =	vld [tilespmem:s29+$0x180]  }
0x312: {  	v14 =	vld [tilespmem:s29+$0x100]  }
0x313: {  	[tilespmem:v5+s16+$0x0] =	vst.idx.add.f32.msk $0xffff, v2;
	v5 =	vadd.s32 v1, v10  }
0x314: {  	v10 =	vadd.s32 v1, v11;
	[tilespmem:v6+s16+$0x0] =	vst.idx.add.f32.msk $0xffff, v2  }
0x315: {  	v6 =	vld [tilespmem:s29+$0xFFFFFF80];
	v11 =	vadd.s32 v1, v12  }
0x316: {  	v12 =	vld [tilespmem:s29+$0xFFFFFF00]  }
0x317: {  	v15 =	vld [tilespmem:s29+$0xFFFFFE80];
	v14 =	vadd.s32 v1, v14  }
0x318: {  	v16 =	vadd.s32 v1, v3;
	[tilespmem:v5+s16+$0x0] =	vst.idx.add.f32.msk $0xffff, v2  }
0x319: {  	v4 =	vadd.s32 v1, v4;
	[tilespmem:v10+s16+$0x0] =	vst.idx.add.f32.msk $0xffff, v2  }
0x31a: {  	v5 =	vadd.s32 v1, v6;
	[tilespmem:v11+s16+$0x0] =	vst.idx.add.f32.msk $0xffff, v2  }
0x31b: {  	v10 =	vadd.s32 v1, v13;
	v6 =	vld [tilespmem:s29+$0xFFFFFC80];
	v3 =	vadd.s32 v1, v12  }
0x31c: {  	v11 =	vadd.s32 v1, v15;
	[tilespmem:v14+s16+$0x0] =	vst.idx.add.f32.msk $0xffff, v2  }
0x31d: {  	v9 =	vadd.s32 v1, v9;
	[tilespmem:v16+s16+$0x0] =	vst.idx.add.f32.msk $0xffff, v2  }
0x31e: {  	v8 =	vadd.s32 v1, v8;
	[tilespmem:v4+s16+$0x0] =	vst.idx.add.f32.msk $0xffff, v2  }
0x31f: {  	v7 =	vadd.s32 v1, v7;
	[tilespmem:v5+s16+$0x0] =	vst.idx.add.f32.msk $0xffff, v2  }
.Ltmp15:
0x320: {  	v4 =	vadd.s32 v1, v6;
	[tilespmem:v10+s16+$0x0] =	vst.idx.add.f32.msk $0xffff, v2;
	(pc) =	sbr.rel @p1 .LBB2_32-.Ltmp15, $4  }
0x321: {  	[tilespmem:v11+s16+$0x0] =	vst.idx.add.f32.msk $0xffff, v2  }
0x322: {  	[tilespmem:v9+s16+$0x0] =	vst.idx.add.f32.msk $0xffff, v2  }
0x323: {  	[tilespmem:v8+s16+$0x0] =	vst.idx.add.f32.msk $0xffff, v2  }
0x324: {  	[tilespmem:v7+s16+$0x0] =	vst.idx.add.f32.msk $0xffff, v2  }
0x325: {  	_ =	sdelay $0x3  }
0x326: {  	[tilespmem:v4+s16+$0x0] =	vst.idx.add.f32.msk $0xffff, v2  }
0x327: {  	s29 =	simm.s32 $0x0;
	[tilespmem:v3+s16+$0x0] =	vst.idx.add.f32.msk $0xffff, v2  }
.LBB2_34:
0x328: {  	s30 =	sshra.s32 s29, $0x2  }
0x329: {  	v3 =	vld [tilespmem:s30+$0x6070];
	_ =	sdelay $0x4  }
0x32a: {  	p1 =	sne.s32 s29, $0xE00;
	v3 =	vadd.s32 v1, v3  }
.Ltmp16:
0x32b: {  	_ = 	snop;
	(pc) =	sbr.rel @p1 .LBB2_34-.Ltmp16, $2  }
0x32c: {  	_ =	sdelay $0x2  }
0x32d: {  	s29 =	sadd.s32 $0x200, s29;
	[tilespmem:v3+s16+$0x0] =	vst.idx.add.f32.msk $0xffff, v2  }
0x32e: {  	s29 =	rddreg [dreg:$0xc]  }
0x32f: {  	[hbm4b:s29+s2] =	stream.linear.scatter [tilespmem:s16], [sflag:$0x6], $0x800, $0x38;
	[tilespmem:$0xE880] =	vst v63  }
0x330: {  	_ =	swait.ge [sflag:s23], $0x800  }
0x331: {  	[sflag:s23] =	ssyncset.done $0x0  }
0x332: {  	[sflag:s23] =	ssyncadd.s32 $0xFFFFF800  }
0x333: {  	[tilespmem:s14], [sflag:$0x8] =	stream.linear.gather [spmem:s1], $0x800, $0x38;
	[tilespmem:$0xE880] =	vst v63  }
0x334: {  	s30 =	simm.s32 $0x400;
	s29 =	rddreg [dreg:$0xd]  }
0x335: {  	[tilespmem:s2], [sflag:$0x1] =	stream.strided.gather [hbm4b:s29+s30], $0x6400, s13, s30, $0x38;
	[tilespmem:$0xE880] =	vst v63  }
0x336: {  	_ =	swait.ge [sflag:s26], $0x6400  }
0x337: {  	[sflag:s26] =	ssyncset.done $0x0  }
0x338: {  	[sflag:s26] =	ssyncadd.s32 $0xFFFF9C00  }
0x339: {  	_ =	swait.ge [sflag:s18], $0x800  }
0x33a: {  	[sflag:s18] =	ssyncset.done $0x0  }
0x33b: {  	s29 =	simm.s32 $0x6800;
	[sflag:s18] =	ssyncadd.s32 $0xFFFFF800  }
0x33c: {  	v3 =	vld [tilespmem:s29+$0x80]  }
0x33d: {  	v4 =	vld [tilespmem:s29+$0x0]  }
0x33e: {  	v5 =	vld [tilespmem:s29+$0xFFFFFC00]  }
0x33f: {  	v6 =	vld [tilespmem:s29+$0x380]  }
0x340: {  	v7 =	vld [tilespmem:s29+$0xFFFFFD00]  }
0x341: {  	v8 =	vld [tilespmem:s29+$0xFFFFFD80]  }
0x342: {  	v9 =	vld [tilespmem:s29+$0xFFFFFE00]  }
0x343: {  	v11 =	vld [tilespmem:s29+$0x280]  }
0x344: {  	v12 =	vld [tilespmem:s29+$0x200];
	v5 =	vadd.s32 v1, v5  }
0x345: {  	v10 =	vld [tilespmem:s29+$0x300];
	v6 =	vadd.s32 v1, v6  }
0x346: {  	v13 =	vld [tilespmem:s29+$0x180]  }
0x347: {  	v14 =	vld [tilespmem:s29+$0x100]  }
0x348: {  	v15 =	vld [tilespmem:s29+$0xFFFFFE80];
	v59 =	vadd.s32 v1, v11  }
0x349: {  	v60 =	vadd.s32 v1, v12;
	[tilespmem:v5+s12+$0x0] =	vst.idx.add.f32.msk $0xffff, v2  }
0x34a: {  	v5 =	vadd.s32 v1, v10;
	[tilespmem:v6+s12+$0x0] =	vst.idx.add.f32.msk $0xffff, v2  }
0x34b: {  	v6 =	vld [tilespmem:s29+$0xFFFFFF80]  }
0x34c: {  	v61 =	vld [tilespmem:s29+$0xFFFFFF00];
	v3 =	vadd.s32 v1, v3  }
0x34d: {  	v14 =	vadd.s32 v1, v14;
	[tilespmem:v59+s12+$0x0] =	vst.idx.add.f32.msk $0xffff, v2  }
0x34e: {  	v4 =	vadd.s32 v1, v4;
	[tilespmem:v60+s12+$0x0] =	vst.idx.add.f32.msk $0xffff, v2  }
0x34f: {  	v62 =	vadd.s32 v1, v13;
	[tilespmem:v5+s12+$0x0] =	vst.idx.add.f32.msk $0xffff, v2  }
0x350: {  	v63 =	vadd.s32 v1, v15;
	v5 =	vadd.s32 v1, v6;
	v6 =	vld [tilespmem:s29+$0xFFFFFC80]  }
0x351: {  	[tilespmem:v3+s12+$0x0] =	vst.idx.add.f32.msk $0xffff, v2;
	v3 =	vadd.s32 v1, v8  }
0x352: {  	v9 =	vadd.s32 v1, v9;
	[tilespmem:v14+s12+$0x0] =	vst.idx.add.f32.msk $0xffff, v2  }
0x353: {  	v7 =	vadd.s32 v1, v7;
	[tilespmem:v4+s12+$0x0] =	vst.idx.add.f32.msk $0xffff, v2  }
0x354: {  	[tilespmem:v62+s12+$0x0] =	vst.idx.add.f32.msk $0xffff, v2  }
0x355: {  	[tilespmem:v63+s12+$0x0] =	vst.idx.add.f32.msk $0xffff, v2;
	v4 =	vadd.s32 v1, v6  }
0x356: {  	[tilespmem:v3+s12+$0x0] =	vst.idx.add.f32.msk $0xffff, v2;
	v3 =	vadd.s32 v1, v61  }
0x357: {  	[tilespmem:v9+s12+$0x0] =	vst.idx.add.f32.msk $0xffff, v2  }
0x358: {  	[tilespmem:v7+s12+$0x0] =	vst.idx.add.f32.msk $0xffff, v2  }
0x359: {  	s30 =	simm.s32 $0x0;
	[tilespmem:v5+s12+$0x0] =	vst.idx.add.f32.msk $0xffff, v2  }
.LBB2_36:
0x35a: {  	s30 =	sadd.s32 $0x10, s30;
	[tilespmem:v4+s12+$0x0] =	vst.idx.add.f32.msk $0xffff, v2;
	s29 =	sadd.s32 $0x800, s29  }
0x35b: {  	p1 =	slt.u32 s30, $0xB0;
	[tilespmem:v3+s12+$0x0] =	vst.idx.add.f32.msk $0xffff, v2  }
0x35c: {  	v3 =	vld [tilespmem:s29+$0x80]  }
0x35d: {  	v4 =	vld [tilespmem:s29+$0x0]  }
0x35e: {  	v5 =	vld [tilespmem:s29+$0xFFFFFC00]  }
0x35f: {  	v6 =	vld [tilespmem:s29+$0x380]  }
0x360: {  	v7 =	vld [tilespmem:s29+$0xFFFFFD00]  }
0x361: {  	v8 =	vld [tilespmem:s29+$0xFFFFFD80]  }
0x362: {  	v9 =	vld [tilespmem:s29+$0xFFFFFE00]  }
0x363: {  	v5 =	vadd.s32 v1, v5;
	v10 =	vld [tilespmem:s29+$0x300]  }
0x364: {  	v11 =	vld [tilespmem:s29+$0x280];
	v6 =	vadd.s32 v1, v6  }
0x365: {  	v12 =	vld [tilespmem:s29+$0x200]  }
0x366: {  	v13 =	vld [tilespmem:s29+$0x180]  }
0x367: {  	v14 =	vld [tilespmem:s29+$0x100]  }
0x368: {  	[tilespmem:v5+s12+$0x0] =	vst.idx.add.f32.msk $0xffff, v2;
	v5 =	vadd.s32 v1, v10  }
0x369: {  	v10 =	vadd.s32 v1, v11;
	[tilespmem:v6+s12+$0x0] =	vst.idx.add.f32.msk $0xffff, v2  }
0x36a: {  	v6 =	vld [tilespmem:s29+$0xFFFFFF80];
	v11 =	vadd.s32 v1, v12  }
0x36b: {  	v12 =	vld [tilespmem:s29+$0xFFFFFF00]  }
0x36c: {  	v15 =	vld [tilespmem:s29+$0xFFFFFE80];
	v14 =	vadd.s32 v1, v14  }
0x36d: {  	v16 =	vadd.s32 v1, v3;
	[tilespmem:v5+s12+$0x0] =	vst.idx.add.f32.msk $0xffff, v2  }
0x36e: {  	v4 =	vadd.s32 v1, v4;
	[tilespmem:v10+s12+$0x0] =	vst.idx.add.f32.msk $0xffff, v2  }
0x36f: {  	v5 =	vadd.s32 v1, v6;
	[tilespmem:v11+s12+$0x0] =	vst.idx.add.f32.msk $0xffff, v2  }
0x370: {  	v10 =	vadd.s32 v1, v13;
	v6 =	vld [tilespmem:s29+$0xFFFFFC80];
	v3 =	vadd.s32 v1, v12  }
0x371: {  	v11 =	vadd.s32 v1, v15;
	[tilespmem:v14+s12+$0x0] =	vst.idx.add.f32.msk $0xffff, v2  }
0x372: {  	v9 =	vadd.s32 v1, v9;
	[tilespmem:v16+s12+$0x0] =	vst.idx.add.f32.msk $0xffff, v2  }
0x373: {  	v8 =	vadd.s32 v1, v8;
	[tilespmem:v4+s12+$0x0] =	vst.idx.add.f32.msk $0xffff, v2  }
0x374: {  	v7 =	vadd.s32 v1, v7;
	[tilespmem:v5+s12+$0x0] =	vst.idx.add.f32.msk $0xffff, v2  }
.Ltmp17:
0x375: {  	v4 =	vadd.s32 v1, v6;
	[tilespmem:v10+s12+$0x0] =	vst.idx.add.f32.msk $0xffff, v2;
	(pc) =	sbr.rel @p1 .LBB2_36-.Ltmp17, $4  }
0x376: {  	[tilespmem:v11+s12+$0x0] =	vst.idx.add.f32.msk $0xffff, v2  }
0x377: {  	[tilespmem:v9+s12+$0x0] =	vst.idx.add.f32.msk $0xffff, v2  }
0x378: {  	[tilespmem:v8+s12+$0x0] =	vst.idx.add.f32.msk $0xffff, v2  }
0x379: {  	[tilespmem:v7+s12+$0x0] =	vst.idx.add.f32.msk $0xffff, v2  }
0x37a: {  	_ =	sdelay $0x3  }
0x37b: {  	[tilespmem:v4+s12+$0x0] =	vst.idx.add.f32.msk $0xffff, v2  }
0x37c: {  	s29 =	simm.s32 $0x0;
	[tilespmem:v3+s12+$0x0] =	vst.idx.add.f32.msk $0xffff, v2  }
.LBB2_38:
0x37d: {  	s30 =	sshra.s32 s29, $0x2  }
0x37e: {  	v3 =	vld [tilespmem:s30+$0xC400];
	_ =	sdelay $0x4  }
0x37f: {  	p1 =	sne.s32 s29, $0xE00;
	v3 =	vadd.s32 v1, v3  }
.Ltmp18:
0x380: {  	_ = 	snop;
	(pc) =	sbr.rel @p1 .LBB2_38-.Ltmp18, $2  }
0x381: {  	_ =	sdelay $0x2  }
0x382: {  	s29 =	sadd.s32 $0x200, s29;
	[tilespmem:v3+s12+$0x0] =	vst.idx.add.f32.msk $0xffff, v2  }
0x383: {  	s29 =	rddreg [dreg:$0xe]  }
0x384: {  	[hbm4b:s29+s2] =	stream.linear.scatter [tilespmem:s12], [sflag:$0x3], $0x800, $0x38;
	[tilespmem:$0xE880] =	vst v63  }
0x385: {  	_ =	swait.ge [sflag:s24], $0x800  }
0x386: {  	[sflag:s24] =	ssyncset.done $0x0  }
0x387: {  	[sflag:s24] =	ssyncadd.s32 $0xFFFFF800  }
0x388: {  	[tilespmem:s15], [sflag:$0x9] =	stream.linear.gather [spmem:s1], $0x800, $0x38;
	[tilespmem:$0xE880] =	vst v63  }
0x389: {  	_ =	swait.ge [sflag:s19], $0x800  }
0x38a: {  	[sflag:s19] =	ssyncset.done $0x0  }
0x38b: {  	s29 =	simm.s32 $0x6810;
	[sflag:s19] =	ssyncadd.s32 $0xFFFFF800  }
0x38c: {  	v3 =	vld [tilespmem:s29+$0x80]  }
0x38d: {  	v4 =	vld [tilespmem:s29+$0x0]  }
0x38e: {  	v5 =	vld [tilespmem:s29+$0xFFFFFC00]  }
0x38f: {  	v6 =	vld [tilespmem:s29+$0x380]  }
0x390: {  	v7 =	vld [tilespmem:s29+$0xFFFFFD00]  }
0x391: {  	v8 =	vld [tilespmem:s29+$0xFFFFFD80]  }
0x392: {  	v9 =	vld [tilespmem:s29+$0xFFFFFE00]  }
0x393: {  	v11 =	vld [tilespmem:s29+$0x280]  }
0x394: {  	v12 =	vld [tilespmem:s29+$0x200];
	v5 =	vadd.s32 v1, v5  }
0x395: {  	v10 =	vld [tilespmem:s29+$0x300];
	v6 =	vadd.s32 v1, v6  }
0x396: {  	v13 =	vld [tilespmem:s29+$0x180]  }
0x397: {  	v14 =	vld [tilespmem:s29+$0x100]  }
0x398: {  	v15 =	vld [tilespmem:s29+$0xFFFFFE80];
	v59 =	vadd.s32 v1, v11  }
0x399: {  	v60 =	vadd.s32 v1, v12;
	[tilespmem:v5+s14+$0x0] =	vst.idx.add.f32.msk $0xffff, v2  }
0x39a: {  	v5 =	vadd.s32 v1, v10;
	[tilespmem:v6+s14+$0x0] =	vst.idx.add.f32.msk $0xffff, v2  }
0x39b: {  	v6 =	vld [tilespmem:s29+$0xFFFFFF80]  }
0x39c: {  	v61 =	vld [tilespmem:s29+$0xFFFFFF00];
	v3 =	vadd.s32 v1, v3  }
0x39d: {  	v14 =	vadd.s32 v1, v14;
	[tilespmem:v59+s14+$0x0] =	vst.idx.add.f32.msk $0xffff, v2  }
0x39e: {  	v4 =	vadd.s32 v1, v4;
	[tilespmem:v60+s14+$0x0] =	vst.idx.add.f32.msk $0xffff, v2  }
0x39f: {  	v62 =	vadd.s32 v1, v13;
	[tilespmem:v5+s14+$0x0] =	vst.idx.add.f32.msk $0xffff, v2  }
0x3a0: {  	v63 =	vadd.s32 v1, v15;
	v5 =	vadd.s32 v1, v6;
	v6 =	vld [tilespmem:s29+$0xFFFFFC80]  }
0x3a1: {  	[tilespmem:v3+s14+$0x0] =	vst.idx.add.f32.msk $0xffff, v2;
	v3 =	vadd.s32 v1, v8  }
0x3a2: {  	v9 =	vadd.s32 v1, v9;
	[tilespmem:v14+s14+$0x0] =	vst.idx.add.f32.msk $0xffff, v2  }
0x3a3: {  	v7 =	vadd.s32 v1, v7;
	[tilespmem:v4+s14+$0x0] =	vst.idx.add.f32.msk $0xffff, v2  }
0x3a4: {  	[tilespmem:v62+s14+$0x0] =	vst.idx.add.f32.msk $0xffff, v2  }
0x3a5: {  	[tilespmem:v63+s14+$0x0] =	vst.idx.add.f32.msk $0xffff, v2;
	v4 =	vadd.s32 v1, v6  }
0x3a6: {  	[tilespmem:v3+s14+$0x0] =	vst.idx.add.f32.msk $0xffff, v2;
	v3 =	vadd.s32 v1, v61  }
0x3a7: {  	[tilespmem:v9+s14+$0x0] =	vst.idx.add.f32.msk $0xffff, v2  }
0x3a8: {  	[tilespmem:v7+s14+$0x0] =	vst.idx.add.f32.msk $0xffff, v2  }
0x3a9: {  	s30 =	simm.s32 $0x0;
	[tilespmem:v5+s14+$0x0] =	vst.idx.add.f32.msk $0xffff, v2  }
.LBB2_40:
0x3aa: {  	s30 =	sadd.s32 $0x10, s30;
	[tilespmem:v4+s14+$0x0] =	vst.idx.add.f32.msk $0xffff, v2;
	s29 =	sadd.s32 $0x800, s29  }
0x3ab: {  	p1 =	slt.u32 s30, $0xB0;
	[tilespmem:v3+s14+$0x0] =	vst.idx.add.f32.msk $0xffff, v2  }
0x3ac: {  	v3 =	vld [tilespmem:s29+$0x80]  }
0x3ad: {  	v4 =	vld [tilespmem:s29+$0x0]  }
0x3ae: {  	v5 =	vld [tilespmem:s29+$0xFFFFFC00]  }
0x3af: {  	v6 =	vld [tilespmem:s29+$0x380]  }
0x3b0: {  	v7 =	vld [tilespmem:s29+$0xFFFFFD00]  }
0x3b1: {  	v8 =	vld [tilespmem:s29+$0xFFFFFD80]  }
0x3b2: {  	v9 =	vld [tilespmem:s29+$0xFFFFFE00]  }
0x3b3: {  	v5 =	vadd.s32 v1, v5;
	v10 =	vld [tilespmem:s29+$0x300]  }
0x3b4: {  	v11 =	vld [tilespmem:s29+$0x280];
	v6 =	vadd.s32 v1, v6  }
0x3b5: {  	v12 =	vld [tilespmem:s29+$0x200]  }
0x3b6: {  	v13 =	vld [tilespmem:s29+$0x180]  }
0x3b7: {  	v14 =	vld [tilespmem:s29+$0x100]  }
0x3b8: {  	[tilespmem:v5+s14+$0x0] =	vst.idx.add.f32.msk $0xffff, v2;
	v5 =	vadd.s32 v1, v10  }
0x3b9: {  	v10 =	vadd.s32 v1, v11;
	[tilespmem:v6+s14+$0x0] =	vst.idx.add.f32.msk $0xffff, v2  }
0x3ba: {  	v6 =	vld [tilespmem:s29+$0xFFFFFF80];
	v11 =	vadd.s32 v1, v12  }
0x3bb: {  	v12 =	vld [tilespmem:s29+$0xFFFFFF00]  }
0x3bc: {  	v15 =	vld [tilespmem:s29+$0xFFFFFE80];
	v14 =	vadd.s32 v1, v14  }
0x3bd: {  	v16 =	vadd.s32 v1, v3;
	[tilespmem:v5+s14+$0x0] =	vst.idx.add.f32.msk $0xffff, v2  }
0x3be: {  	v4 =	vadd.s32 v1, v4;
	[tilespmem:v10+s14+$0x0] =	vst.idx.add.f32.msk $0xffff, v2  }
0x3bf: {  	v5 =	vadd.s32 v1, v6;
	[tilespmem:v11+s14+$0x0] =	vst.idx.add.f32.msk $0xffff, v2  }
0x3c0: {  	v10 =	vadd.s32 v1, v13;
	v6 =	vld [tilespmem:s29+$0xFFFFFC80];
	v3 =	vadd.s32 v1, v12  }
0x3c1: {  	v11 =	vadd.s32 v1, v15;
	[tilespmem:v14+s14+$0x0] =	vst.idx.add.f32.msk $0xffff, v2  }
0x3c2: {  	v9 =	vadd.s32 v1, v9;
	[tilespmem:v16+s14+$0x0] =	vst.idx.add.f32.msk $0xffff, v2  }
0x3c3: {  	v8 =	vadd.s32 v1, v8;
	[tilespmem:v4+s14+$0x0] =	vst.idx.add.f32.msk $0xffff, v2  }
0x3c4: {  	v7 =	vadd.s32 v1, v7;
	[tilespmem:v5+s14+$0x0] =	vst.idx.add.f32.msk $0xffff, v2  }
.Ltmp19:
0x3c5: {  	v4 =	vadd.s32 v1, v6;
	[tilespmem:v10+s14+$0x0] =	vst.idx.add.f32.msk $0xffff, v2;
	(pc) =	sbr.rel @p1 .LBB2_40-.Ltmp19, $4  }
0x3c6: {  	[tilespmem:v11+s14+$0x0] =	vst.idx.add.f32.msk $0xffff, v2  }
0x3c7: {  	[tilespmem:v9+s14+$0x0] =	vst.idx.add.f32.msk $0xffff, v2  }
0x3c8: {  	[tilespmem:v8+s14+$0x0] =	vst.idx.add.f32.msk $0xffff, v2  }
0x3c9: {  	[tilespmem:v7+s14+$0x0] =	vst.idx.add.f32.msk $0xffff, v2  }
0x3ca: {  	_ =	sdelay $0x3  }
0x3cb: {  	[tilespmem:v4+s14+$0x0] =	vst.idx.add.f32.msk $0xffff, v2  }
0x3cc: {  	s29 =	simm.s32 $0x0;
	[tilespmem:v3+s14+$0x0] =	vst.idx.add.f32.msk $0xffff, v2  }
.LBB2_42:
0x3cd: {  	s30 =	sshra.s32 s29, $0x2  }
0x3ce: {  	v3 =	vld [tilespmem:s30+$0xC410];
	_ =	sdelay $0x4  }
0x3cf: {  	p1 =	sne.s32 s29, $0xE00;
	v3 =	vadd.s32 v1, v3  }
.Ltmp20:
0x3d0: {  	_ = 	snop;
	(pc) =	sbr.rel @p1 .LBB2_42-.Ltmp20, $2  }
0x3d1: {  	_ =	sdelay $0x2  }
0x3d2: {  	s29 =	sadd.s32 $0x200, s29;
	[tilespmem:v3+s14+$0x0] =	vst.idx.add.f32.msk $0xffff, v2  }
0x3d3: {  	s29 =	rddreg [dreg:$0xf]  }
0x3d4: {  	[hbm4b:s29+s2] =	stream.linear.scatter [tilespmem:s14], [sflag:$0x4], $0x800, $0x38;
	[tilespmem:$0xE880] =	vst v63  }
0x3d5: {  	_ =	swait.ge [sflag:s25], $0x800  }
0x3d6: {  	[sflag:s25] =	ssyncset.done $0x0  }
0x3d7: {  	[sflag:s25] =	ssyncadd.s32 $0xFFFFF800  }
0x3d8: {  	[tilespmem:s16], [sflag:$0xA] =	stream.linear.gather [spmem:s1], $0x800, $0x38;
	[tilespmem:$0xE880] =	vst v63  }
0x3d9: {  	_ =	swait.ge [sflag:s20], $0x800  }
0x3da: {  	[sflag:s20] =	ssyncset.done $0x0  }
0x3db: {  	s29 =	simm.s32 $0x6820;
	[sflag:s20] =	ssyncadd.s32 $0xFFFFF800  }
0x3dc: {  	v3 =	vld [tilespmem:s29+$0x80]  }
0x3dd: {  	v4 =	vld [tilespmem:s29+$0x0]  }
0x3de: {  	v5 =	vld [tilespmem:s29+$0xFFFFFC00]  }
0x3df: {  	v6 =	vld [tilespmem:s29+$0x380]  }
0x3e0: {  	v7 =	vld [tilespmem:s29+$0xFFFFFD00]  }
0x3e1: {  	v8 =	vld [tilespmem:s29+$0xFFFFFD80]  }
0x3e2: {  	v9 =	vld [tilespmem:s29+$0xFFFFFE00]  }
0x3e3: {  	v11 =	vld [tilespmem:s29+$0x280]  }
0x3e4: {  	v12 =	vld [tilespmem:s29+$0x200];
	v5 =	vadd.s32 v1, v5  }
0x3e5: {  	v10 =	vld [tilespmem:s29+$0x300];
	v6 =	vadd.s32 v1, v6  }
0x3e6: {  	v13 =	vld [tilespmem:s29+$0x180]  }
0x3e7: {  	v14 =	vld [tilespmem:s29+$0x100]  }
0x3e8: {  	v15 =	vld [tilespmem:s29+$0xFFFFFE80];
	v59 =	vadd.s32 v1, v11  }
0x3e9: {  	v60 =	vadd.s32 v1, v12;
	[tilespmem:v5+s15+$0x0] =	vst.idx.add.f32.msk $0xffff, v2  }
0x3ea: {  	v5 =	vadd.s32 v1, v10;
	[tilespmem:v6+s15+$0x0] =	vst.idx.add.f32.msk $0xffff, v2  }
0x3eb: {  	v6 =	vld [tilespmem:s29+$0xFFFFFF80]  }
0x3ec: {  	v61 =	vld [tilespmem:s29+$0xFFFFFF00];
	v3 =	vadd.s32 v1, v3  }
0x3ed: {  	v14 =	vadd.s32 v1, v14;
	[tilespmem:v59+s15+$0x0] =	vst.idx.add.f32.msk $0xffff, v2  }
0x3ee: {  	v4 =	vadd.s32 v1, v4;
	[tilespmem:v60+s15+$0x0] =	vst.idx.add.f32.msk $0xffff, v2  }
0x3ef: {  	v62 =	vadd.s32 v1, v13;
	[tilespmem:v5+s15+$0x0] =	vst.idx.add.f32.msk $0xffff, v2  }
0x3f0: {  	v63 =	vadd.s32 v1, v15;
	v5 =	vadd.s32 v1, v6;
	v6 =	vld [tilespmem:s29+$0xFFFFFC80]  }
0x3f1: {  	[tilespmem:v3+s15+$0x0] =	vst.idx.add.f32.msk $0xffff, v2;
	v3 =	vadd.s32 v1, v8  }
0x3f2: {  	v9 =	vadd.s32 v1, v9;
	[tilespmem:v14+s15+$0x0] =	vst.idx.add.f32.msk $0xffff, v2  }
0x3f3: {  	v7 =	vadd.s32 v1, v7;
	[tilespmem:v4+s15+$0x0] =	vst.idx.add.f32.msk $0xffff, v2  }
0x3f4: {  	[tilespmem:v62+s15+$0x0] =	vst.idx.add.f32.msk $0xffff, v2  }
0x3f5: {  	[tilespmem:v63+s15+$0x0] =	vst.idx.add.f32.msk $0xffff, v2;
	v4 =	vadd.s32 v1, v6  }
0x3f6: {  	[tilespmem:v3+s15+$0x0] =	vst.idx.add.f32.msk $0xffff, v2;
	v3 =	vadd.s32 v1, v61  }
0x3f7: {  	[tilespmem:v9+s15+$0x0] =	vst.idx.add.f32.msk $0xffff, v2  }
0x3f8: {  	[tilespmem:v7+s15+$0x0] =	vst.idx.add.f32.msk $0xffff, v2  }
0x3f9: {  	s30 =	simm.s32 $0x0;
	[tilespmem:v5+s15+$0x0] =	vst.idx.add.f32.msk $0xffff, v2  }
.LBB2_44:
0x3fa: {  	s30 =	sadd.s32 $0x10, s30;
	[tilespmem:v4+s15+$0x0] =	vst.idx.add.f32.msk $0xffff, v2;
	s29 =	sadd.s32 $0x800, s29  }
0x3fb: {  	p1 =	slt.u32 s30, $0xB0;
	[tilespmem:v3+s15+$0x0] =	vst.idx.add.f32.msk $0xffff, v2  }
0x3fc: {  	v3 =	vld [tilespmem:s29+$0x80]  }
0x3fd: {  	v4 =	vld [tilespmem:s29+$0x0]  }
0x3fe: {  	v5 =	vld [tilespmem:s29+$0xFFFFFC00]  }
0x3ff: {  	v6 =	vld [tilespmem:s29+$0x380]  }
0x400: {  	v7 =	vld [tilespmem:s29+$0xFFFFFD00]  }
0x401: {  	v8 =	vld [tilespmem:s29+$0xFFFFFD80]  }
0x402: {  	v9 =	vld [tilespmem:s29+$0xFFFFFE00]  }
0x403: {  	v5 =	vadd.s32 v1, v5;
	v10 =	vld [tilespmem:s29+$0x300]  }
0x404: {  	v11 =	vld [tilespmem:s29+$0x280];
	v6 =	vadd.s32 v1, v6  }
0x405: {  	v12 =	vld [tilespmem:s29+$0x200]  }
0x406: {  	v13 =	vld [tilespmem:s29+$0x180]  }
0x407: {  	v14 =	vld [tilespmem:s29+$0x100]  }
0x408: {  	[tilespmem:v5+s15+$0x0] =	vst.idx.add.f32.msk $0xffff, v2;
	v5 =	vadd.s32 v1, v10  }
0x409: {  	v10 =	vadd.s32 v1, v11;
	[tilespmem:v6+s15+$0x0] =	vst.idx.add.f32.msk $0xffff, v2  }
0x40a: {  	v6 =	vld [tilespmem:s29+$0xFFFFFF80];
	v11 =	vadd.s32 v1, v12  }
0x40b: {  	v12 =	vld [tilespmem:s29+$0xFFFFFF00]  }
0x40c: {  	v15 =	vld [tilespmem:s29+$0xFFFFFE80];
	v14 =	vadd.s32 v1, v14  }
0x40d: {  	v16 =	vadd.s32 v1, v3;
	[tilespmem:v5+s15+$0x0] =	vst.idx.add.f32.msk $0xffff, v2  }
0x40e: {  	v4 =	vadd.s32 v1, v4;
	[tilespmem:v10+s15+$0x0] =	vst.idx.add.f32.msk $0xffff, v2  }
0x40f: {  	v5 =	vadd.s32 v1, v6;
	[tilespmem:v11+s15+$0x0] =	vst.idx.add.f32.msk $0xffff, v2  }
0x410: {  	v10 =	vadd.s32 v1, v13;
	v6 =	vld [tilespmem:s29+$0xFFFFFC80];
	v3 =	vadd.s32 v1, v12  }
0x411: {  	v11 =	vadd.s32 v1, v15;
	[tilespmem:v14+s15+$0x0] =	vst.idx.add.f32.msk $0xffff, v2  }
0x412: {  	v9 =	vadd.s32 v1, v9;
	[tilespmem:v16+s15+$0x0] =	vst.idx.add.f32.msk $0xffff, v2  }
0x413: {  	v8 =	vadd.s32 v1, v8;
	[tilespmem:v4+s15+$0x0] =	vst.idx.add.f32.msk $0xffff, v2  }
0x414: {  	v7 =	vadd.s32 v1, v7;
	[tilespmem:v5+s15+$0x0] =	vst.idx.add.f32.msk $0xffff, v2  }
.Ltmp21:
0x415: {  	v4 =	vadd.s32 v1, v6;
	[tilespmem:v10+s15+$0x0] =	vst.idx.add.f32.msk $0xffff, v2;
	(pc) =	sbr.rel @p1 .LBB2_44-.Ltmp21, $4  }
0x416: {  	[tilespmem:v11+s15+$0x0] =	vst.idx.add.f32.msk $0xffff, v2  }
0x417: {  	[tilespmem:v9+s15+$0x0] =	vst.idx.add.f32.msk $0xffff, v2  }
0x418: {  	[tilespmem:v8+s15+$0x0] =	vst.idx.add.f32.msk $0xffff, v2  }
0x419: {  	[tilespmem:v7+s15+$0x0] =	vst.idx.add.f32.msk $0xffff, v2  }
0x41a: {  	_ =	sdelay $0x3  }
0x41b: {  	[tilespmem:v4+s15+$0x0] =	vst.idx.add.f32.msk $0xffff, v2  }
0x41c: {  	s29 =	simm.s32 $0x0;
	[tilespmem:v3+s15+$0x0] =	vst.idx.add.f32.msk $0xffff, v2  }
.LBB2_46:
0x41d: {  	s30 =	sshra.s32 s29, $0x2  }
0x41e: {  	v3 =	vld [tilespmem:s30+$0xC420];
	_ =	sdelay $0x4  }
0x41f: {  	p1 =	sne.s32 s29, $0xE00;
	v3 =	vadd.s32 v1, v3  }
.Ltmp22:
0x420: {  	_ = 	snop;
	(pc) =	sbr.rel @p1 .LBB2_46-.Ltmp22, $2  }
0x421: {  	_ =	sdelay $0x2  }
0x422: {  	s29 =	sadd.s32 $0x200, s29;
	[tilespmem:v3+s15+$0x0] =	vst.idx.add.f32.msk $0xffff, v2  }
0x423: {  	s29 =	rddreg [dreg:$0x10]  }
0x424: {  	[hbm4b:s29+s2] =	stream.linear.scatter [tilespmem:s15], [sflag:$0x5], $0x800, $0x38;
	[tilespmem:$0xE880] =	vst v63  }
0x425: {  	_ =	swait.ge [sflag:s21], $0x800  }
0x426: {  	[sflag:s21] =	ssyncset.done $0x0  }
0x427: {  	[sflag:s21] =	ssyncadd.s32 $0xFFFFF800  }
0x428: {  	[tilespmem:s12], [sflag:$0x7] =	stream.linear.gather [spmem:s1], $0x800, $0x38;
	[tilespmem:$0xE880] =	vst v63  }
0x429: {  	_ =	swait.ge [sflag:s22], $0x800  }
0x42a: {  	[sflag:s22] =	ssyncset.done $0x0  }
0x42b: {  	s29 =	simm.s32 $0x6830;
	[sflag:s22] =	ssyncadd.s32 $0xFFFFF800  }
0x42c: {  	v3 =	vld [tilespmem:s29+$0x80]  }
0x42d: {  	v4 =	vld [tilespmem:s29+$0x0]  }
0x42e: {  	v5 =	vld [tilespmem:s29+$0xFFFFFC00]  }
0x42f: {  	v6 =	vld [tilespmem:s29+$0x380]  }
0x430: {  	v7 =	vld [tilespmem:s29+$0xFFFFFD00]  }
0x431: {  	v8 =	vld [tilespmem:s29+$0xFFFFFD80]  }
0x432: {  	v9 =	vld [tilespmem:s29+$0xFFFFFE00]  }
0x433: {  	v11 =	vld [tilespmem:s29+$0x280]  }
0x434: {  	v12 =	vld [tilespmem:s29+$0x200];
	v5 =	vadd.s32 v1, v5  }
0x435: {  	v10 =	vld [tilespmem:s29+$0x300];
	v6 =	vadd.s32 v1, v6  }
0x436: {  	v13 =	vld [tilespmem:s29+$0x180]  }
0x437: {  	v14 =	vld [tilespmem:s29+$0x100]  }
0x438: {  	v15 =	vld [tilespmem:s29+$0xFFFFFE80];
	v59 =	vadd.s32 v1, v11  }
0x439: {  	v60 =	vadd.s32 v1, v12;
	[tilespmem:v5+s16+$0x0] =	vst.idx.add.f32.msk $0xffff, v2  }
0x43a: {  	v5 =	vadd.s32 v1, v10;
	[tilespmem:v6+s16+$0x0] =	vst.idx.add.f32.msk $0xffff, v2  }
0x43b: {  	v6 =	vld [tilespmem:s29+$0xFFFFFF80]  }
0x43c: {  	v61 =	vld [tilespmem:s29+$0xFFFFFF00];
	v3 =	vadd.s32 v1, v3  }
0x43d: {  	v14 =	vadd.s32 v1, v14;
	[tilespmem:v59+s16+$0x0] =	vst.idx.add.f32.msk $0xffff, v2  }
0x43e: {  	v4 =	vadd.s32 v1, v4;
	[tilespmem:v60+s16+$0x0] =	vst.idx.add.f32.msk $0xffff, v2  }
0x43f: {  	v62 =	vadd.s32 v1, v13;
	[tilespmem:v5+s16+$0x0] =	vst.idx.add.f32.msk $0xffff, v2  }
0x440: {  	v63 =	vadd.s32 v1, v15;
	v5 =	vadd.s32 v1, v6;
	v6 =	vld [tilespmem:s29+$0xFFFFFC80]  }
0x441: {  	[tilespmem:v3+s16+$0x0] =	vst.idx.add.f32.msk $0xffff, v2;
	v3 =	vadd.s32 v1, v8  }
0x442: {  	v9 =	vadd.s32 v1, v9;
	[tilespmem:v14+s16+$0x0] =	vst.idx.add.f32.msk $0xffff, v2  }
0x443: {  	v7 =	vadd.s32 v1, v7;
	[tilespmem:v4+s16+$0x0] =	vst.idx.add.f32.msk $0xffff, v2  }
0x444: {  	[tilespmem:v62+s16+$0x0] =	vst.idx.add.f32.msk $0xffff, v2  }
0x445: {  	[tilespmem:v63+s16+$0x0] =	vst.idx.add.f32.msk $0xffff, v2;
	v4 =	vadd.s32 v1, v6  }
0x446: {  	[tilespmem:v3+s16+$0x0] =	vst.idx.add.f32.msk $0xffff, v2;
	v3 =	vadd.s32 v1, v61  }
0x447: {  	[tilespmem:v9+s16+$0x0] =	vst.idx.add.f32.msk $0xffff, v2  }
0x448: {  	[tilespmem:v7+s16+$0x0] =	vst.idx.add.f32.msk $0xffff, v2  }
0x449: {  	s30 =	simm.s32 $0x0;
	[tilespmem:v5+s16+$0x0] =	vst.idx.add.f32.msk $0xffff, v2  }
.LBB2_48:
0x44a: {  	s30 =	sadd.s32 $0x10, s30;
	[tilespmem:v4+s16+$0x0] =	vst.idx.add.f32.msk $0xffff, v2;
	s29 =	sadd.s32 $0x800, s29  }
0x44b: {  	p1 =	slt.u32 s30, $0xB0;
	[tilespmem:v3+s16+$0x0] =	vst.idx.add.f32.msk $0xffff, v2  }
0x44c: {  	v3 =	vld [tilespmem:s29+$0x80]  }
0x44d: {  	v4 =	vld [tilespmem:s29+$0x0]  }
0x44e: {  	v5 =	vld [tilespmem:s29+$0xFFFFFC00]  }
0x44f: {  	v6 =	vld [tilespmem:s29+$0x380]  }
0x450: {  	v7 =	vld [tilespmem:s29+$0xFFFFFD00]  }
0x451: {  	v8 =	vld [tilespmem:s29+$0xFFFFFD80]  }
0x452: {  	v9 =	vld [tilespmem:s29+$0xFFFFFE00]  }
0x453: {  	v5 =	vadd.s32 v1, v5;
	v10 =	vld [tilespmem:s29+$0x300]  }
0x454: {  	v11 =	vld [tilespmem:s29+$0x280];
	v6 =	vadd.s32 v1, v6  }
0x455: {  	v12 =	vld [tilespmem:s29+$0x200]  }
0x456: {  	v13 =	vld [tilespmem:s29+$0x180]  }
0x457: {  	v14 =	vld [tilespmem:s29+$0x100]  }
0x458: {  	[tilespmem:v5+s16+$0x0] =	vst.idx.add.f32.msk $0xffff, v2;
	v5 =	vadd.s32 v1, v10  }
0x459: {  	v10 =	vadd.s32 v1, v11;
	[tilespmem:v6+s16+$0x0] =	vst.idx.add.f32.msk $0xffff, v2  }
0x45a: {  	v6 =	vld [tilespmem:s29+$0xFFFFFF80];
	v11 =	vadd.s32 v1, v12  }
0x45b: {  	v12 =	vld [tilespmem:s29+$0xFFFFFF00]  }
0x45c: {  	v15 =	vld [tilespmem:s29+$0xFFFFFE80];
	v14 =	vadd.s32 v1, v14  }
0x45d: {  	v16 =	vadd.s32 v1, v3;
	[tilespmem:v5+s16+$0x0] =	vst.idx.add.f32.msk $0xffff, v2  }
0x45e: {  	v4 =	vadd.s32 v1, v4;
	[tilespmem:v10+s16+$0x0] =	vst.idx.add.f32.msk $0xffff, v2  }
0x45f: {  	v5 =	vadd.s32 v1, v6;
	[tilespmem:v11+s16+$0x0] =	vst.idx.add.f32.msk $0xffff, v2  }
0x460: {  	v10 =	vadd.s32 v1, v13;
	v6 =	vld [tilespmem:s29+$0xFFFFFC80];
	v3 =	vadd.s32 v1, v12  }
0x461: {  	v11 =	vadd.s32 v1, v15;
	[tilespmem:v14+s16+$0x0] =	vst.idx.add.f32.msk $0xffff, v2  }
0x462: {  	v9 =	vadd.s32 v1, v9;
	[tilespmem:v16+s16+$0x0] =	vst.idx.add.f32.msk $0xffff, v2  }
0x463: {  	v8 =	vadd.s32 v1, v8;
	[tilespmem:v4+s16+$0x0] =	vst.idx.add.f32.msk $0xffff, v2  }
0x464: {  	v7 =	vadd.s32 v1, v7;
	[tilespmem:v5+s16+$0x0] =	vst.idx.add.f32.msk $0xffff, v2  }
.Ltmp23:
0x465: {  	v4 =	vadd.s32 v1, v6;
	[tilespmem:v10+s16+$0x0] =	vst.idx.add.f32.msk $0xffff, v2;
	(pc) =	sbr.rel @p1 .LBB2_48-.Ltmp23, $4  }
0x466: {  	[tilespmem:v11+s16+$0x0] =	vst.idx.add.f32.msk $0xffff, v2  }
0x467: {  	[tilespmem:v9+s16+$0x0] =	vst.idx.add.f32.msk $0xffff, v2  }
0x468: {  	[tilespmem:v8+s16+$0x0] =	vst.idx.add.f32.msk $0xffff, v2  }
0x469: {  	[tilespmem:v7+s16+$0x0] =	vst.idx.add.f32.msk $0xffff, v2  }
0x46a: {  	_ =	sdelay $0x3  }
0x46b: {  	[tilespmem:v4+s16+$0x0] =	vst.idx.add.f32.msk $0xffff, v2  }
0x46c: {  	s29 =	simm.s32 $0x0;
	[tilespmem:v3+s16+$0x0] =	vst.idx.add.f32.msk $0xffff, v2  }
.LBB2_50:
0x46d: {  	s30 =	sshra.s32 s29, $0x2  }
0x46e: {  	v3 =	vld [tilespmem:s30+$0xC430];
	_ =	sdelay $0x4  }
0x46f: {  	p1 =	sne.s32 s29, $0xE00;
	v3 =	vadd.s32 v1, v3  }
.Ltmp24:
0x470: {  	_ = 	snop;
	(pc) =	sbr.rel @p1 .LBB2_50-.Ltmp24, $2  }
0x471: {  	_ =	sdelay $0x2  }
0x472: {  	s29 =	sadd.s32 $0x200, s29;
	[tilespmem:v3+s16+$0x0] =	vst.idx.add.f32.msk $0xffff, v2  }
0x473: {  	s29 =	rddreg [dreg:$0x11]  }
0x474: {  	[hbm4b:s29+s2] =	stream.linear.scatter [tilespmem:s16], [sflag:$0x6], $0x800, $0x38;
	[tilespmem:$0xE880] =	vst v63  }
0x475: {  	_ =	swait.ge [sflag:s23], $0x800  }
0x476: {  	[sflag:s23] =	ssyncset.done $0x0  }
0x477: {  	[sflag:s23] =	ssyncadd.s32 $0xFFFFF800  }
0x478: {  	[tilespmem:s14], [sflag:$0x8] =	stream.linear.gather [spmem:s1], $0x800, $0x38;
	[tilespmem:$0xE880] =	vst v63  }
0x479: {  	_ =	swait.ge [sflag:s18], $0x800  }
0x47a: {  	[sflag:s18] =	ssyncset.done $0x0  }
0x47b: {  	s29 =	simm.s32 $0x6840;
	[sflag:s18] =	ssyncadd.s32 $0xFFFFF800  }
0x47c: {  	v3 =	vld [tilespmem:s29+$0x80]  }
0x47d: {  	v4 =	vld [tilespmem:s29+$0x0]  }
0x47e: {  	v5 =	vld [tilespmem:s29+$0xFFFFFC00]  }
0x47f: {  	v6 =	vld [tilespmem:s29+$0x380]  }
0x480: {  	v7 =	vld [tilespmem:s29+$0xFFFFFD00]  }
0x481: {  	v8 =	vld [tilespmem:s29+$0xFFFFFD80]  }
0x482: {  	v9 =	vld [tilespmem:s29+$0xFFFFFE00]  }
0x483: {  	v11 =	vld [tilespmem:s29+$0x280]  }
0x484: {  	v12 =	vld [tilespmem:s29+$0x200];
	v5 =	vadd.s32 v1, v5  }
0x485: {  	v10 =	vld [tilespmem:s29+$0x300];
	v6 =	vadd.s32 v1, v6  }
0x486: {  	v13 =	vld [tilespmem:s29+$0x180]  }
0x487: {  	v14 =	vld [tilespmem:s29+$0x100]  }
0x488: {  	v15 =	vld [tilespmem:s29+$0xFFFFFE80];
	v59 =	vadd.s32 v1, v11  }
0x489: {  	v60 =	vadd.s32 v1, v12;
	[tilespmem:v5+s12+$0x0] =	vst.idx.add.f32.msk $0xffff, v2  }
0x48a: {  	v5 =	vadd.s32 v1, v10;
	[tilespmem:v6+s12+$0x0] =	vst.idx.add.f32.msk $0xffff, v2  }
0x48b: {  	v6 =	vld [tilespmem:s29+$0xFFFFFF80]  }
0x48c: {  	v61 =	vld [tilespmem:s29+$0xFFFFFF00];
	v3 =	vadd.s32 v1, v3  }
0x48d: {  	v14 =	vadd.s32 v1, v14;
	[tilespmem:v59+s12+$0x0] =	vst.idx.add.f32.msk $0xffff, v2  }
0x48e: {  	v4 =	vadd.s32 v1, v4;
	[tilespmem:v60+s12+$0x0] =	vst.idx.add.f32.msk $0xffff, v2  }
0x48f: {  	v62 =	vadd.s32 v1, v13;
	[tilespmem:v5+s12+$0x0] =	vst.idx.add.f32.msk $0xffff, v2  }
0x490: {  	v63 =	vadd.s32 v1, v15;
	v5 =	vadd.s32 v1, v6;
	v6 =	vld [tilespmem:s29+$0xFFFFFC80]  }
0x491: {  	[tilespmem:v3+s12+$0x0] =	vst.idx.add.f32.msk $0xffff, v2;
	v3 =	vadd.s32 v1, v8  }
0x492: {  	v9 =	vadd.s32 v1, v9;
	[tilespmem:v14+s12+$0x0] =	vst.idx.add.f32.msk $0xffff, v2  }
0x493: {  	v7 =	vadd.s32 v1, v7;
	[tilespmem:v4+s12+$0x0] =	vst.idx.add.f32.msk $0xffff, v2  }
0x494: {  	[tilespmem:v62+s12+$0x0] =	vst.idx.add.f32.msk $0xffff, v2  }
0x495: {  	[tilespmem:v63+s12+$0x0] =	vst.idx.add.f32.msk $0xffff, v2;
	v4 =	vadd.s32 v1, v6  }
0x496: {  	[tilespmem:v3+s12+$0x0] =	vst.idx.add.f32.msk $0xffff, v2;
	v3 =	vadd.s32 v1, v61  }
0x497: {  	[tilespmem:v9+s12+$0x0] =	vst.idx.add.f32.msk $0xffff, v2  }
0x498: {  	[tilespmem:v7+s12+$0x0] =	vst.idx.add.f32.msk $0xffff, v2  }
0x499: {  	s30 =	simm.s32 $0x0;
	[tilespmem:v5+s12+$0x0] =	vst.idx.add.f32.msk $0xffff, v2  }
.LBB2_52:
0x49a: {  	s30 =	sadd.s32 $0x10, s30;
	[tilespmem:v4+s12+$0x0] =	vst.idx.add.f32.msk $0xffff, v2;
	s29 =	sadd.s32 $0x800, s29  }
0x49b: {  	p1 =	slt.u32 s30, $0xB0;
	[tilespmem:v3+s12+$0x0] =	vst.idx.add.f32.msk $0xffff, v2  }
0x49c: {  	v3 =	vld [tilespmem:s29+$0x80]  }
0x49d: {  	v4 =	vld [tilespmem:s29+$0x0]  }
0x49e: {  	v5 =	vld [tilespmem:s29+$0xFFFFFC00]  }
0x49f: {  	v6 =	vld [tilespmem:s29+$0x380]  }
0x4a0: {  	v7 =	vld [tilespmem:s29+$0xFFFFFD00]  }
0x4a1: {  	v8 =	vld [tilespmem:s29+$0xFFFFFD80]  }
0x4a2: {  	v9 =	vld [tilespmem:s29+$0xFFFFFE00]  }
0x4a3: {  	v5 =	vadd.s32 v1, v5;
	v10 =	vld [tilespmem:s29+$0x300]  }
0x4a4: {  	v11 =	vld [tilespmem:s29+$0x280];
	v6 =	vadd.s32 v1, v6  }
0x4a5: {  	v12 =	vld [tilespmem:s29+$0x200]  }
0x4a6: {  	v13 =	vld [tilespmem:s29+$0x180]  }
0x4a7: {  	v14 =	vld [tilespmem:s29+$0x100]  }
0x4a8: {  	[tilespmem:v5+s12+$0x0] =	vst.idx.add.f32.msk $0xffff, v2;
	v5 =	vadd.s32 v1, v10  }
0x4a9: {  	v10 =	vadd.s32 v1, v11;
	[tilespmem:v6+s12+$0x0] =	vst.idx.add.f32.msk $0xffff, v2  }
0x4aa: {  	v6 =	vld [tilespmem:s29+$0xFFFFFF80];
	v11 =	vadd.s32 v1, v12  }
0x4ab: {  	v12 =	vld [tilespmem:s29+$0xFFFFFF00]  }
0x4ac: {  	v15 =	vld [tilespmem:s29+$0xFFFFFE80];
	v14 =	vadd.s32 v1, v14  }
0x4ad: {  	v16 =	vadd.s32 v1, v3;
	[tilespmem:v5+s12+$0x0] =	vst.idx.add.f32.msk $0xffff, v2  }
0x4ae: {  	v4 =	vadd.s32 v1, v4;
	[tilespmem:v10+s12+$0x0] =	vst.idx.add.f32.msk $0xffff, v2  }
0x4af: {  	v5 =	vadd.s32 v1, v6;
	[tilespmem:v11+s12+$0x0] =	vst.idx.add.f32.msk $0xffff, v2  }
0x4b0: {  	v10 =	vadd.s32 v1, v13;
	v6 =	vld [tilespmem:s29+$0xFFFFFC80];
	v3 =	vadd.s32 v1, v12  }
0x4b1: {  	v11 =	vadd.s32 v1, v15;
	[tilespmem:v14+s12+$0x0] =	vst.idx.add.f32.msk $0xffff, v2  }
0x4b2: {  	v9 =	vadd.s32 v1, v9;
	[tilespmem:v16+s12+$0x0] =	vst.idx.add.f32.msk $0xffff, v2  }
0x4b3: {  	v8 =	vadd.s32 v1, v8;
	[tilespmem:v4+s12+$0x0] =	vst.idx.add.f32.msk $0xffff, v2  }
0x4b4: {  	v7 =	vadd.s32 v1, v7;
	[tilespmem:v5+s12+$0x0] =	vst.idx.add.f32.msk $0xffff, v2  }
.Ltmp25:
0x4b5: {  	v4 =	vadd.s32 v1, v6;
	[tilespmem:v10+s12+$0x0] =	vst.idx.add.f32.msk $0xffff, v2;
	(pc) =	sbr.rel @p1 .LBB2_52-.Ltmp25, $4  }
0x4b6: {  	[tilespmem:v11+s12+$0x0] =	vst.idx.add.f32.msk $0xffff, v2  }
0x4b7: {  	[tilespmem:v9+s12+$0x0] =	vst.idx.add.f32.msk $0xffff, v2  }
0x4b8: {  	[tilespmem:v8+s12+$0x0] =	vst.idx.add.f32.msk $0xffff, v2  }
0x4b9: {  	[tilespmem:v7+s12+$0x0] =	vst.idx.add.f32.msk $0xffff, v2  }
0x4ba: {  	_ =	sdelay $0x3  }
0x4bb: {  	[tilespmem:v4+s12+$0x0] =	vst.idx.add.f32.msk $0xffff, v2  }
0x4bc: {  	s29 =	simm.s32 $0x0;
	[tilespmem:v3+s12+$0x0] =	vst.idx.add.f32.msk $0xffff, v2  }
.LBB2_54:
0x4bd: {  	s30 =	sshra.s32 s29, $0x2  }
0x4be: {  	v3 =	vld [tilespmem:s30+$0xC440];
	_ =	sdelay $0x4  }
0x4bf: {  	p1 =	sne.s32 s29, $0xE00;
	v3 =	vadd.s32 v1, v3  }
.Ltmp26:
0x4c0: {  	_ = 	snop;
	(pc) =	sbr.rel @p1 .LBB2_54-.Ltmp26, $2  }
0x4c1: {  	_ =	sdelay $0x2  }
0x4c2: {  	s29 =	sadd.s32 $0x200, s29;
	[tilespmem:v3+s12+$0x0] =	vst.idx.add.f32.msk $0xffff, v2  }
0x4c3: {  	s29 =	rddreg [dreg:$0x12]  }
0x4c4: {  	[hbm4b:s29+s2] =	stream.linear.scatter [tilespmem:s12], [sflag:$0x3], $0x800, $0x38;
	[tilespmem:$0xE880] =	vst v63  }
0x4c5: {  	_ =	swait.ge [sflag:s24], $0x800  }
0x4c6: {  	[sflag:s24] =	ssyncset.done $0x0  }
0x4c7: {  	[sflag:s24] =	ssyncadd.s32 $0xFFFFF800  }
0x4c8: {  	[tilespmem:s15], [sflag:$0x9] =	stream.linear.gather [spmem:s1], $0x800, $0x38;
	[tilespmem:$0xE880] =	vst v63  }
0x4c9: {  	_ =	swait.ge [sflag:s19], $0x800  }
0x4ca: {  	[sflag:s19] =	ssyncset.done $0x0  }
0x4cb: {  	s29 =	simm.s32 $0x6850;
	[sflag:s19] =	ssyncadd.s32 $0xFFFFF800  }
0x4cc: {  	v3 =	vld [tilespmem:s29+$0x80]  }
0x4cd: {  	v4 =	vld [tilespmem:s29+$0x0]  }
0x4ce: {  	v5 =	vld [tilespmem:s29+$0xFFFFFC00]  }
0x4cf: {  	v6 =	vld [tilespmem:s29+$0x380]  }
0x4d0: {  	v7 =	vld [tilespmem:s29+$0xFFFFFD00]  }
0x4d1: {  	v8 =	vld [tilespmem:s29+$0xFFFFFD80]  }
0x4d2: {  	v9 =	vld [tilespmem:s29+$0xFFFFFE00]  }
0x4d3: {  	v11 =	vld [tilespmem:s29+$0x280]  }
0x4d4: {  	v12 =	vld [tilespmem:s29+$0x200];
	v5 =	vadd.s32 v1, v5  }
0x4d5: {  	v10 =	vld [tilespmem:s29+$0x300];
	v6 =	vadd.s32 v1, v6  }
0x4d6: {  	v13 =	vld [tilespmem:s29+$0x180]  }
0x4d7: {  	v14 =	vld [tilespmem:s29+$0x100]  }
0x4d8: {  	v15 =	vld [tilespmem:s29+$0xFFFFFE80];
	v59 =	vadd.s32 v1, v11  }
0x4d9: {  	v60 =	vadd.s32 v1, v12;
	[tilespmem:v5+s14+$0x0] =	vst.idx.add.f32.msk $0xffff, v2  }
0x4da: {  	v5 =	vadd.s32 v1, v10;
	[tilespmem:v6+s14+$0x0] =	vst.idx.add.f32.msk $0xffff, v2  }
0x4db: {  	v6 =	vld [tilespmem:s29+$0xFFFFFF80]  }
0x4dc: {  	v61 =	vld [tilespmem:s29+$0xFFFFFF00];
	v3 =	vadd.s32 v1, v3  }
0x4dd: {  	v14 =	vadd.s32 v1, v14;
	[tilespmem:v59+s14+$0x0] =	vst.idx.add.f32.msk $0xffff, v2  }
0x4de: {  	v4 =	vadd.s32 v1, v4;
	[tilespmem:v60+s14+$0x0] =	vst.idx.add.f32.msk $0xffff, v2  }
0x4df: {  	v62 =	vadd.s32 v1, v13;
	[tilespmem:v5+s14+$0x0] =	vst.idx.add.f32.msk $0xffff, v2  }
0x4e0: {  	v63 =	vadd.s32 v1, v15;
	v5 =	vadd.s32 v1, v6;
	v6 =	vld [tilespmem:s29+$0xFFFFFC80]  }
0x4e1: {  	[tilespmem:v3+s14+$0x0] =	vst.idx.add.f32.msk $0xffff, v2;
	v3 =	vadd.s32 v1, v8  }
0x4e2: {  	v9 =	vadd.s32 v1, v9;
	[tilespmem:v14+s14+$0x0] =	vst.idx.add.f32.msk $0xffff, v2  }
0x4e3: {  	v7 =	vadd.s32 v1, v7;
	[tilespmem:v4+s14+$0x0] =	vst.idx.add.f32.msk $0xffff, v2  }
0x4e4: {  	[tilespmem:v62+s14+$0x0] =	vst.idx.add.f32.msk $0xffff, v2  }
0x4e5: {  	[tilespmem:v63+s14+$0x0] =	vst.idx.add.f32.msk $0xffff, v2;
	v4 =	vadd.s32 v1, v6  }
0x4e6: {  	[tilespmem:v3+s14+$0x0] =	vst.idx.add.f32.msk $0xffff, v2;
	v3 =	vadd.s32 v1, v61  }
0x4e7: {  	[tilespmem:v9+s14+$0x0] =	vst.idx.add.f32.msk $0xffff, v2  }
0x4e8: {  	[tilespmem:v7+s14+$0x0] =	vst.idx.add.f32.msk $0xffff, v2  }
0x4e9: {  	s30 =	simm.s32 $0x0;
	[tilespmem:v5+s14+$0x0] =	vst.idx.add.f32.msk $0xffff, v2  }
.LBB2_56:
0x4ea: {  	s30 =	sadd.s32 $0x10, s30;
	[tilespmem:v4+s14+$0x0] =	vst.idx.add.f32.msk $0xffff, v2;
	s29 =	sadd.s32 $0x800, s29  }
0x4eb: {  	p1 =	slt.u32 s30, $0xB0;
	[tilespmem:v3+s14+$0x0] =	vst.idx.add.f32.msk $0xffff, v2  }
0x4ec: {  	v3 =	vld [tilespmem:s29+$0x80]  }
0x4ed: {  	v4 =	vld [tilespmem:s29+$0x0]  }
0x4ee: {  	v5 =	vld [tilespmem:s29+$0xFFFFFC00]  }
0x4ef: {  	v6 =	vld [tilespmem:s29+$0x380]  }
0x4f0: {  	v7 =	vld [tilespmem:s29+$0xFFFFFD00]  }
0x4f1: {  	v8 =	vld [tilespmem:s29+$0xFFFFFD80]  }
0x4f2: {  	v9 =	vld [tilespmem:s29+$0xFFFFFE00]  }
0x4f3: {  	v5 =	vadd.s32 v1, v5;
	v10 =	vld [tilespmem:s29+$0x300]  }
0x4f4: {  	v11 =	vld [tilespmem:s29+$0x280];
	v6 =	vadd.s32 v1, v6  }
0x4f5: {  	v12 =	vld [tilespmem:s29+$0x200]  }
0x4f6: {  	v13 =	vld [tilespmem:s29+$0x180]  }
0x4f7: {  	v14 =	vld [tilespmem:s29+$0x100]  }
0x4f8: {  	[tilespmem:v5+s14+$0x0] =	vst.idx.add.f32.msk $0xffff, v2;
	v5 =	vadd.s32 v1, v10  }
0x4f9: {  	v10 =	vadd.s32 v1, v11;
	[tilespmem:v6+s14+$0x0] =	vst.idx.add.f32.msk $0xffff, v2  }
0x4fa: {  	v6 =	vld [tilespmem:s29+$0xFFFFFF80];
	v11 =	vadd.s32 v1, v12  }
0x4fb: {  	v12 =	vld [tilespmem:s29+$0xFFFFFF00]  }
0x4fc: {  	v15 =	vld [tilespmem:s29+$0xFFFFFE80];
	v14 =	vadd.s32 v1, v14  }
0x4fd: {  	v16 =	vadd.s32 v1, v3;
	[tilespmem:v5+s14+$0x0] =	vst.idx.add.f32.msk $0xffff, v2  }
0x4fe: {  	v4 =	vadd.s32 v1, v4;
	[tilespmem:v10+s14+$0x0] =	vst.idx.add.f32.msk $0xffff, v2  }
0x4ff: {  	v5 =	vadd.s32 v1, v6;
	[tilespmem:v11+s14+$0x0] =	vst.idx.add.f32.msk $0xffff, v2  }
0x500: {  	v10 =	vadd.s32 v1, v13;
	v6 =	vld [tilespmem:s29+$0xFFFFFC80];
	v3 =	vadd.s32 v1, v12  }
0x501: {  	v11 =	vadd.s32 v1, v15;
	[tilespmem:v14+s14+$0x0] =	vst.idx.add.f32.msk $0xffff, v2  }
0x502: {  	v9 =	vadd.s32 v1, v9;
	[tilespmem:v16+s14+$0x0] =	vst.idx.add.f32.msk $0xffff, v2  }
0x503: {  	v8 =	vadd.s32 v1, v8;
	[tilespmem:v4+s14+$0x0] =	vst.idx.add.f32.msk $0xffff, v2  }
0x504: {  	v7 =	vadd.s32 v1, v7;
	[tilespmem:v5+s14+$0x0] =	vst.idx.add.f32.msk $0xffff, v2  }
.Ltmp27:
0x505: {  	v4 =	vadd.s32 v1, v6;
	[tilespmem:v10+s14+$0x0] =	vst.idx.add.f32.msk $0xffff, v2;
	(pc) =	sbr.rel @p1 .LBB2_56-.Ltmp27, $4  }
0x506: {  	[tilespmem:v11+s14+$0x0] =	vst.idx.add.f32.msk $0xffff, v2  }
0x507: {  	[tilespmem:v9+s14+$0x0] =	vst.idx.add.f32.msk $0xffff, v2  }
0x508: {  	[tilespmem:v8+s14+$0x0] =	vst.idx.add.f32.msk $0xffff, v2  }
0x509: {  	[tilespmem:v7+s14+$0x0] =	vst.idx.add.f32.msk $0xffff, v2  }
0x50a: {  	_ =	sdelay $0x3  }
0x50b: {  	[tilespmem:v4+s14+$0x0] =	vst.idx.add.f32.msk $0xffff, v2  }
0x50c: {  	s29 =	simm.s32 $0x0;
	[tilespmem:v3+s14+$0x0] =	vst.idx.add.f32.msk $0xffff, v2  }
.LBB2_58:
0x50d: {  	s30 =	sshra.s32 s29, $0x2  }
0x50e: {  	v3 =	vld [tilespmem:s30+$0xC450];
	_ =	sdelay $0x4  }
0x50f: {  	p1 =	sne.s32 s29, $0xE00;
	v3 =	vadd.s32 v1, v3  }
.Ltmp28:
0x510: {  	_ = 	snop;
	(pc) =	sbr.rel @p1 .LBB2_58-.Ltmp28, $2  }
0x511: {  	_ =	sdelay $0x2  }
0x512: {  	s29 =	sadd.s32 $0x200, s29;
	[tilespmem:v3+s14+$0x0] =	vst.idx.add.f32.msk $0xffff, v2  }
0x513: {  	s29 =	rddreg [dreg:$0x13]  }
0x514: {  	[hbm4b:s29+s2] =	stream.linear.scatter [tilespmem:s14], [sflag:$0x4], $0x800, $0x38;
	[tilespmem:$0xE880] =	vst v63  }
0x515: {  	_ =	swait.ge [sflag:s25], $0x800  }
0x516: {  	[sflag:s25] =	ssyncset.done $0x0  }
0x517: {  	[sflag:s25] =	ssyncadd.s32 $0xFFFFF800  }
0x518: {  	[tilespmem:s16], [sflag:$0xA] =	stream.linear.gather [spmem:s1], $0x800, $0x38;
	[tilespmem:$0xE880] =	vst v63  }
0x519: {  	_ =	swait.ge [sflag:s20], $0x800  }
0x51a: {  	[sflag:s20] =	ssyncset.done $0x0  }
0x51b: {  	s29 =	simm.s32 $0x6860;
	[sflag:s20] =	ssyncadd.s32 $0xFFFFF800  }
0x51c: {  	v3 =	vld [tilespmem:s29+$0x80]  }
0x51d: {  	v4 =	vld [tilespmem:s29+$0x0]  }
0x51e: {  	v5 =	vld [tilespmem:s29+$0xFFFFFC00]  }
0x51f: {  	v6 =	vld [tilespmem:s29+$0x380]  }
0x520: {  	v7 =	vld [tilespmem:s29+$0xFFFFFD00]  }
0x521: {  	v8 =	vld [tilespmem:s29+$0xFFFFFD80]  }
0x522: {  	v9 =	vld [tilespmem:s29+$0xFFFFFE00]  }
0x523: {  	v11 =	vld [tilespmem:s29+$0x280]  }
0x524: {  	v12 =	vld [tilespmem:s29+$0x200];
	v5 =	vadd.s32 v1, v5  }
0x525: {  	v10 =	vld [tilespmem:s29+$0x300];
	v6 =	vadd.s32 v1, v6  }
0x526: {  	v13 =	vld [tilespmem:s29+$0x180]  }
0x527: {  	v14 =	vld [tilespmem:s29+$0x100]  }
0x528: {  	v15 =	vld [tilespmem:s29+$0xFFFFFE80];
	v59 =	vadd.s32 v1, v11  }
0x529: {  	v60 =	vadd.s32 v1, v12;
	[tilespmem:v5+s15+$0x0] =	vst.idx.add.f32.msk $0xffff, v2  }
0x52a: {  	v5 =	vadd.s32 v1, v10;
	[tilespmem:v6+s15+$0x0] =	vst.idx.add.f32.msk $0xffff, v2  }
0x52b: {  	v6 =	vld [tilespmem:s29+$0xFFFFFF80]  }
0x52c: {  	v61 =	vld [tilespmem:s29+$0xFFFFFF00];
	v3 =	vadd.s32 v1, v3  }
0x52d: {  	v14 =	vadd.s32 v1, v14;
	[tilespmem:v59+s15+$0x0] =	vst.idx.add.f32.msk $0xffff, v2  }
0x52e: {  	v4 =	vadd.s32 v1, v4;
	[tilespmem:v60+s15+$0x0] =	vst.idx.add.f32.msk $0xffff, v2  }
0x52f: {  	v62 =	vadd.s32 v1, v13;
	[tilespmem:v5+s15+$0x0] =	vst.idx.add.f32.msk $0xffff, v2  }
0x530: {  	v63 =	vadd.s32 v1, v15;
	v5 =	vadd.s32 v1, v6;
	v6 =	vld [tilespmem:s29+$0xFFFFFC80]  }
0x531: {  	[tilespmem:v3+s15+$0x0] =	vst.idx.add.f32.msk $0xffff, v2;
	v3 =	vadd.s32 v1, v8  }
0x532: {  	v9 =	vadd.s32 v1, v9;
	[tilespmem:v14+s15+$0x0] =	vst.idx.add.f32.msk $0xffff, v2  }
0x533: {  	v7 =	vadd.s32 v1, v7;
	[tilespmem:v4+s15+$0x0] =	vst.idx.add.f32.msk $0xffff, v2  }
0x534: {  	[tilespmem:v62+s15+$0x0] =	vst.idx.add.f32.msk $0xffff, v2  }
0x535: {  	[tilespmem:v63+s15+$0x0] =	vst.idx.add.f32.msk $0xffff, v2;
	v4 =	vadd.s32 v1, v6  }
0x536: {  	[tilespmem:v3+s15+$0x0] =	vst.idx.add.f32.msk $0xffff, v2;
	v3 =	vadd.s32 v1, v61  }
0x537: {  	[tilespmem:v9+s15+$0x0] =	vst.idx.add.f32.msk $0xffff, v2  }
0x538: {  	[tilespmem:v7+s15+$0x0] =	vst.idx.add.f32.msk $0xffff, v2  }
0x539: {  	s30 =	simm.s32 $0x0;
	[tilespmem:v5+s15+$0x0] =	vst.idx.add.f32.msk $0xffff, v2  }
.LBB2_60:
0x53a: {  	s30 =	sadd.s32 $0x10, s30;
	[tilespmem:v4+s15+$0x0] =	vst.idx.add.f32.msk $0xffff, v2;
	s29 =	sadd.s32 $0x800, s29  }
0x53b: {  	p1 =	slt.u32 s30, $0xB0;
	[tilespmem:v3+s15+$0x0] =	vst.idx.add.f32.msk $0xffff, v2  }
0x53c: {  	v3 =	vld [tilespmem:s29+$0x80]  }
0x53d: {  	v4 =	vld [tilespmem:s29+$0x0]  }
0x53e: {  	v5 =	vld [tilespmem:s29+$0xFFFFFC00]  }
0x53f: {  	v6 =	vld [tilespmem:s29+$0x380]  }
0x540: {  	v7 =	vld [tilespmem:s29+$0xFFFFFD00]  }
0x541: {  	v8 =	vld [tilespmem:s29+$0xFFFFFD80]  }
0x542: {  	v9 =	vld [tilespmem:s29+$0xFFFFFE00]  }
0x543: {  	v5 =	vadd.s32 v1, v5;
	v10 =	vld [tilespmem:s29+$0x300]  }
0x544: {  	v11 =	vld [tilespmem:s29+$0x280];
	v6 =	vadd.s32 v1, v6  }
0x545: {  	v12 =	vld [tilespmem:s29+$0x200]  }
0x546: {  	v13 =	vld [tilespmem:s29+$0x180]  }
0x547: {  	v14 =	vld [tilespmem:s29+$0x100]  }
0x548: {  	[tilespmem:v5+s15+$0x0] =	vst.idx.add.f32.msk $0xffff, v2;
	v5 =	vadd.s32 v1, v10  }
0x549: {  	v10 =	vadd.s32 v1, v11;
	[tilespmem:v6+s15+$0x0] =	vst.idx.add.f32.msk $0xffff, v2  }
0x54a: {  	v6 =	vld [tilespmem:s29+$0xFFFFFF80];
	v11 =	vadd.s32 v1, v12  }
0x54b: {  	v12 =	vld [tilespmem:s29+$0xFFFFFF00]  }
0x54c: {  	v15 =	vld [tilespmem:s29+$0xFFFFFE80];
	v14 =	vadd.s32 v1, v14  }
0x54d: {  	v16 =	vadd.s32 v1, v3;
	[tilespmem:v5+s15+$0x0] =	vst.idx.add.f32.msk $0xffff, v2  }
0x54e: {  	v4 =	vadd.s32 v1, v4;
	[tilespmem:v10+s15+$0x0] =	vst.idx.add.f32.msk $0xffff, v2  }
0x54f: {  	v5 =	vadd.s32 v1, v6;
	[tilespmem:v11+s15+$0x0] =	vst.idx.add.f32.msk $0xffff, v2  }
0x550: {  	v10 =	vadd.s32 v1, v13;
	v6 =	vld [tilespmem:s29+$0xFFFFFC80];
	v3 =	vadd.s32 v1, v12  }
0x551: {  	v11 =	vadd.s32 v1, v15;
	[tilespmem:v14+s15+$0x0] =	vst.idx.add.f32.msk $0xffff, v2  }
0x552: {  	v9 =	vadd.s32 v1, v9;
	[tilespmem:v16+s15+$0x0] =	vst.idx.add.f32.msk $0xffff, v2  }
0x553: {  	v8 =	vadd.s32 v1, v8;
	[tilespmem:v4+s15+$0x0] =	vst.idx.add.f32.msk $0xffff, v2  }
0x554: {  	v7 =	vadd.s32 v1, v7;
	[tilespmem:v5+s15+$0x0] =	vst.idx.add.f32.msk $0xffff, v2  }
.Ltmp29:
0x555: {  	v4 =	vadd.s32 v1, v6;
	[tilespmem:v10+s15+$0x0] =	vst.idx.add.f32.msk $0xffff, v2;
	(pc) =	sbr.rel @p1 .LBB2_60-.Ltmp29, $4  }
0x556: {  	[tilespmem:v11+s15+$0x0] =	vst.idx.add.f32.msk $0xffff, v2  }
0x557: {  	[tilespmem:v9+s15+$0x0] =	vst.idx.add.f32.msk $0xffff, v2  }
0x558: {  	[tilespmem:v8+s15+$0x0] =	vst.idx.add.f32.msk $0xffff, v2  }
0x559: {  	[tilespmem:v7+s15+$0x0] =	vst.idx.add.f32.msk $0xffff, v2  }
0x55a: {  	_ =	sdelay $0x3  }
0x55b: {  	[tilespmem:v4+s15+$0x0] =	vst.idx.add.f32.msk $0xffff, v2  }
0x55c: {  	s29 =	simm.s32 $0x0;
	[tilespmem:v3+s15+$0x0] =	vst.idx.add.f32.msk $0xffff, v2  }
.LBB2_62:
0x55d: {  	s30 =	sshra.s32 s29, $0x2  }
0x55e: {  	v3 =	vld [tilespmem:s30+$0xC460];
	_ =	sdelay $0x4  }
0x55f: {  	p1 =	sne.s32 s29, $0xE00;
	v3 =	vadd.s32 v1, v3  }
.Ltmp30:
0x560: {  	_ = 	snop;
	(pc) =	sbr.rel @p1 .LBB2_62-.Ltmp30, $2  }
0x561: {  	_ =	sdelay $0x2  }
0x562: {  	s29 =	sadd.s32 $0x200, s29;
	[tilespmem:v3+s15+$0x0] =	vst.idx.add.f32.msk $0xffff, v2  }
0x563: {  	s29 =	rddreg [dreg:$0x17]  }
0x564: {  	[hbm4b:s29+s2] =	stream.linear.scatter [tilespmem:s15], [sflag:$0x5], $0x800, $0x38;
	[tilespmem:$0xE880] =	vst v63  }
0x565: {  	_ =	swait.ge [sflag:s21], $0x800  }
0x566: {  	[sflag:s21] =	ssyncset.done $0x0  }
0x567: {  	[sflag:s21] =	ssyncadd.s32 $0xFFFFF800  }
0x568: {  	[tilespmem:s12], [sflag:$0x7] =	stream.linear.gather [spmem:s1], $0x800, $0x38;
	[tilespmem:$0xE880] =	vst v63  }
0x569: {  	_ =	swait.ge [sflag:s22], $0x800  }
0x56a: {  	[sflag:s22] =	ssyncset.done $0x0  }
0x56b: {  	s29 =	simm.s32 $0x6870;
	[sflag:s22] =	ssyncadd.s32 $0xFFFFF800  }
0x56c: {  	v3 =	vld [tilespmem:s29+$0x80]  }
0x56d: {  	v4 =	vld [tilespmem:s29+$0x0]  }
0x56e: {  	v5 =	vld [tilespmem:s29+$0xFFFFFC00]  }
0x56f: {  	v6 =	vld [tilespmem:s29+$0x380]  }
0x570: {  	v7 =	vld [tilespmem:s29+$0xFFFFFD00]  }
0x571: {  	v8 =	vld [tilespmem:s29+$0xFFFFFD80]  }
0x572: {  	v9 =	vld [tilespmem:s29+$0xFFFFFE00]  }
0x573: {  	v11 =	vld [tilespmem:s29+$0x280]  }
0x574: {  	v12 =	vld [tilespmem:s29+$0x200];
	v5 =	vadd.s32 v1, v5  }
0x575: {  	v10 =	vld [tilespmem:s29+$0x300];
	v6 =	vadd.s32 v1, v6  }
0x576: {  	v13 =	vld [tilespmem:s29+$0x180]  }
0x577: {  	v14 =	vld [tilespmem:s29+$0x100]  }
0x578: {  	v15 =	vld [tilespmem:s29+$0xFFFFFE80];
	v59 =	vadd.s32 v1, v11  }
0x579: {  	v60 =	vadd.s32 v1, v12;
	[tilespmem:v5+s16+$0x0] =	vst.idx.add.f32.msk $0xffff, v2  }
0x57a: {  	v5 =	vadd.s32 v1, v10;
	[tilespmem:v6+s16+$0x0] =	vst.idx.add.f32.msk $0xffff, v2  }
0x57b: {  	v6 =	vld [tilespmem:s29+$0xFFFFFF80]  }
0x57c: {  	v61 =	vld [tilespmem:s29+$0xFFFFFF00];
	v3 =	vadd.s32 v1, v3  }
0x57d: {  	v14 =	vadd.s32 v1, v14;
	[tilespmem:v59+s16+$0x0] =	vst.idx.add.f32.msk $0xffff, v2  }
0x57e: {  	v4 =	vadd.s32 v1, v4;
	[tilespmem:v60+s16+$0x0] =	vst.idx.add.f32.msk $0xffff, v2  }
0x57f: {  	v62 =	vadd.s32 v1, v13;
	[tilespmem:v5+s16+$0x0] =	vst.idx.add.f32.msk $0xffff, v2  }
0x580: {  	v63 =	vadd.s32 v1, v15;
	v5 =	vadd.s32 v1, v6;
	v6 =	vld [tilespmem:s29+$0xFFFFFC80]  }
0x581: {  	[tilespmem:v3+s16+$0x0] =	vst.idx.add.f32.msk $0xffff, v2;
	v3 =	vadd.s32 v1, v8  }
0x582: {  	v9 =	vadd.s32 v1, v9;
	[tilespmem:v14+s16+$0x0] =	vst.idx.add.f32.msk $0xffff, v2  }
0x583: {  	v7 =	vadd.s32 v1, v7;
	[tilespmem:v4+s16+$0x0] =	vst.idx.add.f32.msk $0xffff, v2  }
0x584: {  	[tilespmem:v62+s16+$0x0] =	vst.idx.add.f32.msk $0xffff, v2  }
0x585: {  	[tilespmem:v63+s16+$0x0] =	vst.idx.add.f32.msk $0xffff, v2;
	v4 =	vadd.s32 v1, v6  }
0x586: {  	[tilespmem:v3+s16+$0x0] =	vst.idx.add.f32.msk $0xffff, v2;
	v3 =	vadd.s32 v1, v61  }
0x587: {  	[tilespmem:v9+s16+$0x0] =	vst.idx.add.f32.msk $0xffff, v2  }
0x588: {  	[tilespmem:v7+s16+$0x0] =	vst.idx.add.f32.msk $0xffff, v2  }
0x589: {  	s30 =	simm.s32 $0x0;
	[tilespmem:v5+s16+$0x0] =	vst.idx.add.f32.msk $0xffff, v2  }
.LBB2_64:
0x58a: {  	s30 =	sadd.s32 $0x10, s30;
	[tilespmem:v4+s16+$0x0] =	vst.idx.add.f32.msk $0xffff, v2;
	s29 =	sadd.s32 $0x800, s29  }
0x58b: {  	p1 =	slt.u32 s30, $0xB0;
	[tilespmem:v3+s16+$0x0] =	vst.idx.add.f32.msk $0xffff, v2  }
0x58c: {  	v3 =	vld [tilespmem:s29+$0x80]  }
0x58d: {  	v4 =	vld [tilespmem:s29+$0x0]  }
0x58e: {  	v5 =	vld [tilespmem:s29+$0xFFFFFC00]  }
0x58f: {  	v6 =	vld [tilespmem:s29+$0x380]  }
0x590: {  	v7 =	vld [tilespmem:s29+$0xFFFFFD00]  }
0x591: {  	v8 =	vld [tilespmem:s29+$0xFFFFFD80]  }
0x592: {  	v9 =	vld [tilespmem:s29+$0xFFFFFE00]  }
0x593: {  	v5 =	vadd.s32 v1, v5;
	v10 =	vld [tilespmem:s29+$0x300]  }
0x594: {  	v11 =	vld [tilespmem:s29+$0x280];
	v6 =	vadd.s32 v1, v6  }
0x595: {  	v12 =	vld [tilespmem:s29+$0x200]  }
0x596: {  	v13 =	vld [tilespmem:s29+$0x180]  }
0x597: {  	v14 =	vld [tilespmem:s29+$0x100]  }
0x598: {  	[tilespmem:v5+s16+$0x0] =	vst.idx.add.f32.msk $0xffff, v2;
	v5 =	vadd.s32 v1, v10  }
0x599: {  	v10 =	vadd.s32 v1, v11;
	[tilespmem:v6+s16+$0x0] =	vst.idx.add.f32.msk $0xffff, v2  }
0x59a: {  	v6 =	vld [tilespmem:s29+$0xFFFFFF80];
	v11 =	vadd.s32 v1, v12  }
0x59b: {  	v12 =	vld [tilespmem:s29+$0xFFFFFF00]  }
0x59c: {  	v15 =	vld [tilespmem:s29+$0xFFFFFE80];
	v14 =	vadd.s32 v1, v14  }
0x59d: {  	v16 =	vadd.s32 v1, v3;
	[tilespmem:v5+s16+$0x0] =	vst.idx.add.f32.msk $0xffff, v2  }
0x59e: {  	v4 =	vadd.s32 v1, v4;
	[tilespmem:v10+s16+$0x0] =	vst.idx.add.f32.msk $0xffff, v2  }
0x59f: {  	v5 =	vadd.s32 v1, v6;
	[tilespmem:v11+s16+$0x0] =	vst.idx.add.f32.msk $0xffff, v2  }
0x5a0: {  	v10 =	vadd.s32 v1, v13;
	v6 =	vld [tilespmem:s29+$0xFFFFFC80];
	v3 =	vadd.s32 v1, v12  }
0x5a1: {  	v11 =	vadd.s32 v1, v15;
	[tilespmem:v14+s16+$0x0] =	vst.idx.add.f32.msk $0xffff, v2  }
0x5a2: {  	v9 =	vadd.s32 v1, v9;
	[tilespmem:v16+s16+$0x0] =	vst.idx.add.f32.msk $0xffff, v2  }
0x5a3: {  	v8 =	vadd.s32 v1, v8;
	[tilespmem:v4+s16+$0x0] =	vst.idx.add.f32.msk $0xffff, v2  }
0x5a4: {  	v7 =	vadd.s32 v1, v7;
	[tilespmem:v5+s16+$0x0] =	vst.idx.add.f32.msk $0xffff, v2  }
.Ltmp31:
0x5a5: {  	v4 =	vadd.s32 v1, v6;
	[tilespmem:v10+s16+$0x0] =	vst.idx.add.f32.msk $0xffff, v2;
	(pc) =	sbr.rel @p1 .LBB2_64-.Ltmp31, $4  }
0x5a6: {  	[tilespmem:v11+s16+$0x0] =	vst.idx.add.f32.msk $0xffff, v2  }
0x5a7: {  	[tilespmem:v9+s16+$0x0] =	vst.idx.add.f32.msk $0xffff, v2  }
0x5a8: {  	[tilespmem:v8+s16+$0x0] =	vst.idx.add.f32.msk $0xffff, v2  }
0x5a9: {  	[tilespmem:v7+s16+$0x0] =	vst.idx.add.f32.msk $0xffff, v2  }
0x5aa: {  	_ =	sdelay $0x3  }
0x5ab: {  	[tilespmem:v4+s16+$0x0] =	vst.idx.add.f32.msk $0xffff, v2  }
0x5ac: {  	s29 =	simm.s32 $0x0;
	[tilespmem:v3+s16+$0x0] =	vst.idx.add.f32.msk $0xffff, v2  }
.LBB2_66:
0x5ad: {  	s30 =	sshra.s32 s29, $0x2  }
0x5ae: {  	v3 =	vld [tilespmem:s30+$0xC470];
	_ =	sdelay $0x4  }
0x5af: {  	p1 =	sne.s32 s29, $0xE00;
	v3 =	vadd.s32 v1, v3  }
.Ltmp32:
0x5b0: {  	_ = 	snop;
	(pc) =	sbr.rel @p1 .LBB2_66-.Ltmp32, $2  }
0x5b1: {  	_ =	sdelay $0x2  }
0x5b2: {  	s29 =	sadd.s32 $0x200, s29;
	[tilespmem:v3+s16+$0x0] =	vst.idx.add.f32.msk $0xffff, v2  }
0x5b3: {  	s29 =	rddreg [dreg:$0x18]  }
0x5b4: {  	[hbm4b:s29+s2] =	stream.linear.scatter [tilespmem:s16], [sflag:$0x6], $0x800, $0x38;
	[tilespmem:$0xE880] =	vst v63  }
0x5b5: {  	_ =	swait.ge [sflag:s23], $0x800  }
0x5b6: {  	[sflag:s23] =	ssyncset.done $0x0  }
0x5b7: {  	[sflag:s23] =	ssyncadd.s32 $0xFFFFF800  }
0x5b8: {  	[tilespmem:s14], [sflag:$0x8] =	stream.linear.gather [spmem:s1], $0x800, $0x38;
	[tilespmem:$0xE880] =	vst v63  }
0x5b9: {  	s31 =	simm.s32 $0x6400;
	s29 =	simm.s32 $0x400;
	s30 =	rddreg [dreg:$0x14]  }
0x5ba: {  	[tilespmem:s31], [sflag:$0x2] =	stream.strided.gather [hbm4b:s30+s29], $0x6400, s13, s29, $0x38;
	[tilespmem:$0xE880] =	vst v63  }
0x5bb: {  	_ =	swait.ge [sflag:s17], $0x6400  }
0x5bc: {  	[sflag:s17] =	ssyncset.done $0x0  }
0x5bd: {  	[sflag:s17] =	ssyncadd.s32 $0xFFFF9C00  }
0x5be: {  	_ =	swait.ge [sflag:s18], $0x800  }
0x5bf: {  	[sflag:s18] =	ssyncset.done $0x0  }
0x5c0: {  	[sflag:s18] =	ssyncadd.s32 $0xFFFFF800  }
0x5c1: {  	v3 =	vld [tilespmem:s29+$0x80]  }
0x5c2: {  	v4 =	vld [tilespmem:s29+$0x0]  }
0x5c3: {  	v5 =	vld [tilespmem:s29+$0xFFFFFC00]  }
0x5c4: {  	v6 =	vld [tilespmem:s29+$0x380]  }
0x5c5: {  	v7 =	vld [tilespmem:s29+$0xFFFFFD00]  }
0x5c6: {  	v8 =	vld [tilespmem:s29+$0xFFFFFD80]  }
0x5c7: {  	v9 =	vld [tilespmem:s29+$0xFFFFFE00]  }
0x5c8: {  	v11 =	vld [tilespmem:s29+$0x280]  }
0x5c9: {  	v12 =	vld [tilespmem:s29+$0x200];
	v5 =	vadd.s32 v1, v5  }
0x5ca: {  	v10 =	vld [tilespmem:s29+$0x300];
	v6 =	vadd.s32 v1, v6  }
0x5cb: {  	v13 =	vld [tilespmem:s29+$0x180]  }
0x5cc: {  	v14 =	vld [tilespmem:s29+$0x100]  }
0x5cd: {  	v15 =	vld [tilespmem:s29+$0xFFFFFE80];
	v59 =	vadd.s32 v1, v11  }
0x5ce: {  	v60 =	vadd.s32 v1, v12;
	[tilespmem:v5+s12+$0x0] =	vst.idx.add.f32.msk $0xffff, v2  }
0x5cf: {  	v5 =	vadd.s32 v1, v10;
	[tilespmem:v6+s12+$0x0] =	vst.idx.add.f32.msk $0xffff, v2  }
0x5d0: {  	v6 =	vld [tilespmem:s29+$0xFFFFFF80]  }
0x5d1: {  	v61 =	vld [tilespmem:s29+$0xFFFFFF00];
	v3 =	vadd.s32 v1, v3  }
0x5d2: {  	v14 =	vadd.s32 v1, v14;
	[tilespmem:v59+s12+$0x0] =	vst.idx.add.f32.msk $0xffff, v2  }
0x5d3: {  	v4 =	vadd.s32 v1, v4;
	[tilespmem:v60+s12+$0x0] =	vst.idx.add.f32.msk $0xffff, v2  }
0x5d4: {  	v62 =	vadd.s32 v1, v13;
	[tilespmem:v5+s12+$0x0] =	vst.idx.add.f32.msk $0xffff, v2  }
0x5d5: {  	v63 =	vadd.s32 v1, v15;
	v5 =	vadd.s32 v1, v6;
	v6 =	vld [tilespmem:s29+$0xFFFFFC80]  }
0x5d6: {  	[tilespmem:v3+s12+$0x0] =	vst.idx.add.f32.msk $0xffff, v2;
	v3 =	vadd.s32 v1, v8  }
0x5d7: {  	v9 =	vadd.s32 v1, v9;
	[tilespmem:v14+s12+$0x0] =	vst.idx.add.f32.msk $0xffff, v2  }
0x5d8: {  	v7 =	vadd.s32 v1, v7;
	[tilespmem:v4+s12+$0x0] =	vst.idx.add.f32.msk $0xffff, v2  }
0x5d9: {  	[tilespmem:v62+s12+$0x0] =	vst.idx.add.f32.msk $0xffff, v2  }
0x5da: {  	[tilespmem:v63+s12+$0x0] =	vst.idx.add.f32.msk $0xffff, v2;
	v4 =	vadd.s32 v1, v6  }
0x5db: {  	[tilespmem:v3+s12+$0x0] =	vst.idx.add.f32.msk $0xffff, v2;
	v3 =	vadd.s32 v1, v61  }
0x5dc: {  	[tilespmem:v9+s12+$0x0] =	vst.idx.add.f32.msk $0xffff, v2  }
0x5dd: {  	[tilespmem:v7+s12+$0x0] =	vst.idx.add.f32.msk $0xffff, v2  }
0x5de: {  	s30 =	simm.s32 $0x0;
	[tilespmem:v5+s12+$0x0] =	vst.idx.add.f32.msk $0xffff, v2  }
.LBB2_68:
0x5df: {  	s30 =	sadd.s32 $0x10, s30;
	[tilespmem:v4+s12+$0x0] =	vst.idx.add.f32.msk $0xffff, v2;
	s29 =	sadd.s32 $0x800, s29  }
0x5e0: {  	p1 =	slt.u32 s30, $0xB0;
	[tilespmem:v3+s12+$0x0] =	vst.idx.add.f32.msk $0xffff, v2  }
0x5e1: {  	v3 =	vld [tilespmem:s29+$0x80]  }
0x5e2: {  	v4 =	vld [tilespmem:s29+$0x0]  }
0x5e3: {  	v5 =	vld [tilespmem:s29+$0xFFFFFC00]  }
0x5e4: {  	v6 =	vld [tilespmem:s29+$0x380]  }
0x5e5: {  	v7 =	vld [tilespmem:s29+$0xFFFFFD00]  }
0x5e6: {  	v8 =	vld [tilespmem:s29+$0xFFFFFD80]  }
0x5e7: {  	v9 =	vld [tilespmem:s29+$0xFFFFFE00]  }
0x5e8: {  	v5 =	vadd.s32 v1, v5;
	v10 =	vld [tilespmem:s29+$0x300]  }
0x5e9: {  	v11 =	vld [tilespmem:s29+$0x280];
	v6 =	vadd.s32 v1, v6  }
0x5ea: {  	v12 =	vld [tilespmem:s29+$0x200]  }
0x5eb: {  	v13 =	vld [tilespmem:s29+$0x180]  }
0x5ec: {  	v14 =	vld [tilespmem:s29+$0x100]  }
0x5ed: {  	[tilespmem:v5+s12+$0x0] =	vst.idx.add.f32.msk $0xffff, v2;
	v5 =	vadd.s32 v1, v10  }
0x5ee: {  	v10 =	vadd.s32 v1, v11;
	[tilespmem:v6+s12+$0x0] =	vst.idx.add.f32.msk $0xffff, v2  }
0x5ef: {  	v6 =	vld [tilespmem:s29+$0xFFFFFF80];
	v11 =	vadd.s32 v1, v12  }
0x5f0: {  	v12 =	vld [tilespmem:s29+$0xFFFFFF00]  }
0x5f1: {  	v15 =	vld [tilespmem:s29+$0xFFFFFE80];
	v14 =	vadd.s32 v1, v14  }
0x5f2: {  	v16 =	vadd.s32 v1, v3;
	[tilespmem:v5+s12+$0x0] =	vst.idx.add.f32.msk $0xffff, v2  }
0x5f3: {  	v4 =	vadd.s32 v1, v4;
	[tilespmem:v10+s12+$0x0] =	vst.idx.add.f32.msk $0xffff, v2  }
0x5f4: {  	v5 =	vadd.s32 v1, v6;
	[tilespmem:v11+s12+$0x0] =	vst.idx.add.f32.msk $0xffff, v2  }
0x5f5: {  	v10 =	vadd.s32 v1, v13;
	v6 =	vld [tilespmem:s29+$0xFFFFFC80];
	v3 =	vadd.s32 v1, v12  }
0x5f6: {  	v11 =	vadd.s32 v1, v15;
	[tilespmem:v14+s12+$0x0] =	vst.idx.add.f32.msk $0xffff, v2  }
0x5f7: {  	v9 =	vadd.s32 v1, v9;
	[tilespmem:v16+s12+$0x0] =	vst.idx.add.f32.msk $0xffff, v2  }
0x5f8: {  	v8 =	vadd.s32 v1, v8;
	[tilespmem:v4+s12+$0x0] =	vst.idx.add.f32.msk $0xffff, v2  }
0x5f9: {  	v7 =	vadd.s32 v1, v7;
	[tilespmem:v5+s12+$0x0] =	vst.idx.add.f32.msk $0xffff, v2  }
.Ltmp33:
0x5fa: {  	v4 =	vadd.s32 v1, v6;
	[tilespmem:v10+s12+$0x0] =	vst.idx.add.f32.msk $0xffff, v2;
	(pc) =	sbr.rel @p1 .LBB2_68-.Ltmp33, $4  }
0x5fb: {  	[tilespmem:v11+s12+$0x0] =	vst.idx.add.f32.msk $0xffff, v2  }
0x5fc: {  	[tilespmem:v9+s12+$0x0] =	vst.idx.add.f32.msk $0xffff, v2  }
0x5fd: {  	[tilespmem:v8+s12+$0x0] =	vst.idx.add.f32.msk $0xffff, v2  }
0x5fe: {  	[tilespmem:v7+s12+$0x0] =	vst.idx.add.f32.msk $0xffff, v2  }
0x5ff: {  	_ =	sdelay $0x3  }
0x600: {  	[tilespmem:v4+s12+$0x0] =	vst.idx.add.f32.msk $0xffff, v2  }
0x601: {  	s29 =	simm.s32 $0x0;
	[tilespmem:v3+s12+$0x0] =	vst.idx.add.f32.msk $0xffff, v2  }
.LBB2_70:
0x602: {  	s30 =	sshra.s32 s29, $0x2  }
0x603: {  	v3 =	vld [tilespmem:s30+$0x6000];
	_ =	sdelay $0x4  }
0x604: {  	p1 =	sne.s32 s29, $0xE00;
	v3 =	vadd.s32 v1, v3  }
.Ltmp34:
0x605: {  	_ = 	snop;
	(pc) =	sbr.rel @p1 .LBB2_70-.Ltmp34, $2  }
0x606: {  	_ =	sdelay $0x2  }
0x607: {  	s29 =	sadd.s32 $0x200, s29;
	[tilespmem:v3+s12+$0x0] =	vst.idx.add.f32.msk $0xffff, v2  }
0x608: {  	s29 =	rddreg [dreg:$0x15]  }
0x609: {  	[hbm4b:s29+s2] =	stream.linear.scatter [tilespmem:s12], [sflag:$0x3], $0x800, $0x38;
	[tilespmem:$0xE880] =	vst v63  }
0x60a: {  	_ =	swait.ge [sflag:s24], $0x800  }
0x60b: {  	[sflag:s24] =	ssyncset.done $0x0  }
0x60c: {  	[sflag:s24] =	ssyncadd.s32 $0xFFFFF800  }
0x60d: {  	[tilespmem:s15], [sflag:$0x9] =	stream.linear.gather [spmem:s1], $0x800, $0x38;
	[tilespmem:$0xE880] =	vst v63  }
0x60e: {  	_ =	swait.ge [sflag:s19], $0x800  }
0x60f: {  	[sflag:s19] =	ssyncset.done $0x0  }
0x610: {  	s29 =	simm.s32 $0x410;
	[sflag:s19] =	ssyncadd.s32 $0xFFFFF800  }
0x611: {  	v3 =	vld [tilespmem:s29+$0x80]  }
0x612: {  	v4 =	vld [tilespmem:s29+$0x0]  }
0x613: {  	v5 =	vld [tilespmem:s29+$0xFFFFFC00]  }
0x614: {  	v6 =	vld [tilespmem:s29+$0x380]  }
0x615: {  	v7 =	vld [tilespmem:s29+$0xFFFFFD00]  }
0x616: {  	v8 =	vld [tilespmem:s29+$0xFFFFFD80]  }
0x617: {  	v9 =	vld [tilespmem:s29+$0xFFFFFE00]  }
0x618: {  	v11 =	vld [tilespmem:s29+$0x280]  }
0x619: {  	v12 =	vld [tilespmem:s29+$0x200];
	v5 =	vadd.s32 v1, v5  }
0x61a: {  	v10 =	vld [tilespmem:s29+$0x300];
	v6 =	vadd.s32 v1, v6  }
0x61b: {  	v13 =	vld [tilespmem:s29+$0x180]  }
0x61c: {  	v14 =	vld [tilespmem:s29+$0x100]  }
0x61d: {  	v15 =	vld [tilespmem:s29+$0xFFFFFE80];
	v59 =	vadd.s32 v1, v11  }
0x61e: {  	v60 =	vadd.s32 v1, v12;
	[tilespmem:v5+s14+$0x0] =	vst.idx.add.f32.msk $0xffff, v2  }
0x61f: {  	v5 =	vadd.s32 v1, v10;
	[tilespmem:v6+s14+$0x0] =	vst.idx.add.f32.msk $0xffff, v2  }
0x620: {  	v6 =	vld [tilespmem:s29+$0xFFFFFF80]  }
0x621: {  	v61 =	vld [tilespmem:s29+$0xFFFFFF00];
	v3 =	vadd.s32 v1, v3  }
0x622: {  	v14 =	vadd.s32 v1, v14;
	[tilespmem:v59+s14+$0x0] =	vst.idx.add.f32.msk $0xffff, v2  }
0x623: {  	v4 =	vadd.s32 v1, v4;
	[tilespmem:v60+s14+$0x0] =	vst.idx.add.f32.msk $0xffff, v2  }
0x624: {  	v62 =	vadd.s32 v1, v13;
	[tilespmem:v5+s14+$0x0] =	vst.idx.add.f32.msk $0xffff, v2  }
0x625: {  	v63 =	vadd.s32 v1, v15;
	v5 =	vadd.s32 v1, v6;
	v6 =	vld [tilespmem:s29+$0xFFFFFC80]  }
0x626: {  	[tilespmem:v3+s14+$0x0] =	vst.idx.add.f32.msk $0xffff, v2;
	v3 =	vadd.s32 v1, v8  }
0x627: {  	v9 =	vadd.s32 v1, v9;
	[tilespmem:v14+s14+$0x0] =	vst.idx.add.f32.msk $0xffff, v2  }
0x628: {  	v7 =	vadd.s32 v1, v7;
	[tilespmem:v4+s14+$0x0] =	vst.idx.add.f32.msk $0xffff, v2  }
0x629: {  	[tilespmem:v62+s14+$0x0] =	vst.idx.add.f32.msk $0xffff, v2  }
0x62a: {  	[tilespmem:v63+s14+$0x0] =	vst.idx.add.f32.msk $0xffff, v2;
	v4 =	vadd.s32 v1, v6  }
0x62b: {  	[tilespmem:v3+s14+$0x0] =	vst.idx.add.f32.msk $0xffff, v2;
	v3 =	vadd.s32 v1, v61  }
0x62c: {  	[tilespmem:v9+s14+$0x0] =	vst.idx.add.f32.msk $0xffff, v2  }
0x62d: {  	[tilespmem:v7+s14+$0x0] =	vst.idx.add.f32.msk $0xffff, v2  }
0x62e: {  	s30 =	simm.s32 $0x0;
	[tilespmem:v5+s14+$0x0] =	vst.idx.add.f32.msk $0xffff, v2  }
.LBB2_72:
0x62f: {  	s30 =	sadd.s32 $0x10, s30;
	[tilespmem:v4+s14+$0x0] =	vst.idx.add.f32.msk $0xffff, v2;
	s29 =	sadd.s32 $0x800, s29  }
0x630: {  	p1 =	slt.u32 s30, $0xB0;
	[tilespmem:v3+s14+$0x0] =	vst.idx.add.f32.msk $0xffff, v2  }
0x631: {  	v3 =	vld [tilespmem:s29+$0x80]  }
0x632: {  	v4 =	vld [tilespmem:s29+$0x0]  }
0x633: {  	v5 =	vld [tilespmem:s29+$0xFFFFFC00]  }
0x634: {  	v6 =	vld [tilespmem:s29+$0x380]  }
0x635: {  	v7 =	vld [tilespmem:s29+$0xFFFFFD00]  }
0x636: {  	v8 =	vld [tilespmem:s29+$0xFFFFFD80]  }
0x637: {  	v9 =	vld [tilespmem:s29+$0xFFFFFE00]  }
0x638: {  	v5 =	vadd.s32 v1, v5;
	v10 =	vld [tilespmem:s29+$0x300]  }
0x639: {  	v11 =	vld [tilespmem:s29+$0x280];
	v6 =	vadd.s32 v1, v6  }
0x63a: {  	v12 =	vld [tilespmem:s29+$0x200]  }
0x63b: {  	v13 =	vld [tilespmem:s29+$0x180]  }
0x63c: {  	v14 =	vld [tilespmem:s29+$0x100]  }
0x63d: {  	[tilespmem:v5+s14+$0x0] =	vst.idx.add.f32.msk $0xffff, v2;
	v5 =	vadd.s32 v1, v10  }
0x63e: {  	v10 =	vadd.s32 v1, v11;
	[tilespmem:v6+s14+$0x0] =	vst.idx.add.f32.msk $0xffff, v2  }
0x63f: {  	v6 =	vld [tilespmem:s29+$0xFFFFFF80];
	v11 =	vadd.s32 v1, v12  }
0x640: {  	v12 =	vld [tilespmem:s29+$0xFFFFFF00]  }
0x641: {  	v15 =	vld [tilespmem:s29+$0xFFFFFE80];
	v14 =	vadd.s32 v1, v14  }
0x642: {  	v16 =	vadd.s32 v1, v3;
	[tilespmem:v5+s14+$0x0] =	vst.idx.add.f32.msk $0xffff, v2  }
0x643: {  	v4 =	vadd.s32 v1, v4;
	[tilespmem:v10+s14+$0x0] =	vst.idx.add.f32.msk $0xffff, v2  }
0x644: {  	v5 =	vadd.s32 v1, v6;
	[tilespmem:v11+s14+$0x0] =	vst.idx.add.f32.msk $0xffff, v2  }
0x645: {  	v10 =	vadd.s32 v1, v13;
	v6 =	vld [tilespmem:s29+$0xFFFFFC80];
	v3 =	vadd.s32 v1, v12  }
0x646: {  	v11 =	vadd.s32 v1, v15;
	[tilespmem:v14+s14+$0x0] =	vst.idx.add.f32.msk $0xffff, v2  }
0x647: {  	v9 =	vadd.s32 v1, v9;
	[tilespmem:v16+s14+$0x0] =	vst.idx.add.f32.msk $0xffff, v2  }
0x648: {  	v8 =	vadd.s32 v1, v8;
	[tilespmem:v4+s14+$0x0] =	vst.idx.add.f32.msk $0xffff, v2  }
0x649: {  	v7 =	vadd.s32 v1, v7;
	[tilespmem:v5+s14+$0x0] =	vst.idx.add.f32.msk $0xffff, v2  }
.Ltmp35:
0x64a: {  	v4 =	vadd.s32 v1, v6;
	[tilespmem:v10+s14+$0x0] =	vst.idx.add.f32.msk $0xffff, v2;
	(pc) =	sbr.rel @p1 .LBB2_72-.Ltmp35, $4  }
0x64b: {  	[tilespmem:v11+s14+$0x0] =	vst.idx.add.f32.msk $0xffff, v2  }
0x64c: {  	[tilespmem:v9+s14+$0x0] =	vst.idx.add.f32.msk $0xffff, v2  }
0x64d: {  	[tilespmem:v8+s14+$0x0] =	vst.idx.add.f32.msk $0xffff, v2  }
0x64e: {  	[tilespmem:v7+s14+$0x0] =	vst.idx.add.f32.msk $0xffff, v2  }
0x64f: {  	_ =	sdelay $0x3  }
0x650: {  	[tilespmem:v4+s14+$0x0] =	vst.idx.add.f32.msk $0xffff, v2  }
0x651: {  	s29 =	simm.s32 $0x0;
	[tilespmem:v3+s14+$0x0] =	vst.idx.add.f32.msk $0xffff, v2  }
.LBB2_74:
0x652: {  	s30 =	sshra.s32 s29, $0x2  }
0x653: {  	v3 =	vld [tilespmem:s30+$0x6010];
	_ =	sdelay $0x4  }
0x654: {  	p1 =	sne.s32 s29, $0xE00;
	v3 =	vadd.s32 v1, v3  }
.Ltmp36:
0x655: {  	_ = 	snop;
	(pc) =	sbr.rel @p1 .LBB2_74-.Ltmp36, $2  }
0x656: {  	_ =	sdelay $0x2  }
0x657: {  	s29 =	sadd.s32 $0x200, s29;
	[tilespmem:v3+s14+$0x0] =	vst.idx.add.f32.msk $0xffff, v2  }
0x658: {  	s29 =	rddreg [dreg:$0x1a]  }
0x659: {  	[hbm4b:s29+s2] =	stream.linear.scatter [tilespmem:s14], [sflag:$0x4], $0x800, $0x38;
	[tilespmem:$0xE880] =	vst v63  }
0x65a: {  	_ =	swait.ge [sflag:s25], $0x800  }
0x65b: {  	[sflag:s25] =	ssyncset.done $0x0  }
0x65c: {  	[sflag:s25] =	ssyncadd.s32 $0xFFFFF800  }
0x65d: {  	[tilespmem:s16], [sflag:$0xA] =	stream.linear.gather [spmem:s1], $0x800, $0x38;
	[tilespmem:$0xE880] =	vst v63  }
0x65e: {  	_ =	swait.ge [sflag:s20], $0x800  }
0x65f: {  	[sflag:s20] =	ssyncset.done $0x0  }
0x660: {  	s29 =	simm.s32 $0x420;
	[sflag:s20] =	ssyncadd.s32 $0xFFFFF800  }
0x661: {  	v3 =	vld [tilespmem:s29+$0x80]  }
0x662: {  	v4 =	vld [tilespmem:s29+$0x0]  }
0x663: {  	v5 =	vld [tilespmem:s29+$0xFFFFFC00]  }
0x664: {  	v6 =	vld [tilespmem:s29+$0x380]  }
0x665: {  	v7 =	vld [tilespmem:s29+$0xFFFFFD00]  }
0x666: {  	v8 =	vld [tilespmem:s29+$0xFFFFFD80]  }
0x667: {  	v9 =	vld [tilespmem:s29+$0xFFFFFE00]  }
0x668: {  	v11 =	vld [tilespmem:s29+$0x280]  }
0x669: {  	v12 =	vld [tilespmem:s29+$0x200];
	v5 =	vadd.s32 v1, v5  }
0x66a: {  	v10 =	vld [tilespmem:s29+$0x300];
	v6 =	vadd.s32 v1, v6  }
0x66b: {  	v13 =	vld [tilespmem:s29+$0x180]  }
0x66c: {  	v14 =	vld [tilespmem:s29+$0x100]  }
0x66d: {  	v15 =	vld [tilespmem:s29+$0xFFFFFE80];
	v59 =	vadd.s32 v1, v11  }
0x66e: {  	v60 =	vadd.s32 v1, v12;
	[tilespmem:v5+s15+$0x0] =	vst.idx.add.f32.msk $0xffff, v2  }
0x66f: {  	v5 =	vadd.s32 v1, v10;
	[tilespmem:v6+s15+$0x0] =	vst.idx.add.f32.msk $0xffff, v2  }
0x670: {  	v6 =	vld [tilespmem:s29+$0xFFFFFF80]  }
0x671: {  	v61 =	vld [tilespmem:s29+$0xFFFFFF00];
	v3 =	vadd.s32 v1, v3  }
0x672: {  	v14 =	vadd.s32 v1, v14;
	[tilespmem:v59+s15+$0x0] =	vst.idx.add.f32.msk $0xffff, v2  }
0x673: {  	v4 =	vadd.s32 v1, v4;
	[tilespmem:v60+s15+$0x0] =	vst.idx.add.f32.msk $0xffff, v2  }
0x674: {  	v62 =	vadd.s32 v1, v13;
	[tilespmem:v5+s15+$0x0] =	vst.idx.add.f32.msk $0xffff, v2  }
0x675: {  	v63 =	vadd.s32 v1, v15;
	v5 =	vadd.s32 v1, v6;
	v6 =	vld [tilespmem:s29+$0xFFFFFC80]  }
0x676: {  	[tilespmem:v3+s15+$0x0] =	vst.idx.add.f32.msk $0xffff, v2;
	v3 =	vadd.s32 v1, v8  }
0x677: {  	v9 =	vadd.s32 v1, v9;
	[tilespmem:v14+s15+$0x0] =	vst.idx.add.f32.msk $0xffff, v2  }
0x678: {  	v7 =	vadd.s32 v1, v7;
	[tilespmem:v4+s15+$0x0] =	vst.idx.add.f32.msk $0xffff, v2  }
0x679: {  	[tilespmem:v62+s15+$0x0] =	vst.idx.add.f32.msk $0xffff, v2  }
0x67a: {  	[tilespmem:v63+s15+$0x0] =	vst.idx.add.f32.msk $0xffff, v2;
	v4 =	vadd.s32 v1, v6  }
0x67b: {  	[tilespmem:v3+s15+$0x0] =	vst.idx.add.f32.msk $0xffff, v2;
	v3 =	vadd.s32 v1, v61  }
0x67c: {  	[tilespmem:v9+s15+$0x0] =	vst.idx.add.f32.msk $0xffff, v2  }
0x67d: {  	[tilespmem:v7+s15+$0x0] =	vst.idx.add.f32.msk $0xffff, v2  }
0x67e: {  	s30 =	simm.s32 $0x0;
	[tilespmem:v5+s15+$0x0] =	vst.idx.add.f32.msk $0xffff, v2  }
.LBB2_76:
0x67f: {  	s30 =	sadd.s32 $0x10, s30;
	[tilespmem:v4+s15+$0x0] =	vst.idx.add.f32.msk $0xffff, v2;
	s29 =	sadd.s32 $0x800, s29  }
0x680: {  	p1 =	slt.u32 s30, $0xB0;
	[tilespmem:v3+s15+$0x0] =	vst.idx.add.f32.msk $0xffff, v2  }
0x681: {  	v3 =	vld [tilespmem:s29+$0x80]  }
0x682: {  	v4 =	vld [tilespmem:s29+$0x0]  }
0x683: {  	v5 =	vld [tilespmem:s29+$0xFFFFFC00]  }
0x684: {  	v6 =	vld [tilespmem:s29+$0x380]  }
0x685: {  	v7 =	vld [tilespmem:s29+$0xFFFFFD00]  }
0x686: {  	v8 =	vld [tilespmem:s29+$0xFFFFFD80]  }
0x687: {  	v9 =	vld [tilespmem:s29+$0xFFFFFE00]  }
0x688: {  	v5 =	vadd.s32 v1, v5;
	v10 =	vld [tilespmem:s29+$0x300]  }
0x689: {  	v11 =	vld [tilespmem:s29+$0x280];
	v6 =	vadd.s32 v1, v6  }
0x68a: {  	v12 =	vld [tilespmem:s29+$0x200]  }
0x68b: {  	v13 =	vld [tilespmem:s29+$0x180]  }
0x68c: {  	v14 =	vld [tilespmem:s29+$0x100]  }
0x68d: {  	[tilespmem:v5+s15+$0x0] =	vst.idx.add.f32.msk $0xffff, v2;
	v5 =	vadd.s32 v1, v10  }
0x68e: {  	v10 =	vadd.s32 v1, v11;
	[tilespmem:v6+s15+$0x0] =	vst.idx.add.f32.msk $0xffff, v2  }
0x68f: {  	v6 =	vld [tilespmem:s29+$0xFFFFFF80];
	v11 =	vadd.s32 v1, v12  }
0x690: {  	v12 =	vld [tilespmem:s29+$0xFFFFFF00]  }
0x691: {  	v15 =	vld [tilespmem:s29+$0xFFFFFE80];
	v14 =	vadd.s32 v1, v14  }
0x692: {  	v16 =	vadd.s32 v1, v3;
	[tilespmem:v5+s15+$0x0] =	vst.idx.add.f32.msk $0xffff, v2  }
0x693: {  	v4 =	vadd.s32 v1, v4;
	[tilespmem:v10+s15+$0x0] =	vst.idx.add.f32.msk $0xffff, v2  }
0x694: {  	v5 =	vadd.s32 v1, v6;
	[tilespmem:v11+s15+$0x0] =	vst.idx.add.f32.msk $0xffff, v2  }
0x695: {  	v10 =	vadd.s32 v1, v13;
	v6 =	vld [tilespmem:s29+$0xFFFFFC80];
	v3 =	vadd.s32 v1, v12  }
0x696: {  	v11 =	vadd.s32 v1, v15;
	[tilespmem:v14+s15+$0x0] =	vst.idx.add.f32.msk $0xffff, v2  }
0x697: {  	v9 =	vadd.s32 v1, v9;
	[tilespmem:v16+s15+$0x0] =	vst.idx.add.f32.msk $0xffff, v2  }
0x698: {  	v8 =	vadd.s32 v1, v8;
	[tilespmem:v4+s15+$0x0] =	vst.idx.add.f32.msk $0xffff, v2  }
0x699: {  	v7 =	vadd.s32 v1, v7;
	[tilespmem:v5+s15+$0x0] =	vst.idx.add.f32.msk $0xffff, v2  }
.Ltmp37:
0x69a: {  	v4 =	vadd.s32 v1, v6;
	[tilespmem:v10+s15+$0x0] =	vst.idx.add.f32.msk $0xffff, v2;
	(pc) =	sbr.rel @p1 .LBB2_76-.Ltmp37, $4  }
0x69b: {  	[tilespmem:v11+s15+$0x0] =	vst.idx.add.f32.msk $0xffff, v2  }
0x69c: {  	[tilespmem:v9+s15+$0x0] =	vst.idx.add.f32.msk $0xffff, v2  }
0x69d: {  	[tilespmem:v8+s15+$0x0] =	vst.idx.add.f32.msk $0xffff, v2  }
0x69e: {  	[tilespmem:v7+s15+$0x0] =	vst.idx.add.f32.msk $0xffff, v2  }
0x69f: {  	_ =	sdelay $0x3  }
0x6a0: {  	[tilespmem:v4+s15+$0x0] =	vst.idx.add.f32.msk $0xffff, v2  }
0x6a1: {  	s29 =	simm.s32 $0x0;
	[tilespmem:v3+s15+$0x0] =	vst.idx.add.f32.msk $0xffff, v2  }
.LBB2_78:
0x6a2: {  	s30 =	sshra.s32 s29, $0x2  }
0x6a3: {  	v3 =	vld [tilespmem:s30+$0x6020];
	_ =	sdelay $0x4  }
0x6a4: {  	p1 =	sne.s32 s29, $0xE00;
	v3 =	vadd.s32 v1, v3  }
.Ltmp38:
0x6a5: {  	_ = 	snop;
	(pc) =	sbr.rel @p1 .LBB2_78-.Ltmp38, $2  }
0x6a6: {  	_ =	sdelay $0x2  }
0x6a7: {  	s29 =	sadd.s32 $0x200, s29;
	[tilespmem:v3+s15+$0x0] =	vst.idx.add.f32.msk $0xffff, v2  }
0x6a8: {  	s29 =	rddreg [dreg:$0x1b]  }
0x6a9: {  	[hbm4b:s29+s2] =	stream.linear.scatter [tilespmem:s15], [sflag:$0x5], $0x800, $0x38;
	[tilespmem:$0xE880] =	vst v63  }
0x6aa: {  	_ =	swait.ge [sflag:s21], $0x800  }
0x6ab: {  	[sflag:s21] =	ssyncset.done $0x0  }
0x6ac: {  	[sflag:s21] =	ssyncadd.s32 $0xFFFFF800  }
0x6ad: {  	[tilespmem:s12], [sflag:$0x7] =	stream.linear.gather [spmem:s1], $0x800, $0x38;
	[tilespmem:$0xE880] =	vst v63  }
0x6ae: {  	_ =	swait.ge [sflag:s22], $0x800  }
0x6af: {  	[sflag:s22] =	ssyncset.done $0x0  }
0x6b0: {  	s29 =	simm.s32 $0x430;
	[sflag:s22] =	ssyncadd.s32 $0xFFFFF800  }
0x6b1: {  	v3 =	vld [tilespmem:s29+$0x80]  }
0x6b2: {  	v4 =	vld [tilespmem:s29+$0x0]  }
0x6b3: {  	v5 =	vld [tilespmem:s29+$0xFFFFFC00]  }
0x6b4: {  	v6 =	vld [tilespmem:s29+$0x380]  }
0x6b5: {  	v7 =	vld [tilespmem:s29+$0xFFFFFD00]  }
0x6b6: {  	v8 =	vld [tilespmem:s29+$0xFFFFFD80]  }
0x6b7: {  	v9 =	vld [tilespmem:s29+$0xFFFFFE00]  }
0x6b8: {  	v11 =	vld [tilespmem:s29+$0x280]  }
0x6b9: {  	v12 =	vld [tilespmem:s29+$0x200];
	v5 =	vadd.s32 v1, v5  }
0x6ba: {  	v10 =	vld [tilespmem:s29+$0x300];
	v6 =	vadd.s32 v1, v6  }
0x6bb: {  	v13 =	vld [tilespmem:s29+$0x180]  }
0x6bc: {  	v14 =	vld [tilespmem:s29+$0x100]  }
0x6bd: {  	v15 =	vld [tilespmem:s29+$0xFFFFFE80];
	v59 =	vadd.s32 v1, v11  }
0x6be: {  	v60 =	vadd.s32 v1, v12;
	[tilespmem:v5+s16+$0x0] =	vst.idx.add.f32.msk $0xffff, v2  }
0x6bf: {  	v5 =	vadd.s32 v1, v10;
	[tilespmem:v6+s16+$0x0] =	vst.idx.add.f32.msk $0xffff, v2  }
0x6c0: {  	v6 =	vld [tilespmem:s29+$0xFFFFFF80]  }
0x6c1: {  	v61 =	vld [tilespmem:s29+$0xFFFFFF00];
	v3 =	vadd.s32 v1, v3  }
0x6c2: {  	v14 =	vadd.s32 v1, v14;
	[tilespmem:v59+s16+$0x0] =	vst.idx.add.f32.msk $0xffff, v2  }
0x6c3: {  	v4 =	vadd.s32 v1, v4;
	[tilespmem:v60+s16+$0x0] =	vst.idx.add.f32.msk $0xffff, v2  }
0x6c4: {  	v62 =	vadd.s32 v1, v13;
	[tilespmem:v5+s16+$0x0] =	vst.idx.add.f32.msk $0xffff, v2  }
0x6c5: {  	v63 =	vadd.s32 v1, v15;
	v5 =	vadd.s32 v1, v6;
	v6 =	vld [tilespmem:s29+$0xFFFFFC80]  }
0x6c6: {  	[tilespmem:v3+s16+$0x0] =	vst.idx.add.f32.msk $0xffff, v2;
	v3 =	vadd.s32 v1, v8  }
0x6c7: {  	v9 =	vadd.s32 v1, v9;
	[tilespmem:v14+s16+$0x0] =	vst.idx.add.f32.msk $0xffff, v2  }
0x6c8: {  	v7 =	vadd.s32 v1, v7;
	[tilespmem:v4+s16+$0x0] =	vst.idx.add.f32.msk $0xffff, v2  }
0x6c9: {  	[tilespmem:v62+s16+$0x0] =	vst.idx.add.f32.msk $0xffff, v2  }
0x6ca: {  	[tilespmem:v63+s16+$0x0] =	vst.idx.add.f32.msk $0xffff, v2;
	v4 =	vadd.s32 v1, v6  }
0x6cb: {  	[tilespmem:v3+s16+$0x0] =	vst.idx.add.f32.msk $0xffff, v2;
	v3 =	vadd.s32 v1, v61  }
0x6cc: {  	[tilespmem:v9+s16+$0x0] =	vst.idx.add.f32.msk $0xffff, v2  }
0x6cd: {  	[tilespmem:v7+s16+$0x0] =	vst.idx.add.f32.msk $0xffff, v2  }
0x6ce: {  	s30 =	simm.s32 $0x0;
	[tilespmem:v5+s16+$0x0] =	vst.idx.add.f32.msk $0xffff, v2  }
.LBB2_80:
0x6cf: {  	s30 =	sadd.s32 $0x10, s30;
	[tilespmem:v4+s16+$0x0] =	vst.idx.add.f32.msk $0xffff, v2;
	s29 =	sadd.s32 $0x800, s29  }
0x6d0: {  	p1 =	slt.u32 s30, $0xB0;
	[tilespmem:v3+s16+$0x0] =	vst.idx.add.f32.msk $0xffff, v2  }
0x6d1: {  	v3 =	vld [tilespmem:s29+$0x80]  }
0x6d2: {  	v4 =	vld [tilespmem:s29+$0x0]  }
0x6d3: {  	v5 =	vld [tilespmem:s29+$0xFFFFFC00]  }
0x6d4: {  	v6 =	vld [tilespmem:s29+$0x380]  }
0x6d5: {  	v7 =	vld [tilespmem:s29+$0xFFFFFD00]  }
0x6d6: {  	v8 =	vld [tilespmem:s29+$0xFFFFFD80]  }
0x6d7: {  	v9 =	vld [tilespmem:s29+$0xFFFFFE00]  }
0x6d8: {  	v5 =	vadd.s32 v1, v5;
	v10 =	vld [tilespmem:s29+$0x300]  }
0x6d9: {  	v11 =	vld [tilespmem:s29+$0x280];
	v6 =	vadd.s32 v1, v6  }
0x6da: {  	v12 =	vld [tilespmem:s29+$0x200]  }
0x6db: {  	v13 =	vld [tilespmem:s29+$0x180]  }
0x6dc: {  	v14 =	vld [tilespmem:s29+$0x100]  }
0x6dd: {  	[tilespmem:v5+s16+$0x0] =	vst.idx.add.f32.msk $0xffff, v2;
	v5 =	vadd.s32 v1, v10  }
0x6de: {  	v10 =	vadd.s32 v1, v11;
	[tilespmem:v6+s16+$0x0] =	vst.idx.add.f32.msk $0xffff, v2  }
0x6df: {  	v6 =	vld [tilespmem:s29+$0xFFFFFF80];
	v11 =	vadd.s32 v1, v12  }
0x6e0: {  	v12 =	vld [tilespmem:s29+$0xFFFFFF00]  }
0x6e1: {  	v15 =	vld [tilespmem:s29+$0xFFFFFE80];
	v14 =	vadd.s32 v1, v14  }
0x6e2: {  	v16 =	vadd.s32 v1, v3;
	[tilespmem:v5+s16+$0x0] =	vst.idx.add.f32.msk $0xffff, v2  }
0x6e3: {  	v4 =	vadd.s32 v1, v4;
	[tilespmem:v10+s16+$0x0] =	vst.idx.add.f32.msk $0xffff, v2  }
0x6e4: {  	v5 =	vadd.s32 v1, v6;
	[tilespmem:v11+s16+$0x0] =	vst.idx.add.f32.msk $0xffff, v2  }
0x6e5: {  	v10 =	vadd.s32 v1, v13;
	v6 =	vld [tilespmem:s29+$0xFFFFFC80];
	v3 =	vadd.s32 v1, v12  }
0x6e6: {  	v11 =	vadd.s32 v1, v15;
	[tilespmem:v14+s16+$0x0] =	vst.idx.add.f32.msk $0xffff, v2  }
0x6e7: {  	v9 =	vadd.s32 v1, v9;
	[tilespmem:v16+s16+$0x0] =	vst.idx.add.f32.msk $0xffff, v2  }
0x6e8: {  	v8 =	vadd.s32 v1, v8;
	[tilespmem:v4+s16+$0x0] =	vst.idx.add.f32.msk $0xffff, v2  }
0x6e9: {  	v7 =	vadd.s32 v1, v7;
	[tilespmem:v5+s16+$0x0] =	vst.idx.add.f32.msk $0xffff, v2  }
.Ltmp39:
0x6ea: {  	v4 =	vadd.s32 v1, v6;
	[tilespmem:v10+s16+$0x0] =	vst.idx.add.f32.msk $0xffff, v2;
	(pc) =	sbr.rel @p1 .LBB2_80-.Ltmp39, $4  }
0x6eb: {  	[tilespmem:v11+s16+$0x0] =	vst.idx.add.f32.msk $0xffff, v2  }
0x6ec: {  	[tilespmem:v9+s16+$0x0] =	vst.idx.add.f32.msk $0xffff, v2  }
0x6ed: {  	[tilespmem:v8+s16+$0x0] =	vst.idx.add.f32.msk $0xffff, v2  }
0x6ee: {  	[tilespmem:v7+s16+$0x0] =	vst.idx.add.f32.msk $0xffff, v2  }
0x6ef: {  	_ =	sdelay $0x3  }
0x6f0: {  	[tilespmem:v4+s16+$0x0] =	vst.idx.add.f32.msk $0xffff, v2  }
0x6f1: {  	s29 =	simm.s32 $0x0;
	[tilespmem:v3+s16+$0x0] =	vst.idx.add.f32.msk $0xffff, v2  }
.LBB2_82:
0x6f2: {  	s30 =	sshra.s32 s29, $0x2  }
0x6f3: {  	v3 =	vld [tilespmem:s30+$0x6030];
	_ =	sdelay $0x4  }
0x6f4: {  	p1 =	sne.s32 s29, $0xE00;
	v3 =	vadd.s32 v1, v3  }
.Ltmp40:
0x6f5: {  	_ = 	snop;
	(pc) =	sbr.rel @p1 .LBB2_82-.Ltmp40, $2  }
0x6f6: {  	_ =	sdelay $0x2  }
0x6f7: {  	s29 =	sadd.s32 $0x200, s29;
	[tilespmem:v3+s16+$0x0] =	vst.idx.add.f32.msk $0xffff, v2  }
0x6f8: {  	s29 =	rddreg [dreg:$0x1c]  }
0x6f9: {  	[hbm4b:s29+s2] =	stream.linear.scatter [tilespmem:s16], [sflag:$0x6], $0x800, $0x38;
	[tilespmem:$0xE880] =	vst v63  }
0x6fa: {  	_ =	swait.ge [sflag:s23], $0x800  }
0x6fb: {  	[sflag:s23] =	ssyncset.done $0x0  }
0x6fc: {  	[sflag:s23] =	ssyncadd.s32 $0xFFFFF800  }
0x6fd: {  	[tilespmem:s14], [sflag:$0x8] =	stream.linear.gather [spmem:s1], $0x800, $0x38;
	[tilespmem:$0xE880] =	vst v63  }
0x6fe: {  	_ =	swait.ge [sflag:s18], $0x800  }
0x6ff: {  	[sflag:s18] =	ssyncset.done $0x0  }
0x700: {  	s29 =	simm.s32 $0x440;
	[sflag:s18] =	ssyncadd.s32 $0xFFFFF800  }
0x701: {  	v3 =	vld [tilespmem:s29+$0x80]  }
0x702: {  	v4 =	vld [tilespmem:s29+$0x0]  }
0x703: {  	v5 =	vld [tilespmem:s29+$0xFFFFFC00]  }
0x704: {  	v6 =	vld [tilespmem:s29+$0x380]  }
0x705: {  	v7 =	vld [tilespmem:s29+$0xFFFFFD00]  }
0x706: {  	v8 =	vld [tilespmem:s29+$0xFFFFFD80]  }
0x707: {  	v9 =	vld [tilespmem:s29+$0xFFFFFE00]  }
0x708: {  	v11 =	vld [tilespmem:s29+$0x280]  }
0x709: {  	v12 =	vld [tilespmem:s29+$0x200];
	v5 =	vadd.s32 v1, v5  }
0x70a: {  	v10 =	vld [tilespmem:s29+$0x300];
	v6 =	vadd.s32 v1, v6  }
0x70b: {  	v13 =	vld [tilespmem:s29+$0x180]  }
0x70c: {  	v14 =	vld [tilespmem:s29+$0x100]  }
0x70d: {  	v15 =	vld [tilespmem:s29+$0xFFFFFE80];
	v59 =	vadd.s32 v1, v11  }
0x70e: {  	v60 =	vadd.s32 v1, v12;
	[tilespmem:v5+s12+$0x0] =	vst.idx.add.f32.msk $0xffff, v2  }
0x70f: {  	v5 =	vadd.s32 v1, v10;
	[tilespmem:v6+s12+$0x0] =	vst.idx.add.f32.msk $0xffff, v2  }
0x710: {  	v6 =	vld [tilespmem:s29+$0xFFFFFF80]  }
0x711: {  	v61 =	vld [tilespmem:s29+$0xFFFFFF00];
	v3 =	vadd.s32 v1, v3  }
0x712: {  	v14 =	vadd.s32 v1, v14;
	[tilespmem:v59+s12+$0x0] =	vst.idx.add.f32.msk $0xffff, v2  }
0x713: {  	v4 =	vadd.s32 v1, v4;
	[tilespmem:v60+s12+$0x0] =	vst.idx.add.f32.msk $0xffff, v2  }
0x714: {  	v62 =	vadd.s32 v1, v13;
	[tilespmem:v5+s12+$0x0] =	vst.idx.add.f32.msk $0xffff, v2  }
0x715: {  	v63 =	vadd.s32 v1, v15;
	v5 =	vadd.s32 v1, v6;
	v6 =	vld [tilespmem:s29+$0xFFFFFC80]  }
0x716: {  	[tilespmem:v3+s12+$0x0] =	vst.idx.add.f32.msk $0xffff, v2;
	v3 =	vadd.s32 v1, v8  }
0x717: {  	v9 =	vadd.s32 v1, v9;
	[tilespmem:v14+s12+$0x0] =	vst.idx.add.f32.msk $0xffff, v2  }
0x718: {  	v7 =	vadd.s32 v1, v7;
	[tilespmem:v4+s12+$0x0] =	vst.idx.add.f32.msk $0xffff, v2  }
0x719: {  	[tilespmem:v62+s12+$0x0] =	vst.idx.add.f32.msk $0xffff, v2  }
0x71a: {  	[tilespmem:v63+s12+$0x0] =	vst.idx.add.f32.msk $0xffff, v2;
	v4 =	vadd.s32 v1, v6  }
0x71b: {  	[tilespmem:v3+s12+$0x0] =	vst.idx.add.f32.msk $0xffff, v2;
	v3 =	vadd.s32 v1, v61  }
0x71c: {  	[tilespmem:v9+s12+$0x0] =	vst.idx.add.f32.msk $0xffff, v2  }
0x71d: {  	[tilespmem:v7+s12+$0x0] =	vst.idx.add.f32.msk $0xffff, v2  }
0x71e: {  	s30 =	simm.s32 $0x0;
	[tilespmem:v5+s12+$0x0] =	vst.idx.add.f32.msk $0xffff, v2  }
.LBB2_84:
0x71f: {  	s30 =	sadd.s32 $0x10, s30;
	[tilespmem:v4+s12+$0x0] =	vst.idx.add.f32.msk $0xffff, v2;
	s29 =	sadd.s32 $0x800, s29  }
0x720: {  	p1 =	slt.u32 s30, $0xB0;
	[tilespmem:v3+s12+$0x0] =	vst.idx.add.f32.msk $0xffff, v2  }
0x721: {  	v3 =	vld [tilespmem:s29+$0x80]  }
0x722: {  	v4 =	vld [tilespmem:s29+$0x0]  }
0x723: {  	v5 =	vld [tilespmem:s29+$0xFFFFFC00]  }
0x724: {  	v6 =	vld [tilespmem:s29+$0x380]  }
0x725: {  	v7 =	vld [tilespmem:s29+$0xFFFFFD00]  }
0x726: {  	v8 =	vld [tilespmem:s29+$0xFFFFFD80]  }
0x727: {  	v9 =	vld [tilespmem:s29+$0xFFFFFE00]  }
0x728: {  	v5 =	vadd.s32 v1, v5;
	v10 =	vld [tilespmem:s29+$0x300]  }
0x729: {  	v11 =	vld [tilespmem:s29+$0x280];
	v6 =	vadd.s32 v1, v6  }
0x72a: {  	v12 =	vld [tilespmem:s29+$0x200]  }
0x72b: {  	v13 =	vld [tilespmem:s29+$0x180]  }
0x72c: {  	v14 =	vld [tilespmem:s29+$0x100]  }
0x72d: {  	[tilespmem:v5+s12+$0x0] =	vst.idx.add.f32.msk $0xffff, v2;
	v5 =	vadd.s32 v1, v10  }
0x72e: {  	v10 =	vadd.s32 v1, v11;
	[tilespmem:v6+s12+$0x0] =	vst.idx.add.f32.msk $0xffff, v2  }
0x72f: {  	v6 =	vld [tilespmem:s29+$0xFFFFFF80];
	v11 =	vadd.s32 v1, v12  }
0x730: {  	v12 =	vld [tilespmem:s29+$0xFFFFFF00]  }
0x731: {  	v15 =	vld [tilespmem:s29+$0xFFFFFE80];
	v14 =	vadd.s32 v1, v14  }
0x732: {  	v16 =	vadd.s32 v1, v3;
	[tilespmem:v5+s12+$0x0] =	vst.idx.add.f32.msk $0xffff, v2  }
0x733: {  	v4 =	vadd.s32 v1, v4;
	[tilespmem:v10+s12+$0x0] =	vst.idx.add.f32.msk $0xffff, v2  }
0x734: {  	v5 =	vadd.s32 v1, v6;
	[tilespmem:v11+s12+$0x0] =	vst.idx.add.f32.msk $0xffff, v2  }
0x735: {  	v10 =	vadd.s32 v1, v13;
	v6 =	vld [tilespmem:s29+$0xFFFFFC80];
	v3 =	vadd.s32 v1, v12  }
0x736: {  	v11 =	vadd.s32 v1, v15;
	[tilespmem:v14+s12+$0x0] =	vst.idx.add.f32.msk $0xffff, v2  }
0x737: {  	v9 =	vadd.s32 v1, v9;
	[tilespmem:v16+s12+$0x0] =	vst.idx.add.f32.msk $0xffff, v2  }
0x738: {  	v8 =	vadd.s32 v1, v8;
	[tilespmem:v4+s12+$0x0] =	vst.idx.add.f32.msk $0xffff, v2  }
0x739: {  	v7 =	vadd.s32 v1, v7;
	[tilespmem:v5+s12+$0x0] =	vst.idx.add.f32.msk $0xffff, v2  }
.Ltmp41:
0x73a: {  	v4 =	vadd.s32 v1, v6;
	[tilespmem:v10+s12+$0x0] =	vst.idx.add.f32.msk $0xffff, v2;
	(pc) =	sbr.rel @p1 .LBB2_84-.Ltmp41, $4  }
0x73b: {  	[tilespmem:v11+s12+$0x0] =	vst.idx.add.f32.msk $0xffff, v2  }
0x73c: {  	[tilespmem:v9+s12+$0x0] =	vst.idx.add.f32.msk $0xffff, v2  }
0x73d: {  	[tilespmem:v8+s12+$0x0] =	vst.idx.add.f32.msk $0xffff, v2  }
0x73e: {  	[tilespmem:v7+s12+$0x0] =	vst.idx.add.f32.msk $0xffff, v2  }
0x73f: {  	_ =	sdelay $0x3  }
0x740: {  	[tilespmem:v4+s12+$0x0] =	vst.idx.add.f32.msk $0xffff, v2  }
0x741: {  	s29 =	simm.s32 $0x0;
	[tilespmem:v3+s12+$0x0] =	vst.idx.add.f32.msk $0xffff, v2  }
.LBB2_86:
0x742: {  	s30 =	sshra.s32 s29, $0x2  }
0x743: {  	v3 =	vld [tilespmem:s30+$0x6040];
	_ =	sdelay $0x4  }
0x744: {  	p1 =	sne.s32 s29, $0xE00;
	v3 =	vadd.s32 v1, v3  }
.Ltmp42:
0x745: {  	_ = 	snop;
	(pc) =	sbr.rel @p1 .LBB2_86-.Ltmp42, $2  }
0x746: {  	_ =	sdelay $0x2  }
0x747: {  	s29 =	sadd.s32 $0x200, s29;
	[tilespmem:v3+s12+$0x0] =	vst.idx.add.f32.msk $0xffff, v2  }
0x748: {  	s29 =	rddreg [dreg:$0x1d]  }
0x749: {  	[hbm4b:s29+s2] =	stream.linear.scatter [tilespmem:s12], [sflag:$0x3], $0x800, $0x38;
	[tilespmem:$0xE880] =	vst v63  }
0x74a: {  	_ =	swait.ge [sflag:s24], $0x800  }
0x74b: {  	[sflag:s24] =	ssyncset.done $0x0  }
0x74c: {  	[sflag:s24] =	ssyncadd.s32 $0xFFFFF800  }
0x74d: {  	[tilespmem:s15], [sflag:$0x9] =	stream.linear.gather [spmem:s1], $0x800, $0x38;
	[tilespmem:$0xE880] =	vst v63  }
0x74e: {  	_ =	swait.ge [sflag:s19], $0x800  }
0x74f: {  	[sflag:s19] =	ssyncset.done $0x0  }
0x750: {  	s29 =	simm.s32 $0x450;
	[sflag:s19] =	ssyncadd.s32 $0xFFFFF800  }
0x751: {  	v3 =	vld [tilespmem:s29+$0x80]  }
0x752: {  	v4 =	vld [tilespmem:s29+$0x0]  }
0x753: {  	v5 =	vld [tilespmem:s29+$0xFFFFFC00]  }
0x754: {  	v6 =	vld [tilespmem:s29+$0x380]  }
0x755: {  	v7 =	vld [tilespmem:s29+$0xFFFFFD00]  }
0x756: {  	v8 =	vld [tilespmem:s29+$0xFFFFFD80]  }
0x757: {  	v9 =	vld [tilespmem:s29+$0xFFFFFE00]  }
0x758: {  	v11 =	vld [tilespmem:s29+$0x280]  }
0x759: {  	v12 =	vld [tilespmem:s29+$0x200];
	v5 =	vadd.s32 v1, v5  }
0x75a: {  	v10 =	vld [tilespmem:s29+$0x300];
	v6 =	vadd.s32 v1, v6  }
0x75b: {  	v13 =	vld [tilespmem:s29+$0x180]  }
0x75c: {  	v14 =	vld [tilespmem:s29+$0x100]  }
0x75d: {  	v15 =	vld [tilespmem:s29+$0xFFFFFE80];
	v59 =	vadd.s32 v1, v11  }
0x75e: {  	v60 =	vadd.s32 v1, v12;
	[tilespmem:v5+s14+$0x0] =	vst.idx.add.f32.msk $0xffff, v2  }
0x75f: {  	v5 =	vadd.s32 v1, v10;
	[tilespmem:v6+s14+$0x0] =	vst.idx.add.f32.msk $0xffff, v2  }
0x760: {  	v6 =	vld [tilespmem:s29+$0xFFFFFF80]  }
0x761: {  	v61 =	vld [tilespmem:s29+$0xFFFFFF00];
	v3 =	vadd.s32 v1, v3  }
0x762: {  	v14 =	vadd.s32 v1, v14;
	[tilespmem:v59+s14+$0x0] =	vst.idx.add.f32.msk $0xffff, v2  }
0x763: {  	v4 =	vadd.s32 v1, v4;
	[tilespmem:v60+s14+$0x0] =	vst.idx.add.f32.msk $0xffff, v2  }
0x764: {  	v62 =	vadd.s32 v1, v13;
	[tilespmem:v5+s14+$0x0] =	vst.idx.add.f32.msk $0xffff, v2  }
0x765: {  	v63 =	vadd.s32 v1, v15;
	v5 =	vadd.s32 v1, v6;
	v6 =	vld [tilespmem:s29+$0xFFFFFC80]  }
0x766: {  	[tilespmem:v3+s14+$0x0] =	vst.idx.add.f32.msk $0xffff, v2;
	v3 =	vadd.s32 v1, v8  }
0x767: {  	v9 =	vadd.s32 v1, v9;
	[tilespmem:v14+s14+$0x0] =	vst.idx.add.f32.msk $0xffff, v2  }
0x768: {  	v7 =	vadd.s32 v1, v7;
	[tilespmem:v4+s14+$0x0] =	vst.idx.add.f32.msk $0xffff, v2  }
0x769: {  	[tilespmem:v62+s14+$0x0] =	vst.idx.add.f32.msk $0xffff, v2  }
0x76a: {  	[tilespmem:v63+s14+$0x0] =	vst.idx.add.f32.msk $0xffff, v2;
	v4 =	vadd.s32 v1, v6  }
0x76b: {  	[tilespmem:v3+s14+$0x0] =	vst.idx.add.f32.msk $0xffff, v2;
	v3 =	vadd.s32 v1, v61  }
0x76c: {  	[tilespmem:v9+s14+$0x0] =	vst.idx.add.f32.msk $0xffff, v2  }
0x76d: {  	[tilespmem:v7+s14+$0x0] =	vst.idx.add.f32.msk $0xffff, v2  }
0x76e: {  	s30 =	simm.s32 $0x0;
	[tilespmem:v5+s14+$0x0] =	vst.idx.add.f32.msk $0xffff, v2  }
.LBB2_88:
0x76f: {  	s30 =	sadd.s32 $0x10, s30;
	[tilespmem:v4+s14+$0x0] =	vst.idx.add.f32.msk $0xffff, v2;
	s29 =	sadd.s32 $0x800, s29  }
0x770: {  	p1 =	slt.u32 s30, $0xB0;
	[tilespmem:v3+s14+$0x0] =	vst.idx.add.f32.msk $0xffff, v2  }
0x771: {  	v3 =	vld [tilespmem:s29+$0x80]  }
0x772: {  	v4 =	vld [tilespmem:s29+$0x0]  }
0x773: {  	v5 =	vld [tilespmem:s29+$0xFFFFFC00]  }
0x774: {  	v6 =	vld [tilespmem:s29+$0x380]  }
0x775: {  	v7 =	vld [tilespmem:s29+$0xFFFFFD00]  }
0x776: {  	v8 =	vld [tilespmem:s29+$0xFFFFFD80]  }
0x777: {  	v9 =	vld [tilespmem:s29+$0xFFFFFE00]  }
0x778: {  	v5 =	vadd.s32 v1, v5;
	v10 =	vld [tilespmem:s29+$0x300]  }
0x779: {  	v11 =	vld [tilespmem:s29+$0x280];
	v6 =	vadd.s32 v1, v6  }
0x77a: {  	v12 =	vld [tilespmem:s29+$0x200]  }
0x77b: {  	v13 =	vld [tilespmem:s29+$0x180]  }
0x77c: {  	v14 =	vld [tilespmem:s29+$0x100]  }
0x77d: {  	[tilespmem:v5+s14+$0x0] =	vst.idx.add.f32.msk $0xffff, v2;
	v5 =	vadd.s32 v1, v10  }
0x77e: {  	v10 =	vadd.s32 v1, v11;
	[tilespmem:v6+s14+$0x0] =	vst.idx.add.f32.msk $0xffff, v2  }
0x77f: {  	v6 =	vld [tilespmem:s29+$0xFFFFFF80];
	v11 =	vadd.s32 v1, v12  }
0x780: {  	v12 =	vld [tilespmem:s29+$0xFFFFFF00]  }
0x781: {  	v15 =	vld [tilespmem:s29+$0xFFFFFE80];
	v14 =	vadd.s32 v1, v14  }
0x782: {  	v16 =	vadd.s32 v1, v3;
	[tilespmem:v5+s14+$0x0] =	vst.idx.add.f32.msk $0xffff, v2  }
0x783: {  	v4 =	vadd.s32 v1, v4;
	[tilespmem:v10+s14+$0x0] =	vst.idx.add.f32.msk $0xffff, v2  }
0x784: {  	v5 =	vadd.s32 v1, v6;
	[tilespmem:v11+s14+$0x0] =	vst.idx.add.f32.msk $0xffff, v2  }
0x785: {  	v10 =	vadd.s32 v1, v13;
	v6 =	vld [tilespmem:s29+$0xFFFFFC80];
	v3 =	vadd.s32 v1, v12  }
0x786: {  	v11 =	vadd.s32 v1, v15;
	[tilespmem:v14+s14+$0x0] =	vst.idx.add.f32.msk $0xffff, v2  }
0x787: {  	v9 =	vadd.s32 v1, v9;
	[tilespmem:v16+s14+$0x0] =	vst.idx.add.f32.msk $0xffff, v2  }
0x788: {  	v8 =	vadd.s32 v1, v8;
	[tilespmem:v4+s14+$0x0] =	vst.idx.add.f32.msk $0xffff, v2  }
0x789: {  	v7 =	vadd.s32 v1, v7;
	[tilespmem:v5+s14+$0x0] =	vst.idx.add.f32.msk $0xffff, v2  }
.Ltmp43:
0x78a: {  	v4 =	vadd.s32 v1, v6;
	[tilespmem:v10+s14+$0x0] =	vst.idx.add.f32.msk $0xffff, v2;
	(pc) =	sbr.rel @p1 .LBB2_88-.Ltmp43, $4  }
0x78b: {  	[tilespmem:v11+s14+$0x0] =	vst.idx.add.f32.msk $0xffff, v2  }
0x78c: {  	[tilespmem:v9+s14+$0x0] =	vst.idx.add.f32.msk $0xffff, v2  }
0x78d: {  	[tilespmem:v8+s14+$0x0] =	vst.idx.add.f32.msk $0xffff, v2  }
0x78e: {  	[tilespmem:v7+s14+$0x0] =	vst.idx.add.f32.msk $0xffff, v2  }
0x78f: {  	_ =	sdelay $0x3  }
0x790: {  	[tilespmem:v4+s14+$0x0] =	vst.idx.add.f32.msk $0xffff, v2  }
0x791: {  	s29 =	simm.s32 $0x0;
	[tilespmem:v3+s14+$0x0] =	vst.idx.add.f32.msk $0xffff, v2  }
.LBB2_90:
0x792: {  	s30 =	sshra.s32 s29, $0x2  }
0x793: {  	v3 =	vld [tilespmem:s30+$0x6050];
	_ =	sdelay $0x4  }
0x794: {  	p1 =	sne.s32 s29, $0xE00;
	v3 =	vadd.s32 v1, v3  }
.Ltmp44:
0x795: {  	_ = 	snop;
	(pc) =	sbr.rel @p1 .LBB2_90-.Ltmp44, $2  }
0x796: {  	_ =	sdelay $0x2  }
0x797: {  	s29 =	sadd.s32 $0x200, s29;
	[tilespmem:v3+s14+$0x0] =	vst.idx.add.f32.msk $0xffff, v2  }
0x798: {  	s29 =	rddreg [dreg:$0x1e]  }
0x799: {  	[hbm4b:s29+s2] =	stream.linear.scatter [tilespmem:s14], [sflag:$0x4], $0x800, $0x38;
	[tilespmem:$0xE880] =	vst v63  }
0x79a: {  	_ =	swait.ge [sflag:s25], $0x800  }
0x79b: {  	[sflag:s25] =	ssyncset.done $0x0  }
0x79c: {  	[sflag:s25] =	ssyncadd.s32 $0xFFFFF800  }
0x79d: {  	[tilespmem:s16], [sflag:$0xA] =	stream.linear.gather [spmem:s1], $0x800, $0x38;
	[tilespmem:$0xE880] =	vst v63  }
0x79e: {  	_ =	swait.ge [sflag:s20], $0x800  }
0x79f: {  	[sflag:s20] =	ssyncset.done $0x0  }
0x7a0: {  	s29 =	simm.s32 $0x460;
	[sflag:s20] =	ssyncadd.s32 $0xFFFFF800  }
0x7a1: {  	v3 =	vld [tilespmem:s29+$0x80]  }
0x7a2: {  	v4 =	vld [tilespmem:s29+$0x0]  }
0x7a3: {  	v5 =	vld [tilespmem:s29+$0xFFFFFC00]  }
0x7a4: {  	v6 =	vld [tilespmem:s29+$0x380]  }
0x7a5: {  	v7 =	vld [tilespmem:s29+$0xFFFFFD00]  }
0x7a6: {  	v8 =	vld [tilespmem:s29+$0xFFFFFD80]  }
0x7a7: {  	v9 =	vld [tilespmem:s29+$0xFFFFFE00]  }
0x7a8: {  	v11 =	vld [tilespmem:s29+$0x280]  }
0x7a9: {  	v12 =	vld [tilespmem:s29+$0x200];
	v5 =	vadd.s32 v1, v5  }
0x7aa: {  	v10 =	vld [tilespmem:s29+$0x300];
	v6 =	vadd.s32 v1, v6  }
0x7ab: {  	v13 =	vld [tilespmem:s29+$0x180]  }
0x7ac: {  	v14 =	vld [tilespmem:s29+$0x100]  }
0x7ad: {  	v15 =	vld [tilespmem:s29+$0xFFFFFE80];
	v59 =	vadd.s32 v1, v11  }
0x7ae: {  	v60 =	vadd.s32 v1, v12;
	[tilespmem:v5+s15+$0x0] =	vst.idx.add.f32.msk $0xffff, v2  }
0x7af: {  	v5 =	vadd.s32 v1, v10;
	[tilespmem:v6+s15+$0x0] =	vst.idx.add.f32.msk $0xffff, v2  }
0x7b0: {  	v6 =	vld [tilespmem:s29+$0xFFFFFF80]  }
0x7b1: {  	v61 =	vld [tilespmem:s29+$0xFFFFFF00];
	v3 =	vadd.s32 v1, v3  }
0x7b2: {  	v14 =	vadd.s32 v1, v14;
	[tilespmem:v59+s15+$0x0] =	vst.idx.add.f32.msk $0xffff, v2  }
0x7b3: {  	v4 =	vadd.s32 v1, v4;
	[tilespmem:v60+s15+$0x0] =	vst.idx.add.f32.msk $0xffff, v2  }
0x7b4: {  	v62 =	vadd.s32 v1, v13;
	[tilespmem:v5+s15+$0x0] =	vst.idx.add.f32.msk $0xffff, v2  }
0x7b5: {  	v63 =	vadd.s32 v1, v15;
	v5 =	vadd.s32 v1, v6;
	v6 =	vld [tilespmem:s29+$0xFFFFFC80]  }
0x7b6: {  	[tilespmem:v3+s15+$0x0] =	vst.idx.add.f32.msk $0xffff, v2;
	v3 =	vadd.s32 v1, v8  }
0x7b7: {  	v9 =	vadd.s32 v1, v9;
	[tilespmem:v14+s15+$0x0] =	vst.idx.add.f32.msk $0xffff, v2  }
0x7b8: {  	v7 =	vadd.s32 v1, v7;
	[tilespmem:v4+s15+$0x0] =	vst.idx.add.f32.msk $0xffff, v2  }
0x7b9: {  	[tilespmem:v62+s15+$0x0] =	vst.idx.add.f32.msk $0xffff, v2  }
0x7ba: {  	[tilespmem:v63+s15+$0x0] =	vst.idx.add.f32.msk $0xffff, v2;
	v4 =	vadd.s32 v1, v6  }
0x7bb: {  	[tilespmem:v3+s15+$0x0] =	vst.idx.add.f32.msk $0xffff, v2;
	v3 =	vadd.s32 v1, v61  }
0x7bc: {  	[tilespmem:v9+s15+$0x0] =	vst.idx.add.f32.msk $0xffff, v2  }
0x7bd: {  	[tilespmem:v7+s15+$0x0] =	vst.idx.add.f32.msk $0xffff, v2  }
0x7be: {  	s30 =	simm.s32 $0x0;
	[tilespmem:v5+s15+$0x0] =	vst.idx.add.f32.msk $0xffff, v2  }
.LBB2_92:
0x7bf: {  	s30 =	sadd.s32 $0x10, s30;
	[tilespmem:v4+s15+$0x0] =	vst.idx.add.f32.msk $0xffff, v2;
	s29 =	sadd.s32 $0x800, s29  }
0x7c0: {  	p1 =	slt.u32 s30, $0xB0;
	[tilespmem:v3+s15+$0x0] =	vst.idx.add.f32.msk $0xffff, v2  }
0x7c1: {  	v3 =	vld [tilespmem:s29+$0x80]  }
0x7c2: {  	v4 =	vld [tilespmem:s29+$0x0]  }
0x7c3: {  	v5 =	vld [tilespmem:s29+$0xFFFFFC00]  }
0x7c4: {  	v6 =	vld [tilespmem:s29+$0x380]  }
0x7c5: {  	v7 =	vld [tilespmem:s29+$0xFFFFFD00]  }
0x7c6: {  	v8 =	vld [tilespmem:s29+$0xFFFFFD80]  }
0x7c7: {  	v9 =	vld [tilespmem:s29+$0xFFFFFE00]  }
0x7c8: {  	v5 =	vadd.s32 v1, v5;
	v10 =	vld [tilespmem:s29+$0x300]  }
0x7c9: {  	v11 =	vld [tilespmem:s29+$0x280];
	v6 =	vadd.s32 v1, v6  }
0x7ca: {  	v12 =	vld [tilespmem:s29+$0x200]  }
0x7cb: {  	v13 =	vld [tilespmem:s29+$0x180]  }
0x7cc: {  	v14 =	vld [tilespmem:s29+$0x100]  }
0x7cd: {  	[tilespmem:v5+s15+$0x0] =	vst.idx.add.f32.msk $0xffff, v2;
	v5 =	vadd.s32 v1, v10  }
0x7ce: {  	v10 =	vadd.s32 v1, v11;
	[tilespmem:v6+s15+$0x0] =	vst.idx.add.f32.msk $0xffff, v2  }
0x7cf: {  	v6 =	vld [tilespmem:s29+$0xFFFFFF80];
	v11 =	vadd.s32 v1, v12  }
0x7d0: {  	v12 =	vld [tilespmem:s29+$0xFFFFFF00]  }
0x7d1: {  	v15 =	vld [tilespmem:s29+$0xFFFFFE80];
	v14 =	vadd.s32 v1, v14  }
0x7d2: {  	v16 =	vadd.s32 v1, v3;
	[tilespmem:v5+s15+$0x0] =	vst.idx.add.f32.msk $0xffff, v2  }
0x7d3: {  	v4 =	vadd.s32 v1, v4;
	[tilespmem:v10+s15+$0x0] =	vst.idx.add.f32.msk $0xffff, v2  }
0x7d4: {  	v5 =	vadd.s32 v1, v6;
	[tilespmem:v11+s15+$0x0] =	vst.idx.add.f32.msk $0xffff, v2  }
0x7d5: {  	v10 =	vadd.s32 v1, v13;
	v6 =	vld [tilespmem:s29+$0xFFFFFC80];
	v3 =	vadd.s32 v1, v12  }
0x7d6: {  	v11 =	vadd.s32 v1, v15;
	[tilespmem:v14+s15+$0x0] =	vst.idx.add.f32.msk $0xffff, v2  }
0x7d7: {  	v9 =	vadd.s32 v1, v9;
	[tilespmem:v16+s15+$0x0] =	vst.idx.add.f32.msk $0xffff, v2  }
0x7d8: {  	v8 =	vadd.s32 v1, v8;
	[tilespmem:v4+s15+$0x0] =	vst.idx.add.f32.msk $0xffff, v2  }
0x7d9: {  	v7 =	vadd.s32 v1, v7;
	[tilespmem:v5+s15+$0x0] =	vst.idx.add.f32.msk $0xffff, v2  }
.Ltmp45:
0x7da: {  	v4 =	vadd.s32 v1, v6;
	[tilespmem:v10+s15+$0x0] =	vst.idx.add.f32.msk $0xffff, v2;
	(pc) =	sbr.rel @p1 .LBB2_92-.Ltmp45, $4  }
0x7db: {  	[tilespmem:v11+s15+$0x0] =	vst.idx.add.f32.msk $0xffff, v2  }
0x7dc: {  	[tilespmem:v9+s15+$0x0] =	vst.idx.add.f32.msk $0xffff, v2  }
0x7dd: {  	[tilespmem:v8+s15+$0x0] =	vst.idx.add.f32.msk $0xffff, v2  }
0x7de: {  	[tilespmem:v7+s15+$0x0] =	vst.idx.add.f32.msk $0xffff, v2  }
0x7df: {  	_ =	sdelay $0x3  }
0x7e0: {  	[tilespmem:v4+s15+$0x0] =	vst.idx.add.f32.msk $0xffff, v2  }
0x7e1: {  	s29 =	simm.s32 $0x0;
	[tilespmem:v3+s15+$0x0] =	vst.idx.add.f32.msk $0xffff, v2  }
.LBB2_94:
0x7e2: {  	s30 =	sshra.s32 s29, $0x2  }
0x7e3: {  	v3 =	vld [tilespmem:s30+$0x6060];
	_ =	sdelay $0x4  }
0x7e4: {  	p1 =	sne.s32 s29, $0xE00;
	v3 =	vadd.s32 v1, v3  }
.Ltmp46:
0x7e5: {  	_ = 	snop;
	(pc) =	sbr.rel @p1 .LBB2_94-.Ltmp46, $2  }
0x7e6: {  	_ =	sdelay $0x2  }
0x7e7: {  	s29 =	sadd.s32 $0x200, s29;
	[tilespmem:v3+s15+$0x0] =	vst.idx.add.f32.msk $0xffff, v2  }
0x7e8: {  	[hbm4b:s0+s2] =	stream.linear.scatter [tilespmem:s15], [sflag:$0x5], $0x800, $0x38;
	[tilespmem:$0xE880] =	vst v63  }
0x7e9: {  	_ =	swait.ge [sflag:s21], $0x800  }
0x7ea: {  	[sflag:s21] =	ssyncset.done $0x0  }
0x7eb: {  	[sflag:s21] =	ssyncadd.s32 $0xFFFFF800  }
0x7ec: {  	[tilespmem:s12], [sflag:$0x7] =	stream.linear.gather [spmem:s1], $0x800, $0x38;
	[tilespmem:$0xE880] =	vst v63  }
0x7ed: {  	_ =	swait.ge [sflag:s22], $0x800  }
0x7ee: {  	[sflag:s22] =	ssyncset.done $0x0  }
0x7ef: {  	s29 =	simm.s32 $0x470;
	[sflag:s22] =	ssyncadd.s32 $0xFFFFF800  }
0x7f0: {  	v3 =	vld [tilespmem:s29+$0x80]  }
0x7f1: {  	v4 =	vld [tilespmem:s29+$0x0]  }
0x7f2: {  	v5 =	vld [tilespmem:s29+$0xFFFFFC00]  }
0x7f3: {  	v6 =	vld [tilespmem:s29+$0x380]  }
0x7f4: {  	v7 =	vld [tilespmem:s29+$0xFFFFFD00]  }
0x7f5: {  	v8 =	vld [tilespmem:s29+$0xFFFFFD80]  }
0x7f6: {  	v9 =	vld [tilespmem:s29+$0xFFFFFE00]  }
0x7f7: {  	v11 =	vld [tilespmem:s29+$0x280]  }
0x7f8: {  	v12 =	vld [tilespmem:s29+$0x200];
	v5 =	vadd.s32 v1, v5  }
0x7f9: {  	v10 =	vld [tilespmem:s29+$0x300];
	v6 =	vadd.s32 v1, v6  }
0x7fa: {  	v13 =	vld [tilespmem:s29+$0x180]  }
0x7fb: {  	v14 =	vld [tilespmem:s29+$0x100]  }
0x7fc: {  	v15 =	vld [tilespmem:s29+$0xFFFFFE80];
	v59 =	vadd.s32 v1, v11  }
0x7fd: {  	v60 =	vadd.s32 v1, v12;
	[tilespmem:v5+s16+$0x0] =	vst.idx.add.f32.msk $0xffff, v2  }
0x7fe: {  	v5 =	vadd.s32 v1, v10;
	[tilespmem:v6+s16+$0x0] =	vst.idx.add.f32.msk $0xffff, v2  }
0x7ff: {  	v6 =	vld [tilespmem:s29+$0xFFFFFF80]  }
0x800: {  	v61 =	vld [tilespmem:s29+$0xFFFFFF00];
	v3 =	vadd.s32 v1, v3  }
0x801: {  	v14 =	vadd.s32 v1, v14;
	[tilespmem:v59+s16+$0x0] =	vst.idx.add.f32.msk $0xffff, v2  }
0x802: {  	v4 =	vadd.s32 v1, v4;
	[tilespmem:v60+s16+$0x0] =	vst.idx.add.f32.msk $0xffff, v2  }
0x803: {  	v62 =	vadd.s32 v1, v13;
	[tilespmem:v5+s16+$0x0] =	vst.idx.add.f32.msk $0xffff, v2  }
0x804: {  	v63 =	vadd.s32 v1, v15;
	v5 =	vadd.s32 v1, v6;
	v6 =	vld [tilespmem:s29+$0xFFFFFC80]  }
0x805: {  	[tilespmem:v3+s16+$0x0] =	vst.idx.add.f32.msk $0xffff, v2;
	v3 =	vadd.s32 v1, v8  }
0x806: {  	v9 =	vadd.s32 v1, v9;
	[tilespmem:v14+s16+$0x0] =	vst.idx.add.f32.msk $0xffff, v2  }
0x807: {  	v7 =	vadd.s32 v1, v7;
	[tilespmem:v4+s16+$0x0] =	vst.idx.add.f32.msk $0xffff, v2  }
0x808: {  	[tilespmem:v62+s16+$0x0] =	vst.idx.add.f32.msk $0xffff, v2  }
0x809: {  	[tilespmem:v63+s16+$0x0] =	vst.idx.add.f32.msk $0xffff, v2;
	v4 =	vadd.s32 v1, v6  }
0x80a: {  	[tilespmem:v3+s16+$0x0] =	vst.idx.add.f32.msk $0xffff, v2;
	v3 =	vadd.s32 v1, v61  }
0x80b: {  	[tilespmem:v9+s16+$0x0] =	vst.idx.add.f32.msk $0xffff, v2  }
0x80c: {  	[tilespmem:v7+s16+$0x0] =	vst.idx.add.f32.msk $0xffff, v2  }
0x80d: {  	s30 =	simm.s32 $0x0;
	[tilespmem:v5+s16+$0x0] =	vst.idx.add.f32.msk $0xffff, v2  }
.LBB2_96:
0x80e: {  	s30 =	sadd.s32 $0x10, s30;
	[tilespmem:v4+s16+$0x0] =	vst.idx.add.f32.msk $0xffff, v2;
	s29 =	sadd.s32 $0x800, s29  }
0x80f: {  	p1 =	slt.u32 s30, $0xB0;
	[tilespmem:v3+s16+$0x0] =	vst.idx.add.f32.msk $0xffff, v2  }
0x810: {  	v3 =	vld [tilespmem:s29+$0x80]  }
0x811: {  	v4 =	vld [tilespmem:s29+$0x0]  }
0x812: {  	v5 =	vld [tilespmem:s29+$0xFFFFFC00]  }
0x813: {  	v6 =	vld [tilespmem:s29+$0x380]  }
0x814: {  	v7 =	vld [tilespmem:s29+$0xFFFFFD00]  }
0x815: {  	v8 =	vld [tilespmem:s29+$0xFFFFFD80]  }
0x816: {  	v9 =	vld [tilespmem:s29+$0xFFFFFE00]  }
0x817: {  	v5 =	vadd.s32 v1, v5;
	v10 =	vld [tilespmem:s29+$0x300]  }
0x818: {  	v11 =	vld [tilespmem:s29+$0x280];
	v6 =	vadd.s32 v1, v6  }
0x819: {  	v12 =	vld [tilespmem:s29+$0x200]  }
0x81a: {  	v13 =	vld [tilespmem:s29+$0x180]  }
0x81b: {  	v14 =	vld [tilespmem:s29+$0x100]  }
0x81c: {  	[tilespmem:v5+s16+$0x0] =	vst.idx.add.f32.msk $0xffff, v2;
	v5 =	vadd.s32 v1, v10  }
0x81d: {  	v10 =	vadd.s32 v1, v11;
	[tilespmem:v6+s16+$0x0] =	vst.idx.add.f32.msk $0xffff, v2  }
0x81e: {  	v6 =	vld [tilespmem:s29+$0xFFFFFF80];
	v11 =	vadd.s32 v1, v12  }
0x81f: {  	v12 =	vld [tilespmem:s29+$0xFFFFFF00]  }
0x820: {  	v15 =	vld [tilespmem:s29+$0xFFFFFE80];
	v14 =	vadd.s32 v1, v14  }
0x821: {  	v16 =	vadd.s32 v1, v3;
	[tilespmem:v5+s16+$0x0] =	vst.idx.add.f32.msk $0xffff, v2  }
0x822: {  	v4 =	vadd.s32 v1, v4;
	[tilespmem:v10+s16+$0x0] =	vst.idx.add.f32.msk $0xffff, v2  }
0x823: {  	v5 =	vadd.s32 v1, v6;
	[tilespmem:v11+s16+$0x0] =	vst.idx.add.f32.msk $0xffff, v2  }
0x824: {  	v10 =	vadd.s32 v1, v13;
	v6 =	vld [tilespmem:s29+$0xFFFFFC80];
	v3 =	vadd.s32 v1, v12  }
0x825: {  	v11 =	vadd.s32 v1, v15;
	[tilespmem:v14+s16+$0x0] =	vst.idx.add.f32.msk $0xffff, v2  }
0x826: {  	v9 =	vadd.s32 v1, v9;
	[tilespmem:v16+s16+$0x0] =	vst.idx.add.f32.msk $0xffff, v2  }
0x827: {  	v8 =	vadd.s32 v1, v8;
	[tilespmem:v4+s16+$0x0] =	vst.idx.add.f32.msk $0xffff, v2  }
0x828: {  	v7 =	vadd.s32 v1, v7;
	[tilespmem:v5+s16+$0x0] =	vst.idx.add.f32.msk $0xffff, v2  }
.Ltmp47:
0x829: {  	v4 =	vadd.s32 v1, v6;
	[tilespmem:v10+s16+$0x0] =	vst.idx.add.f32.msk $0xffff, v2;
	(pc) =	sbr.rel @p1 .LBB2_96-.Ltmp47, $4  }
0x82a: {  	[tilespmem:v11+s16+$0x0] =	vst.idx.add.f32.msk $0xffff, v2  }
0x82b: {  	[tilespmem:v9+s16+$0x0] =	vst.idx.add.f32.msk $0xffff, v2  }
0x82c: {  	[tilespmem:v8+s16+$0x0] =	vst.idx.add.f32.msk $0xffff, v2  }
0x82d: {  	[tilespmem:v7+s16+$0x0] =	vst.idx.add.f32.msk $0xffff, v2  }
0x82e: {  	_ =	sdelay $0x3  }
0x82f: {  	[tilespmem:v4+s16+$0x0] =	vst.idx.add.f32.msk $0xffff, v2  }
0x830: {  	s29 =	simm.s32 $0x0;
	[tilespmem:v3+s16+$0x0] =	vst.idx.add.f32.msk $0xffff, v2  }
.LBB2_98:
0x831: {  	s30 =	sshra.s32 s29, $0x2  }
0x832: {  	v3 =	vld [tilespmem:s30+$0x6070];
	_ =	sdelay $0x4  }
0x833: {  	p1 =	sne.s32 s29, $0xE00;
	v3 =	vadd.s32 v1, v3  }
.Ltmp48:
0x834: {  	_ = 	snop;
	(pc) =	sbr.rel @p1 .LBB2_98-.Ltmp48, $2  }
0x835: {  	_ =	sdelay $0x2  }
0x836: {  	s29 =	sadd.s32 $0x200, s29;
	[tilespmem:v3+s16+$0x0] =	vst.idx.add.f32.msk $0xffff, v2  }
0x837: {  	[hbm4b:s3+s2] =	stream.linear.scatter [tilespmem:s16], [sflag:$0x6], $0x800, $0x38;
	[tilespmem:$0xE880] =	vst v63  }
0x838: {  	_ =	swait.ge [sflag:s23], $0x800  }
0x839: {  	[sflag:s23] =	ssyncset.done $0x0  }
0x83a: {  	[sflag:s23] =	ssyncadd.s32 $0xFFFFF800  }
0x83b: {  	[tilespmem:s14], [sflag:$0x8] =	stream.linear.gather [spmem:s1], $0x800, $0x38;
	[tilespmem:$0xE880] =	vst v63  }
0x83c: {  	_ =	swait.ge [sflag:s26], $0x6400  }
0x83d: {  	[sflag:s26] =	ssyncset.done $0x0  }
0x83e: {  	[sflag:s26] =	ssyncadd.s32 $0xFFFF9C00  }
0x83f: {  	_ =	swait.ge [sflag:s18], $0x800  }
0x840: {  	[sflag:s18] =	ssyncset.done $0x0  }
0x841: {  	s29 =	simm.s32 $0x6800;
	[sflag:s18] =	ssyncadd.s32 $0xFFFFF800  }
0x842: {  	v3 =	vld [tilespmem:s29+$0x80]  }
0x843: {  	v4 =	vld [tilespmem:s29+$0x0]  }
0x844: {  	v5 =	vld [tilespmem:s29+$0xFFFFFC00]  }
0x845: {  	v6 =	vld [tilespmem:s29+$0x380]  }
0x846: {  	v7 =	vld [tilespmem:s29+$0xFFFFFD00]  }
0x847: {  	v8 =	vld [tilespmem:s29+$0xFFFFFD80]  }
0x848: {  	v9 =	vld [tilespmem:s29+$0xFFFFFE00]  }
0x849: {  	v11 =	vld [tilespmem:s29+$0x280]  }
0x84a: {  	v12 =	vld [tilespmem:s29+$0x200];
	v5 =	vadd.s32 v1, v5  }
0x84b: {  	v10 =	vld [tilespmem:s29+$0x300];
	v6 =	vadd.s32 v1, v6  }
0x84c: {  	v13 =	vld [tilespmem:s29+$0x180]  }
0x84d: {  	v14 =	vld [tilespmem:s29+$0x100]  }
0x84e: {  	v15 =	vld [tilespmem:s29+$0xFFFFFE80];
	v59 =	vadd.s32 v1, v11  }
0x84f: {  	v60 =	vadd.s32 v1, v12;
	[tilespmem:v5+s12+$0x0] =	vst.idx.add.f32.msk $0xffff, v2  }
0x850: {  	v5 =	vadd.s32 v1, v10;
	[tilespmem:v6+s12+$0x0] =	vst.idx.add.f32.msk $0xffff, v2  }
0x851: {  	v6 =	vld [tilespmem:s29+$0xFFFFFF80]  }
0x852: {  	v61 =	vld [tilespmem:s29+$0xFFFFFF00];
	v3 =	vadd.s32 v1, v3  }
0x853: {  	v14 =	vadd.s32 v1, v14;
	[tilespmem:v59+s12+$0x0] =	vst.idx.add.f32.msk $0xffff, v2  }
0x854: {  	v4 =	vadd.s32 v1, v4;
	[tilespmem:v60+s12+$0x0] =	vst.idx.add.f32.msk $0xffff, v2  }
0x855: {  	v62 =	vadd.s32 v1, v13;
	[tilespmem:v5+s12+$0x0] =	vst.idx.add.f32.msk $0xffff, v2  }
0x856: {  	v63 =	vadd.s32 v1, v15;
	v5 =	vadd.s32 v1, v6;
	v6 =	vld [tilespmem:s29+$0xFFFFFC80]  }
0x857: {  	[tilespmem:v3+s12+$0x0] =	vst.idx.add.f32.msk $0xffff, v2;
	v3 =	vadd.s32 v1, v8  }
0x858: {  	v9 =	vadd.s32 v1, v9;
	[tilespmem:v14+s12+$0x0] =	vst.idx.add.f32.msk $0xffff, v2  }
0x859: {  	v7 =	vadd.s32 v1, v7;
	[tilespmem:v4+s12+$0x0] =	vst.idx.add.f32.msk $0xffff, v2  }
0x85a: {  	[tilespmem:v62+s12+$0x0] =	vst.idx.add.f32.msk $0xffff, v2  }
0x85b: {  	[tilespmem:v63+s12+$0x0] =	vst.idx.add.f32.msk $0xffff, v2;
	v4 =	vadd.s32 v1, v6  }
0x85c: {  	[tilespmem:v3+s12+$0x0] =	vst.idx.add.f32.msk $0xffff, v2;
	v3 =	vadd.s32 v1, v61  }
0x85d: {  	[tilespmem:v9+s12+$0x0] =	vst.idx.add.f32.msk $0xffff, v2  }
0x85e: {  	[tilespmem:v7+s12+$0x0] =	vst.idx.add.f32.msk $0xffff, v2  }
0x85f: {  	s30 =	simm.s32 $0x0;
	[tilespmem:v5+s12+$0x0] =	vst.idx.add.f32.msk $0xffff, v2  }
.LBB2_100:
0x860: {  	s30 =	sadd.s32 $0x10, s30;
	[tilespmem:v4+s12+$0x0] =	vst.idx.add.f32.msk $0xffff, v2;
	s29 =	sadd.s32 $0x800, s29  }
0x861: {  	p1 =	slt.u32 s30, $0xB0;
	[tilespmem:v3+s12+$0x0] =	vst.idx.add.f32.msk $0xffff, v2  }
0x862: {  	v3 =	vld [tilespmem:s29+$0x80]  }
0x863: {  	v4 =	vld [tilespmem:s29+$0x0]  }
0x864: {  	v5 =	vld [tilespmem:s29+$0xFFFFFC00]  }
0x865: {  	v6 =	vld [tilespmem:s29+$0x380]  }
0x866: {  	v7 =	vld [tilespmem:s29+$0xFFFFFD00]  }
0x867: {  	v8 =	vld [tilespmem:s29+$0xFFFFFD80]  }
0x868: {  	v9 =	vld [tilespmem:s29+$0xFFFFFE00]  }
0x869: {  	v5 =	vadd.s32 v1, v5;
	v10 =	vld [tilespmem:s29+$0x300]  }
0x86a: {  	v11 =	vld [tilespmem:s29+$0x280];
	v6 =	vadd.s32 v1, v6  }
0x86b: {  	v12 =	vld [tilespmem:s29+$0x200]  }
0x86c: {  	v13 =	vld [tilespmem:s29+$0x180]  }
0x86d: {  	v14 =	vld [tilespmem:s29+$0x100]  }
0x86e: {  	[tilespmem:v5+s12+$0x0] =	vst.idx.add.f32.msk $0xffff, v2;
	v5 =	vadd.s32 v1, v10  }
0x86f: {  	v10 =	vadd.s32 v1, v11;
	[tilespmem:v6+s12+$0x0] =	vst.idx.add.f32.msk $0xffff, v2  }
0x870: {  	v6 =	vld [tilespmem:s29+$0xFFFFFF80];
	v11 =	vadd.s32 v1, v12  }
0x871: {  	v12 =	vld [tilespmem:s29+$0xFFFFFF00]  }
0x872: {  	v15 =	vld [tilespmem:s29+$0xFFFFFE80];
	v14 =	vadd.s32 v1, v14  }
0x873: {  	v16 =	vadd.s32 v1, v3;
	[tilespmem:v5+s12+$0x0] =	vst.idx.add.f32.msk $0xffff, v2  }
0x874: {  	v4 =	vadd.s32 v1, v4;
	[tilespmem:v10+s12+$0x0] =	vst.idx.add.f32.msk $0xffff, v2  }
0x875: {  	v5 =	vadd.s32 v1, v6;
	[tilespmem:v11+s12+$0x0] =	vst.idx.add.f32.msk $0xffff, v2  }
0x876: {  	v10 =	vadd.s32 v1, v13;
	v6 =	vld [tilespmem:s29+$0xFFFFFC80];
	v3 =	vadd.s32 v1, v12  }
0x877: {  	v11 =	vadd.s32 v1, v15;
	[tilespmem:v14+s12+$0x0] =	vst.idx.add.f32.msk $0xffff, v2  }
0x878: {  	v9 =	vadd.s32 v1, v9;
	[tilespmem:v16+s12+$0x0] =	vst.idx.add.f32.msk $0xffff, v2  }
0x879: {  	v8 =	vadd.s32 v1, v8;
	[tilespmem:v4+s12+$0x0] =	vst.idx.add.f32.msk $0xffff, v2  }
0x87a: {  	v7 =	vadd.s32 v1, v7;
	[tilespmem:v5+s12+$0x0] =	vst.idx.add.f32.msk $0xffff, v2  }
.Ltmp49:
0x87b: {  	v4 =	vadd.s32 v1, v6;
	[tilespmem:v10+s12+$0x0] =	vst.idx.add.f32.msk $0xffff, v2;
	(pc) =	sbr.rel @p1 .LBB2_100-.Ltmp49, $4  }
0x87c: {  	[tilespmem:v11+s12+$0x0] =	vst.idx.add.f32.msk $0xffff, v2  }
0x87d: {  	[tilespmem:v9+s12+$0x0] =	vst.idx.add.f32.msk $0xffff, v2  }
0x87e: {  	[tilespmem:v8+s12+$0x0] =	vst.idx.add.f32.msk $0xffff, v2  }
0x87f: {  	[tilespmem:v7+s12+$0x0] =	vst.idx.add.f32.msk $0xffff, v2  }
0x880: {  	_ =	sdelay $0x3  }
0x881: {  	[tilespmem:v4+s12+$0x0] =	vst.idx.add.f32.msk $0xffff, v2  }
0x882: {  	s29 =	simm.s32 $0x0;
	[tilespmem:v3+s12+$0x0] =	vst.idx.add.f32.msk $0xffff, v2  }
.LBB2_102:
0x883: {  	s30 =	sshra.s32 s29, $0x2  }
0x884: {  	v3 =	vld [tilespmem:s30+$0xC400];
	_ =	sdelay $0x4  }
0x885: {  	p1 =	sne.s32 s29, $0xE00;
	v3 =	vadd.s32 v1, v3  }
.Ltmp50:
0x886: {  	_ = 	snop;
	(pc) =	sbr.rel @p1 .LBB2_102-.Ltmp50, $2  }
0x887: {  	_ =	sdelay $0x2  }
0x888: {  	s29 =	sadd.s32 $0x200, s29;
	[tilespmem:v3+s12+$0x0] =	vst.idx.add.f32.msk $0xffff, v2  }
0x889: {  	s29 =	rddreg [dreg:$0x16]  }
0x88a: {  	[hbm4b:s29+s2] =	stream.linear.scatter [tilespmem:s12], [sflag:$0x3], $0x800, $0x38;
	[tilespmem:$0xE880] =	vst v63  }
0x88b: {  	_ =	swait.ge [sflag:s24], $0x800  }
0x88c: {  	[sflag:s24] =	ssyncset.done $0x0  }
0x88d: {  	[sflag:s24] =	ssyncadd.s32 $0xFFFFF800  }
0x88e: {  	[tilespmem:s15], [sflag:$0x9] =	stream.linear.gather [spmem:s1], $0x800, $0x38;
	[tilespmem:$0xE880] =	vst v63  }
0x88f: {  	_ =	swait.ge [sflag:s19], $0x800  }
0x890: {  	[sflag:s19] =	ssyncset.done $0x0  }
0x891: {  	s29 =	simm.s32 $0x6810;
	[sflag:s19] =	ssyncadd.s32 $0xFFFFF800  }
0x892: {  	v3 =	vld [tilespmem:s29+$0x80]  }
0x893: {  	v4 =	vld [tilespmem:s29+$0x0]  }
0x894: {  	v5 =	vld [tilespmem:s29+$0xFFFFFC00]  }
0x895: {  	v6 =	vld [tilespmem:s29+$0x380]  }
0x896: {  	v7 =	vld [tilespmem:s29+$0xFFFFFD00]  }
0x897: {  	v8 =	vld [tilespmem:s29+$0xFFFFFD80]  }
0x898: {  	v9 =	vld [tilespmem:s29+$0xFFFFFE00]  }
0x899: {  	v11 =	vld [tilespmem:s29+$0x280]  }
0x89a: {  	v12 =	vld [tilespmem:s29+$0x200];
	v5 =	vadd.s32 v1, v5  }
0x89b: {  	v10 =	vld [tilespmem:s29+$0x300];
	v6 =	vadd.s32 v1, v6  }
0x89c: {  	v13 =	vld [tilespmem:s29+$0x180]  }
0x89d: {  	v14 =	vld [tilespmem:s29+$0x100]  }
0x89e: {  	v15 =	vld [tilespmem:s29+$0xFFFFFE80];
	v59 =	vadd.s32 v1, v11  }
0x89f: {  	v60 =	vadd.s32 v1, v12;
	[tilespmem:v5+s14+$0x0] =	vst.idx.add.f32.msk $0xffff, v2  }
0x8a0: {  	v5 =	vadd.s32 v1, v10;
	[tilespmem:v6+s14+$0x0] =	vst.idx.add.f32.msk $0xffff, v2  }
0x8a1: {  	v6 =	vld [tilespmem:s29+$0xFFFFFF80]  }
0x8a2: {  	v61 =	vld [tilespmem:s29+$0xFFFFFF00];
	v3 =	vadd.s32 v1, v3  }
0x8a3: {  	v14 =	vadd.s32 v1, v14;
	[tilespmem:v59+s14+$0x0] =	vst.idx.add.f32.msk $0xffff, v2  }
0x8a4: {  	v4 =	vadd.s32 v1, v4;
	[tilespmem:v60+s14+$0x0] =	vst.idx.add.f32.msk $0xffff, v2  }
0x8a5: {  	v62 =	vadd.s32 v1, v13;
	[tilespmem:v5+s14+$0x0] =	vst.idx.add.f32.msk $0xffff, v2  }
0x8a6: {  	v63 =	vadd.s32 v1, v15;
	v5 =	vadd.s32 v1, v6;
	v6 =	vld [tilespmem:s29+$0xFFFFFC80]  }
0x8a7: {  	[tilespmem:v3+s14+$0x0] =	vst.idx.add.f32.msk $0xffff, v2;
	v3 =	vadd.s32 v1, v8  }
0x8a8: {  	v9 =	vadd.s32 v1, v9;
	[tilespmem:v14+s14+$0x0] =	vst.idx.add.f32.msk $0xffff, v2  }
0x8a9: {  	v7 =	vadd.s32 v1, v7;
	[tilespmem:v4+s14+$0x0] =	vst.idx.add.f32.msk $0xffff, v2  }
0x8aa: {  	[tilespmem:v62+s14+$0x0] =	vst.idx.add.f32.msk $0xffff, v2  }
0x8ab: {  	[tilespmem:v63+s14+$0x0] =	vst.idx.add.f32.msk $0xffff, v2;
	v4 =	vadd.s32 v1, v6  }
0x8ac: {  	[tilespmem:v3+s14+$0x0] =	vst.idx.add.f32.msk $0xffff, v2;
	v3 =	vadd.s32 v1, v61  }
0x8ad: {  	[tilespmem:v9+s14+$0x0] =	vst.idx.add.f32.msk $0xffff, v2  }
0x8ae: {  	[tilespmem:v7+s14+$0x0] =	vst.idx.add.f32.msk $0xffff, v2  }
0x8af: {  	s30 =	simm.s32 $0x0;
	[tilespmem:v5+s14+$0x0] =	vst.idx.add.f32.msk $0xffff, v2  }
.LBB2_104:
0x8b0: {  	s30 =	sadd.s32 $0x10, s30;
	[tilespmem:v4+s14+$0x0] =	vst.idx.add.f32.msk $0xffff, v2;
	s29 =	sadd.s32 $0x800, s29  }
0x8b1: {  	p1 =	slt.u32 s30, $0xB0;
	[tilespmem:v3+s14+$0x0] =	vst.idx.add.f32.msk $0xffff, v2  }
0x8b2: {  	v3 =	vld [tilespmem:s29+$0x80]  }
0x8b3: {  	v4 =	vld [tilespmem:s29+$0x0]  }
0x8b4: {  	v5 =	vld [tilespmem:s29+$0xFFFFFC00]  }
0x8b5: {  	v6 =	vld [tilespmem:s29+$0x380]  }
0x8b6: {  	v7 =	vld [tilespmem:s29+$0xFFFFFD00]  }
0x8b7: {  	v8 =	vld [tilespmem:s29+$0xFFFFFD80]  }
0x8b8: {  	v9 =	vld [tilespmem:s29+$0xFFFFFE00]  }
0x8b9: {  	v5 =	vadd.s32 v1, v5;
	v10 =	vld [tilespmem:s29+$0x300]  }
0x8ba: {  	v11 =	vld [tilespmem:s29+$0x280];
	v6 =	vadd.s32 v1, v6  }
0x8bb: {  	v12 =	vld [tilespmem:s29+$0x200]  }
0x8bc: {  	v13 =	vld [tilespmem:s29+$0x180]  }
0x8bd: {  	v14 =	vld [tilespmem:s29+$0x100]  }
0x8be: {  	[tilespmem:v5+s14+$0x0] =	vst.idx.add.f32.msk $0xffff, v2;
	v5 =	vadd.s32 v1, v10  }
0x8bf: {  	v10 =	vadd.s32 v1, v11;
	[tilespmem:v6+s14+$0x0] =	vst.idx.add.f32.msk $0xffff, v2  }
0x8c0: {  	v6 =	vld [tilespmem:s29+$0xFFFFFF80];
	v11 =	vadd.s32 v1, v12  }
0x8c1: {  	v12 =	vld [tilespmem:s29+$0xFFFFFF00]  }
0x8c2: {  	v15 =	vld [tilespmem:s29+$0xFFFFFE80];
	v14 =	vadd.s32 v1, v14  }
0x8c3: {  	v16 =	vadd.s32 v1, v3;
	[tilespmem:v5+s14+$0x0] =	vst.idx.add.f32.msk $0xffff, v2  }
0x8c4: {  	v4 =	vadd.s32 v1, v4;
	[tilespmem:v10+s14+$0x0] =	vst.idx.add.f32.msk $0xffff, v2  }
0x8c5: {  	v5 =	vadd.s32 v1, v6;
	[tilespmem:v11+s14+$0x0] =	vst.idx.add.f32.msk $0xffff, v2  }
0x8c6: {  	v10 =	vadd.s32 v1, v13;
	v6 =	vld [tilespmem:s29+$0xFFFFFC80];
	v3 =	vadd.s32 v1, v12  }
0x8c7: {  	v11 =	vadd.s32 v1, v15;
	[tilespmem:v14+s14+$0x0] =	vst.idx.add.f32.msk $0xffff, v2  }
0x8c8: {  	v9 =	vadd.s32 v1, v9;
	[tilespmem:v16+s14+$0x0] =	vst.idx.add.f32.msk $0xffff, v2  }
0x8c9: {  	v8 =	vadd.s32 v1, v8;
	[tilespmem:v4+s14+$0x0] =	vst.idx.add.f32.msk $0xffff, v2  }
0x8ca: {  	v7 =	vadd.s32 v1, v7;
	[tilespmem:v5+s14+$0x0] =	vst.idx.add.f32.msk $0xffff, v2  }
.Ltmp51:
0x8cb: {  	v4 =	vadd.s32 v1, v6;
	[tilespmem:v10+s14+$0x0] =	vst.idx.add.f32.msk $0xffff, v2;
	(pc) =	sbr.rel @p1 .LBB2_104-.Ltmp51, $4  }
0x8cc: {  	[tilespmem:v11+s14+$0x0] =	vst.idx.add.f32.msk $0xffff, v2  }
0x8cd: {  	[tilespmem:v9+s14+$0x0] =	vst.idx.add.f32.msk $0xffff, v2  }
0x8ce: {  	[tilespmem:v8+s14+$0x0] =	vst.idx.add.f32.msk $0xffff, v2  }
0x8cf: {  	[tilespmem:v7+s14+$0x0] =	vst.idx.add.f32.msk $0xffff, v2  }
0x8d0: {  	_ =	sdelay $0x3  }
0x8d1: {  	[tilespmem:v4+s14+$0x0] =	vst.idx.add.f32.msk $0xffff, v2  }
0x8d2: {  	s29 =	simm.s32 $0x0;
	[tilespmem:v3+s14+$0x0] =	vst.idx.add.f32.msk $0xffff, v2  }
.LBB2_106:
0x8d3: {  	s30 =	sshra.s32 s29, $0x2  }
0x8d4: {  	v3 =	vld [tilespmem:s30+$0xC410];
	_ =	sdelay $0x4  }
0x8d5: {  	p1 =	sne.s32 s29, $0xE00;
	v3 =	vadd.s32 v1, v3  }
.Ltmp52:
0x8d6: {  	_ = 	snop;
	(pc) =	sbr.rel @p1 .LBB2_106-.Ltmp52, $2  }
0x8d7: {  	_ =	sdelay $0x2  }
0x8d8: {  	s29 =	sadd.s32 $0x200, s29;
	[tilespmem:v3+s14+$0x0] =	vst.idx.add.f32.msk $0xffff, v2  }
0x8d9: {  	[hbm4b:s5+s2] =	stream.linear.scatter [tilespmem:s14], [sflag:$0x4], $0x800, $0x38;
	[tilespmem:$0xE880] =	vst v63  }
0x8da: {  	_ =	swait.ge [sflag:s25], $0x800  }
0x8db: {  	[sflag:s25] =	ssyncset.done $0x0  }
0x8dc: {  	[sflag:s25] =	ssyncadd.s32 $0xFFFFF800  }
0x8dd: {  	[tilespmem:s16], [sflag:$0xA] =	stream.linear.gather [spmem:s1], $0x800, $0x38;
	[tilespmem:$0xE880] =	vst v63  }
0x8de: {  	_ =	swait.ge [sflag:s20], $0x800  }
0x8df: {  	[sflag:s20] =	ssyncset.done $0x0  }
0x8e0: {  	s29 =	simm.s32 $0x6820;
	[sflag:s20] =	ssyncadd.s32 $0xFFFFF800  }
0x8e1: {  	v3 =	vld [tilespmem:s29+$0x80]  }
0x8e2: {  	v4 =	vld [tilespmem:s29+$0x0]  }
0x8e3: {  	v5 =	vld [tilespmem:s29+$0xFFFFFC00]  }
0x8e4: {  	v6 =	vld [tilespmem:s29+$0x380]  }
0x8e5: {  	v7 =	vld [tilespmem:s29+$0xFFFFFD00]  }
0x8e6: {  	v8 =	vld [tilespmem:s29+$0xFFFFFD80]  }
0x8e7: {  	v9 =	vld [tilespmem:s29+$0xFFFFFE00]  }
0x8e8: {  	v11 =	vld [tilespmem:s29+$0x280]  }
0x8e9: {  	v12 =	vld [tilespmem:s29+$0x200];
	v5 =	vadd.s32 v1, v5  }
0x8ea: {  	v10 =	vld [tilespmem:s29+$0x300];
	v6 =	vadd.s32 v1, v6  }
0x8eb: {  	v13 =	vld [tilespmem:s29+$0x180]  }
0x8ec: {  	v14 =	vld [tilespmem:s29+$0x100]  }
0x8ed: {  	v15 =	vld [tilespmem:s29+$0xFFFFFE80];
	v59 =	vadd.s32 v1, v11  }
0x8ee: {  	v60 =	vadd.s32 v1, v12;
	[tilespmem:v5+s15+$0x0] =	vst.idx.add.f32.msk $0xffff, v2  }
0x8ef: {  	v5 =	vadd.s32 v1, v10;
	[tilespmem:v6+s15+$0x0] =	vst.idx.add.f32.msk $0xffff, v2  }
0x8f0: {  	v6 =	vld [tilespmem:s29+$0xFFFFFF80]  }
0x8f1: {  	v61 =	vld [tilespmem:s29+$0xFFFFFF00];
	v3 =	vadd.s32 v1, v3  }
0x8f2: {  	v14 =	vadd.s32 v1, v14;
	[tilespmem:v59+s15+$0x0] =	vst.idx.add.f32.msk $0xffff, v2  }
0x8f3: {  	v4 =	vadd.s32 v1, v4;
	[tilespmem:v60+s15+$0x0] =	vst.idx.add.f32.msk $0xffff, v2  }
0x8f4: {  	v62 =	vadd.s32 v1, v13;
	[tilespmem:v5+s15+$0x0] =	vst.idx.add.f32.msk $0xffff, v2  }
0x8f5: {  	v63 =	vadd.s32 v1, v15;
	v5 =	vadd.s32 v1, v6;
	v6 =	vld [tilespmem:s29+$0xFFFFFC80]  }
0x8f6: {  	[tilespmem:v3+s15+$0x0] =	vst.idx.add.f32.msk $0xffff, v2;
	v3 =	vadd.s32 v1, v8  }
0x8f7: {  	v9 =	vadd.s32 v1, v9;
	[tilespmem:v14+s15+$0x0] =	vst.idx.add.f32.msk $0xffff, v2  }
0x8f8: {  	v7 =	vadd.s32 v1, v7;
	[tilespmem:v4+s15+$0x0] =	vst.idx.add.f32.msk $0xffff, v2  }
0x8f9: {  	[tilespmem:v62+s15+$0x0] =	vst.idx.add.f32.msk $0xffff, v2  }
0x8fa: {  	[tilespmem:v63+s15+$0x0] =	vst.idx.add.f32.msk $0xffff, v2;
	v4 =	vadd.s32 v1, v6  }
0x8fb: {  	[tilespmem:v3+s15+$0x0] =	vst.idx.add.f32.msk $0xffff, v2;
	v3 =	vadd.s32 v1, v61  }
0x8fc: {  	[tilespmem:v9+s15+$0x0] =	vst.idx.add.f32.msk $0xffff, v2  }
0x8fd: {  	[tilespmem:v7+s15+$0x0] =	vst.idx.add.f32.msk $0xffff, v2  }
0x8fe: {  	s30 =	simm.s32 $0x0;
	[tilespmem:v5+s15+$0x0] =	vst.idx.add.f32.msk $0xffff, v2  }
.LBB2_108:
0x8ff: {  	s30 =	sadd.s32 $0x10, s30;
	[tilespmem:v4+s15+$0x0] =	vst.idx.add.f32.msk $0xffff, v2;
	s29 =	sadd.s32 $0x800, s29  }
0x900: {  	p1 =	slt.u32 s30, $0xB0;
	[tilespmem:v3+s15+$0x0] =	vst.idx.add.f32.msk $0xffff, v2  }
0x901: {  	v3 =	vld [tilespmem:s29+$0x80]  }
0x902: {  	v4 =	vld [tilespmem:s29+$0x0]  }
0x903: {  	v5 =	vld [tilespmem:s29+$0xFFFFFC00]  }
0x904: {  	v6 =	vld [tilespmem:s29+$0x380]  }
0x905: {  	v7 =	vld [tilespmem:s29+$0xFFFFFD00]  }
0x906: {  	v8 =	vld [tilespmem:s29+$0xFFFFFD80]  }
0x907: {  	v9 =	vld [tilespmem:s29+$0xFFFFFE00]  }
0x908: {  	v5 =	vadd.s32 v1, v5;
	v10 =	vld [tilespmem:s29+$0x300]  }
0x909: {  	v11 =	vld [tilespmem:s29+$0x280];
	v6 =	vadd.s32 v1, v6  }
0x90a: {  	v12 =	vld [tilespmem:s29+$0x200]  }
0x90b: {  	v13 =	vld [tilespmem:s29+$0x180]  }
0x90c: {  	v14 =	vld [tilespmem:s29+$0x100]  }
0x90d: {  	[tilespmem:v5+s15+$0x0] =	vst.idx.add.f32.msk $0xffff, v2;
	v5 =	vadd.s32 v1, v10  }
0x90e: {  	v10 =	vadd.s32 v1, v11;
	[tilespmem:v6+s15+$0x0] =	vst.idx.add.f32.msk $0xffff, v2  }
0x90f: {  	v6 =	vld [tilespmem:s29+$0xFFFFFF80];
	v11 =	vadd.s32 v1, v12  }
0x910: {  	v12 =	vld [tilespmem:s29+$0xFFFFFF00]  }
0x911: {  	v15 =	vld [tilespmem:s29+$0xFFFFFE80];
	v14 =	vadd.s32 v1, v14  }
0x912: {  	v16 =	vadd.s32 v1, v3;
	[tilespmem:v5+s15+$0x0] =	vst.idx.add.f32.msk $0xffff, v2  }
0x913: {  	v4 =	vadd.s32 v1, v4;
	[tilespmem:v10+s15+$0x0] =	vst.idx.add.f32.msk $0xffff, v2  }
0x914: {  	v5 =	vadd.s32 v1, v6;
	[tilespmem:v11+s15+$0x0] =	vst.idx.add.f32.msk $0xffff, v2  }
0x915: {  	v10 =	vadd.s32 v1, v13;
	v6 =	vld [tilespmem:s29+$0xFFFFFC80];
	v3 =	vadd.s32 v1, v12  }
0x916: {  	v11 =	vadd.s32 v1, v15;
	[tilespmem:v14+s15+$0x0] =	vst.idx.add.f32.msk $0xffff, v2  }
0x917: {  	v9 =	vadd.s32 v1, v9;
	[tilespmem:v16+s15+$0x0] =	vst.idx.add.f32.msk $0xffff, v2  }
0x918: {  	v8 =	vadd.s32 v1, v8;
	[tilespmem:v4+s15+$0x0] =	vst.idx.add.f32.msk $0xffff, v2  }
0x919: {  	v7 =	vadd.s32 v1, v7;
	[tilespmem:v5+s15+$0x0] =	vst.idx.add.f32.msk $0xffff, v2  }
.Ltmp53:
0x91a: {  	v4 =	vadd.s32 v1, v6;
	[tilespmem:v10+s15+$0x0] =	vst.idx.add.f32.msk $0xffff, v2;
	(pc) =	sbr.rel @p1 .LBB2_108-.Ltmp53, $4  }
0x91b: {  	[tilespmem:v11+s15+$0x0] =	vst.idx.add.f32.msk $0xffff, v2  }
0x91c: {  	[tilespmem:v9+s15+$0x0] =	vst.idx.add.f32.msk $0xffff, v2  }
0x91d: {  	[tilespmem:v8+s15+$0x0] =	vst.idx.add.f32.msk $0xffff, v2  }
0x91e: {  	[tilespmem:v7+s15+$0x0] =	vst.idx.add.f32.msk $0xffff, v2  }
0x91f: {  	_ =	sdelay $0x3  }
0x920: {  	[tilespmem:v4+s15+$0x0] =	vst.idx.add.f32.msk $0xffff, v2  }
0x921: {  	s29 =	simm.s32 $0x0;
	[tilespmem:v3+s15+$0x0] =	vst.idx.add.f32.msk $0xffff, v2  }
.LBB2_110:
0x922: {  	s30 =	sshra.s32 s29, $0x2  }
0x923: {  	v3 =	vld [tilespmem:s30+$0xC420];
	_ =	sdelay $0x4  }
0x924: {  	p1 =	sne.s32 s29, $0xE00;
	v3 =	vadd.s32 v1, v3  }
.Ltmp54:
0x925: {  	_ = 	snop;
	(pc) =	sbr.rel @p1 .LBB2_110-.Ltmp54, $2  }
0x926: {  	_ =	sdelay $0x2  }
0x927: {  	s29 =	sadd.s32 $0x200, s29;
	[tilespmem:v3+s15+$0x0] =	vst.idx.add.f32.msk $0xffff, v2  }
0x928: {  	[hbm4b:s6+s2] =	stream.linear.scatter [tilespmem:s15], [sflag:$0x5], $0x800, $0x38;
	[tilespmem:$0xE880] =	vst v63  }
0x929: {  	_ =	swait.ge [sflag:s21], $0x800  }
0x92a: {  	[sflag:s21] =	ssyncset.done $0x0  }
0x92b: {  	[sflag:s21] =	ssyncadd.s32 $0xFFFFF800  }
0x92c: {  	[tilespmem:s12], [sflag:$0x7] =	stream.linear.gather [spmem:s1], $0x800, $0x38;
	[tilespmem:$0xE880] =	vst v63  }
0x92d: {  	_ =	swait.ge [sflag:s22], $0x800  }
0x92e: {  	[sflag:s22] =	ssyncset.done $0x0  }
0x92f: {  	s29 =	simm.s32 $0x6830;
	[sflag:s22] =	ssyncadd.s32 $0xFFFFF800  }
0x930: {  	v3 =	vld [tilespmem:s29+$0x80]  }
0x931: {  	v4 =	vld [tilespmem:s29+$0x0]  }
0x932: {  	v5 =	vld [tilespmem:s29+$0xFFFFFC00]  }
0x933: {  	v6 =	vld [tilespmem:s29+$0x380]  }
0x934: {  	v7 =	vld [tilespmem:s29+$0xFFFFFD00]  }
0x935: {  	v8 =	vld [tilespmem:s29+$0xFFFFFD80]  }
0x936: {  	v9 =	vld [tilespmem:s29+$0xFFFFFE00]  }
0x937: {  	v11 =	vld [tilespmem:s29+$0x280]  }
0x938: {  	v12 =	vld [tilespmem:s29+$0x200];
	v5 =	vadd.s32 v1, v5  }
0x939: {  	v10 =	vld [tilespmem:s29+$0x300];
	v6 =	vadd.s32 v1, v6  }
0x93a: {  	v13 =	vld [tilespmem:s29+$0x180]  }
0x93b: {  	v14 =	vld [tilespmem:s29+$0x100]  }
0x93c: {  	v15 =	vld [tilespmem:s29+$0xFFFFFE80];
	v59 =	vadd.s32 v1, v11  }
0x93d: {  	v60 =	vadd.s32 v1, v12;
	[tilespmem:v5+s16+$0x0] =	vst.idx.add.f32.msk $0xffff, v2  }
0x93e: {  	v5 =	vadd.s32 v1, v10;
	[tilespmem:v6+s16+$0x0] =	vst.idx.add.f32.msk $0xffff, v2  }
0x93f: {  	v6 =	vld [tilespmem:s29+$0xFFFFFF80]  }
0x940: {  	v61 =	vld [tilespmem:s29+$0xFFFFFF00];
	v3 =	vadd.s32 v1, v3  }
0x941: {  	v14 =	vadd.s32 v1, v14;
	[tilespmem:v59+s16+$0x0] =	vst.idx.add.f32.msk $0xffff, v2  }
0x942: {  	v4 =	vadd.s32 v1, v4;
	[tilespmem:v60+s16+$0x0] =	vst.idx.add.f32.msk $0xffff, v2  }
0x943: {  	v62 =	vadd.s32 v1, v13;
	[tilespmem:v5+s16+$0x0] =	vst.idx.add.f32.msk $0xffff, v2  }
0x944: {  	v63 =	vadd.s32 v1, v15;
	v5 =	vadd.s32 v1, v6;
	v6 =	vld [tilespmem:s29+$0xFFFFFC80]  }
0x945: {  	[tilespmem:v3+s16+$0x0] =	vst.idx.add.f32.msk $0xffff, v2;
	v3 =	vadd.s32 v1, v8  }
0x946: {  	v9 =	vadd.s32 v1, v9;
	[tilespmem:v14+s16+$0x0] =	vst.idx.add.f32.msk $0xffff, v2  }
0x947: {  	v7 =	vadd.s32 v1, v7;
	[tilespmem:v4+s16+$0x0] =	vst.idx.add.f32.msk $0xffff, v2  }
0x948: {  	[tilespmem:v62+s16+$0x0] =	vst.idx.add.f32.msk $0xffff, v2  }
0x949: {  	[tilespmem:v63+s16+$0x0] =	vst.idx.add.f32.msk $0xffff, v2;
	v4 =	vadd.s32 v1, v6  }
0x94a: {  	[tilespmem:v3+s16+$0x0] =	vst.idx.add.f32.msk $0xffff, v2;
	v3 =	vadd.s32 v1, v61  }
0x94b: {  	[tilespmem:v9+s16+$0x0] =	vst.idx.add.f32.msk $0xffff, v2  }
0x94c: {  	[tilespmem:v7+s16+$0x0] =	vst.idx.add.f32.msk $0xffff, v2  }
0x94d: {  	s30 =	simm.s32 $0x0;
	[tilespmem:v5+s16+$0x0] =	vst.idx.add.f32.msk $0xffff, v2  }
.LBB2_112:
0x94e: {  	s30 =	sadd.s32 $0x10, s30;
	[tilespmem:v4+s16+$0x0] =	vst.idx.add.f32.msk $0xffff, v2;
	s29 =	sadd.s32 $0x800, s29  }
0x94f: {  	p1 =	slt.u32 s30, $0xB0;
	[tilespmem:v3+s16+$0x0] =	vst.idx.add.f32.msk $0xffff, v2  }
0x950: {  	v3 =	vld [tilespmem:s29+$0x80]  }
0x951: {  	v4 =	vld [tilespmem:s29+$0x0]  }
0x952: {  	v5 =	vld [tilespmem:s29+$0xFFFFFC00]  }
0x953: {  	v6 =	vld [tilespmem:s29+$0x380]  }
0x954: {  	v7 =	vld [tilespmem:s29+$0xFFFFFD00]  }
0x955: {  	v8 =	vld [tilespmem:s29+$0xFFFFFD80]  }
0x956: {  	v9 =	vld [tilespmem:s29+$0xFFFFFE00]  }
0x957: {  	v5 =	vadd.s32 v1, v5;
	v10 =	vld [tilespmem:s29+$0x300]  }
0x958: {  	v11 =	vld [tilespmem:s29+$0x280];
	v6 =	vadd.s32 v1, v6  }
0x959: {  	v12 =	vld [tilespmem:s29+$0x200]  }
0x95a: {  	v13 =	vld [tilespmem:s29+$0x180]  }
0x95b: {  	v14 =	vld [tilespmem:s29+$0x100]  }
0x95c: {  	[tilespmem:v5+s16+$0x0] =	vst.idx.add.f32.msk $0xffff, v2;
	v5 =	vadd.s32 v1, v10  }
0x95d: {  	v10 =	vadd.s32 v1, v11;
	[tilespmem:v6+s16+$0x0] =	vst.idx.add.f32.msk $0xffff, v2  }
0x95e: {  	v6 =	vld [tilespmem:s29+$0xFFFFFF80];
	v11 =	vadd.s32 v1, v12  }
0x95f: {  	v12 =	vld [tilespmem:s29+$0xFFFFFF00]  }
0x960: {  	v15 =	vld [tilespmem:s29+$0xFFFFFE80];
	v14 =	vadd.s32 v1, v14  }
0x961: {  	v16 =	vadd.s32 v1, v3;
	[tilespmem:v5+s16+$0x0] =	vst.idx.add.f32.msk $0xffff, v2  }
0x962: {  	v4 =	vadd.s32 v1, v4;
	[tilespmem:v10+s16+$0x0] =	vst.idx.add.f32.msk $0xffff, v2  }
0x963: {  	v5 =	vadd.s32 v1, v6;
	[tilespmem:v11+s16+$0x0] =	vst.idx.add.f32.msk $0xffff, v2  }
0x964: {  	v10 =	vadd.s32 v1, v13;
	v6 =	vld [tilespmem:s29+$0xFFFFFC80];
	v3 =	vadd.s32 v1, v12  }
0x965: {  	v11 =	vadd.s32 v1, v15;
	[tilespmem:v14+s16+$0x0] =	vst.idx.add.f32.msk $0xffff, v2  }
0x966: {  	v9 =	vadd.s32 v1, v9;
	[tilespmem:v16+s16+$0x0] =	vst.idx.add.f32.msk $0xffff, v2  }
0x967: {  	v8 =	vadd.s32 v1, v8;
	[tilespmem:v4+s16+$0x0] =	vst.idx.add.f32.msk $0xffff, v2  }
0x968: {  	v7 =	vadd.s32 v1, v7;
	[tilespmem:v5+s16+$0x0] =	vst.idx.add.f32.msk $0xffff, v2  }
.Ltmp55:
0x969: {  	v4 =	vadd.s32 v1, v6;
	[tilespmem:v10+s16+$0x0] =	vst.idx.add.f32.msk $0xffff, v2;
	(pc) =	sbr.rel @p1 .LBB2_112-.Ltmp55, $4  }
0x96a: {  	[tilespmem:v11+s16+$0x0] =	vst.idx.add.f32.msk $0xffff, v2  }
0x96b: {  	[tilespmem:v9+s16+$0x0] =	vst.idx.add.f32.msk $0xffff, v2  }
0x96c: {  	[tilespmem:v8+s16+$0x0] =	vst.idx.add.f32.msk $0xffff, v2  }
0x96d: {  	[tilespmem:v7+s16+$0x0] =	vst.idx.add.f32.msk $0xffff, v2  }
0x96e: {  	_ =	sdelay $0x3  }
0x96f: {  	[tilespmem:v4+s16+$0x0] =	vst.idx.add.f32.msk $0xffff, v2  }
0x970: {  	s29 =	simm.s32 $0x0;
	[tilespmem:v3+s16+$0x0] =	vst.idx.add.f32.msk $0xffff, v2  }
.LBB2_114:
0x971: {  	s30 =	sshra.s32 s29, $0x2  }
0x972: {  	v3 =	vld [tilespmem:s30+$0xC430];
	_ =	sdelay $0x4  }
0x973: {  	p1 =	sne.s32 s29, $0xE00;
	v3 =	vadd.s32 v1, v3  }
.Ltmp56:
0x974: {  	_ = 	snop;
	(pc) =	sbr.rel @p1 .LBB2_114-.Ltmp56, $2  }
0x975: {  	_ =	sdelay $0x2  }
0x976: {  	s29 =	sadd.s32 $0x200, s29;
	[tilespmem:v3+s16+$0x0] =	vst.idx.add.f32.msk $0xffff, v2  }
0x977: {  	[hbm4b:s7+s2] =	stream.linear.scatter [tilespmem:s16], [sflag:$0x6], $0x800, $0x38;
	[tilespmem:$0xE880] =	vst v63  }
0x978: {  	_ =	swait.ge [sflag:s23], $0x800  }
0x979: {  	[sflag:s23] =	ssyncset.done $0x0  }
0x97a: {  	[sflag:s23] =	ssyncadd.s32 $0xFFFFF800  }
0x97b: {  	[tilespmem:s14], [sflag:$0x8] =	stream.linear.gather [spmem:s1], $0x800, $0x38;
	[tilespmem:$0xE880] =	vst v63  }
0x97c: {  	_ =	swait.ge [sflag:s18], $0x800  }
0x97d: {  	[sflag:s18] =	ssyncset.done $0x0  }
0x97e: {  	s29 =	simm.s32 $0x6840;
	[sflag:s18] =	ssyncadd.s32 $0xFFFFF800  }
0x97f: {  	v3 =	vld [tilespmem:s29+$0x80]  }
0x980: {  	v4 =	vld [tilespmem:s29+$0x0]  }
0x981: {  	v5 =	vld [tilespmem:s29+$0xFFFFFC00]  }
0x982: {  	v6 =	vld [tilespmem:s29+$0x380]  }
0x983: {  	v7 =	vld [tilespmem:s29+$0xFFFFFD00]  }
0x984: {  	v8 =	vld [tilespmem:s29+$0xFFFFFD80]  }
0x985: {  	v9 =	vld [tilespmem:s29+$0xFFFFFE00]  }
0x986: {  	v11 =	vld [tilespmem:s29+$0x280]  }
0x987: {  	v12 =	vld [tilespmem:s29+$0x200];
	v5 =	vadd.s32 v1, v5  }
0x988: {  	v10 =	vld [tilespmem:s29+$0x300];
	v6 =	vadd.s32 v1, v6  }
0x989: {  	v13 =	vld [tilespmem:s29+$0x180]  }
0x98a: {  	v14 =	vld [tilespmem:s29+$0x100]  }
0x98b: {  	v15 =	vld [tilespmem:s29+$0xFFFFFE80];
	v59 =	vadd.s32 v1, v11  }
0x98c: {  	v60 =	vadd.s32 v1, v12;
	[tilespmem:v5+s12+$0x0] =	vst.idx.add.f32.msk $0xffff, v2  }
0x98d: {  	v5 =	vadd.s32 v1, v10;
	[tilespmem:v6+s12+$0x0] =	vst.idx.add.f32.msk $0xffff, v2  }
0x98e: {  	v6 =	vld [tilespmem:s29+$0xFFFFFF80]  }
0x98f: {  	v61 =	vld [tilespmem:s29+$0xFFFFFF00];
	v3 =	vadd.s32 v1, v3  }
0x990: {  	v14 =	vadd.s32 v1, v14;
	[tilespmem:v59+s12+$0x0] =	vst.idx.add.f32.msk $0xffff, v2  }
0x991: {  	v4 =	vadd.s32 v1, v4;
	[tilespmem:v60+s12+$0x0] =	vst.idx.add.f32.msk $0xffff, v2  }
0x992: {  	v62 =	vadd.s32 v1, v13;
	[tilespmem:v5+s12+$0x0] =	vst.idx.add.f32.msk $0xffff, v2  }
0x993: {  	v63 =	vadd.s32 v1, v15;
	v5 =	vadd.s32 v1, v6;
	v6 =	vld [tilespmem:s29+$0xFFFFFC80]  }
0x994: {  	[tilespmem:v3+s12+$0x0] =	vst.idx.add.f32.msk $0xffff, v2;
	v3 =	vadd.s32 v1, v8  }
0x995: {  	v9 =	vadd.s32 v1, v9;
	[tilespmem:v14+s12+$0x0] =	vst.idx.add.f32.msk $0xffff, v2  }
0x996: {  	v7 =	vadd.s32 v1, v7;
	[tilespmem:v4+s12+$0x0] =	vst.idx.add.f32.msk $0xffff, v2  }
0x997: {  	[tilespmem:v62+s12+$0x0] =	vst.idx.add.f32.msk $0xffff, v2  }
0x998: {  	[tilespmem:v63+s12+$0x0] =	vst.idx.add.f32.msk $0xffff, v2;
	v4 =	vadd.s32 v1, v6  }
0x999: {  	[tilespmem:v3+s12+$0x0] =	vst.idx.add.f32.msk $0xffff, v2;
	v3 =	vadd.s32 v1, v61  }
0x99a: {  	[tilespmem:v9+s12+$0x0] =	vst.idx.add.f32.msk $0xffff, v2  }
0x99b: {  	[tilespmem:v7+s12+$0x0] =	vst.idx.add.f32.msk $0xffff, v2  }
0x99c: {  	s30 =	simm.s32 $0x0;
	[tilespmem:v5+s12+$0x0] =	vst.idx.add.f32.msk $0xffff, v2  }
.LBB2_116:
0x99d: {  	s30 =	sadd.s32 $0x10, s30;
	[tilespmem:v4+s12+$0x0] =	vst.idx.add.f32.msk $0xffff, v2;
	s29 =	sadd.s32 $0x800, s29  }
0x99e: {  	p1 =	slt.u32 s30, $0xB0;
	[tilespmem:v3+s12+$0x0] =	vst.idx.add.f32.msk $0xffff, v2  }
0x99f: {  	v3 =	vld [tilespmem:s29+$0x80]  }
0x9a0: {  	v4 =	vld [tilespmem:s29+$0x0]  }
0x9a1: {  	v5 =	vld [tilespmem:s29+$0xFFFFFC00]  }
0x9a2: {  	v6 =	vld [tilespmem:s29+$0x380]  }
0x9a3: {  	v7 =	vld [tilespmem:s29+$0xFFFFFD00]  }
0x9a4: {  	v8 =	vld [tilespmem:s29+$0xFFFFFD80]  }
0x9a5: {  	v9 =	vld [tilespmem:s29+$0xFFFFFE00]  }
0x9a6: {  	v5 =	vadd.s32 v1, v5;
	v10 =	vld [tilespmem:s29+$0x300]  }
0x9a7: {  	v11 =	vld [tilespmem:s29+$0x280];
	v6 =	vadd.s32 v1, v6  }
0x9a8: {  	v12 =	vld [tilespmem:s29+$0x200]  }
0x9a9: {  	v13 =	vld [tilespmem:s29+$0x180]  }
0x9aa: {  	v14 =	vld [tilespmem:s29+$0x100]  }
0x9ab: {  	[tilespmem:v5+s12+$0x0] =	vst.idx.add.f32.msk $0xffff, v2;
	v5 =	vadd.s32 v1, v10  }
0x9ac: {  	v10 =	vadd.s32 v1, v11;
	[tilespmem:v6+s12+$0x0] =	vst.idx.add.f32.msk $0xffff, v2  }
0x9ad: {  	v6 =	vld [tilespmem:s29+$0xFFFFFF80];
	v11 =	vadd.s32 v1, v12  }
0x9ae: {  	v12 =	vld [tilespmem:s29+$0xFFFFFF00]  }
0x9af: {  	v15 =	vld [tilespmem:s29+$0xFFFFFE80];
	v14 =	vadd.s32 v1, v14  }
0x9b0: {  	v16 =	vadd.s32 v1, v3;
	[tilespmem:v5+s12+$0x0] =	vst.idx.add.f32.msk $0xffff, v2  }
0x9b1: {  	v4 =	vadd.s32 v1, v4;
	[tilespmem:v10+s12+$0x0] =	vst.idx.add.f32.msk $0xffff, v2  }
0x9b2: {  	v5 =	vadd.s32 v1, v6;
	[tilespmem:v11+s12+$0x0] =	vst.idx.add.f32.msk $0xffff, v2  }
0x9b3: {  	v10 =	vadd.s32 v1, v13;
	v6 =	vld [tilespmem:s29+$0xFFFFFC80];
	v3 =	vadd.s32 v1, v12  }
0x9b4: {  	v11 =	vadd.s32 v1, v15;
	[tilespmem:v14+s12+$0x0] =	vst.idx.add.f32.msk $0xffff, v2  }
0x9b5: {  	v9 =	vadd.s32 v1, v9;
	[tilespmem:v16+s12+$0x0] =	vst.idx.add.f32.msk $0xffff, v2  }
0x9b6: {  	v8 =	vadd.s32 v1, v8;
	[tilespmem:v4+s12+$0x0] =	vst.idx.add.f32.msk $0xffff, v2  }
0x9b7: {  	v7 =	vadd.s32 v1, v7;
	[tilespmem:v5+s12+$0x0] =	vst.idx.add.f32.msk $0xffff, v2  }
.Ltmp57:
0x9b8: {  	v4 =	vadd.s32 v1, v6;
	[tilespmem:v10+s12+$0x0] =	vst.idx.add.f32.msk $0xffff, v2;
	(pc) =	sbr.rel @p1 .LBB2_116-.Ltmp57, $4  }
0x9b9: {  	[tilespmem:v11+s12+$0x0] =	vst.idx.add.f32.msk $0xffff, v2  }
0x9ba: {  	[tilespmem:v9+s12+$0x0] =	vst.idx.add.f32.msk $0xffff, v2  }
0x9bb: {  	[tilespmem:v8+s12+$0x0] =	vst.idx.add.f32.msk $0xffff, v2  }
0x9bc: {  	[tilespmem:v7+s12+$0x0] =	vst.idx.add.f32.msk $0xffff, v2  }
0x9bd: {  	_ =	sdelay $0x3  }
0x9be: {  	[tilespmem:v4+s12+$0x0] =	vst.idx.add.f32.msk $0xffff, v2  }
0x9bf: {  	s29 =	simm.s32 $0x0;
	[tilespmem:v3+s12+$0x0] =	vst.idx.add.f32.msk $0xffff, v2  }
.LBB2_118:
0x9c0: {  	s30 =	sshra.s32 s29, $0x2  }
0x9c1: {  	v3 =	vld [tilespmem:s30+$0xC440];
	_ =	sdelay $0x4  }
0x9c2: {  	p1 =	sne.s32 s29, $0xE00;
	v3 =	vadd.s32 v1, v3  }
.Ltmp58:
0x9c3: {  	_ = 	snop;
	(pc) =	sbr.rel @p1 .LBB2_118-.Ltmp58, $2  }
0x9c4: {  	_ =	sdelay $0x2  }
0x9c5: {  	s29 =	sadd.s32 $0x200, s29;
	[tilespmem:v3+s12+$0x0] =	vst.idx.add.f32.msk $0xffff, v2  }
0x9c6: {  	[hbm4b:s8+s2] =	stream.linear.scatter [tilespmem:s12], [sflag:$0x3], $0x800, $0x38;
	[tilespmem:$0xE880] =	vst v63  }
0x9c7: {  	_ =	swait.ge [sflag:s24], $0x800  }
0x9c8: {  	[sflag:s24] =	ssyncset.done $0x0  }
0x9c9: {  	[sflag:s24] =	ssyncadd.s32 $0xFFFFF800  }
0x9ca: {  	[tilespmem:s15], [sflag:$0x9] =	stream.linear.gather [spmem:s1], $0x800, $0x38;
	[tilespmem:$0xE880] =	vst v63  }
0x9cb: {  	_ =	swait.ge [sflag:s19], $0x800  }
0x9cc: {  	[sflag:s19] =	ssyncset.done $0x0  }
0x9cd: {  	s29 =	simm.s32 $0x6850;
	[sflag:s19] =	ssyncadd.s32 $0xFFFFF800  }
0x9ce: {  	v3 =	vld [tilespmem:s29+$0x80]  }
0x9cf: {  	v4 =	vld [tilespmem:s29+$0x0]  }
0x9d0: {  	v5 =	vld [tilespmem:s29+$0xFFFFFC00]  }
0x9d1: {  	v6 =	vld [tilespmem:s29+$0x380]  }
0x9d2: {  	v7 =	vld [tilespmem:s29+$0xFFFFFD00]  }
0x9d3: {  	v8 =	vld [tilespmem:s29+$0xFFFFFD80]  }
0x9d4: {  	v9 =	vld [tilespmem:s29+$0xFFFFFE00]  }
0x9d5: {  	v11 =	vld [tilespmem:s29+$0x280]  }
0x9d6: {  	v12 =	vld [tilespmem:s29+$0x200];
	v5 =	vadd.s32 v1, v5  }
0x9d7: {  	v10 =	vld [tilespmem:s29+$0x300];
	v6 =	vadd.s32 v1, v6  }
0x9d8: {  	v13 =	vld [tilespmem:s29+$0x180]  }
0x9d9: {  	v14 =	vld [tilespmem:s29+$0x100]  }
0x9da: {  	v15 =	vld [tilespmem:s29+$0xFFFFFE80];
	v59 =	vadd.s32 v1, v11  }
0x9db: {  	v60 =	vadd.s32 v1, v12;
	[tilespmem:v5+s14+$0x0] =	vst.idx.add.f32.msk $0xffff, v2  }
0x9dc: {  	v5 =	vadd.s32 v1, v10;
	[tilespmem:v6+s14+$0x0] =	vst.idx.add.f32.msk $0xffff, v2  }
0x9dd: {  	v6 =	vld [tilespmem:s29+$0xFFFFFF80]  }
0x9de: {  	v61 =	vld [tilespmem:s29+$0xFFFFFF00];
	v3 =	vadd.s32 v1, v3  }
0x9df: {  	v14 =	vadd.s32 v1, v14;
	[tilespmem:v59+s14+$0x0] =	vst.idx.add.f32.msk $0xffff, v2  }
0x9e0: {  	v4 =	vadd.s32 v1, v4;
	[tilespmem:v60+s14+$0x0] =	vst.idx.add.f32.msk $0xffff, v2  }
0x9e1: {  	v62 =	vadd.s32 v1, v13;
	[tilespmem:v5+s14+$0x0] =	vst.idx.add.f32.msk $0xffff, v2  }
0x9e2: {  	v63 =	vadd.s32 v1, v15;
	v5 =	vadd.s32 v1, v6;
	v6 =	vld [tilespmem:s29+$0xFFFFFC80]  }
0x9e3: {  	[tilespmem:v3+s14+$0x0] =	vst.idx.add.f32.msk $0xffff, v2;
	v3 =	vadd.s32 v1, v8  }
0x9e4: {  	v9 =	vadd.s32 v1, v9;
	[tilespmem:v14+s14+$0x0] =	vst.idx.add.f32.msk $0xffff, v2  }
0x9e5: {  	v7 =	vadd.s32 v1, v7;
	[tilespmem:v4+s14+$0x0] =	vst.idx.add.f32.msk $0xffff, v2  }
0x9e6: {  	[tilespmem:v62+s14+$0x0] =	vst.idx.add.f32.msk $0xffff, v2  }
0x9e7: {  	[tilespmem:v63+s14+$0x0] =	vst.idx.add.f32.msk $0xffff, v2;
	v4 =	vadd.s32 v1, v6  }
0x9e8: {  	[tilespmem:v3+s14+$0x0] =	vst.idx.add.f32.msk $0xffff, v2;
	v3 =	vadd.s32 v1, v61  }
0x9e9: {  	[tilespmem:v9+s14+$0x0] =	vst.idx.add.f32.msk $0xffff, v2  }
0x9ea: {  	[tilespmem:v7+s14+$0x0] =	vst.idx.add.f32.msk $0xffff, v2  }
0x9eb: {  	s30 =	simm.s32 $0x0;
	[tilespmem:v5+s14+$0x0] =	vst.idx.add.f32.msk $0xffff, v2  }
.LBB2_120:
0x9ec: {  	s30 =	sadd.s32 $0x10, s30;
	[tilespmem:v4+s14+$0x0] =	vst.idx.add.f32.msk $0xffff, v2;
	s29 =	sadd.s32 $0x800, s29  }
0x9ed: {  	p1 =	slt.u32 s30, $0xB0;
	[tilespmem:v3+s14+$0x0] =	vst.idx.add.f32.msk $0xffff, v2  }
0x9ee: {  	v3 =	vld [tilespmem:s29+$0x80]  }
0x9ef: {  	v4 =	vld [tilespmem:s29+$0x0]  }
0x9f0: {  	v5 =	vld [tilespmem:s29+$0xFFFFFC00]  }
0x9f1: {  	v6 =	vld [tilespmem:s29+$0x380]  }
0x9f2: {  	v7 =	vld [tilespmem:s29+$0xFFFFFD00]  }
0x9f3: {  	v8 =	vld [tilespmem:s29+$0xFFFFFD80]  }
0x9f4: {  	v9 =	vld [tilespmem:s29+$0xFFFFFE00]  }
0x9f5: {  	v5 =	vadd.s32 v1, v5;
	v10 =	vld [tilespmem:s29+$0x300]  }
0x9f6: {  	v11 =	vld [tilespmem:s29+$0x280];
	v6 =	vadd.s32 v1, v6  }
0x9f7: {  	v12 =	vld [tilespmem:s29+$0x200]  }
0x9f8: {  	v13 =	vld [tilespmem:s29+$0x180]  }
0x9f9: {  	v14 =	vld [tilespmem:s29+$0x100]  }
0x9fa: {  	[tilespmem:v5+s14+$0x0] =	vst.idx.add.f32.msk $0xffff, v2;
	v5 =	vadd.s32 v1, v10  }
0x9fb: {  	v10 =	vadd.s32 v1, v11;
	[tilespmem:v6+s14+$0x0] =	vst.idx.add.f32.msk $0xffff, v2  }
0x9fc: {  	v6 =	vld [tilespmem:s29+$0xFFFFFF80];
	v11 =	vadd.s32 v1, v12  }
0x9fd: {  	v12 =	vld [tilespmem:s29+$0xFFFFFF00]  }
0x9fe: {  	v15 =	vld [tilespmem:s29+$0xFFFFFE80];
	v14 =	vadd.s32 v1, v14  }
0x9ff: {  	v16 =	vadd.s32 v1, v3;
	[tilespmem:v5+s14+$0x0] =	vst.idx.add.f32.msk $0xffff, v2  }
0xa00: {  	v4 =	vadd.s32 v1, v4;
	[tilespmem:v10+s14+$0x0] =	vst.idx.add.f32.msk $0xffff, v2  }
0xa01: {  	v5 =	vadd.s32 v1, v6;
	[tilespmem:v11+s14+$0x0] =	vst.idx.add.f32.msk $0xffff, v2  }
0xa02: {  	v10 =	vadd.s32 v1, v13;
	v6 =	vld [tilespmem:s29+$0xFFFFFC80];
	v3 =	vadd.s32 v1, v12  }
0xa03: {  	v11 =	vadd.s32 v1, v15;
	[tilespmem:v14+s14+$0x0] =	vst.idx.add.f32.msk $0xffff, v2  }
0xa04: {  	v9 =	vadd.s32 v1, v9;
	[tilespmem:v16+s14+$0x0] =	vst.idx.add.f32.msk $0xffff, v2  }
0xa05: {  	v8 =	vadd.s32 v1, v8;
	[tilespmem:v4+s14+$0x0] =	vst.idx.add.f32.msk $0xffff, v2  }
0xa06: {  	v7 =	vadd.s32 v1, v7;
	[tilespmem:v5+s14+$0x0] =	vst.idx.add.f32.msk $0xffff, v2  }
.Ltmp59:
0xa07: {  	v4 =	vadd.s32 v1, v6;
	[tilespmem:v10+s14+$0x0] =	vst.idx.add.f32.msk $0xffff, v2;
	(pc) =	sbr.rel @p1 .LBB2_120-.Ltmp59, $4  }
0xa08: {  	[tilespmem:v11+s14+$0x0] =	vst.idx.add.f32.msk $0xffff, v2  }
0xa09: {  	[tilespmem:v9+s14+$0x0] =	vst.idx.add.f32.msk $0xffff, v2  }
0xa0a: {  	[tilespmem:v8+s14+$0x0] =	vst.idx.add.f32.msk $0xffff, v2  }
0xa0b: {  	[tilespmem:v7+s14+$0x0] =	vst.idx.add.f32.msk $0xffff, v2  }
0xa0c: {  	_ =	sdelay $0x3  }
0xa0d: {  	[tilespmem:v4+s14+$0x0] =	vst.idx.add.f32.msk $0xffff, v2  }
0xa0e: {  	s29 =	simm.s32 $0x0;
	[tilespmem:v3+s14+$0x0] =	vst.idx.add.f32.msk $0xffff, v2  }
.LBB2_122:
0xa0f: {  	s30 =	sshra.s32 s29, $0x2  }
0xa10: {  	v3 =	vld [tilespmem:s30+$0xC450];
	_ =	sdelay $0x4  }
0xa11: {  	p1 =	sne.s32 s29, $0xE00;
	v3 =	vadd.s32 v1, v3  }
.Ltmp60:
0xa12: {  	_ = 	snop;
	(pc) =	sbr.rel @p1 .LBB2_122-.Ltmp60, $2  }
0xa13: {  	_ =	sdelay $0x2  }
0xa14: {  	s29 =	sadd.s32 $0x200, s29;
	[tilespmem:v3+s14+$0x0] =	vst.idx.add.f32.msk $0xffff, v2  }
0xa15: {  	[hbm4b:s9+s2] =	stream.linear.scatter [tilespmem:s14], [sflag:$0x4], $0x800, $0x38;
	[tilespmem:$0xE880] =	vst v63  }
0xa16: {  	_ =	swait.ge [sflag:s25], $0x800  }
0xa17: {  	[sflag:s25] =	ssyncset.done $0x0  }
0xa18: {  	[sflag:s25] =	ssyncadd.s32 $0xFFFFF800  }
0xa19: {  	[tilespmem:s16], [sflag:$0xA] =	stream.linear.gather [spmem:s1], $0x800, $0x38;
	[tilespmem:$0xE880] =	vst v63  }
0xa1a: {  	_ =	swait.ge [sflag:s20], $0x800  }
0xa1b: {  	[sflag:s20] =	ssyncset.done $0x0  }
0xa1c: {  	s29 =	simm.s32 $0x6860;
	[sflag:s20] =	ssyncadd.s32 $0xFFFFF800  }
0xa1d: {  	v3 =	vld [tilespmem:s29+$0x80]  }
0xa1e: {  	v4 =	vld [tilespmem:s29+$0x0]  }
0xa1f: {  	v5 =	vld [tilespmem:s29+$0xFFFFFC00]  }
0xa20: {  	v6 =	vld [tilespmem:s29+$0x380]  }
0xa21: {  	v7 =	vld [tilespmem:s29+$0xFFFFFD00]  }
0xa22: {  	v8 =	vld [tilespmem:s29+$0xFFFFFD80]  }
0xa23: {  	v9 =	vld [tilespmem:s29+$0xFFFFFE00]  }
0xa24: {  	v11 =	vld [tilespmem:s29+$0x280]  }
0xa25: {  	v12 =	vld [tilespmem:s29+$0x200];
	v5 =	vadd.s32 v1, v5  }
0xa26: {  	v10 =	vld [tilespmem:s29+$0x300];
	v6 =	vadd.s32 v1, v6  }
0xa27: {  	v13 =	vld [tilespmem:s29+$0x180]  }
0xa28: {  	v14 =	vld [tilespmem:s29+$0x100]  }
0xa29: {  	v15 =	vld [tilespmem:s29+$0xFFFFFE80];
	v59 =	vadd.s32 v1, v11  }
0xa2a: {  	v60 =	vadd.s32 v1, v12;
	[tilespmem:v5+s15+$0x0] =	vst.idx.add.f32.msk $0xffff, v2  }
0xa2b: {  	v5 =	vadd.s32 v1, v10;
	[tilespmem:v6+s15+$0x0] =	vst.idx.add.f32.msk $0xffff, v2  }
0xa2c: {  	v6 =	vld [tilespmem:s29+$0xFFFFFF80]  }
0xa2d: {  	v61 =	vld [tilespmem:s29+$0xFFFFFF00];
	v3 =	vadd.s32 v1, v3  }
0xa2e: {  	v14 =	vadd.s32 v1, v14;
	[tilespmem:v59+s15+$0x0] =	vst.idx.add.f32.msk $0xffff, v2  }
0xa2f: {  	v4 =	vadd.s32 v1, v4;
	[tilespmem:v60+s15+$0x0] =	vst.idx.add.f32.msk $0xffff, v2  }
0xa30: {  	v62 =	vadd.s32 v1, v13;
	[tilespmem:v5+s15+$0x0] =	vst.idx.add.f32.msk $0xffff, v2  }
0xa31: {  	v63 =	vadd.s32 v1, v15;
	v5 =	vadd.s32 v1, v6;
	v6 =	vld [tilespmem:s29+$0xFFFFFC80]  }
0xa32: {  	[tilespmem:v3+s15+$0x0] =	vst.idx.add.f32.msk $0xffff, v2;
	v3 =	vadd.s32 v1, v8  }
0xa33: {  	v9 =	vadd.s32 v1, v9;
	[tilespmem:v14+s15+$0x0] =	vst.idx.add.f32.msk $0xffff, v2  }
0xa34: {  	v7 =	vadd.s32 v1, v7;
	[tilespmem:v4+s15+$0x0] =	vst.idx.add.f32.msk $0xffff, v2  }
0xa35: {  	[tilespmem:v62+s15+$0x0] =	vst.idx.add.f32.msk $0xffff, v2  }
0xa36: {  	[tilespmem:v63+s15+$0x0] =	vst.idx.add.f32.msk $0xffff, v2;
	v4 =	vadd.s32 v1, v6  }
0xa37: {  	[tilespmem:v3+s15+$0x0] =	vst.idx.add.f32.msk $0xffff, v2;
	v3 =	vadd.s32 v1, v61  }
0xa38: {  	[tilespmem:v9+s15+$0x0] =	vst.idx.add.f32.msk $0xffff, v2  }
0xa39: {  	[tilespmem:v7+s15+$0x0] =	vst.idx.add.f32.msk $0xffff, v2  }
0xa3a: {  	s30 =	simm.s32 $0x0;
	[tilespmem:v5+s15+$0x0] =	vst.idx.add.f32.msk $0xffff, v2  }
.LBB2_124:
0xa3b: {  	s30 =	sadd.s32 $0x10, s30;
	[tilespmem:v4+s15+$0x0] =	vst.idx.add.f32.msk $0xffff, v2;
	s29 =	sadd.s32 $0x800, s29  }
0xa3c: {  	p1 =	slt.u32 s30, $0xB0;
	[tilespmem:v3+s15+$0x0] =	vst.idx.add.f32.msk $0xffff, v2  }
0xa3d: {  	v3 =	vld [tilespmem:s29+$0x80]  }
0xa3e: {  	v4 =	vld [tilespmem:s29+$0x0]  }
0xa3f: {  	v5 =	vld [tilespmem:s29+$0xFFFFFC00]  }
0xa40: {  	v6 =	vld [tilespmem:s29+$0x380]  }
0xa41: {  	v7 =	vld [tilespmem:s29+$0xFFFFFD00]  }
0xa42: {  	v8 =	vld [tilespmem:s29+$0xFFFFFD80]  }
0xa43: {  	v9 =	vld [tilespmem:s29+$0xFFFFFE00]  }
0xa44: {  	v5 =	vadd.s32 v1, v5;
	v10 =	vld [tilespmem:s29+$0x300]  }
0xa45: {  	v11 =	vld [tilespmem:s29+$0x280];
	v6 =	vadd.s32 v1, v6  }
0xa46: {  	v12 =	vld [tilespmem:s29+$0x200]  }
0xa47: {  	v13 =	vld [tilespmem:s29+$0x180]  }
0xa48: {  	v14 =	vld [tilespmem:s29+$0x100]  }
0xa49: {  	[tilespmem:v5+s15+$0x0] =	vst.idx.add.f32.msk $0xffff, v2;
	v5 =	vadd.s32 v1, v10  }
0xa4a: {  	v10 =	vadd.s32 v1, v11;
	[tilespmem:v6+s15+$0x0] =	vst.idx.add.f32.msk $0xffff, v2  }
0xa4b: {  	v6 =	vld [tilespmem:s29+$0xFFFFFF80];
	v11 =	vadd.s32 v1, v12  }
0xa4c: {  	v12 =	vld [tilespmem:s29+$0xFFFFFF00]  }
0xa4d: {  	v15 =	vld [tilespmem:s29+$0xFFFFFE80];
	v14 =	vadd.s32 v1, v14  }
0xa4e: {  	v16 =	vadd.s32 v1, v3;
	[tilespmem:v5+s15+$0x0] =	vst.idx.add.f32.msk $0xffff, v2  }
0xa4f: {  	v4 =	vadd.s32 v1, v4;
	[tilespmem:v10+s15+$0x0] =	vst.idx.add.f32.msk $0xffff, v2  }
0xa50: {  	v5 =	vadd.s32 v1, v6;
	[tilespmem:v11+s15+$0x0] =	vst.idx.add.f32.msk $0xffff, v2  }
0xa51: {  	v10 =	vadd.s32 v1, v13;
	v6 =	vld [tilespmem:s29+$0xFFFFFC80];
	v3 =	vadd.s32 v1, v12  }
0xa52: {  	v11 =	vadd.s32 v1, v15;
	[tilespmem:v14+s15+$0x0] =	vst.idx.add.f32.msk $0xffff, v2  }
0xa53: {  	v9 =	vadd.s32 v1, v9;
	[tilespmem:v16+s15+$0x0] =	vst.idx.add.f32.msk $0xffff, v2  }
0xa54: {  	v8 =	vadd.s32 v1, v8;
	[tilespmem:v4+s15+$0x0] =	vst.idx.add.f32.msk $0xffff, v2  }
0xa55: {  	v7 =	vadd.s32 v1, v7;
	[tilespmem:v5+s15+$0x0] =	vst.idx.add.f32.msk $0xffff, v2  }
.Ltmp61:
0xa56: {  	v4 =	vadd.s32 v1, v6;
	[tilespmem:v10+s15+$0x0] =	vst.idx.add.f32.msk $0xffff, v2;
	(pc) =	sbr.rel @p1 .LBB2_124-.Ltmp61, $4  }
0xa57: {  	[tilespmem:v11+s15+$0x0] =	vst.idx.add.f32.msk $0xffff, v2  }
0xa58: {  	[tilespmem:v9+s15+$0x0] =	vst.idx.add.f32.msk $0xffff, v2  }
0xa59: {  	[tilespmem:v8+s15+$0x0] =	vst.idx.add.f32.msk $0xffff, v2  }
0xa5a: {  	[tilespmem:v7+s15+$0x0] =	vst.idx.add.f32.msk $0xffff, v2  }
0xa5b: {  	_ =	sdelay $0x3  }
0xa5c: {  	[tilespmem:v4+s15+$0x0] =	vst.idx.add.f32.msk $0xffff, v2  }
0xa5d: {  	s29 =	simm.s32 $0x0;
	[tilespmem:v3+s15+$0x0] =	vst.idx.add.f32.msk $0xffff, v2  }
.LBB2_126:
0xa5e: {  	s30 =	sshra.s32 s29, $0x2  }
0xa5f: {  	v3 =	vld [tilespmem:s30+$0xC460];
	_ =	sdelay $0x4  }
0xa60: {  	p1 =	sne.s32 s29, $0xE00;
	v3 =	vadd.s32 v1, v3  }
.Ltmp62:
0xa61: {  	_ = 	snop;
	(pc) =	sbr.rel @p1 .LBB2_126-.Ltmp62, $2  }
0xa62: {  	_ =	sdelay $0x2  }
0xa63: {  	s29 =	sadd.s32 $0x200, s29;
	[tilespmem:v3+s15+$0x0] =	vst.idx.add.f32.msk $0xffff, v2  }
0xa64: {  	[hbm4b:s10+s2] =	stream.linear.scatter [tilespmem:s15], [sflag:$0x5], $0x800, $0x38;
	[tilespmem:$0xE880] =	vst v63  }
0xa65: {  	_ =	swait.ge [sflag:s22], $0x800  }
0xa66: {  	[sflag:s22] =	ssyncset.done $0x0  }
0xa67: {  	s29 =	simm.s32 $0x6870;
	[sflag:s22] =	ssyncadd.s32 $0xFFFFF800  }
0xa68: {  	v3 =	vld [tilespmem:s29+$0x80]  }
0xa69: {  	v4 =	vld [tilespmem:s29+$0x0]  }
0xa6a: {  	v5 =	vld [tilespmem:s29+$0xFFFFFC00]  }
0xa6b: {  	v6 =	vld [tilespmem:s29+$0x380]  }
0xa6c: {  	v7 =	vld [tilespmem:s29+$0xFFFFFD00]  }
0xa6d: {  	v8 =	vld [tilespmem:s29+$0xFFFFFD80]  }
0xa6e: {  	v9 =	vld [tilespmem:s29+$0xFFFFFE00]  }
0xa6f: {  	v11 =	vld [tilespmem:s29+$0x280]  }
0xa70: {  	v12 =	vld [tilespmem:s29+$0x200];
	v5 =	vadd.s32 v1, v5  }
0xa71: {  	v10 =	vld [tilespmem:s29+$0x300];
	v6 =	vadd.s32 v1, v6  }
0xa72: {  	v13 =	vld [tilespmem:s29+$0x180]  }
0xa73: {  	v14 =	vld [tilespmem:s29+$0x100]  }
0xa74: {  	v15 =	vld [tilespmem:s29+$0xFFFFFE80];
	v59 =	vadd.s32 v1, v11  }
0xa75: {  	v60 =	vadd.s32 v1, v12;
	[tilespmem:v5+s16+$0x0] =	vst.idx.add.f32.msk $0xffff, v2  }
0xa76: {  	v5 =	vadd.s32 v1, v10;
	[tilespmem:v6+s16+$0x0] =	vst.idx.add.f32.msk $0xffff, v2  }
0xa77: {  	v6 =	vld [tilespmem:s29+$0xFFFFFF80]  }
0xa78: {  	v61 =	vld [tilespmem:s29+$0xFFFFFF00];
	v3 =	vadd.s32 v1, v3  }
0xa79: {  	v14 =	vadd.s32 v1, v14;
	[tilespmem:v59+s16+$0x0] =	vst.idx.add.f32.msk $0xffff, v2  }
0xa7a: {  	v4 =	vadd.s32 v1, v4;
	[tilespmem:v60+s16+$0x0] =	vst.idx.add.f32.msk $0xffff, v2  }
0xa7b: {  	v62 =	vadd.s32 v1, v13;
	[tilespmem:v5+s16+$0x0] =	vst.idx.add.f32.msk $0xffff, v2  }
0xa7c: {  	v63 =	vadd.s32 v1, v15;
	v5 =	vadd.s32 v1, v6;
	v6 =	vld [tilespmem:s29+$0xFFFFFC80]  }
0xa7d: {  	[tilespmem:v3+s16+$0x0] =	vst.idx.add.f32.msk $0xffff, v2;
	v3 =	vadd.s32 v1, v8  }
0xa7e: {  	v9 =	vadd.s32 v1, v9;
	[tilespmem:v14+s16+$0x0] =	vst.idx.add.f32.msk $0xffff, v2  }
0xa7f: {  	v7 =	vadd.s32 v1, v7;
	[tilespmem:v4+s16+$0x0] =	vst.idx.add.f32.msk $0xffff, v2  }
0xa80: {  	[tilespmem:v62+s16+$0x0] =	vst.idx.add.f32.msk $0xffff, v2  }
0xa81: {  	[tilespmem:v63+s16+$0x0] =	vst.idx.add.f32.msk $0xffff, v2;
	v4 =	vadd.s32 v1, v6  }
0xa82: {  	[tilespmem:v3+s16+$0x0] =	vst.idx.add.f32.msk $0xffff, v2;
	v3 =	vadd.s32 v1, v61  }
0xa83: {  	[tilespmem:v9+s16+$0x0] =	vst.idx.add.f32.msk $0xffff, v2  }
0xa84: {  	[tilespmem:v7+s16+$0x0] =	vst.idx.add.f32.msk $0xffff, v2  }
0xa85: {  	s30 =	simm.s32 $0x0;
	[tilespmem:v5+s16+$0x0] =	vst.idx.add.f32.msk $0xffff, v2  }
.LBB2_128:
0xa86: {  	s30 =	sadd.s32 $0x10, s30;
	[tilespmem:v4+s16+$0x0] =	vst.idx.add.f32.msk $0xffff, v2;
	s29 =	sadd.s32 $0x800, s29  }
0xa87: {  	p1 =	slt.u32 s30, $0xB0;
	[tilespmem:v3+s16+$0x0] =	vst.idx.add.f32.msk $0xffff, v2  }
0xa88: {  	v3 =	vld [tilespmem:s29+$0x80]  }
0xa89: {  	v4 =	vld [tilespmem:s29+$0x0]  }
0xa8a: {  	v5 =	vld [tilespmem:s29+$0xFFFFFC00]  }
0xa8b: {  	v6 =	vld [tilespmem:s29+$0x380]  }
0xa8c: {  	v7 =	vld [tilespmem:s29+$0xFFFFFD00]  }
0xa8d: {  	v8 =	vld [tilespmem:s29+$0xFFFFFD80]  }
0xa8e: {  	v9 =	vld [tilespmem:s29+$0xFFFFFE00]  }
0xa8f: {  	v5 =	vadd.s32 v1, v5;
	v10 =	vld [tilespmem:s29+$0x300]  }
0xa90: {  	v11 =	vld [tilespmem:s29+$0x280];
	v6 =	vadd.s32 v1, v6  }
0xa91: {  	v12 =	vld [tilespmem:s29+$0x200]  }
0xa92: {  	v13 =	vld [tilespmem:s29+$0x180]  }
0xa93: {  	v14 =	vld [tilespmem:s29+$0x100]  }
0xa94: {  	[tilespmem:v5+s16+$0x0] =	vst.idx.add.f32.msk $0xffff, v2;
	v5 =	vadd.s32 v1, v10  }
0xa95: {  	v10 =	vadd.s32 v1, v11;
	[tilespmem:v6+s16+$0x0] =	vst.idx.add.f32.msk $0xffff, v2  }
0xa96: {  	v6 =	vld [tilespmem:s29+$0xFFFFFF80];
	v11 =	vadd.s32 v1, v12  }
0xa97: {  	v12 =	vld [tilespmem:s29+$0xFFFFFF00]  }
0xa98: {  	v15 =	vld [tilespmem:s29+$0xFFFFFE80];
	v14 =	vadd.s32 v1, v14  }
0xa99: {  	v16 =	vadd.s32 v1, v3;
	[tilespmem:v5+s16+$0x0] =	vst.idx.add.f32.msk $0xffff, v2  }
0xa9a: {  	v4 =	vadd.s32 v1, v4;
	[tilespmem:v10+s16+$0x0] =	vst.idx.add.f32.msk $0xffff, v2  }
0xa9b: {  	v5 =	vadd.s32 v1, v6;
	[tilespmem:v11+s16+$0x0] =	vst.idx.add.f32.msk $0xffff, v2  }
0xa9c: {  	v10 =	vadd.s32 v1, v13;
	v6 =	vld [tilespmem:s29+$0xFFFFFC80];
	v3 =	vadd.s32 v1, v12  }
0xa9d: {  	v11 =	vadd.s32 v1, v15;
	[tilespmem:v14+s16+$0x0] =	vst.idx.add.f32.msk $0xffff, v2  }
0xa9e: {  	v9 =	vadd.s32 v1, v9;
	[tilespmem:v16+s16+$0x0] =	vst.idx.add.f32.msk $0xffff, v2  }
0xa9f: {  	v8 =	vadd.s32 v1, v8;
	[tilespmem:v4+s16+$0x0] =	vst.idx.add.f32.msk $0xffff, v2  }
0xaa0: {  	v7 =	vadd.s32 v1, v7;
	[tilespmem:v5+s16+$0x0] =	vst.idx.add.f32.msk $0xffff, v2  }
.Ltmp63:
0xaa1: {  	v4 =	vadd.s32 v1, v6;
	[tilespmem:v10+s16+$0x0] =	vst.idx.add.f32.msk $0xffff, v2;
	(pc) =	sbr.rel @p1 .LBB2_128-.Ltmp63, $4  }
0xaa2: {  	[tilespmem:v11+s16+$0x0] =	vst.idx.add.f32.msk $0xffff, v2  }
0xaa3: {  	[tilespmem:v9+s16+$0x0] =	vst.idx.add.f32.msk $0xffff, v2  }
0xaa4: {  	[tilespmem:v8+s16+$0x0] =	vst.idx.add.f32.msk $0xffff, v2  }
0xaa5: {  	[tilespmem:v7+s16+$0x0] =	vst.idx.add.f32.msk $0xffff, v2  }
0xaa6: {  	_ =	sdelay $0x3  }
0xaa7: {  	[tilespmem:v4+s16+$0x0] =	vst.idx.add.f32.msk $0xffff, v2  }
0xaa8: {  	s29 =	simm.s32 $0x0;
	[tilespmem:v3+s16+$0x0] =	vst.idx.add.f32.msk $0xffff, v2  }
.LBB2_130:
0xaa9: {  	s30 =	sshra.s32 s29, $0x2  }
0xaaa: {  	v3 =	vld [tilespmem:s30+$0xC470];
	_ =	sdelay $0x4  }
0xaab: {  	p1 =	sne.s32 s29, $0xE00;
	v3 =	vadd.s32 v1, v3  }
.Ltmp64:
0xaac: {  	_ = 	snop;
	(pc) =	sbr.rel @p1 .LBB2_130-.Ltmp64, $2  }
0xaad: {  	_ =	sdelay $0x2  }
0xaae: {  	s29 =	sadd.s32 $0x200, s29;
	[tilespmem:v3+s16+$0x0] =	vst.idx.add.f32.msk $0xffff, v2  }
0xaaf: {  	[hbm4b:s11+s2] =	stream.linear.scatter [tilespmem:s16], [sflag:$0x6], $0x800, $0x38;
	[tilespmem:$0xE880] =	vst v63  }
0xab0: {  	_ =	swait.ge [sflag:s21], $0x800  }
0xab1: {  	[sflag:s21] =	ssyncset.done $0x0  }
0xab2: {  	[sflag:s21] =	ssyncadd.s32 $0xFFFFF800  }
0xab3: {  	_ =	swait.ge [sflag:s23], $0x800  }
0xab4: {  	[sflag:s23] =	ssyncset.done $0x0  }
0xab5: {  	[sflag:s23] =	ssyncadd.s32 $0xFFFFF800  }
0xab6: {  	_ =	swait.ge [sflag:s24], $0x800  }
0xab7: {  	[sflag:s24] =	ssyncset.done $0x0  }
0xab8: {  	[sflag:s24] =	ssyncadd.s32 $0xFFFFF800  }
0xab9: {  	_ =	swait.ge [sflag:s25], $0x800  }
0xaba: {  	s28 =	sadd.s32 $0x1, s28;
	s29 =	rddreg [dreg:$0x19]  }
0xabb: {  	p1 =	sne.s32 s28, s29  }
.Ltmp65:
0xabc: {  	_ = 	snop;
	(pc) =	sbr.rel @p1 .LBB2_1-.Ltmp65, $3  }
0xabd: {  	_ =	sdelay $0x1  }
0xabe: {  	[sflag:s25] =	ssyncset.done $0x0  }
0xabf: {  	[sflag:s25] =	ssyncadd.s32 $0xFFFFF800  }
0xac0: {  	_ =	sfence.sel $0x180000  }
0xac1: {  	[bflag:$0x0] =	sbarrier.arrive $0xFFFF  }
0xac2: {  	_ =	strace $0x90000047  }
0xac3: {  	[bflag:$0x2] =	sbarrier.arrive $0xFFFF  }
0xac4: {  	s0 =	rddreg [dreg:$0x3]  }
0xac5: {  	s0 =	sadd.s32 @!p0 $0x100000, s0  }
0xac6: {  	[sflag:s0] =	ssyncadd.tile.s32 @!p0 $0x1;
	_ =	shalt  }
.Lfunc_end2:
_tile_overlayer_lowered:
.L_overlay_start_2:
0xac7: {  	(tag) =	ssettag $0x2  }
0xac8: {  	s0 =	rddreg [dreg:$0x0];
	s2 =	stileid.u32  }
0xac9: {  	s1 =	rddreg [dreg:$0x1];
	p0 =	sne.s32 s2, $0x0  }
0xaca: {  	s3 =	rddreg [dreg:$0x2];
	[bflag:$0x3] =	sbarrier.arrive $0xFFFF;
	s2 =	simm.s32 @!p0 $0x1C0B  }
0xacb: {  	[timem:s3], [sflag:s2] =	dma.local @!p0 [hbm:s0], s1  }
0xacc: {  	s0 =	simm.s32 @!p0 $0xB  }
0xacd: {  	_ =	swait.ge @!p0 [sflag:s0], s1  }
0xace: {  	s1 =	ssub.s32 @!p0 $0x0, s1;
	[sflag:s0] =	ssyncset.done @!p0 $0x0  }
0xacf: {  	[sflag:s0] =	ssyncadd.s32 @!p0 s1  }
0xad0: {  	[bflag:$0x3] =	sbarrier.arrive $0xFFFF  }
0xad1: {  	_ =	shalt  }

</sc_bundles>
